<compile_context>
chip_gen: v7x
topology: tpu7x:2x2x1
jax: 0.10.2.dev20260603
libtpu: 0.0.44.dev20260713+nightly
codegen_flags: <defaults>
</compile_context>

<pallas_src>
import functools

import jax
import jax.numpy as jnp
from jax import lax
from jax.experimental import pallas as pl
from jax.experimental.pallas import tpu as pltpu
from jax.experimental.pallas import tpu_sc as plsc

N = 10000
D = 128
OUTD = 64
G = 16

NC = 2
NS = 16
NW = NC * NS
CHUNK = 64
CPW = 160
EPW = CPW * CHUNK
E_PAD = NW * EPW
N_PAD = 10112
RPS = N_PAD // NS
GARBAGE_ROW = N

_MESH = plsc.VectorSubcoreMesh(
    core_axis_name="c", subcore_axis_name="s", num_cores=NC, num_subcores=NS)


def _sc_pass(h, eib):
    out_type = [jax.ShapeDtypeStruct((NC, N_PAD, D), jnp.float32)]
    scratch = [
        pltpu.VMEM((2, 2, CHUNK), jnp.int32),
        pltpu.VMEM((CHUNK, D), jnp.float32),
        pltpu.VMEM((CHUNK, D), jnp.float32),
        pltpu.VMEM_SHARED((N_PAD, D), jnp.float32),
        pltpu.SemaphoreType.DMA,
        pltpu.SemaphoreType.DMA,
        pltpu.SemaphoreType.DMA,
        pltpu.SemaphoreType.DMA,
    ]

    @functools.partial(pl.kernel, out_type=out_type, mesh=_MESH,
                       scratch_types=scratch)
    def run(h_hbm, eib_hbm, parts_out,
            idxv, bufa, bufb, aggsh, sga, sgb, si0, si1):
        cid = lax.axis_index("c")
        sid = lax.axis_index("s")
        wid = sid * NC + cid

        zero16 = jnp.zeros((16,), jnp.float32)

        def zrow(r, carry):
            for j in range(D // 16):
                bufa[r, pl.ds(j * 16, 16)] = zero16
            return carry
        lax.fori_loop(0, CHUNK, zrow, 0)

        _full, _rem = RPS // CHUNK, RPS % CHUNK
        for k in range(_full):
            pltpu.sync_copy(
                bufa, aggsh.at[pl.ds(sid * RPS + k * CHUNK, CHUNK)])
        if _rem:
            pltpu.sync_copy(
                bufa.at[pl.ds(0, _rem)],
                aggsh.at[pl.ds(sid * RPS + _full * CHUNK, _rem)])
        plsc.subcore_barrier()

        def idx_start(c, slot, sem):
            pltpu.async_copy(eib_hbm.at[wid, c], idxv.at[slot], sem)

        def idx_wait(slot, sem):
            pltpu.make_async_copy(eib_hbm.at[wid, 0], idxv.at[slot], sem).wait()

        def gather_start(slot, buf, sem):
            pltpu.async_copy(h_hbm.at[idxv.at[slot, 0]], buf, sem)

        def gather_wait(buf, sem):
            pltpu.make_async_copy(h_hbm.at[pl.ds(0, CHUNK)], buf, sem).wait()

        def consume(slot, buf):
            pltpu.sync_copy(buf, aggsh.at[idxv.at[slot, 1]], add=True)

        pltpu.sync_copy(eib_hbm.at[wid, 0], idxv.at[0])
        idx_start(1, 1, si1)
        gather_start(0, bufa, sga)

        def it(i, carry):
            c0 = i * 2
            gather_wait(bufa, sga)
            idx_wait(1, si1)
            gather_start(1, bufb, sgb)
            consume(0, bufa)
            idx_start(c0 + 2, 0, si0)
            gather_wait(bufb, sgb)
            idx_wait(0, si0)
            gather_start(0, bufa, sga)
            consume(1, bufb)
            idx_start(c0 + 3, 1, si1)
            return carry
        lax.fori_loop(0, CPW // 2, it, 0)
        gather_wait(bufa, sga)
        idx_wait(1, si1)

        plsc.subcore_barrier()
        pltpu.sync_copy(aggsh.at[pl.ds(sid * RPS, RPS)],
                        parts_out.at[cid, pl.ds(sid * RPS, RPS)])

    return run(h, eib)[0]


def _sc_deg(eib):
    scratch = [
        pltpu.VMEM((2, 2, CHUNK), jnp.int32),
        pltpu.VMEM((N_PAD,), jnp.float32),
        pltpu.SemaphoreType.DMA,
        pltpu.SemaphoreType.DMA,
    ]

    @functools.partial(
        pl.kernel,
        out_type=[jax.ShapeDtypeStruct((NW, N_PAD), jnp.float32)],
        mesh=_MESH, scratch_types=scratch,
        compiler_params=pltpu.CompilerParams(needs_layout_passes=False))
    def run(eib_hbm, deg_out, idxv, degv, si0, si1):
        cid = lax.axis_index("c")
        sid = lax.axis_index("s")
        wid = sid * NC + cid

        zero16 = jnp.zeros((16,), jnp.float32)
        ones16 = jnp.ones((16,), jnp.float32)

        def zdeg(i, carry):
            degv[pl.ds(i * 16, 16)] = zero16
            return carry
        lax.fori_loop(0, N_PAD // 16, zdeg, 0)

        def idx_start(c, slot, sem):
            pltpu.async_copy(eib_hbm.at[wid, c], idxv.at[slot], sem)

        def idx_wait(slot, sem):
            pltpu.make_async_copy(eib_hbm.at[wid, 0], idxv.at[slot], sem).wait()

        def consume(slot):
            for j in range(CHUNK // 16):
                idx = idxv[slot, 1, pl.ds(j * 16, 16)]
                plsc.addupdate_scatter(degv, [idx], ones16)

        pltpu.sync_copy(eib_hbm.at[wid, 0], idxv.at[0])
        idx_start(1, 1, si1)

        def it(i, carry):
            c0 = i * 2
            consume(0)
            idx_start(c0 + 2, 0, si0)
            idx_wait(1, si1)
            consume(1)
            idx_start(c0 + 3, 1, si1)
            idx_wait(0, si0)
            return carry
        lax.fori_loop(0, CPW // 2, it, 0)
        idx_wait(1, si1)

        pltpu.sync_copy(degv, deg_out.at[wid])

    return run(eib)[0]


def _standardize(x):
    def body(x_ref, o_ref):
        xv = x_ref[...]
        mu = jnp.sum(xv, axis=0, keepdims=True) / N
        var = jnp.sum((xv - mu) ** 2, axis=0, keepdims=True) / N
        std = jnp.sqrt(var)
        std = jnp.where(std == 0.0, 1.0, std)
        o_ref[...] = (xv - mu) / std
    return pl.pallas_call(
        body, out_shape=jax.ShapeDtypeStruct((N, D), jnp.float32))(x)


def _graph_conv(parts, h, wrel, brel, wroot):
    def body(p_ref, h_ref, wr_ref, br_ref, wo_ref, o_ref):
        agg = p_ref[0, pl.ds(0, N), :] + p_ref[1, pl.ds(0, N), :]
        r = (jnp.dot(agg, wr_ref[...], preferred_element_type=jnp.float32)
             + br_ref[...]
             + jnp.dot(h_ref[...], wo_ref[...],
                       preferred_element_type=jnp.float32))
        o_ref[...] = jnp.maximum(r, 0.0)
    return pl.pallas_call(
        body, out_shape=jax.ShapeDtypeStruct((N, D), jnp.float32))(
            parts, h, wrel, brel, wroot)


def _deg_col(dg_ref):
    ones32 = jnp.ones((NW, 1), jnp.float32)
    deg = lax.dot_general(dg_ref[...], ones32, (((0,), (0,)), ((), ())),
                          preferred_element_type=jnp.float32)
    return jnp.maximum(deg[:N, :], 1.0)


def _sage_conv(parts, degp, h, wl, bl, wr):
    def body(p_ref, dg_ref, h_ref, wl_ref, bl_ref, wr_ref, o_ref):
        deg = _deg_col(dg_ref)
        m = (p_ref[0, pl.ds(0, N), :] + p_ref[1, pl.ds(0, N), :]) / deg
        r = (jnp.dot(m, wl_ref[...], preferred_element_type=jnp.float32)
             + bl_ref[...]
             + jnp.dot(h_ref[...], wr_ref[...],
                       preferred_element_type=jnp.float32))
        o_ref[...] = jnp.maximum(r, 0.0)
    return pl.pallas_call(
        body, out_shape=jax.ShapeDtypeStruct((N, D), jnp.float32))(
            parts, degp, h, wl, bl, wr)


def _final(parts, degp, h, wl, bl, wr, batch2d, fcw, fcb):
    def body(p_ref, dg_ref, h_ref, wl_ref, bl_ref, wr_ref, b_ref, fw_ref,
             fb_ref, o_ref):
        deg = _deg_col(dg_ref)
        m = (p_ref[0, pl.ds(0, N), :] + p_ref[1, pl.ds(0, N), :]) / deg
        h4 = (jnp.dot(m, wl_ref[...], preferred_element_type=jnp.float32)
              + bl_ref[...]
              + jnp.dot(h_ref[...], wr_ref[...],
                        preferred_element_type=jnp.float32))
        io = lax.broadcasted_iota(jnp.int32, (1, G), 1)
        onehot = (b_ref[...] == io).astype(jnp.float32)
        gsum = lax.dot_general(onehot, h4, (((0,), (0,)), ((), ())),
                               preferred_element_type=jnp.float32)
        onesn = jnp.ones((N, 1), jnp.float32)
        gcnt = lax.dot_general(onehot, onesn, (((0,), (0,)), ((), ())),
                               preferred_element_type=jnp.float32)
        g = gsum / jnp.maximum(gcnt, 1.0)
        o_ref[...] = (jnp.dot(g, fw_ref[...],
                              preferred_element_type=jnp.float32)
                      + fb_ref[...])
    return pl.pallas_call(
        body, out_shape=jax.ShapeDtypeStruct((G, OUTD), jnp.float32))(
            parts, degp, h, wl, bl, wr, batch2d, fcw, fcb)


def kernel(x, edge_index, batch, Wrel0, brel0, Wroot0, Wrel1, brel1, Wroot1,
           sWl0, sbl0, sWr0, sWl1, sbl1, sWr1, fcW, fcb):
    E = edge_index.shape[1]
    src = edge_index[0]
    dst = edge_index[1]
    pad = E_PAD - E
    srcp = jnp.concatenate([src, jnp.zeros((pad,), jnp.int32)])
    dstp = jnp.concatenate([dst, jnp.full((pad,), GARBAGE_ROW, jnp.int32)])
    real = jnp.stack(
        [srcp.reshape(NW, CPW, CHUNK), dstp.reshape(NW, CPW, CHUNK)], axis=2)
    dummy = jnp.stack(
        [jnp.zeros((NW, 2, CHUNK), jnp.int32),
         jnp.full((NW, 2, CHUNK), GARBAGE_ROW, jnp.int32)], axis=2)
    eib = jnp.concatenate([real, dummy], axis=1)
    batch2d = batch.reshape(N, 1)
    brel0r = brel0.reshape(1, D)
    brel1r = brel1.reshape(1, D)
    sbl0r = sbl0.reshape(1, D)
    sbl1r = sbl1.reshape(1, D)
    fcbr = fcb.reshape(1, OUTD)

    h0 = _standardize(x)
    degp = _sc_deg(eib)
    parts = _sc_pass(h0, eib)
    h1 = _graph_conv(parts, h0, Wrel0, brel0r, Wroot0)
    parts = _sc_pass(h1, eib)
    h2 = _graph_conv(parts, h1, Wrel1, brel1r, Wroot1)
    parts = _sc_pass(h2, eib)
    h3 = _sage_conv(parts, degp, h2, sWl0, sbl0r, sWr0)
    parts = _sc_pass(h3, eib)
    return _final(parts, degp, h3, sWl1, sbl1r, sWr1, batch2d, fcW, fcbr)

# --- scband reference (transcript-rebuilt; emitter-appended) ---
"""Pipeline reference for scband-graph-conv-sage-60413009985910 (READ-ONLY COPY).

The authoritative reference and input builder live on the scoring server;
editing this copy changes nothing except your own understanding.
"""

import jax, jax.numpy as jnp
import numpy as np

N = 10000
E = 320000
D_IN = 128
HID = 128
OUT = 64
NUM_GRAPHS = 16


def _lin(k, fin, fout):
    return (jax.random.normal(k, (fin, fout), dtype=jnp.float32) / jnp.sqrt(fin)).astype(jnp.float32)


def setup_inputs(seed: int = 0) -> dict:
    key = jax.random.key(seed)
    ks = jax.random.split(key, 24)
    x = jax.random.normal(ks[0], (N, D_IN), dtype=jnp.float32)
    edge_index = jax.random.randint(ks[1], (2, E), 0, N, dtype=jnp.int32)
    batch = jnp.sort(jax.random.randint(ks[2], (N,), 0, NUM_GRAPHS, dtype=jnp.int32))
    inp = {
        'x': x,
        'edge_index': edge_index,
        'batch': batch,
        # GraphConv layer 0 (input_dim -> hidden_dim): lin_rel (W+b) + lin_root (W only)
        'Wrel0': _lin(ks[3], D_IN, HID), 'brel0': jnp.zeros((HID,), jnp.float32), 'Wroot0': _lin(ks[4], D_IN, HID),
        # GraphConv layer 1 (hidden -> hidden)
        'Wrel1': _lin(ks[5], HID, HID), 'brel1': jnp.zeros((HID,), jnp.float32), 'Wroot1': _lin(ks[6], HID, HID),
        # GraphSAGE: 2 SAGEConv layers (hidden -> hidden): lin_l (W+b on mean-aggregated neighbors) + lin_r (W on root)
        'sWl0': _lin(ks[7], HID, HID), 'sbl0': jnp.zeros((HID,), jnp.float32), 'sWr0': _lin(ks[8], HID, HID),
        'sWl1': _lin(ks[9], HID, HID), 'sbl1': jnp.zeros((HID,), jnp.float32), 'sWr1': _lin(ks[10], HID, HID),
        # final fc
        'fcW': _lin(ks[11], HID, OUT), 'fcb': jnp.zeros((OUT,), jnp.float32),
    }
    return inp


def reference(x, edge_index, batch, Wrel0, brel0, Wroot0, Wrel1, brel1, Wroot1,
              sWl0, sbl0, sWr0, sWl1, sbl1, sWr1, fcW, fcb):
    n = x.shape[0]
    src = edge_index[0]
    dst = edge_index[1]
    # StandardScaler().fit_transform(x): per-feature standardization (ddof=0)
    mean = jnp.mean(x, axis=0)
    std = jnp.sqrt(jnp.mean((x - mean) ** 2, axis=0))
    std = jnp.where(std == 0.0, 1.0, std)
    h = ((x - mean) / std).astype(jnp.float32)

    # PyG GraphConv (aggr='add'): out = lin_rel(sum_{j in N(i)} x_j) + lin_root(x_i)
    def graph_conv(h, Wrel, brel, Wroot):
        agg = jax.ops.segment_sum(h[src], dst, num_segments=n)
        return agg @ Wrel + brel + h @ Wroot

    h = jax.nn.relu(graph_conv(h, Wrel0, brel0, Wroot0))
    # dropout p=0.2 is identity in eval mode
    h = jax.nn.relu(graph_conv(h, Wrel1, brel1, Wroot1))

    # GraphSAGE model: SAGEConv (mean aggr) layers with relu between (not after last)
    deg = jax.ops.segment_sum(jnp.ones((src.shape[0],), jnp.float32), dst, num_segments=n)
    deg = jnp.maximum(deg, 1.0)

    def sage_conv(h, Wl, bl, Wr):
        m = jax.ops.segment_sum(h[src], dst, num_segments=n) / deg[:, None]
        return m @ Wl + bl + h @ Wr

    h = jax.nn.relu(sage_conv(h, sWl0, sbl0, sWr0))
    h = sage_conv(h, sWl1, sbl1, sWr1)

    # global_mean_pool over batch assignment
    gsum = jax.ops.segment_sum(h, batch, num_segments=NUM_GRAPHS)
    gcnt = jax.ops.segment_sum(jnp.ones((n,), jnp.float32), batch, num_segments=NUM_GRAPHS)
    g = gsum / jnp.maximum(gcnt, 1.0)[:, None]
    # dropout identity in eval; final linear
    return g @ fcW + fcb

if __name__ == "__main__":
    import jax
    _d = setup_inputs()
    print(jax.jit(kernel)(*tuple(_d.values())))

</pallas_src>

<mosaic_0001>
#map = affine_map<(d0, d1) -> (0, 0)>
#map1 = affine_map<(d0, d1) -> (0, 0, 0, 0)>
#map2 = affine_map<(d0, d1) -> (0, 0, 0)>
module attributes {stable_mosaic.version = 14 : i64} {
  func.func @run(%arg0: i32, %arg1: i32, %arg2: memref<10000x128xf32, #tpu.memory_space<hbm>>, %arg3: memref<32x162x2x64xi32, #tpu.memory_space<hbm>>, %arg4: memref<2x10112x128xf32, #tpu.memory_space<hbm>>, %arg5: memref<2x2x64xi32, #tpu.memory_space<vmem>>, %arg6: memref<64x128xf32, #tpu.memory_space<vmem>>, %arg7: memref<64x128xf32, #tpu.memory_space<vmem>>, %arg8: memref<10112x128xf32, #tpu.memory_space<vmem_shared>>, %arg9: memref<!tpu.dma_semaphore, #tpu.memory_space<semaphore_mem>>, %arg10: memref<!tpu.dma_semaphore, #tpu.memory_space<semaphore_mem>>, %arg11: memref<!tpu.dma_semaphore, #tpu.memory_space<semaphore_mem>>, %arg12: memref<!tpu.dma_semaphore, #tpu.memory_space<semaphore_mem>>) attributes {dimension_semantics = [#tpu.dimension_semantics<core_parallel>, #tpu.dimension_semantics<subcore_parallel>], iteration_bounds = array<i64: 2, 16>, scalar_prefetch = 0 : i64, scratch_operands = 8 : i64, tpu.core_type = #tpu.core_type<sc_vector_subcore>, window_params = [{transform_indices = #map}, {transform_indices = #map1}, {transform_indices = #map2}]} {
    %mul3A = arith.constant 2 : i32
    %mul3A_0 = arith.muli %arg1, %mul3A : i32
    %add3A = arith.addi %mul3A_0, %arg0 : i32
    %broadcast_in_dim3A = arith.constant 0.000000e+00 : f32
    %broadcast_in_dim3A_1 = vector.broadcast %broadcast_in_dim3A : f32 to vector<16xf32>
    %scan3A = arith.constant 0 : i32
    %scan3A_2 = arith.constant 0 : i32
    %scan3A_3 = arith.constant 64 : i32
    %scan3A_4 = arith.addi %scan3A_2, %scan3A_3 : i32
    %scan3A_5 = arith.constant 1 : i32
    scf.for %scan3A_107 = %scan3A_2 to %scan3A_4 step %scan3A_5  : i32 {
      %swap3A = arith.index_cast %scan3A_107 : i32 to index
      %swap3A_108 = arith.constant 0 : index
      %swap3A_109 = tpu.vector_load %arg6[%swap3A, %swap3A_108] {strides = array<i32>} : memref<64x128xf32, #tpu.memory_space<vmem>>, vector<1x16xf32>,
      %swap3A_110 = vector.shape_cast %swap3A_109 : vector<1x16xf32> to vector<16xf32>
      %swap3A_111 = vector.shape_cast %broadcast_in_dim3A_1 : vector<16xf32> to vector<1x16xf32>
      tpu.vector_store %arg6[%swap3A, %swap3A_108], %swap3A_111 {strides = array<i32>} : memref<64x128xf32, #tpu.memory_space<vmem>>, vector<1x16xf32>,
      %swap3A_112 = arith.index_cast %scan3A_107 : i32 to index
      %swap3A_113 = arith.constant 16 : index
      %swap3A_114 = tpu.vector_load %arg6[%swap3A_112, %swap3A_113] {strides = array<i32>} : memref<64x128xf32, #tpu.memory_space<vmem>>, vector<1x16xf32>,
      %swap3A_115 = vector.shape_cast %swap3A_114 : vector<1x16xf32> to vector<16xf32>
      %swap3A_116 = vector.shape_cast %broadcast_in_dim3A_1 : vector<16xf32> to vector<1x16xf32>
      tpu.vector_store %arg6[%swap3A_112, %swap3A_113], %swap3A_116 {strides = array<i32>} : memref<64x128xf32, #tpu.memory_space<vmem>>, vector<1x16xf32>,
      %swap3A_117 = arith.index_cast %scan3A_107 : i32 to index
      %swap3A_118 = arith.constant 32 : index
      %swap3A_119 = tpu.vector_load %arg6[%swap3A_117, %swap3A_118] {strides = array<i32>} : memref<64x128xf32, #tpu.memory_space<vmem>>, vector<1x16xf32>,
      %swap3A_120 = vector.shape_cast %swap3A_119 : vector<1x16xf32> to vector<16xf32>
      %swap3A_121 = vector.shape_cast %broadcast_in_dim3A_1 : vector<16xf32> to vector<1x16xf32>
      tpu.vector_store %arg6[%swap3A_117, %swap3A_118], %swap3A_121 {strides = array<i32>} : memref<64x128xf32, #tpu.memory_space<vmem>>, vector<1x16xf32>,
      %swap3A_122 = arith.index_cast %scan3A_107 : i32 to index
      %swap3A_123 = arith.constant 48 : index
      %swap3A_124 = tpu.vector_load %arg6[%swap3A_122, %swap3A_123] {strides = array<i32>} : memref<64x128xf32, #tpu.memory_space<vmem>>, vector<1x16xf32>,
      %swap3A_125 = vector.shape_cast %swap3A_124 : vector<1x16xf32> to vector<16xf32>
      %swap3A_126 = vector.shape_cast %broadcast_in_dim3A_1 : vector<16xf32> to vector<1x16xf32>
      tpu.vector_store %arg6[%swap3A_122, %swap3A_123], %swap3A_126 {strides = array<i32>} : memref<64x128xf32, #tpu.memory_space<vmem>>, vector<1x16xf32>,
      %swap3A_127 = arith.index_cast %scan3A_107 : i32 to index
      %swap3A_128 = arith.constant 64 : index
      %swap3A_129 = tpu.vector_load %arg6[%swap3A_127, %swap3A_128] {strides = array<i32>} : memref<64x128xf32, #tpu.memory_space<vmem>>, vector<1x16xf32>,
      %swap3A_130 = vector.shape_cast %swap3A_129 : vector<1x16xf32> to vector<16xf32>
      %swap3A_131 = vector.shape_cast %broadcast_in_dim3A_1 : vector<16xf32> to vector<1x16xf32>
      tpu.vector_store %arg6[%swap3A_127, %swap3A_128], %swap3A_131 {strides = array<i32>} : memref<64x128xf32, #tpu.memory_space<vmem>>, vector<1x16xf32>,
      %swap3A_132 = arith.index_cast %scan3A_107 : i32 to index
      %swap3A_133 = arith.constant 80 : index
      %swap3A_134 = tpu.vector_load %arg6[%swap3A_132, %swap3A_133] {strides = array<i32>} : memref<64x128xf32, #tpu.memory_space<vmem>>, vector<1x16xf32>,
      %swap3A_135 = vector.shape_cast %swap3A_134 : vector<1x16xf32> to vector<16xf32>
      %swap3A_136 = vector.shape_cast %broadcast_in_dim3A_1 : vector<16xf32> to vector<1x16xf32>
      tpu.vector_store %arg6[%swap3A_132, %swap3A_133], %swap3A_136 {strides = array<i32>} : memref<64x128xf32, #tpu.memory_space<vmem>>, vector<1x16xf32>,
      %swap3A_137 = arith.index_cast %scan3A_107 : i32 to index
      %swap3A_138 = arith.constant 96 : index
      %swap3A_139 = tpu.vector_load %arg6[%swap3A_137, %swap3A_138] {strides = array<i32>} : memref<64x128xf32, #tpu.memory_space<vmem>>, vector<1x16xf32>,
      %swap3A_140 = vector.shape_cast %swap3A_139 : vector<1x16xf32> to vector<16xf32>
      %swap3A_141 = vector.shape_cast %broadcast_in_dim3A_1 : vector<16xf32> to vector<1x16xf32>
      tpu.vector_store %arg6[%swap3A_137, %swap3A_138], %swap3A_141 {strides = array<i32>} : memref<64x128xf32, #tpu.memory_space<vmem>>, vector<1x16xf32>,
      %swap3A_142 = arith.index_cast %scan3A_107 : i32 to index
      %swap3A_143 = arith.constant 112 : index
      %swap3A_144 = tpu.vector_load %arg6[%swap3A_142, %swap3A_143] {strides = array<i32>} : memref<64x128xf32, #tpu.memory_space<vmem>>, vector<1x16xf32>,
      %swap3A_145 = vector.shape_cast %swap3A_144 : vector<1x16xf32> to vector<16xf32>
      %swap3A_146 = vector.shape_cast %broadcast_in_dim3A_1 : vector<16xf32> to vector<1x16xf32>
      tpu.vector_store %arg6[%swap3A_142, %swap3A_143], %swap3A_146 {strides = array<i32>} : memref<64x128xf32, #tpu.memory_space<vmem>>, vector<1x16xf32>,
    }
    %scan3A_6 = arith.constant 64 : i32
    %mul3A_7 = arith.constant 632 : i32
    %mul3A_8 = arith.muli %arg1, %mul3A_7 : i32
    %add3A_9 = arith.constant 0 : i32
    %add3A_10 = arith.addi %mul3A_8, %add3A_9 : i32
    "tpu.region"() ({
      %run_scoped3A_107 = tpu.sem_alloc : memref<!tpu.dma_semaphore, #tpu.memory_space<semaphore_mem>>
      %dma_start3A_108 = arith.constant 0 : i32
      %dma_start3A_109 = tpu.memref_slice %arg8[%add3A_10, %dma_start3A_108] : memref<10112x128xf32, #tpu.memory_space<vmem_shared>> -> memref<64x128xf32, #tpu.memory_space<vmem_shared>>
      %dma_start3A_110 = arith.constant 0 : i32
      %dma_start3A_111 = tpu.memref_slice %arg8[%add3A_10, %dma_start3A_110] : memref<10112x128xf32, #tpu.memory_space<vmem_shared>> -> memref<64x128xf32, #tpu.memory_space<vmem_shared>>
      tpu.enqueue_dma source(%arg6 : memref<64x128xf32, #tpu.memory_space<vmem>>) target(%dma_start3A_111 : memref<64x128xf32, #tpu.memory_space<vmem_shared>>) target_semaphore(%run_scoped3A_107 : memref<!tpu.dma_semaphore, #tpu.memory_space<semaphore_mem>>)
      %dma_wait3A_112 = arith.constant 0 : i32
      %dma_wait3A_113 = tpu.memref_slice %arg8[%add3A_10, %dma_wait3A_112] : memref<10112x128xf32, #tpu.memory_space<vmem_shared>> -> memref<64x128xf32, #tpu.memory_space<vmem_shared>>
      %dma_wait3A_114 = arith.constant 0 : i32
      %dma_wait3A_115 = tpu.memref_slice %arg8[%add3A_10, %dma_wait3A_114] : memref<10112x128xf32, #tpu.memory_space<vmem_shared>> -> memref<64x128xf32, #tpu.memory_space<vmem_shared>>
      tpu.wait_dma2 semaphore(%run_scoped3A_107 : memref<!tpu.dma_semaphore, #tpu.memory_space<semaphore_mem>>) src(%arg6 : memref<64x128xf32, #tpu.memory_space<vmem>>) dst(%dma_wait3A_115 : memref<64x128xf32, #tpu.memory_space<vmem_shared>>)
      tpu.yield
    }) : () -> ()
    %mul3A_11 = arith.constant 632 : i32
    %mul3A_12 = arith.muli %arg1, %mul3A_11 : i32
    %add3A_13 = arith.constant 64 : i32
    %add3A_14 = arith.addi %mul3A_12, %add3A_13 : i32
    "tpu.region"() ({
      %run_scoped3A_107 = tpu.sem_alloc : memref<!tpu.dma_semaphore, #tpu.memory_space<semaphore_mem>>
      %dma_start3A_108 = arith.constant 0 : i32
      %dma_start3A_109 = tpu.memref_slice %arg8[%add3A_14, %dma_start3A_108] : memref<10112x128xf32, #tpu.memory_space<vmem_shared>> -> memref<64x128xf32, #tpu.memory_space<vmem_shared>>
      %dma_start3A_110 = arith.constant 0 : i32
      %dma_start3A_111 = tpu.memref_slice %arg8[%add3A_14, %dma_start3A_110] : memref<10112x128xf32, #tpu.memory_space<vmem_shared>> -> memref<64x128xf32, #tpu.memory_space<vmem_shared>>
      tpu.enqueue_dma source(%arg6 : memref<64x128xf32, #tpu.memory_space<vmem>>) target(%dma_start3A_111 : memref<64x128xf32, #tpu.memory_space<vmem_shared>>) target_semaphore(%run_scoped3A_107 : memref<!tpu.dma_semaphore, #tpu.memory_space<semaphore_mem>>)
      %dma_wait3A_112 = arith.constant 0 : i32
      %dma_wait3A_113 = tpu.memref_slice %arg8[%add3A_14, %dma_wait3A_112] : memref<10112x128xf32, #tpu.memory_space<vmem_shared>> -> memref<64x128xf32, #tpu.memory_space<vmem_shared>>
      %dma_wait3A_114 = arith.constant 0 : i32
      %dma_wait3A_115 = tpu.memref_slice %arg8[%add3A_14, %dma_wait3A_114] : memref<10112x128xf32, #tpu.memory_space<vmem_shared>> -> memref<64x128xf32, #tpu.memory_space<vmem_shared>>
      tpu.wait_dma2 semaphore(%run_scoped3A_107 : memref<!tpu.dma_semaphore, #tpu.memory_space<semaphore_mem>>) src(%arg6 : memref<64x128xf32, #tpu.memory_space<vmem>>) dst(%dma_wait3A_115 : memref<64x128xf32, #tpu.memory_space<vmem_shared>>)
      tpu.yield
    }) : () -> ()
    %mul3A_15 = arith.constant 632 : i32
    %mul3A_16 = arith.muli %arg1, %mul3A_15 : i32
    %add3A_17 = arith.constant 128 : i32
    %add3A_18 = arith.addi %mul3A_16, %add3A_17 : i32
    "tpu.region"() ({
      %run_scoped3A_107 = tpu.sem_alloc : memref<!tpu.dma_semaphore, #tpu.memory_space<semaphore_mem>>
      %dma_start3A_108 = arith.constant 0 : i32
      %dma_start3A_109 = tpu.memref_slice %arg8[%add3A_18, %dma_start3A_108] : memref<10112x128xf32, #tpu.memory_space<vmem_shared>> -> memref<64x128xf32, #tpu.memory_space<vmem_shared>>
      %dma_start3A_110 = arith.constant 0 : i32
      %dma_start3A_111 = tpu.memref_slice %arg8[%add3A_18, %dma_start3A_110] : memref<10112x128xf32, #tpu.memory_space<vmem_shared>> -> memref<64x128xf32, #tpu.memory_space<vmem_shared>>
      tpu.enqueue_dma source(%arg6 : memref<64x128xf32, #tpu.memory_space<vmem>>) target(%dma_start3A_111 : memref<64x128xf32, #tpu.memory_space<vmem_shared>>) target_semaphore(%run_scoped3A_107 : memref<!tpu.dma_semaphore, #tpu.memory_space<semaphore_mem>>)
      %dma_wait3A_112 = arith.constant 0 : i32
      %dma_wait3A_113 = tpu.memref_slice %arg8[%add3A_18, %dma_wait3A_112] : memref<10112x128xf32, #tpu.memory_space<vmem_shared>> -> memref<64x128xf32, #tpu.memory_space<vmem_shared>>
      %dma_wait3A_114 = arith.constant 0 : i32
      %dma_wait3A_115 = tpu.memref_slice %arg8[%add3A_18, %dma_wait3A_114] : memref<10112x128xf32, #tpu.memory_space<vmem_shared>> -> memref<64x128xf32, #tpu.memory_space<vmem_shared>>
      tpu.wait_dma2 semaphore(%run_scoped3A_107 : memref<!tpu.dma_semaphore, #tpu.memory_space<semaphore_mem>>) src(%arg6 : memref<64x128xf32, #tpu.memory_space<vmem>>) dst(%dma_wait3A_115 : memref<64x128xf32, #tpu.memory_space<vmem_shared>>)
      tpu.yield
    }) : () -> ()
    %mul3A_19 = arith.constant 632 : i32
    %mul3A_20 = arith.muli %arg1, %mul3A_19 : i32
    %add3A_21 = arith.constant 192 : i32
    %add3A_22 = arith.addi %mul3A_20, %add3A_21 : i32
    "tpu.region"() ({
      %run_scoped3A_107 = tpu.sem_alloc : memref<!tpu.dma_semaphore, #tpu.memory_space<semaphore_mem>>
      %dma_start3A_108 = arith.constant 0 : i32
      %dma_start3A_109 = tpu.memref_slice %arg8[%add3A_22, %dma_start3A_108] : memref<10112x128xf32, #tpu.memory_space<vmem_shared>> -> memref<64x128xf32, #tpu.memory_space<vmem_shared>>
      %dma_start3A_110 = arith.constant 0 : i32
      %dma_start3A_111 = tpu.memref_slice %arg8[%add3A_22, %dma_start3A_110] : memref<10112x128xf32, #tpu.memory_space<vmem_shared>> -> memref<64x128xf32, #tpu.memory_space<vmem_shared>>
      tpu.enqueue_dma source(%arg6 : memref<64x128xf32, #tpu.memory_space<vmem>>) target(%dma_start3A_111 : memref<64x128xf32, #tpu.memory_space<vmem_shared>>) target_semaphore(%run_scoped3A_107 : memref<!tpu.dma_semaphore, #tpu.memory_space<semaphore_mem>>)
      %dma_wait3A_112 = arith.constant 0 : i32
      %dma_wait3A_113 = tpu.memref_slice %arg8[%add3A_22, %dma_wait3A_112] : memref<10112x128xf32, #tpu.memory_space<vmem_shared>> -> memref<64x128xf32, #tpu.memory_space<vmem_shared>>
      %dma_wait3A_114 = arith.constant 0 : i32
      %dma_wait3A_115 = tpu.memref_slice %arg8[%add3A_22, %dma_wait3A_114] : memref<10112x128xf32, #tpu.memory_space<vmem_shared>> -> memref<64x128xf32, #tpu.memory_space<vmem_shared>>
      tpu.wait_dma2 semaphore(%run_scoped3A_107 : memref<!tpu.dma_semaphore, #tpu.memory_space<semaphore_mem>>) src(%arg6 : memref<64x128xf32, #tpu.memory_space<vmem>>) dst(%dma_wait3A_115 : memref<64x128xf32, #tpu.memory_space<vmem_shared>>)
      tpu.yield
    }) : () -> ()
    %mul3A_23 = arith.constant 632 : i32
    %mul3A_24 = arith.muli %arg1, %mul3A_23 : i32
    %add3A_25 = arith.constant 256 : i32
    %add3A_26 = arith.addi %mul3A_24, %add3A_25 : i32
    "tpu.region"() ({
      %run_scoped3A_107 = tpu.sem_alloc : memref<!tpu.dma_semaphore, #tpu.memory_space<semaphore_mem>>
      %dma_start3A_108 = arith.constant 0 : i32
      %dma_start3A_109 = tpu.memref_slice %arg8[%add3A_26, %dma_start3A_108] : memref<10112x128xf32, #tpu.memory_space<vmem_shared>> -> memref<64x128xf32, #tpu.memory_space<vmem_shared>>
      %dma_start3A_110 = arith.constant 0 : i32
      %dma_start3A_111 = tpu.memref_slice %arg8[%add3A_26, %dma_start3A_110] : memref<10112x128xf32, #tpu.memory_space<vmem_shared>> -> memref<64x128xf32, #tpu.memory_space<vmem_shared>>
      tpu.enqueue_dma source(%arg6 : memref<64x128xf32, #tpu.memory_space<vmem>>) target(%dma_start3A_111 : memref<64x128xf32, #tpu.memory_space<vmem_shared>>) target_semaphore(%run_scoped3A_107 : memref<!tpu.dma_semaphore, #tpu.memory_space<semaphore_mem>>)
      %dma_wait3A_112 = arith.constant 0 : i32
      %dma_wait3A_113 = tpu.memref_slice %arg8[%add3A_26, %dma_wait3A_112] : memref<10112x128xf32, #tpu.memory_space<vmem_shared>> -> memref<64x128xf32, #tpu.memory_space<vmem_shared>>
      %dma_wait3A_114 = arith.constant 0 : i32
      %dma_wait3A_115 = tpu.memref_slice %arg8[%add3A_26, %dma_wait3A_114] : memref<10112x128xf32, #tpu.memory_space<vmem_shared>> -> memref<64x128xf32, #tpu.memory_space<vmem_shared>>
      tpu.wait_dma2 semaphore(%run_scoped3A_107 : memref<!tpu.dma_semaphore, #tpu.memory_space<semaphore_mem>>) src(%arg6 : memref<64x128xf32, #tpu.memory_space<vmem>>) dst(%dma_wait3A_115 : memref<64x128xf32, #tpu.memory_space<vmem_shared>>)
      tpu.yield
    }) : () -> ()
    %mul3A_27 = arith.constant 632 : i32
    %mul3A_28 = arith.muli %arg1, %mul3A_27 : i32
    %add3A_29 = arith.constant 320 : i32
    %add3A_30 = arith.addi %mul3A_28, %add3A_29 : i32
    "tpu.region"() ({
      %run_scoped3A_107 = tpu.sem_alloc : memref<!tpu.dma_semaphore, #tpu.memory_space<semaphore_mem>>
      %dma_start3A_108 = arith.constant 0 : i32
      %dma_start3A_109 = tpu.memref_slice %arg8[%add3A_30, %dma_start3A_108] : memref<10112x128xf32, #tpu.memory_space<vmem_shared>> -> memref<64x128xf32, #tpu.memory_space<vmem_shared>>
      %dma_start3A_110 = arith.constant 0 : i32
      %dma_start3A_111 = tpu.memref_slice %arg8[%add3A_30, %dma_start3A_110] : memref<10112x128xf32, #tpu.memory_space<vmem_shared>> -> memref<64x128xf32, #tpu.memory_space<vmem_shared>>
      tpu.enqueue_dma source(%arg6 : memref<64x128xf32, #tpu.memory_space<vmem>>) target(%dma_start3A_111 : memref<64x128xf32, #tpu.memory_space<vmem_shared>>) target_semaphore(%run_scoped3A_107 : memref<!tpu.dma_semaphore, #tpu.memory_space<semaphore_mem>>)
      %dma_wait3A_112 = arith.constant 0 : i32
      %dma_wait3A_113 = tpu.memref_slice %arg8[%add3A_30, %dma_wait3A_112] : memref<10112x128xf32, #tpu.memory_space<vmem_shared>> -> memref<64x128xf32, #tpu.memory_space<vmem_shared>>
      %dma_wait3A_114 = arith.constant 0 : i32
      %dma_wait3A_115 = tpu.memref_slice %arg8[%add3A_30, %dma_wait3A_114] : memref<10112x128xf32, #tpu.memory_space<vmem_shared>> -> memref<64x128xf32, #tpu.memory_space<vmem_shared>>
      tpu.wait_dma2 semaphore(%run_scoped3A_107 : memref<!tpu.dma_semaphore, #tpu.memory_space<semaphore_mem>>) src(%arg6 : memref<64x128xf32, #tpu.memory_space<vmem>>) dst(%dma_wait3A_115 : memref<64x128xf32, #tpu.memory_space<vmem_shared>>)
      tpu.yield
    }) : () -> ()
    %mul3A_31 = arith.constant 632 : i32
    %mul3A_32 = arith.muli %arg1, %mul3A_31 : i32
    %add3A_33 = arith.constant 384 : i32
    %add3A_34 = arith.addi %mul3A_32, %add3A_33 : i32
    "tpu.region"() ({
      %run_scoped3A_107 = tpu.sem_alloc : memref<!tpu.dma_semaphore, #tpu.memory_space<semaphore_mem>>
      %dma_start3A_108 = arith.constant 0 : i32
      %dma_start3A_109 = tpu.memref_slice %arg8[%add3A_34, %dma_start3A_108] : memref<10112x128xf32, #tpu.memory_space<vmem_shared>> -> memref<64x128xf32, #tpu.memory_space<vmem_shared>>
      %dma_start3A_110 = arith.constant 0 : i32
      %dma_start3A_111 = tpu.memref_slice %arg8[%add3A_34, %dma_start3A_110] : memref<10112x128xf32, #tpu.memory_space<vmem_shared>> -> memref<64x128xf32, #tpu.memory_space<vmem_shared>>
      tpu.enqueue_dma source(%arg6 : memref<64x128xf32, #tpu.memory_space<vmem>>) target(%dma_start3A_111 : memref<64x128xf32, #tpu.memory_space<vmem_shared>>) target_semaphore(%run_scoped3A_107 : memref<!tpu.dma_semaphore, #tpu.memory_space<semaphore_mem>>)
      %dma_wait3A_112 = arith.constant 0 : i32
      %dma_wait3A_113 = tpu.memref_slice %arg8[%add3A_34, %dma_wait3A_112] : memref<10112x128xf32, #tpu.memory_space<vmem_shared>> -> memref<64x128xf32, #tpu.memory_space<vmem_shared>>
      %dma_wait3A_114 = arith.constant 0 : i32
      %dma_wait3A_115 = tpu.memref_slice %arg8[%add3A_34, %dma_wait3A_114] : memref<10112x128xf32, #tpu.memory_space<vmem_shared>> -> memref<64x128xf32, #tpu.memory_space<vmem_shared>>
      tpu.wait_dma2 semaphore(%run_scoped3A_107 : memref<!tpu.dma_semaphore, #tpu.memory_space<semaphore_mem>>) src(%arg6 : memref<64x128xf32, #tpu.memory_space<vmem>>) dst(%dma_wait3A_115 : memref<64x128xf32, #tpu.memory_space<vmem_shared>>)
      tpu.yield
    }) : () -> ()
    %mul3A_35 = arith.constant 632 : i32
    %mul3A_36 = arith.muli %arg1, %mul3A_35 : i32
    %add3A_37 = arith.constant 448 : i32
    %add3A_38 = arith.addi %mul3A_36, %add3A_37 : i32
    "tpu.region"() ({
      %run_scoped3A_107 = tpu.sem_alloc : memref<!tpu.dma_semaphore, #tpu.memory_space<semaphore_mem>>
      %dma_start3A_108 = arith.constant 0 : i32
      %dma_start3A_109 = tpu.memref_slice %arg8[%add3A_38, %dma_start3A_108] : memref<10112x128xf32, #tpu.memory_space<vmem_shared>> -> memref<64x128xf32, #tpu.memory_space<vmem_shared>>
      %dma_start3A_110 = arith.constant 0 : i32
      %dma_start3A_111 = tpu.memref_slice %arg8[%add3A_38, %dma_start3A_110] : memref<10112x128xf32, #tpu.memory_space<vmem_shared>> -> memref<64x128xf32, #tpu.memory_space<vmem_shared>>
      tpu.enqueue_dma source(%arg6 : memref<64x128xf32, #tpu.memory_space<vmem>>) target(%dma_start3A_111 : memref<64x128xf32, #tpu.memory_space<vmem_shared>>) target_semaphore(%run_scoped3A_107 : memref<!tpu.dma_semaphore, #tpu.memory_space<semaphore_mem>>)
      %dma_wait3A_112 = arith.constant 0 : i32
      %dma_wait3A_113 = tpu.memref_slice %arg8[%add3A_38, %dma_wait3A_112] : memref<10112x128xf32, #tpu.memory_space<vmem_shared>> -> memref<64x128xf32, #tpu.memory_space<vmem_shared>>
      %dma_wait3A_114 = arith.constant 0 : i32
      %dma_wait3A_115 = tpu.memref_slice %arg8[%add3A_38, %dma_wait3A_114] : memref<10112x128xf32, #tpu.memory_space<vmem_shared>> -> memref<64x128xf32, #tpu.memory_space<vmem_shared>>
      tpu.wait_dma2 semaphore(%run_scoped3A_107 : memref<!tpu.dma_semaphore, #tpu.memory_space<semaphore_mem>>) src(%arg6 : memref<64x128xf32, #tpu.memory_space<vmem>>) dst(%dma_wait3A_115 : memref<64x128xf32, #tpu.memory_space<vmem_shared>>)
      tpu.yield
    }) : () -> ()
    %mul3A_39 = arith.constant 632 : i32
    %mul3A_40 = arith.muli %arg1, %mul3A_39 : i32
    %add3A_41 = arith.constant 512 : i32
    %add3A_42 = arith.addi %mul3A_40, %add3A_41 : i32
    "tpu.region"() ({
      %run_scoped3A_107 = tpu.sem_alloc : memref<!tpu.dma_semaphore, #tpu.memory_space<semaphore_mem>>
      %dma_start3A_108 = arith.constant 0 : i32
      %dma_start3A_109 = tpu.memref_slice %arg8[%add3A_42, %dma_start3A_108] : memref<10112x128xf32, #tpu.memory_space<vmem_shared>> -> memref<64x128xf32, #tpu.memory_space<vmem_shared>>
      %dma_start3A_110 = arith.constant 0 : i32
      %dma_start3A_111 = tpu.memref_slice %arg8[%add3A_42, %dma_start3A_110] : memref<10112x128xf32, #tpu.memory_space<vmem_shared>> -> memref<64x128xf32, #tpu.memory_space<vmem_shared>>
      tpu.enqueue_dma source(%arg6 : memref<64x128xf32, #tpu.memory_space<vmem>>) target(%dma_start3A_111 : memref<64x128xf32, #tpu.memory_space<vmem_shared>>) target_semaphore(%run_scoped3A_107 : memref<!tpu.dma_semaphore, #tpu.memory_space<semaphore_mem>>)
      %dma_wait3A_112 = arith.constant 0 : i32
      %dma_wait3A_113 = tpu.memref_slice %arg8[%add3A_42, %dma_wait3A_112] : memref<10112x128xf32, #tpu.memory_space<vmem_shared>> -> memref<64x128xf32, #tpu.memory_space<vmem_shared>>
      %dma_wait3A_114 = arith.constant 0 : i32
      %dma_wait3A_115 = tpu.memref_slice %arg8[%add3A_42, %dma_wait3A_114] : memref<10112x128xf32, #tpu.memory_space<vmem_shared>> -> memref<64x128xf32, #tpu.memory_space<vmem_shared>>
      tpu.wait_dma2 semaphore(%run_scoped3A_107 : memref<!tpu.dma_semaphore, #tpu.memory_space<semaphore_mem>>) src(%arg6 : memref<64x128xf32, #tpu.memory_space<vmem>>) dst(%dma_wait3A_115 : memref<64x128xf32, #tpu.memory_space<vmem_shared>>)
      tpu.yield
    }) : () -> ()
    %mul3A_43 = arith.constant 632 : i32
    %mul3A_44 = arith.muli %arg1, %mul3A_43 : i32
    %add3A_45 = arith.constant 576 : i32
    %add3A_46 = arith.addi %mul3A_44, %add3A_45 : i32
    "tpu.region"() ({
      %run_scoped3A_107 = tpu.sem_alloc : memref<!tpu.dma_semaphore, #tpu.memory_space<semaphore_mem>>
      %dma_start3A_108 = arith.constant 0 : i32
      %dma_start3A_109 = arith.constant 0 : i32
      %dma_start3A_110 = tpu.memref_slice %arg6[%dma_start3A_108, %dma_start3A_109] : memref<64x128xf32, #tpu.memory_space<vmem>> -> memref<56x128xf32, #tpu.memory_space<vmem>>
      %dma_start3A_111 = arith.constant 0 : i32
      %dma_start3A_112 = tpu.memref_slice %arg8[%add3A_46, %dma_start3A_111] : memref<10112x128xf32, #tpu.memory_space<vmem_shared>> -> memref<56x128xf32, #tpu.memory_space<vmem_shared>>
      %dma_start3A_113 = arith.constant 0 : i32
      %dma_start3A_114 = tpu.memref_slice %arg8[%add3A_46, %dma_start3A_113] : memref<10112x128xf32, #tpu.memory_space<vmem_shared>> -> memref<56x128xf32, #tpu.memory_space<vmem_shared>>
      %dma_start3A_115 = arith.constant 0 : i32
      %dma_start3A_116 = arith.constant 0 : i32
      %dma_start3A_117 = tpu.memref_slice %arg6[%dma_start3A_115, %dma_start3A_116] : memref<64x128xf32, #tpu.memory_space<vmem>> -> memref<56x128xf32, #tpu.memory_space<vmem>>
      tpu.enqueue_dma source(%dma_start3A_117 : memref<56x128xf32, #tpu.memory_space<vmem>>) target(%dma_start3A_114 : memref<56x128xf32, #tpu.memory_space<vmem_shared>>) target_semaphore(%run_scoped3A_107 : memref<!tpu.dma_semaphore, #tpu.memory_space<semaphore_mem>>)
      %dma_wait3A_118 = arith.constant 0 : i32
      %dma_wait3A_119 = arith.constant 0 : i32
      %dma_wait3A_120 = tpu.memref_slice %arg6[%dma_wait3A_118, %dma_wait3A_119] : memref<64x128xf32, #tpu.memory_space<vmem>> -> memref<56x128xf32, #tpu.memory_space<vmem>>
      %dma_wait3A_121 = arith.constant 0 : i32
      %dma_wait3A_122 = tpu.memref_slice %arg8[%add3A_46, %dma_wait3A_121] : memref<10112x128xf32, #tpu.memory_space<vmem_shared>> -> memref<56x128xf32, #tpu.memory_space<vmem_shared>>
      %dma_wait3A_123 = arith.constant 0 : i32
      %dma_wait3A_124 = tpu.memref_slice %arg8[%add3A_46, %dma_wait3A_123] : memref<10112x128xf32, #tpu.memory_space<vmem_shared>> -> memref<56x128xf32, #tpu.memory_space<vmem_shared>>
      %dma_wait3A_125 = arith.constant 0 : i32
      %dma_wait3A_126 = arith.constant 0 : i32
      %dma_wait3A_127 = tpu.memref_slice %arg6[%dma_wait3A_125, %dma_wait3A_126] : memref<64x128xf32, #tpu.memory_space<vmem>> -> memref<56x128xf32, #tpu.memory_space<vmem>>
      tpu.wait_dma2 semaphore(%run_scoped3A_107 : memref<!tpu.dma_semaphore, #tpu.memory_space<semaphore_mem>>) src(%dma_wait3A_127 : memref<56x128xf32, #tpu.memory_space<vmem>>) dst(%dma_wait3A_124 : memref<56x128xf32, #tpu.memory_space<vmem_shared>>)
      tpu.yield
    }) : () -> ()
    %barrier3A = arith.constant 0 : index
    tpu.barrier barrier_id(%barrier3A)
    %run_scoped3A = arith.constant 0 : i32
    %run_scoped3A_47 = arith.constant 0 : i32
    "tpu.region"() ({
      %run_scoped3A_107 = tpu.sem_alloc : memref<!tpu.dma_semaphore, #tpu.memory_space<semaphore_mem>>
      %dma_start3A_108 = arith.constant 0 : i32
      %dma_start3A_109 = arith.constant 0 : i32
      %dma_start3A_110 = tpu.memref_slice %arg5[%run_scoped3A_47, %dma_start3A_108, %dma_start3A_109] : memref<2x2x64xi32, #tpu.memory_space<vmem>> -> memref<1x2x64xi32, #tpu.memory_space<vmem>>
      %dma_start3A_111 = tpu.memref_squeeze %dma_start3A_110 : memref<1x2x64xi32, #tpu.memory_space<vmem>> -> memref<2x64xi32, #tpu.memory_space<vmem>>
      %dma_start3A_112 = arith.constant 0 : i32
      %dma_start3A_113 = arith.constant 0 : i32
      %dma_start3A_114 = tpu.memref_slice %arg3[%add3A, %run_scoped3A, %dma_start3A_112, %dma_start3A_113] : memref<32x162x2x64xi32, #tpu.memory_space<hbm>> -> memref<1x1x2x64xi32, #tpu.memory_space<hbm>>
      %dma_start3A_115 = tpu.memref_squeeze %dma_start3A_114 : memref<1x1x2x64xi32, #tpu.memory_space<hbm>> -> memref<2x64xi32, #tpu.memory_space<hbm>>
      %dma_start3A_116 = arith.constant 0 : i32
      %dma_start3A_117 = arith.constant 0 : i32
      %dma_start3A_118 = tpu.memref_slice %arg5[%run_scoped3A_47, %dma_start3A_116, %dma_start3A_117] : memref<2x2x64xi32, #tpu.memory_space<vmem>> -> memref<1x2x64xi32, #tpu.memory_space<vmem>>
      %dma_start3A_119 = tpu.memref_squeeze %dma_start3A_118 : memref<1x2x64xi32, #tpu.memory_space<vmem>> -> memref<2x64xi32, #tpu.memory_space<vmem>>
      %dma_start3A_120 = arith.constant 0 : i32
      %dma_start3A_121 = arith.constant 0 : i32
      %dma_start3A_122 = tpu.memref_slice %arg3[%add3A, %run_scoped3A, %dma_start3A_120, %dma_start3A_121] : memref<32x162x2x64xi32, #tpu.memory_space<hbm>> -> memref<1x1x2x64xi32, #tpu.memory_space<hbm>>
      %dma_start3A_123 = tpu.memref_squeeze %dma_start3A_122 : memref<1x1x2x64xi32, #tpu.memory_space<hbm>> -> memref<2x64xi32, #tpu.memory_space<hbm>>
      tpu.enqueue_dma source(%dma_start3A_123 : memref<2x64xi32, #tpu.memory_space<hbm>>) target(%dma_start3A_119 : memref<2x64xi32, #tpu.memory_space<vmem>>) target_semaphore(%run_scoped3A_107 : memref<!tpu.dma_semaphore, #tpu.memory_space<semaphore_mem>>)
      %dma_wait3A_124 = arith.constant 0 : i32
      %dma_wait3A_125 = arith.constant 0 : i32
      %dma_wait3A_126 = tpu.memref_slice %arg5[%run_scoped3A_47, %dma_wait3A_124, %dma_wait3A_125] : memref<2x2x64xi32, #tpu.memory_space<vmem>> -> memref<1x2x64xi32, #tpu.memory_space<vmem>>
      %dma_wait3A_127 = tpu.memref_squeeze %dma_wait3A_126 : memref<1x2x64xi32, #tpu.memory_space<vmem>> -> memref<2x64xi32, #tpu.memory_space<vmem>>
      %dma_wait3A_128 = arith.constant 0 : i32
      %dma_wait3A_129 = arith.constant 0 : i32
      %dma_wait3A_130 = tpu.memref_slice %arg3[%add3A, %run_scoped3A, %dma_wait3A_128, %dma_wait3A_129] : memref<32x162x2x64xi32, #tpu.memory_space<hbm>> -> memref<1x1x2x64xi32, #tpu.memory_space<hbm>>
      %dma_wait3A_131 = tpu.memref_squeeze %dma_wait3A_130 : memref<1x1x2x64xi32, #tpu.memory_space<hbm>> -> memref<2x64xi32, #tpu.memory_space<hbm>>
      %dma_wait3A_132 = arith.constant 0 : i32
      %dma_wait3A_133 = arith.constant 0 : i32
      %dma_wait3A_134 = tpu.memref_slice %arg5[%run_scoped3A_47, %dma_wait3A_132, %dma_wait3A_133] : memref<2x2x64xi32, #tpu.memory_space<vmem>> -> memref<1x2x64xi32, #tpu.memory_space<vmem>>
      %dma_wait3A_135 = tpu.memref_squeeze %dma_wait3A_134 : memref<1x2x64xi32, #tpu.memory_space<vmem>> -> memref<2x64xi32, #tpu.memory_space<vmem>>
      %dma_wait3A_136 = arith.constant 0 : i32
      %dma_wait3A_137 = arith.constant 0 : i32
      %dma_wait3A_138 = tpu.memref_slice %arg3[%add3A, %run_scoped3A, %dma_wait3A_136, %dma_wait3A_137] : memref<32x162x2x64xi32, #tpu.memory_space<hbm>> -> memref<1x1x2x64xi32, #tpu.memory_space<hbm>>
      %dma_wait3A_139 = tpu.memref_squeeze %dma_wait3A_138 : memref<1x1x2x64xi32, #tpu.memory_space<hbm>> -> memref<2x64xi32, #tpu.memory_space<hbm>>
      tpu.wait_dma2 semaphore(%run_scoped3A_107 : memref<!tpu.dma_semaphore, #tpu.memory_space<semaphore_mem>>) src(%dma_wait3A_139 : memref<2x64xi32, #tpu.memory_space<hbm>>) dst(%dma_wait3A_135 : memref<2x64xi32, #tpu.memory_space<vmem>>)
      tpu.yield
    }) : () -> ()
    %dma_start3A = arith.constant 1 : i32
    %dma_start3A_48 = arith.constant 1 : i32
    %dma_start3A_49 = arith.constant 0 : i32
    %dma_start3A_50 = arith.constant 0 : i32
    %dma_start3A_51 = tpu.memref_slice %arg5[%dma_start3A_48, %dma_start3A_49, %dma_start3A_50] : memref<2x2x64xi32, #tpu.memory_space<vmem>> -> memref<1x2x64xi32, #tpu.memory_space<vmem>>
    %dma_start3A_52 = tpu.memref_squeeze %dma_start3A_51 : memref<1x2x64xi32, #tpu.memory_space<vmem>> -> memref<2x64xi32, #tpu.memory_space<vmem>>
    %dma_start3A_53 = arith.constant 0 : i32
    %dma_start3A_54 = arith.constant 0 : i32
    %dma_start3A_55 = tpu.memref_slice %arg3[%add3A, %dma_start3A, %dma_start3A_53, %dma_start3A_54] : memref<32x162x2x64xi32, #tpu.memory_space<hbm>> -> memref<1x1x2x64xi32, #tpu.memory_space<hbm>>
    %dma_start3A_56 = tpu.memref_squeeze %dma_start3A_55 : memref<1x1x2x64xi32, #tpu.memory_space<hbm>> -> memref<2x64xi32, #tpu.memory_space<hbm>>
    %dma_start3A_57 = arith.constant 0 : i32
    %dma_start3A_58 = arith.constant 0 : i32
    %dma_start3A_59 = tpu.memref_slice %arg5[%dma_start3A_48, %dma_start3A_57, %dma_start3A_58] : memref<2x2x64xi32, #tpu.memory_space<vmem>> -> memref<1x2x64xi32, #tpu.memory_space<vmem>>
    %dma_start3A_60 = tpu.memref_squeeze %dma_start3A_59 : memref<1x2x64xi32, #tpu.memory_space<vmem>> -> memref<2x64xi32, #tpu.memory_space<vmem>>
    %dma_start3A_61 = arith.constant 0 : i32
    %dma_start3A_62 = arith.constant 0 : i32
    %dma_start3A_63 = tpu.memref_slice %arg3[%add3A, %dma_start3A, %dma_start3A_61, %dma_start3A_62] : memref<32x162x2x64xi32, #tpu.memory_space<hbm>> -> memref<1x1x2x64xi32, #tpu.memory_space<hbm>>
    %dma_start3A_64 = tpu.memref_squeeze %dma_start3A_63 : memref<1x1x2x64xi32, #tpu.memory_space<hbm>> -> memref<2x64xi32, #tpu.memory_space<hbm>>
    tpu.enqueue_dma source(%dma_start3A_64 : memref<2x64xi32, #tpu.memory_space<hbm>>) target(%dma_start3A_60 : memref<2x64xi32, #tpu.memory_space<vmem>>) target_semaphore(%arg12 : memref<!tpu.dma_semaphore, #tpu.memory_space<semaphore_mem>>)
    %dma_start3A_65 = arith.constant 0 : i32
    %dma_start3A_66 = arith.constant 0 : i32
    %dma_start3A_67 = arith.constant 0 : i32
    %dma_start3A_68 = tpu.memref_slice %arg5[%dma_start3A_65, %dma_start3A_66, %dma_start3A_67] : memref<2x2x64xi32, #tpu.memory_space<vmem>> -> memref<1x1x64xi32, #tpu.memory_space<vmem>>
    %dma_start3A_69 = tpu.memref_squeeze %dma_start3A_68 : memref<1x1x64xi32, #tpu.memory_space<vmem>> -> memref<64xi32, #tpu.memory_space<vmem>>
    %dma_start3A_70 = arith.constant 0 : i32
    %dma_start3A_71 = arith.constant 0 : i32
    %dma_start3A_72 = tpu.memref_slice %arg2[%dma_start3A_70, %dma_start3A_71] : memref<10000x128xf32, #tpu.memory_space<hbm>> -> memref<10000x128xf32, #tpu.memory_space<hbm>>
    tpu.enqueue_indirect_dma source(%dma_start3A_72 : memref<10000x128xf32, #tpu.memory_space<hbm>>) target(%arg6 : memref<64x128xf32, #tpu.memory_space<vmem>>) offsets(%dma_start3A_69 : memref<64xi32, #tpu.memory_space<vmem>>) semaphore(%arg9 : memref<!tpu.dma_semaphore, #tpu.memory_space<semaphore_mem>>)
    %scan3A_73 = arith.constant 0 : i32
    %scan3A_74 = arith.constant 0 : i32
    %scan3A_75 = arith.constant 80 : i32
    %scan3A_76 = arith.addi %scan3A_74, %scan3A_75 : i32
    %scan3A_77 = arith.constant 1 : i32
    scf.for %scan3A_107 = %scan3A_74 to %scan3A_76 step %scan3A_77  : i32 {
      %mul3A_108 = arith.constant 2 : i32
      %mul3A_109 = arith.muli %scan3A_107, %mul3A_108 : i32
      %dma_wait3A_110 = arith.constant 0 : i32
      %dma_wait3A_111 = arith.constant 0 : i32
      %dma_wait3A_112 = tpu.memref_slice %arg2[%dma_wait3A_110, %dma_wait3A_111] : memref<10000x128xf32, #tpu.memory_space<hbm>> -> memref<64x128xf32, #tpu.memory_space<hbm>>
      %dma_wait3A_113 = arith.constant 0 : i32
      %dma_wait3A_114 = arith.constant 0 : i32
      %dma_wait3A_115 = tpu.memref_slice %arg2[%dma_wait3A_113, %dma_wait3A_114] : memref<10000x128xf32, #tpu.memory_space<hbm>> -> memref<64x128xf32, #tpu.memory_space<hbm>>
      tpu.wait_dma2 semaphore(%arg9 : memref<!tpu.dma_semaphore, #tpu.memory_space<semaphore_mem>>) src(%dma_wait3A_115 : memref<64x128xf32, #tpu.memory_space<hbm>>) dst(%arg6 : memref<64x128xf32, #tpu.memory_space<vmem>>)
      %dma_wait3A_116 = arith.constant 0 : i32
      %dma_wait3A_117 = arith.constant 1 : i32
      %dma_wait3A_118 = arith.constant 0 : i32
      %dma_wait3A_119 = arith.constant 0 : i32
      %dma_wait3A_120 = tpu.memref_slice %arg5[%dma_wait3A_117, %dma_wait3A_118, %dma_wait3A_119] : memref<2x2x64xi32, #tpu.memory_space<vmem>> -> memref<1x2x64xi32, #tpu.memory_space<vmem>>
      %dma_wait3A_121 = tpu.memref_squeeze %dma_wait3A_120 : memref<1x2x64xi32, #tpu.memory_space<vmem>> -> memref<2x64xi32, #tpu.memory_space<vmem>>
      %dma_wait3A_122 = arith.constant 0 : i32
      %dma_wait3A_123 = arith.constant 0 : i32
      %dma_wait3A_124 = tpu.memref_slice %arg3[%add3A, %dma_wait3A_116, %dma_wait3A_122, %dma_wait3A_123] : memref<32x162x2x64xi32, #tpu.memory_space<hbm>> -> memref<1x1x2x64xi32, #tpu.memory_space<hbm>>
      %dma_wait3A_125 = tpu.memref_squeeze %dma_wait3A_124 : memref<1x1x2x64xi32, #tpu.memory_space<hbm>> -> memref<2x64xi32, #tpu.memory_space<hbm>>
      %dma_wait3A_126 = arith.constant 0 : i32
      %dma_wait3A_127 = arith.constant 0 : i32
      %dma_wait3A_128 = tpu.memref_slice %arg5[%dma_wait3A_117, %dma_wait3A_126, %dma_wait3A_127] : memref<2x2x64xi32, #tpu.memory_space<vmem>> -> memref<1x2x64xi32, #tpu.memory_space<vmem>>
      %dma_wait3A_129 = tpu.memref_squeeze %dma_wait3A_128 : memref<1x2x64xi32, #tpu.memory_space<vmem>> -> memref<2x64xi32, #tpu.memory_space<vmem>>
      %dma_wait3A_130 = arith.constant 0 : i32
      %dma_wait3A_131 = arith.constant 0 : i32
      %dma_wait3A_132 = tpu.memref_slice %arg3[%add3A, %dma_wait3A_116, %dma_wait3A_130, %dma_wait3A_131] : memref<32x162x2x64xi32, #tpu.memory_space<hbm>> -> memref<1x1x2x64xi32, #tpu.memory_space<hbm>>
      %dma_wait3A_133 = tpu.memref_squeeze %dma_wait3A_132 : memref<1x1x2x64xi32, #tpu.memory_space<hbm>> -> memref<2x64xi32, #tpu.memory_space<hbm>>
      tpu.wait_dma2 semaphore(%arg12 : memref<!tpu.dma_semaphore, #tpu.memory_space<semaphore_mem>>) src(%dma_wait3A_133 : memref<2x64xi32, #tpu.memory_space<hbm>>) dst(%dma_wait3A_129 : memref<2x64xi32, #tpu.memory_space<vmem>>)
      %dma_start3A_134 = arith.constant 1 : i32
      %dma_start3A_135 = arith.constant 0 : i32
      %dma_start3A_136 = arith.constant 0 : i32
      %dma_start3A_137 = tpu.memref_slice %arg5[%dma_start3A_134, %dma_start3A_135, %dma_start3A_136] : memref<2x2x64xi32, #tpu.memory_space<vmem>> -> memref<1x1x64xi32, #tpu.memory_space<vmem>>
      %dma_start3A_138 = tpu.memref_squeeze %dma_start3A_137 : memref<1x1x64xi32, #tpu.memory_space<vmem>> -> memref<64xi32, #tpu.memory_space<vmem>>
      %dma_start3A_139 = arith.constant 0 : i32
      %dma_start3A_140 = arith.constant 0 : i32
      %dma_start3A_141 = tpu.memref_slice %arg2[%dma_start3A_139, %dma_start3A_140] : memref<10000x128xf32, #tpu.memory_space<hbm>> -> memref<10000x128xf32, #tpu.memory_space<hbm>>
      tpu.enqueue_indirect_dma source(%dma_start3A_141 : memref<10000x128xf32, #tpu.memory_space<hbm>>) target(%arg7 : memref<64x128xf32, #tpu.memory_space<vmem>>) offsets(%dma_start3A_138 : memref<64xi32, #tpu.memory_space<vmem>>) semaphore(%arg10 : memref<!tpu.dma_semaphore, #tpu.memory_space<semaphore_mem>>)
      %run_scoped3A_142 = arith.constant 0 : i32
      %run_scoped3A_143 = arith.constant 1 : i32
      "tpu.region"() ({
        %run_scoped3A_216 = tpu.sem_alloc : memref<!tpu.dma_semaphore, #tpu.memory_space<semaphore_mem>>
        %dma_start3A_217 = arith.constant 0 : i32
        %dma_start3A_218 = tpu.memref_slice %arg5[%run_scoped3A_142, %run_scoped3A_143, %dma_start3A_217] : memref<2x2x64xi32, #tpu.memory_space<vmem>> -> memref<1x1x64xi32, #tpu.memory_space<vmem>>
        %dma_start3A_219 = tpu.memref_squeeze %dma_start3A_218 : memref<1x1x64xi32, #tpu.memory_space<vmem>> -> memref<64xi32, #tpu.memory_space<vmem>>
        %dma_start3A_220 = arith.constant 0 : i32
        %dma_start3A_221 = arith.constant 0 : i32
        %dma_start3A_222 = tpu.memref_slice %arg8[%dma_start3A_220, %dma_start3A_221] : memref<10112x128xf32, #tpu.memory_space<vmem_shared>> -> memref<10112x128xf32, #tpu.memory_space<vmem_shared>>
        tpu.enqueue_indirect_dma source(%arg6 : memref<64x128xf32, #tpu.memory_space<vmem>>) target(%dma_start3A_222 : memref<10112x128xf32, #tpu.memory_space<vmem_shared>>) offsets(%dma_start3A_219 : memref<64xi32, #tpu.memory_space<vmem>>) semaphore(%run_scoped3A_216 : memref<!tpu.dma_semaphore, #tpu.memory_space<semaphore_mem>>) {add = true}
        %dma_wait3A_223 = arith.constant 0 : i32
        %dma_wait3A_224 = tpu.memref_slice %arg5[%run_scoped3A_142, %run_scoped3A_143, %dma_wait3A_223] : memref<2x2x64xi32, #tpu.memory_space<vmem>> -> memref<1x1x64xi32, #tpu.memory_space<vmem>>
        %dma_wait3A_225 = tpu.memref_squeeze %dma_wait3A_224 : memref<1x1x64xi32, #tpu.memory_space<vmem>> -> memref<64xi32, #tpu.memory_space<vmem>>
        %dma_wait3A_226 = arith.constant 0 : i32
        %dma_wait3A_227 = arith.constant 0 : i32
        %dma_wait3A_228 = tpu.memref_slice %arg8[%dma_wait3A_226, %dma_wait3A_227] : memref<10112x128xf32, #tpu.memory_space<vmem_shared>> -> memref<10112x128xf32, #tpu.memory_space<vmem_shared>>
        tpu.wait_indirect_dma semaphore(%run_scoped3A_216 : memref<!tpu.dma_semaphore, #tpu.memory_space<semaphore_mem>>) src(%arg6 : memref<64x128xf32, #tpu.memory_space<vmem>>) dst(%dma_wait3A_228 : memref<10112x128xf32, #tpu.memory_space<vmem_shared>>)
        tpu.yield
      }) : () -> ()
      %add3A_144 = arith.constant 2 : i32
      %add3A_145 = arith.addi %mul3A_109, %add3A_144 : i32
      %dma_start3A_146 = arith.constant 0 : i32
      %dma_start3A_147 = arith.constant 0 : i32
      %dma_start3A_148 = arith.constant 0 : i32
      %dma_start3A_149 = tpu.memref_slice %arg5[%dma_start3A_146, %dma_start3A_147, %dma_start3A_148] : memref<2x2x64xi32, #tpu.memory_space<vmem>> -> memref<1x2x64xi32, #tpu.memory_space<vmem>>
      %dma_start3A_150 = tpu.memref_squeeze %dma_start3A_149 : memref<1x2x64xi32, #tpu.memory_space<vmem>> -> memref<2x64xi32, #tpu.memory_space<vmem>>
      %dma_start3A_151 = arith.constant 0 : i32
      %dma_start3A_152 = arith.constant 0 : i32
      %dma_start3A_153 = tpu.memref_slice %arg3[%add3A, %add3A_145, %dma_start3A_151, %dma_start3A_152] : memref<32x162x2x64xi32, #tpu.memory_space<hbm>> -> memref<1x1x2x64xi32, #tpu.memory_space<hbm>>
      %dma_start3A_154 = tpu.memref_squeeze %dma_start3A_153 : memref<1x1x2x64xi32, #tpu.memory_space<hbm>> -> memref<2x64xi32, #tpu.memory_space<hbm>>
      %dma_start3A_155 = arith.constant 0 : i32
      %dma_start3A_156 = arith.constant 0 : i32
      %dma_start3A_157 = tpu.memref_slice %arg5[%dma_start3A_146, %dma_start3A_155, %dma_start3A_156] : memref<2x2x64xi32, #tpu.memory_space<vmem>> -> memref<1x2x64xi32, #tpu.memory_space<vmem>>
      %dma_start3A_158 = tpu.memref_squeeze %dma_start3A_157 : memref<1x2x64xi32, #tpu.memory_space<vmem>> -> memref<2x64xi32, #tpu.memory_space<vmem>>
      %dma_start3A_159 = arith.constant 0 : i32
      %dma_start3A_160 = arith.constant 0 : i32
      %dma_start3A_161 = tpu.memref_slice %arg3[%add3A, %add3A_145, %dma_start3A_159, %dma_start3A_160] : memref<32x162x2x64xi32, #tpu.memory_space<hbm>> -> memref<1x1x2x64xi32, #tpu.memory_space<hbm>>
      %dma_start3A_162 = tpu.memref_squeeze %dma_start3A_161 : memref<1x1x2x64xi32, #tpu.memory_space<hbm>> -> memref<2x64xi32, #tpu.memory_space<hbm>>
      tpu.enqueue_dma source(%dma_start3A_162 : memref<2x64xi32, #tpu.memory_space<hbm>>) target(%dma_start3A_158 : memref<2x64xi32, #tpu.memory_space<vmem>>) target_semaphore(%arg11 : memref<!tpu.dma_semaphore, #tpu.memory_space<semaphore_mem>>)
      %dma_wait3A_163 = arith.constant 0 : i32
      %dma_wait3A_164 = arith.constant 0 : i32
      %dma_wait3A_165 = tpu.memref_slice %arg2[%dma_wait3A_163, %dma_wait3A_164] : memref<10000x128xf32, #tpu.memory_space<hbm>> -> memref<64x128xf32, #tpu.memory_space<hbm>>
      %dma_wait3A_166 = arith.constant 0 : i32
      %dma_wait3A_167 = arith.constant 0 : i32
      %dma_wait3A_168 = tpu.memref_slice %arg2[%dma_wait3A_166, %dma_wait3A_167] : memref<10000x128xf32, #tpu.memory_space<hbm>> -> memref<64x128xf32, #tpu.memory_space<hbm>>
      tpu.wait_dma2 semaphore(%arg10 : memref<!tpu.dma_semaphore, #tpu.memory_space<semaphore_mem>>) src(%dma_wait3A_168 : memref<64x128xf32, #tpu.memory_space<hbm>>) dst(%arg7 : memref<64x128xf32, #tpu.memory_space<vmem>>)
      %dma_wait3A_169 = arith.constant 0 : i32
      %dma_wait3A_170 = arith.constant 0 : i32
      %dma_wait3A_171 = arith.constant 0 : i32
      %dma_wait3A_172 = arith.constant 0 : i32
      %dma_wait3A_173 = tpu.memref_slice %arg5[%dma_wait3A_170, %dma_wait3A_171, %dma_wait3A_172] : memref<2x2x64xi32, #tpu.memory_space<vmem>> -> memref<1x2x64xi32, #tpu.memory_space<vmem>>
      %dma_wait3A_174 = tpu.memref_squeeze %dma_wait3A_173 : memref<1x2x64xi32, #tpu.memory_space<vmem>> -> memref<2x64xi32, #tpu.memory_space<vmem>>
      %dma_wait3A_175 = arith.constant 0 : i32
      %dma_wait3A_176 = arith.constant 0 : i32
      %dma_wait3A_177 = tpu.memref_slice %arg3[%add3A, %dma_wait3A_169, %dma_wait3A_175, %dma_wait3A_176] : memref<32x162x2x64xi32, #tpu.memory_space<hbm>> -> memref<1x1x2x64xi32, #tpu.memory_space<hbm>>
      %dma_wait3A_178 = tpu.memref_squeeze %dma_wait3A_177 : memref<1x1x2x64xi32, #tpu.memory_space<hbm>> -> memref<2x64xi32, #tpu.memory_space<hbm>>
      %dma_wait3A_179 = arith.constant 0 : i32
      %dma_wait3A_180 = arith.constant 0 : i32
      %dma_wait3A_181 = tpu.memref_slice %arg5[%dma_wait3A_170, %dma_wait3A_179, %dma_wait3A_180] : memref<2x2x64xi32, #tpu.memory_space<vmem>> -> memref<1x2x64xi32, #tpu.memory_space<vmem>>
      %dma_wait3A_182 = tpu.memref_squeeze %dma_wait3A_181 : memref<1x2x64xi32, #tpu.memory_space<vmem>> -> memref<2x64xi32, #tpu.memory_space<vmem>>
      %dma_wait3A_183 = arith.constant 0 : i32
      %dma_wait3A_184 = arith.constant 0 : i32
      %dma_wait3A_185 = tpu.memref_slice %arg3[%add3A, %dma_wait3A_169, %dma_wait3A_183, %dma_wait3A_184] : memref<32x162x2x64xi32, #tpu.memory_space<hbm>> -> memref<1x1x2x64xi32, #tpu.memory_space<hbm>>
      %dma_wait3A_186 = tpu.memref_squeeze %dma_wait3A_185 : memref<1x1x2x64xi32, #tpu.memory_space<hbm>> -> memref<2x64xi32, #tpu.memory_space<hbm>>
      tpu.wait_dma2 semaphore(%arg11 : memref<!tpu.dma_semaphore, #tpu.memory_space<semaphore_mem>>) src(%dma_wait3A_186 : memref<2x64xi32, #tpu.memory_space<hbm>>) dst(%dma_wait3A_182 : memref<2x64xi32, #tpu.memory_space<vmem>>)
      %dma_start3A_187 = arith.constant 0 : i32
      %dma_start3A_188 = arith.constant 0 : i32
      %dma_start3A_189 = arith.constant 0 : i32
      %dma_start3A_190 = tpu.memref_slice %arg5[%dma_start3A_187, %dma_start3A_188, %dma_start3A_189] : memref<2x2x64xi32, #tpu.memory_space<vmem>> -> memref<1x1x64xi32, #tpu.memory_space<vmem>>
      %dma_start3A_191 = tpu.memref_squeeze %dma_start3A_190 : memref<1x1x64xi32, #tpu.memory_space<vmem>> -> memref<64xi32, #tpu.memory_space<vmem>>
      %dma_start3A_192 = arith.constant 0 : i32
      %dma_start3A_193 = arith.constant 0 : i32
      %dma_start3A_194 = tpu.memref_slice %arg2[%dma_start3A_192, %dma_start3A_193] : memref<10000x128xf32, #tpu.memory_space<hbm>> -> memref<10000x128xf32, #tpu.memory_space<hbm>>
      tpu.enqueue_indirect_dma source(%dma_start3A_194 : memref<10000x128xf32, #tpu.memory_space<hbm>>) target(%arg6 : memref<64x128xf32, #tpu.memory_space<vmem>>) offsets(%dma_start3A_191 : memref<64xi32, #tpu.memory_space<vmem>>) semaphore(%arg9 : memref<!tpu.dma_semaphore, #tpu.memory_space<semaphore_mem>>)
      %run_scoped3A_195 = arith.constant 1 : i32
      %run_scoped3A_196 = arith.constant 1 : i32
      "tpu.region"() ({
        %run_scoped3A_216 = tpu.sem_alloc : memref<!tpu.dma_semaphore, #tpu.memory_space<semaphore_mem>>
        %dma_start3A_217 = arith.constant 0 : i32
        %dma_start3A_218 = tpu.memref_slice %arg5[%run_scoped3A_195, %run_scoped3A_196, %dma_start3A_217] : memref<2x2x64xi32, #tpu.memory_space<vmem>> -> memref<1x1x64xi32, #tpu.memory_space<vmem>>
        %dma_start3A_219 = tpu.memref_squeeze %dma_start3A_218 : memref<1x1x64xi32, #tpu.memory_space<vmem>> -> memref<64xi32, #tpu.memory_space<vmem>>
        %dma_start3A_220 = arith.constant 0 : i32
        %dma_start3A_221 = arith.constant 0 : i32
        %dma_start3A_222 = tpu.memref_slice %arg8[%dma_start3A_220, %dma_start3A_221] : memref<10112x128xf32, #tpu.memory_space<vmem_shared>> -> memref<10112x128xf32, #tpu.memory_space<vmem_shared>>
        tpu.enqueue_indirect_dma source(%arg7 : memref<64x128xf32, #tpu.memory_space<vmem>>) target(%dma_start3A_222 : memref<10112x128xf32, #tpu.memory_space<vmem_shared>>) offsets(%dma_start3A_219 : memref<64xi32, #tpu.memory_space<vmem>>) semaphore(%run_scoped3A_216 : memref<!tpu.dma_semaphore, #tpu.memory_space<semaphore_mem>>) {add = true}
        %dma_wait3A_223 = arith.constant 0 : i32
        %dma_wait3A_224 = tpu.memref_slice %arg5[%run_scoped3A_195, %run_scoped3A_196, %dma_wait3A_223] : memref<2x2x64xi32, #tpu.memory_space<vmem>> -> memref<1x1x64xi32, #tpu.memory_space<vmem>>
        %dma_wait3A_225 = tpu.memref_squeeze %dma_wait3A_224 : memref<1x1x64xi32, #tpu.memory_space<vmem>> -> memref<64xi32, #tpu.memory_space<vmem>>
        %dma_wait3A_226 = arith.constant 0 : i32
        %dma_wait3A_227 = arith.constant 0 : i32
        %dma_wait3A_228 = tpu.memref_slice %arg8[%dma_wait3A_226, %dma_wait3A_227] : memref<10112x128xf32, #tpu.memory_space<vmem_shared>> -> memref<10112x128xf32, #tpu.memory_space<vmem_shared>>
        tpu.wait_indirect_dma semaphore(%run_scoped3A_216 : memref<!tpu.dma_semaphore, #tpu.memory_space<semaphore_mem>>) src(%arg7 : memref<64x128xf32, #tpu.memory_space<vmem>>) dst(%dma_wait3A_228 : memref<10112x128xf32, #tpu.memory_space<vmem_shared>>)
        tpu.yield
      }) : () -> ()
      %add3A_197 = arith.constant 3 : i32
      %add3A_198 = arith.addi %mul3A_109, %add3A_197 : i32
      %dma_start3A_199 = arith.constant 1 : i32
      %dma_start3A_200 = arith.constant 0 : i32
      %dma_start3A_201 = arith.constant 0 : i32
      %dma_start3A_202 = tpu.memref_slice %arg5[%dma_start3A_199, %dma_start3A_200, %dma_start3A_201] : memref<2x2x64xi32, #tpu.memory_space<vmem>> -> memref<1x2x64xi32, #tpu.memory_space<vmem>>
      %dma_start3A_203 = tpu.memref_squeeze %dma_start3A_202 : memref<1x2x64xi32, #tpu.memory_space<vmem>> -> memref<2x64xi32, #tpu.memory_space<vmem>>
      %dma_start3A_204 = arith.constant 0 : i32
      %dma_start3A_205 = arith.constant 0 : i32
      %dma_start3A_206 = tpu.memref_slice %arg3[%add3A, %add3A_198, %dma_start3A_204, %dma_start3A_205] : memref<32x162x2x64xi32, #tpu.memory_space<hbm>> -> memref<1x1x2x64xi32, #tpu.memory_space<hbm>>
      %dma_start3A_207 = tpu.memref_squeeze %dma_start3A_206 : memref<1x1x2x64xi32, #tpu.memory_space<hbm>> -> memref<2x64xi32, #tpu.memory_space<hbm>>
      %dma_start3A_208 = arith.constant 0 : i32
      %dma_start3A_209 = arith.constant 0 : i32
      %dma_start3A_210 = tpu.memref_slice %arg5[%dma_start3A_199, %dma_start3A_208, %dma_start3A_209] : memref<2x2x64xi32, #tpu.memory_space<vmem>> -> memref<1x2x64xi32, #tpu.memory_space<vmem>>
      %dma_start3A_211 = tpu.memref_squeeze %dma_start3A_210 : memref<1x2x64xi32, #tpu.memory_space<vmem>> -> memref<2x64xi32, #tpu.memory_space<vmem>>
      %dma_start3A_212 = arith.constant 0 : i32
      %dma_start3A_213 = arith.constant 0 : i32
      %dma_start3A_214 = tpu.memref_slice %arg3[%add3A, %add3A_198, %dma_start3A_212, %dma_start3A_213] : memref<32x162x2x64xi32, #tpu.memory_space<hbm>> -> memref<1x1x2x64xi32, #tpu.memory_space<hbm>>
      %dma_start3A_215 = tpu.memref_squeeze %dma_start3A_214 : memref<1x1x2x64xi32, #tpu.memory_space<hbm>> -> memref<2x64xi32, #tpu.memory_space<hbm>>
      tpu.enqueue_dma source(%dma_start3A_215 : memref<2x64xi32, #tpu.memory_space<hbm>>) target(%dma_start3A_211 : memref<2x64xi32, #tpu.memory_space<vmem>>) target_semaphore(%arg12 : memref<!tpu.dma_semaphore, #tpu.memory_space<semaphore_mem>>)
    }
    %scan3A_78 = arith.constant 80 : i32
    %dma_wait3A = arith.constant 0 : i32
    %dma_wait3A_79 = arith.constant 0 : i32
    %dma_wait3A_80 = tpu.memref_slice %arg2[%dma_wait3A, %dma_wait3A_79] : memref<10000x128xf32, #tpu.memory_space<hbm>> -> memref<64x128xf32, #tpu.memory_space<hbm>>
    %dma_wait3A_81 = arith.constant 0 : i32
    %dma_wait3A_82 = arith.constant 0 : i32
    %dma_wait3A_83 = tpu.memref_slice %arg2[%dma_wait3A_81, %dma_wait3A_82] : memref<10000x128xf32, #tpu.memory_space<hbm>> -> memref<64x128xf32, #tpu.memory_space<hbm>>
    tpu.wait_dma2 semaphore(%arg9 : memref<!tpu.dma_semaphore, #tpu.memory_space<semaphore_mem>>) src(%dma_wait3A_83 : memref<64x128xf32, #tpu.memory_space<hbm>>) dst(%arg6 : memref<64x128xf32, #tpu.memory_space<vmem>>)
    %dma_wait3A_84 = arith.constant 0 : i32
    %dma_wait3A_85 = arith.constant 1 : i32
    %dma_wait3A_86 = arith.constant 0 : i32
    %dma_wait3A_87 = arith.constant 0 : i32
    %dma_wait3A_88 = tpu.memref_slice %arg5[%dma_wait3A_85, %dma_wait3A_86, %dma_wait3A_87] : memref<2x2x64xi32, #tpu.memory_space<vmem>> -> memref<1x2x64xi32, #tpu.memory_space<vmem>>
    %dma_wait3A_89 = tpu.memref_squeeze %dma_wait3A_88 : memref<1x2x64xi32, #tpu.memory_space<vmem>> -> memref<2x64xi32, #tpu.memory_space<vmem>>
    %dma_wait3A_90 = arith.constant 0 : i32
    %dma_wait3A_91 = arith.constant 0 : i32
    %dma_wait3A_92 = tpu.memref_slice %arg3[%add3A, %dma_wait3A_84, %dma_wait3A_90, %dma_wait3A_91] : memref<32x162x2x64xi32, #tpu.memory_space<hbm>> -> memref<1x1x2x64xi32, #tpu.memory_space<hbm>>
    %dma_wait3A_93 = tpu.memref_squeeze %dma_wait3A_92 : memref<1x1x2x64xi32, #tpu.memory_space<hbm>> -> memref<2x64xi32, #tpu.memory_space<hbm>>
    %dma_wait3A_94 = arith.constant 0 : i32
    %dma_wait3A_95 = arith.constant 0 : i32
    %dma_wait3A_96 = tpu.memref_slice %arg5[%dma_wait3A_85, %dma_wait3A_94, %dma_wait3A_95] : memref<2x2x64xi32, #tpu.memory_space<vmem>> -> memref<1x2x64xi32, #tpu.memory_space<vmem>>
    %dma_wait3A_97 = tpu.memref_squeeze %dma_wait3A_96 : memref<1x2x64xi32, #tpu.memory_space<vmem>> -> memref<2x64xi32, #tpu.memory_space<vmem>>
    %dma_wait3A_98 = arith.constant 0 : i32
    %dma_wait3A_99 = arith.constant 0 : i32
    %dma_wait3A_100 = tpu.memref_slice %arg3[%add3A, %dma_wait3A_84, %dma_wait3A_98, %dma_wait3A_99] : memref<32x162x2x64xi32, #tpu.memory_space<hbm>> -> memref<1x1x2x64xi32, #tpu.memory_space<hbm>>
    %dma_wait3A_101 = tpu.memref_squeeze %dma_wait3A_100 : memref<1x1x2x64xi32, #tpu.memory_space<hbm>> -> memref<2x64xi32, #tpu.memory_space<hbm>>
    tpu.wait_dma2 semaphore(%arg12 : memref<!tpu.dma_semaphore, #tpu.memory_space<semaphore_mem>>) src(%dma_wait3A_101 : memref<2x64xi32, #tpu.memory_space<hbm>>) dst(%dma_wait3A_97 : memref<2x64xi32, #tpu.memory_space<vmem>>)
    %barrier3A_102 = arith.constant 0 : index
    tpu.barrier barrier_id(%barrier3A_102)
    %mul3A_103 = arith.constant 632 : i32
    %mul3A_104 = arith.muli %arg1, %mul3A_103 : i32
    %mul3A_105 = arith.constant 632 : i32
    %mul3A_106 = arith.muli %arg1, %mul3A_105 : i32
    "tpu.region"() ({
      %run_scoped3A_107 = tpu.sem_alloc : memref<!tpu.dma_semaphore, #tpu.memory_space<semaphore_mem>>
      %dma_start3A_108 = arith.constant 0 : i32
      %dma_start3A_109 = tpu.memref_slice %arg4[%arg0, %mul3A_106, %dma_start3A_108] : memref<2x10112x128xf32, #tpu.memory_space<hbm>> -> memref<1x632x128xf32, #tpu.memory_space<hbm>>
      %dma_start3A_110 = tpu.memref_squeeze %dma_start3A_109 : memref<1x632x128xf32, #tpu.memory_space<hbm>> -> memref<632x128xf32, #tpu.memory_space<hbm>>
      %dma_start3A_111 = arith.constant 0 : i32
      %dma_start3A_112 = tpu.memref_slice %arg8[%mul3A_104, %dma_start3A_111] : memref<10112x128xf32, #tpu.memory_space<vmem_shared>> -> memref<632x128xf32, #tpu.memory_space<vmem_shared>>
      tpu.enqueue_dma source(%dma_start3A_112 : memref<632x128xf32, #tpu.memory_space<vmem_shared>>) target(%dma_start3A_110 : memref<632x128xf32, #tpu.memory_space<hbm>>) target_semaphore(%run_scoped3A_107 : memref<!tpu.dma_semaphore, #tpu.memory_space<semaphore_mem>>)
      %dma_wait3A_113 = arith.constant 0 : i32
      %dma_wait3A_114 = tpu.memref_slice %arg4[%arg0, %mul3A_106, %dma_wait3A_113] : memref<2x10112x128xf32, #tpu.memory_space<hbm>> -> memref<1x632x128xf32, #tpu.memory_space<hbm>>
      %dma_wait3A_115 = tpu.memref_squeeze %dma_wait3A_114 : memref<1x632x128xf32, #tpu.memory_space<hbm>> -> memref<632x128xf32, #tpu.memory_space<hbm>>
      %dma_wait3A_116 = arith.constant 0 : i32
      %dma_wait3A_117 = tpu.memref_slice %arg8[%mul3A_104, %dma_wait3A_116] : memref<10112x128xf32, #tpu.memory_space<vmem_shared>> -> memref<632x128xf32, #tpu.memory_space<vmem_shared>>
      tpu.wait_dma2 semaphore(%run_scoped3A_107 : memref<!tpu.dma_semaphore, #tpu.memory_space<semaphore_mem>>) src(%dma_wait3A_117 : memref<632x128xf32, #tpu.memory_space<vmem_shared>>) dst(%dma_wait3A_115 : memref<632x128xf32, #tpu.memory_space<hbm>>)
      tpu.yield
    }) : () -> ()
    return
  }
}

#map = affine_map<(d0, d1) -> (0, 0)>
#map1 = affine_map<(d0, d1) -> (0, 0, 0, 0)>
#map2 = affine_map<(d0, d1) -> (0, 0, 0)>
module attributes {stable_mosaic.version = 14 : i64} {
  func.func @run(%arg0: i32, %arg1: i32, %arg2: memref<10000x128xf32, #tpu.memory_space<hbm>>, %arg3: memref<32x162x2x64xi32, #tpu.memory_space<hbm>>, %arg4: memref<2x10112x128xf32, #tpu.memory_space<hbm>>, %arg5: memref<2x2x64xi32, #tpu.memory_space<vmem>>, %arg6: memref<64x128xf32, #tpu.memory_space<vmem>>, %arg7: memref<64x128xf32, #tpu.memory_space<vmem>>, %arg8: memref<10112x128xf32, #tpu.memory_space<vmem_shared>>, %arg9: memref<!tpu.dma_semaphore, #tpu.memory_space<semaphore_mem>>, %arg10: memref<!tpu.dma_semaphore, #tpu.memory_space<semaphore_mem>>, %arg11: memref<!tpu.dma_semaphore, #tpu.memory_space<semaphore_mem>>, %arg12: memref<!tpu.dma_semaphore, #tpu.memory_space<semaphore_mem>>) attributes {dimension_semantics = [#tpu.dimension_semantics<core_parallel>, #tpu.dimension_semantics<subcore_parallel>], iteration_bounds = array<i64: 2, 16>, scalar_prefetch = 0 : i64, scratch_operands = 8 : i64, tpu.core_type = #tpu.core_type<sc_vector_subcore>, window_params = [{transform_indices = #map}, {transform_indices = #map1}, {transform_indices = #map2}]} {
    %mul3A = arith.constant 2 : i32
    %mul3A_0 = arith.muli %arg1, %mul3A : i32
    %add3A = arith.addi %mul3A_0, %arg0 : i32
    %broadcast_in_dim3A = arith.constant 0.000000e+00 : f32
    %broadcast_in_dim3A_1 = vector.broadcast %broadcast_in_dim3A : f32 to vector<16xf32>
    %scan3A = arith.constant 0 : i32
    %scan3A_2 = arith.constant 0 : i32
    %scan3A_3 = arith.constant 64 : i32
    %scan3A_4 = arith.addi %scan3A_2, %scan3A_3 : i32
    %scan3A_5 = arith.constant 1 : i32
    scf.for %scan3A_107 = %scan3A_2 to %scan3A_4 step %scan3A_5  : i32 {
      %swap3A = arith.index_cast %scan3A_107 : i32 to index
      %swap3A_108 = arith.constant 0 : index
      %swap3A_109 = tpu.vector_load %arg6[%swap3A, %swap3A_108] {strides = array<i32>} : memref<64x128xf32, #tpu.memory_space<vmem>>, vector<1x16xf32>,
      %swap3A_110 = vector.shape_cast %swap3A_109 : vector<1x16xf32> to vector<16xf32>
      %swap3A_111 = vector.shape_cast %broadcast_in_dim3A_1 : vector<16xf32> to vector<1x16xf32>
      tpu.vector_store %arg6[%swap3A, %swap3A_108], %swap3A_111 {strides = array<i32>} : memref<64x128xf32, #tpu.memory_space<vmem>>, vector<1x16xf32>,
      %swap3A_112 = arith.index_cast %scan3A_107 : i32 to index
      %swap3A_113 = arith.constant 16 : index
      %swap3A_114 = tpu.vector_load %arg6[%swap3A_112, %swap3A_113] {strides = array<i32>} : memref<64x128xf32, #tpu.memory_space<vmem>>, vector<1x16xf32>,
      %swap3A_115 = vector.shape_cast %swap3A_114 : vector<1x16xf32> to vector<16xf32>
      %swap3A_116 = vector.shape_cast %broadcast_in_dim3A_1 : vector<16xf32> to vector<1x16xf32>
      tpu.vector_store %arg6[%swap3A_112, %swap3A_113], %swap3A_116 {strides = array<i32>} : memref<64x128xf32, #tpu.memory_space<vmem>>, vector<1x16xf32>,
      %swap3A_117 = arith.index_cast %scan3A_107 : i32 to index
      %swap3A_118 = arith.constant 32 : index
      %swap3A_119 = tpu.vector_load %arg6[%swap3A_117, %swap3A_118] {strides = array<i32>} : memref<64x128xf32, #tpu.memory_space<vmem>>, vector<1x16xf32>,
      %swap3A_120 = vector.shape_cast %swap3A_119 : vector<1x16xf32> to vector<16xf32>
      %swap3A_121 = vector.shape_cast %broadcast_in_dim3A_1 : vector<16xf32> to vector<1x16xf32>
      tpu.vector_store %arg6[%swap3A_117, %swap3A_118], %swap3A_121 {strides = array<i32>} : memref<64x128xf32, #tpu.memory_space<vmem>>, vector<1x16xf32>,
      %swap3A_122 = arith.index_cast %scan3A_107 : i32 to index
      %swap3A_123 = arith.constant 48 : index
      %swap3A_124 = tpu.vector_load %arg6[%swap3A_122, %swap3A_123] {strides = array<i32>} : memref<64x128xf32, #tpu.memory_space<vmem>>, vector<1x16xf32>,
      %swap3A_125 = vector.shape_cast %swap3A_124 : vector<1x16xf32> to vector<16xf32>
      %swap3A_126 = vector.shape_cast %broadcast_in_dim3A_1 : vector<16xf32> to vector<1x16xf32>
      tpu.vector_store %arg6[%swap3A_122, %swap3A_123], %swap3A_126 {strides = array<i32>} : memref<64x128xf32, #tpu.memory_space<vmem>>, vector<1x16xf32>,
      %swap3A_127 = arith.index_cast %scan3A_107 : i32 to index
      %swap3A_128 = arith.constant 64 : index
      %swap3A_129 = tpu.vector_load %arg6[%swap3A_127, %swap3A_128] {strides = array<i32>} : memref<64x128xf32, #tpu.memory_space<vmem>>, vector<1x16xf32>,
      %swap3A_130 = vector.shape_cast %swap3A_129 : vector<1x16xf32> to vector<16xf32>
      %swap3A_131 = vector.shape_cast %broadcast_in_dim3A_1 : vector<16xf32> to vector<1x16xf32>
      tpu.vector_store %arg6[%swap3A_127, %swap3A_128], %swap3A_131 {strides = array<i32>} : memref<64x128xf32, #tpu.memory_space<vmem>>, vector<1x16xf32>,
      %swap3A_132 = arith.index_cast %scan3A_107 : i32 to index
      %swap3A_133 = arith.constant 80 : index
      %swap3A_134 = tpu.vector_load %arg6[%swap3A_132, %swap3A_133] {strides = array<i32>} : memref<64x128xf32, #tpu.memory_space<vmem>>, vector<1x16xf32>,
      %swap3A_135 = vector.shape_cast %swap3A_134 : vector<1x16xf32> to vector<16xf32>
      %swap3A_136 = vector.shape_cast %broadcast_in_dim3A_1 : vector<16xf32> to vector<1x16xf32>
      tpu.vector_store %arg6[%swap3A_132, %swap3A_133], %swap3A_136 {strides = array<i32>} : memref<64x128xf32, #tpu.memory_space<vmem>>, vector<1x16xf32>,
      %swap3A_137 = arith.index_cast %scan3A_107 : i32 to index
      %swap3A_138 = arith.constant 96 : index
      %swap3A_139 = tpu.vector_load %arg6[%swap3A_137, %swap3A_138] {strides = array<i32>} : memref<64x128xf32, #tpu.memory_space<vmem>>, vector<1x16xf32>,
      %swap3A_140 = vector.shape_cast %swap3A_139 : vector<1x16xf32> to vector<16xf32>
      %swap3A_141 = vector.shape_cast %broadcast_in_dim3A_1 : vector<16xf32> to vector<1x16xf32>
      tpu.vector_store %arg6[%swap3A_137, %swap3A_138], %swap3A_141 {strides = array<i32>} : memref<64x128xf32, #tpu.memory_space<vmem>>, vector<1x16xf32>,
      %swap3A_142 = arith.index_cast %scan3A_107 : i32 to index
      %swap3A_143 = arith.constant 112 : index
      %swap3A_144 = tpu.vector_load %arg6[%swap3A_142, %swap3A_143] {strides = array<i32>} : memref<64x128xf32, #tpu.memory_space<vmem>>, vector<1x16xf32>,
      %swap3A_145 = vector.shape_cast %swap3A_144 : vector<1x16xf32> to vector<16xf32>
      %swap3A_146 = vector.shape_cast %broadcast_in_dim3A_1 : vector<16xf32> to vector<1x16xf32>
      tpu.vector_store %arg6[%swap3A_142, %swap3A_143], %swap3A_146 {strides = array<i32>} : memref<64x128xf32, #tpu.memory_space<vmem>>, vector<1x16xf32>,
    }
    %scan3A_6 = arith.constant 64 : i32
    %mul3A_7 = arith.constant 632 : i32
    %mul3A_8 = arith.muli %arg1, %mul3A_7 : i32
    %add3A_9 = arith.constant 0 : i32
    %add3A_10 = arith.addi %mul3A_8, %add3A_9 : i32
    "tpu.region"() ({
      %run_scoped3A_107 = tpu.sem_alloc : memref<!tpu.dma_semaphore, #tpu.memory_space<semaphore_mem>>
      %dma_start3A_108 = arith.constant 0 : i32
      %dma_start3A_109 = tpu.memref_slice %arg8[%add3A_10, %dma_start3A_108] : memref<10112x128xf32, #tpu.memory_space<vmem_shared>> -> memref<64x128xf32, #tpu.memory_space<vmem_shared>>
      %dma_start3A_110 = arith.constant 0 : i32
      %dma_start3A_111 = tpu.memref_slice %arg8[%add3A_10, %dma_start3A_110] : memref<10112x128xf32, #tpu.memory_space<vmem_shared>> -> memref<64x128xf32, #tpu.memory_space<vmem_shared>>
      tpu.enqueue_dma source(%arg6 : memref<64x128xf32, #tpu.memory_space<vmem>>) target(%dma_start3A_111 : memref<64x128xf32, #tpu.memory_space<vmem_shared>>) target_semaphore(%run_scoped3A_107 : memref<!tpu.dma_semaphore, #tpu.memory_space<semaphore_mem>>)
      %dma_wait3A_112 = arith.constant 0 : i32
      %dma_wait3A_113 = tpu.memref_slice %arg8[%add3A_10, %dma_wait3A_112] : memref<10112x128xf32, #tpu.memory_space<vmem_shared>> -> memref<64x128xf32, #tpu.memory_space<vmem_shared>>
      %dma_wait3A_114 = arith.constant 0 : i32
      %dma_wait3A_115 = tpu.memref_slice %arg8[%add3A_10, %dma_wait3A_114] : memref<10112x128xf32, #tpu.memory_space<vmem_shared>> -> memref<64x128xf32, #tpu.memory_space<vmem_shared>>
      tpu.wait_dma2 semaphore(%run_scoped3A_107 : memref<!tpu.dma_semaphore, #tpu.memory_space<semaphore_mem>>) src(%arg6 : memref<64x128xf32, #tpu.memory_space<vmem>>) dst(%dma_wait3A_115 : memref<64x128xf32, #tpu.memory_space<vmem_shared>>)
      tpu.yield
    }) : () -> ()
    %mul3A_11 = arith.constant 632 : i32
    %mul3A_12 = arith.muli %arg1, %mul3A_11 : i32
    %add3A_13 = arith.constant 64 : i32
    %add3A_14 = arith.addi %mul3A_12, %add3A_13 : i32
    "tpu.region"() ({
      %run_scoped3A_107 = tpu.sem_alloc : memref<!tpu.dma_semaphore, #tpu.memory_space<semaphore_mem>>
      %dma_start3A_108 = arith.constant 0 : i32
      %dma_start3A_109 = tpu.memref_slice %arg8[%add3A_14, %dma_start3A_108] : memref<10112x128xf32, #tpu.memory_space<vmem_shared>> -> memref<64x128xf32, #tpu.memory_space<vmem_shared>>
      %dma_start3A_110 = arith.constant 0 : i32
      %dma_start3A_111 = tpu.memref_slice %arg8[%add3A_14, %dma_start3A_110] : memref<10112x128xf32, #tpu.memory_space<vmem_shared>> -> memref<64x128xf32, #tpu.memory_space<vmem_shared>>
      tpu.enqueue_dma source(%arg6 : memref<64x128xf32, #tpu.memory_space<vmem>>) target(%dma_start3A_111 : memref<64x128xf32, #tpu.memory_space<vmem_shared>>) target_semaphore(%run_scoped3A_107 : memref<!tpu.dma_semaphore, #tpu.memory_space<semaphore_mem>>)
      %dma_wait3A_112 = arith.constant 0 : i32
      %dma_wait3A_113 = tpu.memref_slice %arg8[%add3A_14, %dma_wait3A_112] : memref<10112x128xf32, #tpu.memory_space<vmem_shared>> -> memref<64x128xf32, #tpu.memory_space<vmem_shared>>
      %dma_wait3A_114 = arith.constant 0 : i32
      %dma_wait3A_115 = tpu.memref_slice %arg8[%add3A_14, %dma_wait3A_114] : memref<10112x128xf32, #tpu.memory_space<vmem_shared>> -> memref<64x128xf32, #tpu.memory_space<vmem_shared>>
      tpu.wait_dma2 semaphore(%run_scoped3A_107 : memref<!tpu.dma_semaphore, #tpu.memory_space<semaphore_mem>>) src(%arg6 : memref<64x128xf32, #tpu.memory_space<vmem>>) dst(%dma_wait3A_115 : memref<64x128xf32, #tpu.memory_space<vmem_shared>>)
      tpu.yield
    }) : () -> ()
    %mul3A_15 = arith.constant 632 : i32
    %mul3A_16 = arith.muli %arg1, %mul3A_15 : i32
    %add3A_17 = arith.constant 128 : i32
    %add3A_18 = arith.addi %mul3A_16, %add3A_17 : i32
    "tpu.region"() ({
      %run_scoped3A_107 = tpu.sem_alloc : memref<!tpu.dma_semaphore, #tpu.memory_space<semaphore_mem>>
      %dma_start3A_108 = arith.constant 0 : i32
      %dma_start3A_109 = tpu.memref_slice %arg8[%add3A_18, %dma_start3A_108] : memref<10112x128xf32, #tpu.memory_space<vmem_shared>> -> memref<64x128xf32, #tpu.memory_space<vmem_shared>>
      %dma_start3A_110 = arith.constant 0 : i32
      %dma_start3A_111 = tpu.memref_slice %arg8[%add3A_18, %dma_start3A_110] : memref<10112x128xf32, #tpu.memory_space<vmem_shared>> -> memref<64x128xf32, #tpu.memory_space<vmem_shared>>
      tpu.enqueue_dma source(%arg6 : memref<64x128xf32, #tpu.memory_space<vmem>>) target(%dma_start3A_111 : memref<64x128xf32, #tpu.memory_space<vmem_shared>>) target_semaphore(%run_scoped3A_107 : memref<!tpu.dma_semaphore, #tpu.memory_space<semaphore_mem>>)
      %dma_wait3A_112 = arith.constant 0 : i32
      %dma_wait3A_113 = tpu.memref_slice %arg8[%add3A_18, %dma_wait3A_112] : memref<10112x128xf32, #tpu.memory_space<vmem_shared>> -> memref<64x128xf32, #tpu.memory_space<vmem_shared>>
      %dma_wait3A_114 = arith.constant 0 : i32
      %dma_wait3A_115 = tpu.memref_slice %arg8[%add3A_18, %dma_wait3A_114] : memref<10112x128xf32, #tpu.memory_space<vmem_shared>> -> memref<64x128xf32, #tpu.memory_space<vmem_shared>>
      tpu.wait_dma2 semaphore(%run_scoped3A_107 : memref<!tpu.dma_semaphore, #tpu.memory_space<semaphore_mem>>) src(%arg6 : memref<64x128xf32, #tpu.memory_space<vmem>>) dst(%dma_wait3A_115 : memref<64x128xf32, #tpu.memory_space<vmem_shared>>)
      tpu.yield
    }) : () -> ()
    %mul3A_19 = arith.constant 632 : i32
    %mul3A_20 = arith.muli %arg1, %mul3A_19 : i32
    %add3A_21 = arith.constant 192 : i32
    %add3A_22 = arith.addi %mul3A_20, %add3A_21 : i32
    "tpu.region"() ({
      %run_scoped3A_107 = tpu.sem_alloc : memref<!tpu.dma_semaphore, #tpu.memory_space<semaphore_mem>>
      %dma_start3A_108 = arith.constant 0 : i32
      %dma_start3A_109 = tpu.memref_slice %arg8[%add3A_22, %dma_start3A_108] : memref<10112x128xf32, #tpu.memory_space<vmem_shared>> -> memref<64x128xf32, #tpu.memory_space<vmem_shared>>
      %dma_start3A_110 = arith.constant 0 : i32
      %dma_start3A_111 = tpu.memref_slice %arg8[%add3A_22, %dma_start3A_110] : memref<10112x128xf32, #tpu.memory_space<vmem_shared>> -> memref<64x128xf32, #tpu.memory_space<vmem_shared>>
      tpu.enqueue_dma source(%arg6 : memref<64x128xf32, #tpu.memory_space<vmem>>) target(%dma_start3A_111 : memref<64x128xf32, #tpu.memory_space<vmem_shared>>) target_semaphore(%run_scoped3A_107 : memref<!tpu.dma_semaphore, #tpu.memory_space<semaphore_mem>>)
      %dma_wait3A_112 = arith.constant 0 : i32
      %dma_wait3A_113 = tpu.memref_slice %arg8[%add3A_22, %dma_wait3A_112] : memref<10112x128xf32, #tpu.memory_space<vmem_shared>> -> memref<64x128xf32, #tpu.memory_space<vmem_shared>>
      %dma_wait3A_114 = arith.constant 0 : i32
      %dma_wait3A_115 = tpu.memref_slice %arg8[%add3A_22, %dma_wait3A_114] : memref<10112x128xf32, #tpu.memory_space<vmem_shared>> -> memref<64x128xf32, #tpu.memory_space<vmem_shared>>
      tpu.wait_dma2 semaphore(%run_scoped3A_107 : memref<!tpu.dma_semaphore, #tpu.memory_space<semaphore_mem>>) src(%arg6 : memref<64x128xf32, #tpu.memory_space<vmem>>) dst(%dma_wait3A_115 : memref<64x128xf32, #tpu.memory_space<vmem_shared>>)
      tpu.yield
    }) : () -> ()
    %mul3A_23 = arith.constant 632 : i32
    %mul3A_24 = arith.muli %arg1, %mul3A_23 : i32
    %add3A_25 = arith.constant 256 : i32
    %add3A_26 = arith.addi %mul3A_24, %add3A_25 : i32
    "tpu.region"() ({
      %run_scoped3A_107 = tpu.sem_alloc : memref<!tpu.dma_semaphore, #tpu.memory_space<semaphore_mem>>
      %dma_start3A_108 = arith.constant 0 : i32
      %dma_start3A_109 = tpu.memref_slice %arg8[%add3A_26, %dma_start3A_108] : memref<10112x128xf32, #tpu.memory_space<vmem_shared>> -> memref<64x128xf32, #tpu.memory_space<vmem_shared>>
      %dma_start3A_110 = arith.constant 0 : i32
      %dma_start3A_111 = tpu.memref_slice %arg8[%add3A_26, %dma_start3A_110] : memref<10112x128xf32, #tpu.memory_space<vmem_shared>> -> memref<64x128xf32, #tpu.memory_space<vmem_shared>>
      tpu.enqueue_dma source(%arg6 : memref<64x128xf32, #tpu.memory_space<vmem>>) target(%dma_start3A_111 : memref<64x128xf32, #tpu.memory_space<vmem_shared>>) target_semaphore(%run_scoped3A_107 : memref<!tpu.dma_semaphore, #tpu.memory_space<semaphore_mem>>)
      %dma_wait3A_112 = arith.constant 0 : i32
      %dma_wait3A_113 = tpu.memref_slice %arg8[%add3A_26, %dma_wait3A_112] : memref<10112x128xf32, #tpu.memory_space<vmem_shared>> -> memref<64x128xf32, #tpu.memory_space<vmem_shared>>
      %dma_wait3A_114 = arith.constant 0 : i32
      %dma_wait3A_115 = tpu.memref_slice %arg8[%add3A_26, %dma_wait3A_114] : memref<10112x128xf32, #tpu.memory_space<vmem_shared>> -> memref<64x128xf32, #tpu.memory_space<vmem_shared>>
      tpu.wait_dma2 semaphore(%run_scoped3A_107 : memref<!tpu.dma_semaphore, #tpu.memory_space<semaphore_mem>>) src(%arg6 : memref<64x128xf32, #tpu.memory_space<vmem>>) dst(%dma_wait3A_115 : memref<64x128xf32, #tpu.memory_space<vmem_shared>>)
      tpu.yield
    }) : () -> ()
    %mul3A_27 = arith.constant 632 : i32
    %mul3A_28 = arith.muli %arg1, %mul3A_27 : i32
    %add3A_29 = arith.constant 320 : i32
    %add3A_30 = arith.addi %mul3A_28, %add3A_29 : i32
    "tpu.region"() ({
      %run_scoped3A_107 = tpu.sem_alloc : memref<!tpu.dma_semaphore, #tpu.memory_space<semaphore_mem>>
      %dma_start3A_108 = arith.constant 0 : i32
      %dma_start3A_109 = tpu.memref_slice %arg8[%add3A_30, %dma_start3A_108] : memref<10112x128xf32, #tpu.memory_space<vmem_shared>> -> memref<64x128xf32, #tpu.memory_space<vmem_shared>>
      %dma_start3A_110 = arith.constant 0 : i32
      %dma_start3A_111 = tpu.memref_slice %arg8[%add3A_30, %dma_start3A_110] : memref<10112x128xf32, #tpu.memory_space<vmem_shared>> -> memref<64x128xf32, #tpu.memory_space<vmem_shared>>
      tpu.enqueue_dma source(%arg6 : memref<64x128xf32, #tpu.memory_space<vmem>>) target(%dma_start3A_111 : memref<64x128xf32, #tpu.memory_space<vmem_shared>>) target_semaphore(%run_scoped3A_107 : memref<!tpu.dma_semaphore, #tpu.memory_space<semaphore_mem>>)
      %dma_wait3A_112 = arith.constant 0 : i32
      %dma_wait3A_113 = tpu.memref_slice %arg8[%add3A_30, %dma_wait3A_112] : memref<10112x128xf32, #tpu.memory_space<vmem_shared>> -> memref<64x128xf32, #tpu.memory_space<vmem_shared>>
      %dma_wait3A_114 = arith.constant 0 : i32
      %dma_wait3A_115 = tpu.memref_slice %arg8[%add3A_30, %dma_wait3A_114] : memref<10112x128xf32, #tpu.memory_space<vmem_shared>> -> memref<64x128xf32, #tpu.memory_space<vmem_shared>>
      tpu.wait_dma2 semaphore(%run_scoped3A_107 : memref<!tpu.dma_semaphore, #tpu.memory_space<semaphore_mem>>) src(%arg6 : memref<64x128xf32, #tpu.memory_space<vmem>>) dst(%dma_wait3A_115 : memref<64x128xf32, #tpu.memory_space<vmem_shared>>)
      tpu.yield
    }) : () -> ()
    %mul3A_31 = arith.constant 632 : i32
    %mul3A_32 = arith.muli %arg1, %mul3A_31 : i32
    %add3A_33 = arith.constant 384 : i32
    %add3A_34 = arith.addi %mul3A_32, %add3A_33 : i32
    "tpu.region"() ({
      %run_scoped3A_107 = tpu.sem_alloc : memref<!tpu.dma_semaphore, #tpu.memory_space<semaphore_mem>>
      %dma_start3A_108 = arith.constant 0 : i32
      %dma_start3A_109 = tpu.memref_slice %arg8[%add3A_34, %dma_start3A_108] : memref<10112x128xf32, #tpu.memory_space<vmem_shared>> -> memref<64x128xf32, #tpu.memory_space<vmem_shared>>
      %dma_start3A_110 = arith.constant 0 : i32
      %dma_start3A_111 = tpu.memref_slice %arg8[%add3A_34, %dma_start3A_110] : memref<10112x128xf32, #tpu.memory_space<vmem_shared>> -> memref<64x128xf32, #tpu.memory_space<vmem_shared>>
      tpu.enqueue_dma source(%arg6 : memref<64x128xf32, #tpu.memory_space<vmem>>) target(%dma_start3A_111 : memref<64x128xf32, #tpu.memory_space<vmem_shared>>) target_semaphore(%run_scoped3A_107 : memref<!tpu.dma_semaphore, #tpu.memory_space<semaphore_mem>>)
      %dma_wait3A_112 = arith.constant 0 : i32
      %dma_wait3A_113 = tpu.memref_slice %arg8[%add3A_34, %dma_wait3A_112] : memref<10112x128xf32, #tpu.memory_space<vmem_shared>> -> memref<64x128xf32, #tpu.memory_space<vmem_shared>>
      %dma_wait3A_114 = arith.constant 0 : i32
      %dma_wait3A_115 = tpu.memref_slice %arg8[%add3A_34, %dma_wait3A_114] : memref<10112x128xf32, #tpu.memory_space<vmem_shared>> -> memref<64x128xf32, #tpu.memory_space<vmem_shared>>
      tpu.wait_dma2 semaphore(%run_scoped3A_107 : memref<!tpu.dma_semaphore, #tpu.memory_space<semaphore_mem>>) src(%arg6 : memref<64x128xf32, #tpu.memory_space<vmem>>) dst(%dma_wait3A_115 : memref<64x128xf32, #tpu.memory_space<vmem_shared>>)
      tpu.yield
    }) : () -> ()
    %mul3A_35 = arith.constant 632 : i32
    %mul3A_36 = arith.muli %arg1, %mul3A_35 : i32
    %add3A_37 = arith.constant 448 : i32
    %add3A_38 = arith.addi %mul3A_36, %add3A_37 : i32
    "tpu.region"() ({
      %run_scoped3A_107 = tpu.sem_alloc : memref<!tpu.dma_semaphore, #tpu.memory_space<semaphore_mem>>
      %dma_start3A_108 = arith.constant 0 : i32
      %dma_start3A_109 = tpu.memref_slice %arg8[%add3A_38, %dma_start3A_108] : memref<10112x128xf32, #tpu.memory_space<vmem_shared>> -> memref<64x128xf32, #tpu.memory_space<vmem_shared>>
      %dma_start3A_110 = arith.constant 0 : i32
      %dma_start3A_111 = tpu.memref_slice %arg8[%add3A_38, %dma_start3A_110] : memref<10112x128xf32, #tpu.memory_space<vmem_shared>> -> memref<64x128xf32, #tpu.memory_space<vmem_shared>>
      tpu.enqueue_dma source(%arg6 : memref<64x128xf32, #tpu.memory_space<vmem>>) target(%dma_start3A_111 : memref<64x128xf32, #tpu.memory_space<vmem_shared>>) target_semaphore(%run_scoped3A_107 : memref<!tpu.dma_semaphore, #tpu.memory_space<semaphore_mem>>)
      %dma_wait3A_112 = arith.constant 0 : i32
      %dma_wait3A_113 = tpu.memref_slice %arg8[%add3A_38, %dma_wait3A_112] : memref<10112x128xf32, #tpu.memory_space<vmem_shared>> -> memref<64x128xf32, #tpu.memory_space<vmem_shared>>
      %dma_wait3A_114 = arith.constant 0 : i32
      %dma_wait3A_115 = tpu.memref_slice %arg8[%add3A_38, %dma_wait3A_114] : memref<10112x128xf32, #tpu.memory_space<vmem_shared>> -> memref<64x128xf32, #tpu.memory_space<vmem_shared>>
      tpu.wait_dma2 semaphore(%run_scoped3A_107 : memref<!tpu.dma_semaphore, #tpu.memory_space<semaphore_mem>>) src(%arg6 : memref<64x128xf32, #tpu.memory_space<vmem>>) dst(%dma_wait3A_115 : memref<64x128xf32, #tpu.memory_space<vmem_shared>>)
      tpu.yield
    }) : () -> ()
    %mul3A_39 = arith.constant 632 : i32
    %mul3A_40 = arith.muli %arg1, %mul3A_39 : i32
    %add3A_41 = arith.constant 512 : i32
    %add3A_42 = arith.addi %mul3A_40, %add3A_41 : i32
    "tpu.region"() ({
      %run_scoped3A_107 = tpu.sem_alloc : memref<!tpu.dma_semaphore, #tpu.memory_space<semaphore_mem>>
      %dma_start3A_108 = arith.constant 0 : i32
      %dma_start3A_109 = tpu.memref_slice %arg8[%add3A_42, %dma_start3A_108] : memref<10112x128xf32, #tpu.memory_space<vmem_shared>> -> memref<64x128xf32, #tpu.memory_space<vmem_shared>>
      %dma_start3A_110 = arith.constant 0 : i32
      %dma_start3A_111 = tpu.memref_slice %arg8[%add3A_42, %dma_start3A_110] : memref<10112x128xf32, #tpu.memory_space<vmem_shared>> -> memref<64x128xf32, #tpu.memory_space<vmem_shared>>
      tpu.enqueue_dma source(%arg6 : memref<64x128xf32, #tpu.memory_space<vmem>>) target(%dma_start3A_111 : memref<64x128xf32, #tpu.memory_space<vmem_shared>>) target_semaphore(%run_scoped3A_107 : memref<!tpu.dma_semaphore, #tpu.memory_space<semaphore_mem>>)
      %dma_wait3A_112 = arith.constant 0 : i32
      %dma_wait3A_113 = tpu.memref_slice %arg8[%add3A_42, %dma_wait3A_112] : memref<10112x128xf32, #tpu.memory_space<vmem_shared>> -> memref<64x128xf32, #tpu.memory_space<vmem_shared>>
      %dma_wait3A_114 = arith.constant 0 : i32
      %dma_wait3A_115 = tpu.memref_slice %arg8[%add3A_42, %dma_wait3A_114] : memref<10112x128xf32, #tpu.memory_space<vmem_shared>> -> memref<64x128xf32, #tpu.memory_space<vmem_shared>>
      tpu.wait_dma2 semaphore(%run_scoped3A_107 : memref<!tpu.dma_semaphore, #tpu.memory_space<semaphore_mem>>) src(%arg6 : memref<64x128xf32, #tpu.memory_space<vmem>>) dst(%dma_wait3A_115 : memref<64x128xf32, #tpu.memory_space<vmem_shared>>)
      tpu.yield
    }) : () -> ()
    %mul3A_43 = arith.constant 632 : i32
    %mul3A_44 = arith.muli %arg1, %mul3A_43 : i32
    %add3A_45 = arith.constant 576 : i32
    %add3A_46 = arith.addi %mul3A_44, %add3A_45 : i32
    "tpu.region"() ({
      %run_scoped3A_107 = tpu.sem_alloc : memref<!tpu.dma_semaphore, #tpu.memory_space<semaphore_mem>>
      %dma_start3A_108 = arith.constant 0 : i32
      %dma_start3A_109 = arith.constant 0 : i32
      %dma_start3A_110 = tpu.memref_slice %arg6[%dma_start3A_108, %dma_start3A_109] : memref<64x128xf32, #tpu.memory_space<vmem>> -> memref<56x128xf32, #tpu.memory_space<vmem>>
      %dma_start3A_111 = arith.constant 0 : i32
      %dma_start3A_112 = tpu.memref_slice %arg8[%add3A_46, %dma_start3A_111] : memref<10112x128xf32, #tpu.memory_space<vmem_shared>> -> memref<56x128xf32, #tpu.memory_space<vmem_shared>>
      %dma_start3A_113 = arith.constant 0 : i32
      %dma_start3A_114 = tpu.memref_slice %arg8[%add3A_46, %dma_start3A_113] : memref<10112x128xf32, #tpu.memory_space<vmem_shared>> -> memref<56x128xf32, #tpu.memory_space<vmem_shared>>
      %dma_start3A_115 = arith.constant 0 : i32
      %dma_start3A_116 = arith.constant 0 : i32
      %dma_start3A_117 = tpu.memref_slice %arg6[%dma_start3A_115, %dma_start3A_116] : memref<64x128xf32, #tpu.memory_space<vmem>> -> memref<56x128xf32, #tpu.memory_space<vmem>>
      tpu.enqueue_dma source(%dma_start3A_117 : memref<56x128xf32, #tpu.memory_space<vmem>>) target(%dma_start3A_114 : memref<56x128xf32, #tpu.memory_space<vmem_shared>>) target_semaphore(%run_scoped3A_107 : memref<!tpu.dma_semaphore, #tpu.memory_space<semaphore_mem>>)
      %dma_wait3A_118 = arith.constant 0 : i32
      %dma_wait3A_119 = arith.constant 0 : i32
      %dma_wait3A_120 = tpu.memref_slice %arg6[%dma_wait3A_118, %dma_wait3A_119] : memref<64x128xf32, #tpu.memory_space<vmem>> -> memref<56x128xf32, #tpu.memory_space<vmem>>
      %dma_wait3A_121 = arith.constant 0 : i32
      %dma_wait3A_122 = tpu.memref_slice %arg8[%add3A_46, %dma_wait3A_121] : memref<10112x128xf32, #tpu.memory_space<vmem_shared>> -> memref<56x128xf32, #tpu.memory_space<vmem_shared>>
      %dma_wait3A_123 = arith.constant 0 : i32
      %dma_wait3A_124 = tpu.memref_slice %arg8[%add3A_46, %dma_wait3A_123] : memref<10112x128xf32, #tpu.memory_space<vmem_shared>> -> memref<56x128xf32, #tpu.memory_space<vmem_shared>>
      %dma_wait3A_125 = arith.constant 0 : i32
      %dma_wait3A_126 = arith.constant 0 : i32
      %dma_wait3A_127 = tpu.memref_slice %arg6[%dma_wait3A_125, %dma_wait3A_126] : memref<64x128xf32, #tpu.memory_space<vmem>> -> memref<56x128xf32, #tpu.memory_space<vmem>>
      tpu.wait_dma2 semaphore(%run_scoped3A_107 : memref<!tpu.dma_semaphore, #tpu.memory_space<semaphore_mem>>) src(%dma_wait3A_127 : memref<56x128xf32, #tpu.memory_space<vmem>>) dst(%dma_wait3A_124 : memref<56x128xf32, #tpu.memory_space<vmem_shared>>)
      tpu.yield
    }) : () -> ()
    %barrier3A = arith.constant 0 : index
    tpu.barrier barrier_id(%barrier3A)
    %run_scoped3A = arith.constant 0 : i32
    %run_scoped3A_47 = arith.constant 0 : i32
    "tpu.region"() ({
      %run_scoped3A_107 = tpu.sem_alloc : memref<!tpu.dma_semaphore, #tpu.memory_space<semaphore_mem>>
      %dma_start3A_108 = arith.constant 0 : i32
      %dma_start3A_109 = arith.constant 0 : i32
      %dma_start3A_110 = tpu.memref_slice %arg5[%run_scoped3A_47, %dma_start3A_108, %dma_start3A_109] : memref<2x2x64xi32, #tpu.memory_space<vmem>> -> memref<1x2x64xi32, #tpu.memory_space<vmem>>
      %dma_start3A_111 = tpu.memref_squeeze %dma_start3A_110 : memref<1x2x64xi32, #tpu.memory_space<vmem>> -> memref<2x64xi32, #tpu.memory_space<vmem>>
      %dma_start3A_112 = arith.constant 0 : i32
      %dma_start3A_113 = arith.constant 0 : i32
      %dma_start3A_114 = tpu.memref_slice %arg3[%add3A, %run_scoped3A, %dma_start3A_112, %dma_start3A_113] : memref<32x162x2x64xi32, #tpu.memory_space<hbm>> -> memref<1x1x2x64xi32, #tpu.memory_space<hbm>>
      %dma_start3A_115 = tpu.memref_squeeze %dma_start3A_114 : memref<1x1x2x64xi32, #tpu.memory_space<hbm>> -> memref<2x64xi32, #tpu.memory_space<hbm>>
      %dma_start3A_116 = arith.constant 0 : i32
      %dma_start3A_117 = arith.constant 0 : i32
      %dma_start3A_118 = tpu.memref_slice %arg5[%run_scoped3A_47, %dma_start3A_116, %dma_start3A_117] : memref<2x2x64xi32, #tpu.memory_space<vmem>> -> memref<1x2x64xi32, #tpu.memory_space<vmem>>
      %dma_start3A_119 = tpu.memref_squeeze %dma_start3A_118 : memref<1x2x64xi32, #tpu.memory_space<vmem>> -> memref<2x64xi32, #tpu.memory_space<vmem>>
      %dma_start3A_120 = arith.constant 0 : i32
      %dma_start3A_121 = arith.constant 0 : i32
      %dma_start3A_122 = tpu.memref_slice %arg3[%add3A, %run_scoped3A, %dma_start3A_120, %dma_start3A_121] : memref<32x162x2x64xi32, #tpu.memory_space<hbm>> -> memref<1x1x2x64xi32, #tpu.memory_space<hbm>>
      %dma_start3A_123 = tpu.memref_squeeze %dma_start3A_122 : memref<1x1x2x64xi32, #tpu.memory_space<hbm>> -> memref<2x64xi32, #tpu.memory_space<hbm>>
      tpu.enqueue_dma source(%dma_start3A_123 : memref<2x64xi32, #tpu.memory_space<hbm>>) target(%dma_start3A_119 : memref<2x64xi32, #tpu.memory_space<vmem>>) target_semaphore(%run_scoped3A_107 : memref<!tpu.dma_semaphore, #tpu.memory_space<semaphore_mem>>)
      %dma_wait3A_124 = arith.constant 0 : i32
      %dma_wait3A_125 = arith.constant 0 : i32
      %dma_wait3A_126 = tpu.memref_slice %arg5[%run_scoped3A_47, %dma_wait3A_124, %dma_wait3A_125] : memref<2x2x64xi32, #tpu.memory_space<vmem>> -> memref<1x2x64xi32, #tpu.memory_space<vmem>>
      %dma_wait3A_127 = tpu.memref_squeeze %dma_wait3A_126 : memref<1x2x64xi32, #tpu.memory_space<vmem>> -> memref<2x64xi32, #tpu.memory_space<vmem>>
      %dma_wait3A_128 = arith.constant 0 : i32
      %dma_wait3A_129 = arith.constant 0 : i32
      %dma_wait3A_130 = tpu.memref_slice %arg3[%add3A, %run_scoped3A, %dma_wait3A_128, %dma_wait3A_129] : memref<32x162x2x64xi32, #tpu.memory_space<hbm>> -> memref<1x1x2x64xi32, #tpu.memory_space<hbm>>
      %dma_wait3A_131 = tpu.memref_squeeze %dma_wait3A_130 : memref<1x1x2x64xi32, #tpu.memory_space<hbm>> -> memref<2x64xi32, #tpu.memory_space<hbm>>
      %dma_wait3A_132 = arith.constant 0 : i32
      %dma_wait3A_133 = arith.constant 0 : i32
      %dma_wait3A_134 = tpu.memref_slice %arg5[%run_scoped3A_47, %dma_wait3A_132, %dma_wait3A_133] : memref<2x2x64xi32, #tpu.memory_space<vmem>> -> memref<1x2x64xi32, #tpu.memory_space<vmem>>
      %dma_wait3A_135 = tpu.memref_squeeze %dma_wait3A_134 : memref<1x2x64xi32, #tpu.memory_space<vmem>> -> memref<2x64xi32, #tpu.memory_space<vmem>>
      %dma_wait3A_136 = arith.constant 0 : i32
      %dma_wait3A_137 = arith.constant 0 : i32
      %dma_wait3A_138 = tpu.memref_slice %arg3[%add3A, %run_scoped3A, %dma_wait3A_136, %dma_wait3A_137] : memref<32x162x2x64xi32, #tpu.memory_space<hbm>> -> memref<1x1x2x64xi32, #tpu.memory_space<hbm>>
      %dma_wait3A_139 = tpu.memref_squeeze %dma_wait3A_138 : memref<1x1x2x64xi32, #tpu.memory_space<hbm>> -> memref<2x64xi32, #tpu.memory_space<hbm>>
      tpu.wait_dma2 semaphore(%run_scoped3A_107 : memref<!tpu.dma_semaphore, #tpu.memory_space<semaphore_mem>>) src(%dma_wait3A_139 : memref<2x64xi32, #tpu.memory_space<hbm>>) dst(%dma_wait3A_135 : memref<2x64xi32, #tpu.memory_space<vmem>>)
      tpu.yield
    }) : () -> ()
    %dma_start3A = arith.constant 1 : i32
    %dma_start3A_48 = arith.constant 1 : i32
    %dma_start3A_49 = arith.constant 0 : i32
    %dma_start3A_50 = arith.constant 0 : i32
    %dma_start3A_51 = tpu.memref_slice %arg5[%dma_start3A_48, %dma_start3A_49, %dma_start3A_50] : memref<2x2x64xi32, #tpu.memory_space<vmem>> -> memref<1x2x64xi32, #tpu.memory_space<vmem>>
    %dma_start3A_52 = tpu.memref_squeeze %dma_start3A_51 : memref<1x2x64xi32, #tpu.memory_space<vmem>> -> memref<2x64xi32, #tpu.memory_space<vmem>>
    %dma_start3A_53 = arith.constant 0 : i32
    %dma_start3A_54 = arith.constant 0 : i32
    %dma_start3A_55 = tpu.memref_slice %arg3[%add3A, %dma_start3A, %dma_start3A_53, %dma_start3A_54] : memref<32x162x2x64xi32, #tpu.memory_space<hbm>> -> memref<1x1x2x64xi32, #tpu.memory_space<hbm>>
    %dma_start3A_56 = tpu.memref_squeeze %dma_start3A_55 : memref<1x1x2x64xi32, #tpu.memory_space<hbm>> -> memref<2x64xi32, #tpu.memory_space<hbm>>
    %dma_start3A_57 = arith.constant 0 : i32
    %dma_start3A_58 = arith.constant 0 : i32
    %dma_start3A_59 = tpu.memref_slice %arg5[%dma_start3A_48, %dma_start3A_57, %dma_start3A_58] : memref<2x2x64xi32, #tpu.memory_space<vmem>> -> memref<1x2x64xi32, #tpu.memory_space<vmem>>
    %dma_start3A_60 = tpu.memref_squeeze %dma_start3A_59 : memref<1x2x64xi32, #tpu.memory_space<vmem>> -> memref<2x64xi32, #tpu.memory_space<vmem>>
    %dma_start3A_61 = arith.constant 0 : i32
    %dma_start3A_62 = arith.constant 0 : i32
    %dma_start3A_63 = tpu.memref_slice %arg3[%add3A, %dma_start3A, %dma_start3A_61, %dma_start3A_62] : memref<32x162x2x64xi32, #tpu.memory_space<hbm>> -> memref<1x1x2x64xi32, #tpu.memory_space<hbm>>
    %dma_start3A_64 = tpu.memref_squeeze %dma_start3A_63 : memref<1x1x2x64xi32, #tpu.memory_space<hbm>> -> memref<2x64xi32, #tpu.memory_space<hbm>>
    tpu.enqueue_dma source(%dma_start3A_64 : memref<2x64xi32, #tpu.memory_space<hbm>>) target(%dma_start3A_60 : memref<2x64xi32, #tpu.memory_space<vmem>>) target_semaphore(%arg12 : memref<!tpu.dma_semaphore, #tpu.memory_space<semaphore_mem>>)
    %dma_start3A_65 = arith.constant 0 : i32
    %dma_start3A_66 = arith.constant 0 : i32
    %dma_start3A_67 = arith.constant 0 : i32
    %dma_start3A_68 = tpu.memref_slice %arg5[%dma_start3A_65, %dma_start3A_66, %dma_start3A_67] : memref<2x2x64xi32, #tpu.memory_space<vmem>> -> memref<1x1x64xi32, #tpu.memory_space<vmem>>
    %dma_start3A_69 = tpu.memref_squeeze %dma_start3A_68 : memref<1x1x64xi32, #tpu.memory_space<vmem>> -> memref<64xi32, #tpu.memory_space<vmem>>
    %dma_start3A_70 = arith.constant 0 : i32
    %dma_start3A_71 = arith.constant 0 : i32
    %dma_start3A_72 = tpu.memref_slice %arg2[%dma_start3A_70, %dma_start3A_71] : memref<10000x128xf32, #tpu.memory_space<hbm>> -> memref<10000x128xf32, #tpu.memory_space<hbm>>
    tpu.enqueue_indirect_dma source(%dma_start3A_72 : memref<10000x128xf32, #tpu.memory_space<hbm>>) target(%arg6 : memref<64x128xf32, #tpu.memory_space<vmem>>) offsets(%dma_start3A_69 : memref<64xi32, #tpu.memory_space<vmem>>) semaphore(%arg9 : memref<!tpu.dma_semaphore, #tpu.memory_space<semaphore_mem>>)
    %scan3A_73 = arith.constant 0 : i32
    %scan3A_74 = arith.constant 0 : i32
    %scan3A_75 = arith.constant 80 : i32
    %scan3A_76 = arith.addi %scan3A_74, %scan3A_75 : i32
    %scan3A_77 = arith.constant 1 : i32
    scf.for %scan3A_107 = %scan3A_74 to %scan3A_76 step %scan3A_77  : i32 {
      %mul3A_108 = arith.constant 2 : i32
      %mul3A_109 = arith.muli %scan3A_107, %mul3A_108 : i32
      %dma_wait3A_110 = arith.constant 0 : i32
      %dma_wait3A_111 = arith.constant 0 : i32
      %dma_wait3A_112 = tpu.memref_slice %arg2[%dma_wait3A_110, %dma_wait3A_111] : memref<10000x128xf32, #tpu.memory_space<hbm>> -> memref<64x128xf32, #tpu.memory_space<hbm>>
      %dma_wait3A_113 = arith.constant 0 : i32
      %dma_wait3A_114 = arith.constant 0 : i32
      %dma_wait3A_115 = tpu.memref_slice %arg2[%dma_wait3A_113, %dma_wait3A_114] : memref<10000x128xf32, #tpu.memory_space<hbm>> -> memref<64x128xf32, #tpu.memory_space<hbm>>
      tpu.wait_dma2 semaphore(%arg9 : memref<!tpu.dma_semaphore, #tpu.memory_space<semaphore_mem>>) src(%dma_wait3A_115 : memref<64x128xf32, #tpu.memory_space<hbm>>) dst(%arg6 : memref<64x128xf32, #tpu.memory_space<vmem>>)
      %dma_wait3A_116 = arith.constant 0 : i32
      %dma_wait3A_117 = arith.constant 1 : i32
      %dma_wait3A_118 = arith.constant 0 : i32
      %dma_wait3A_119 = arith.constant 0 : i32
      %dma_wait3A_120 = tpu.memref_slice %arg5[%dma_wait3A_117, %dma_wait3A_118, %dma_wait3A_119] : memref<2x2x64xi32, #tpu.memory_space<vmem>> -> memref<1x2x64xi32, #tpu.memory_space<vmem>>
      %dma_wait3A_121 = tpu.memref_squeeze %dma_wait3A_120 : memref<1x2x64xi32, #tpu.memory_space<vmem>> -> memref<2x64xi32, #tpu.memory_space<vmem>>
      %dma_wait3A_122 = arith.constant 0 : i32
      %dma_wait3A_123 = arith.constant 0 : i32
      %dma_wait3A_124 = tpu.memref_slice %arg3[%add3A, %dma_wait3A_116, %dma_wait3A_122, %dma_wait3A_123] : memref<32x162x2x64xi32, #tpu.memory_space<hbm>> -> memref<1x1x2x64xi32, #tpu.memory_space<hbm>>
      %dma_wait3A_125 = tpu.memref_squeeze %dma_wait3A_124 : memref<1x1x2x64xi32, #tpu.memory_space<hbm>> -> memref<2x64xi32, #tpu.memory_space<hbm>>
      %dma_wait3A_126 = arith.constant 0 : i32
      %dma_wait3A_127 = arith.constant 0 : i32
      %dma_wait3A_128 = tpu.memref_slice %arg5[%dma_wait3A_117, %dma_wait3A_126, %dma_wait3A_127] : memref<2x2x64xi32, #tpu.memory_space<vmem>> -> memref<1x2x64xi32, #tpu.memory_space<vmem>>
      %dma_wait3A_129 = tpu.memref_squeeze %dma_wait3A_128 : memref<1x2x64xi32, #tpu.memory_space<vmem>> -> memref<2x64xi32, #tpu.memory_space<vmem>>
      %dma_wait3A_130 = arith.constant 0 : i32
      %dma_wait3A_131 = arith.constant 0 : i32
      %dma_wait3A_132 = tpu.memref_slice %arg3[%add3A, %dma_wait3A_116, %dma_wait3A_130, %dma_wait3A_131] : memref<32x162x2x64xi32, #tpu.memory_space<hbm>> -> memref<1x1x2x64xi32, #tpu.memory_space<hbm>>
      %dma_wait3A_133 = tpu.memref_squeeze %dma_wait3A_132 : memref<1x1x2x64xi32, #tpu.memory_space<hbm>> -> memref<2x64xi32, #tpu.memory_space<hbm>>
      tpu.wait_dma2 semaphore(%arg12 : memref<!tpu.dma_semaphore, #tpu.memory_space<semaphore_mem>>) src(%dma_wait3A_133 : memref<2x64xi32, #tpu.memory_space<hbm>>) dst(%dma_wait3A_129 : memref<2x64xi32, #tpu.memory_space<vmem>>)
      %dma_start3A_134 = arith.constant 1 : i32
      %dma_start3A_135 = arith.constant 0 : i32
      %dma_start3A_136 = arith.constant 0 : i32
      %dma_start3A_137 = tpu.memref_slice %arg5[%dma_start3A_134, %dma_start3A_135, %dma_start3A_136] : memref<2x2x64xi32, #tpu.memory_space<vmem>> -> memref<1x1x64xi32, #tpu.memory_space<vmem>>
      %dma_start3A_138 = tpu.memref_squeeze %dma_start3A_137 : memref<1x1x64xi32, #tpu.memory_space<vmem>> -> memref<64xi32, #tpu.memory_space<vmem>>
      %dma_start3A_139 = arith.constant 0 : i32
      %dma_start3A_140 = arith.constant 0 : i32
      %dma_start3A_141 = tpu.memref_slice %arg2[%dma_start3A_139, %dma_start3A_140] : memref<10000x128xf32, #tpu.memory_space<hbm>> -> memref<10000x128xf32, #tpu.memory_space<hbm>>
      tpu.enqueue_indirect_dma source(%dma_start3A_141 : memref<10000x128xf32, #tpu.memory_space<hbm>>) target(%arg7 : memref<64x128xf32, #tpu.memory_space<vmem>>) offsets(%dma_start3A_138 : memref<64xi32, #tpu.memory_space<vmem>>) semaphore(%arg10 : memref<!tpu.dma_semaphore, #tpu.memory_space<semaphore_mem>>)
      %run_scoped3A_142 = arith.constant 0 : i32
      %run_scoped3A_143 = arith.constant 1 : i32
      "tpu.region"() ({
        %run_scoped3A_216 = tpu.sem_alloc : memref<!tpu.dma_semaphore, #tpu.memory_space<semaphore_mem>>
        %dma_start3A_217 = arith.constant 0 : i32
        %dma_start3A_218 = tpu.memref_slice %arg5[%run_scoped3A_142, %run_scoped3A_143, %dma_start3A_217] : memref<2x2x64xi32, #tpu.memory_space<vmem>> -> memref<1x1x64xi32, #tpu.memory_space<vmem>>
        %dma_start3A_219 = tpu.memref_squeeze %dma_start3A_218 : memref<1x1x64xi32, #tpu.memory_space<vmem>> -> memref<64xi32, #tpu.memory_space<vmem>>
        %dma_start3A_220 = arith.constant 0 : i32
        %dma_start3A_221 = arith.constant 0 : i32
        %dma_start3A_222 = tpu.memref_slice %arg8[%dma_start3A_220, %dma_start3A_221] : memref<10112x128xf32, #tpu.memory_space<vmem_shared>> -> memref<10112x128xf32, #tpu.memory_space<vmem_shared>>
        tpu.enqueue_indirect_dma source(%arg6 : memref<64x128xf32, #tpu.memory_space<vmem>>) target(%dma_start3A_222 : memref<10112x128xf32, #tpu.memory_space<vmem_shared>>) offsets(%dma_start3A_219 : memref<64xi32, #tpu.memory_space<vmem>>) semaphore(%run_scoped3A_216 : memref<!tpu.dma_semaphore, #tpu.memory_space<semaphore_mem>>) {add = true}
        %dma_wait3A_223 = arith.constant 0 : i32
        %dma_wait3A_224 = tpu.memref_slice %arg5[%run_scoped3A_142, %run_scoped3A_143, %dma_wait3A_223] : memref<2x2x64xi32, #tpu.memory_space<vmem>> -> memref<1x1x64xi32, #tpu.memory_space<vmem>>
        %dma_wait3A_225 = tpu.memref_squeeze %dma_wait3A_224 : memref<1x1x64xi32, #tpu.memory_space<vmem>> -> memref<64xi32, #tpu.memory_space<vmem>>
        %dma_wait3A_226 = arith.constant 0 : i32
        %dma_wait3A_227 = arith.constant 0 : i32
        %dma_wait3A_228 = tpu.memref_slice %arg8[%dma_wait3A_226, %dma_wait3A_227] : memref<10112x128xf32, #tpu.memory_space<vmem_shared>> -> memref<10112x128xf32, #tpu.memory_space<vmem_shared>>
        tpu.wait_indirect_dma semaphore(%run_scoped3A_216 : memref<!tpu.dma_semaphore, #tpu.memory_space<semaphore_mem>>) src(%arg6 : memref<64x128xf32, #tpu.memory_space<vmem>>) dst(%dma_wait3A_228 : memref<10112x128xf32, #tpu.memory_space<vmem_shared>>)
        tpu.yield
      }) : () -> ()
      %add3A_144 = arith.constant 2 : i32
      %add3A_145 = arith.addi %mul3A_109, %add3A_144 : i32
      %dma_start3A_146 = arith.constant 0 : i32
      %dma_start3A_147 = arith.constant 0 : i32
      %dma_start3A_148 = arith.constant 0 : i32
      %dma_start3A_149 = tpu.memref_slice %arg5[%dma_start3A_146, %dma_start3A_147, %dma_start3A_148] : memref<2x2x64xi32, #tpu.memory_space<vmem>> -> memref<1x2x64xi32, #tpu.memory_space<vmem>>
      %dma_start3A_150 = tpu.memref_squeeze %dma_start3A_149 : memref<1x2x64xi32, #tpu.memory_space<vmem>> -> memref<2x64xi32, #tpu.memory_space<vmem>>
      %dma_start3A_151 = arith.constant 0 : i32
      %dma_start3A_152 = arith.constant 0 : i32
      %dma_start3A_153 = tpu.memref_slice %arg3[%add3A, %add3A_145, %dma_start3A_151, %dma_start3A_152] : memref<32x162x2x64xi32, #tpu.memory_space<hbm>> -> memref<1x1x2x64xi32, #tpu.memory_space<hbm>>
      %dma_start3A_154 = tpu.memref_squeeze %dma_start3A_153 : memref<1x1x2x64xi32, #tpu.memory_space<hbm>> -> memref<2x64xi32, #tpu.memory_space<hbm>>
      %dma_start3A_155 = arith.constant 0 : i32
      %dma_start3A_156 = arith.constant 0 : i32
      %dma_start3A_157 = tpu.memref_slice %arg5[%dma_start3A_146, %dma_start3A_155, %dma_start3A_156] : memref<2x2x64xi32, #tpu.memory_space<vmem>> -> memref<1x2x64xi32, #tpu.memory_space<vmem>>
      %dma_start3A_158 = tpu.memref_squeeze %dma_start3A_157 : memref<1x2x64xi32, #tpu.memory_space<vmem>> -> memref<2x64xi32, #tpu.memory_space<vmem>>
      %dma_start3A_159 = arith.constant 0 : i32
      %dma_start3A_160 = arith.constant 0 : i32
      %dma_start3A_161 = tpu.memref_slice %arg3[%add3A, %add3A_145, %dma_start3A_159, %dma_start3A_160] : memref<32x162x2x64xi32, #tpu.memory_space<hbm>> -> memref<1x1x2x64xi32, #tpu.memory_space<hbm>>
      %dma_start3A_162 = tpu.memref_squeeze %dma_start3A_161 : memref<1x1x2x64xi32, #tpu.memory_space<hbm>> -> memref<2x64xi32, #tpu.memory_space<hbm>>
      tpu.enqueue_dma source(%dma_start3A_162 : memref<2x64xi32, #tpu.memory_space<hbm>>) target(%dma_start3A_158 : memref<2x64xi32, #tpu.memory_space<vmem>>) target_semaphore(%arg11 : memref<!tpu.dma_semaphore, #tpu.memory_space<semaphore_mem>>)
      %dma_wait3A_163 = arith.constant 0 : i32
      %dma_wait3A_164 = arith.constant 0 : i32
      %dma_wait3A_165 = tpu.memref_slice %arg2[%dma_wait3A_163, %dma_wait3A_164] : memref<10000x128xf32, #tpu.memory_space<hbm>> -> memref<64x128xf32, #tpu.memory_space<hbm>>
      %dma_wait3A_166 = arith.constant 0 : i32
      %dma_wait3A_167 = arith.constant 0 : i32
      %dma_wait3A_168 = tpu.memref_slice %arg2[%dma_wait3A_166, %dma_wait3A_167] : memref<10000x128xf32, #tpu.memory_space<hbm>> -> memref<64x128xf32, #tpu.memory_space<hbm>>
      tpu.wait_dma2 semaphore(%arg10 : memref<!tpu.dma_semaphore, #tpu.memory_space<semaphore_mem>>) src(%dma_wait3A_168 : memref<64x128xf32, #tpu.memory_space<hbm>>) dst(%arg7 : memref<64x128xf32, #tpu.memory_space<vmem>>)
      %dma_wait3A_169 = arith.constant 0 : i32
      %dma_wait3A_170 = arith.constant 0 : i32
      %dma_wait3A_171 = arith.constant 0 : i32
      %dma_wait3A_172 = arith.constant 0 : i32
      %dma_wait3A_173 = tpu.memref_slice %arg5[%dma_wait3A_170, %dma_wait3A_171, %dma_wait3A_172] : memref<2x2x64xi32, #tpu.memory_space<vmem>> -> memref<1x2x64xi32, #tpu.memory_space<vmem>>
      %dma_wait3A_174 = tpu.memref_squeeze %dma_wait3A_173 : memref<1x2x64xi32, #tpu.memory_space<vmem>> -> memref<2x64xi32, #tpu.memory_space<vmem>>
      %dma_wait3A_175 = arith.constant 0 : i32
      %dma_wait3A_176 = arith.constant 0 : i32
      %dma_wait3A_177 = tpu.memref_slice %arg3[%add3A, %dma_wait3A_169, %dma_wait3A_175, %dma_wait3A_176] : memref<32x162x2x64xi32, #tpu.memory_space<hbm>> -> memref<1x1x2x64xi32, #tpu.memory_space<hbm>>
      %dma_wait3A_178 = tpu.memref_squeeze %dma_wait3A_177 : memref<1x1x2x64xi32, #tpu.memory_space<hbm>> -> memref<2x64xi32, #tpu.memory_space<hbm>>
      %dma_wait3A_179 = arith.constant 0 : i32
      %dma_wait3A_180 = arith.constant 0 : i32
      %dma_wait3A_181 = tpu.memref_slice %arg5[%dma_wait3A_170, %dma_wait3A_179, %dma_wait3A_180] : memref<2x2x64xi32, #tpu.memory_space<vmem>> -> memref<1x2x64xi32, #tpu.memory_space<vmem>>
      %dma_wait3A_182 = tpu.memref_squeeze %dma_wait3A_181 : memref<1x2x64xi32, #tpu.memory_space<vmem>> -> memref<2x64xi32, #tpu.memory_space<vmem>>
      %dma_wait3A_183 = arith.constant 0 : i32
      %dma_wait3A_184 = arith.constant 0 : i32
      %dma_wait3A_185 = tpu.memref_slice %arg3[%add3A, %dma_wait3A_169, %dma_wait3A_183, %dma_wait3A_184] : memref<32x162x2x64xi32, #tpu.memory_space<hbm>> -> memref<1x1x2x64xi32, #tpu.memory_space<hbm>>
      %dma_wait3A_186 = tpu.memref_squeeze %dma_wait3A_185 : memref<1x1x2x64xi32, #tpu.memory_space<hbm>> -> memref<2x64xi32, #tpu.memory_space<hbm>>
      tpu.wait_dma2 semaphore(%arg11 : memref<!tpu.dma_semaphore, #tpu.memory_space<semaphore_mem>>) src(%dma_wait3A_186 : memref<2x64xi32, #tpu.memory_space<hbm>>) dst(%dma_wait3A_182 : memref<2x64xi32, #tpu.memory_space<vmem>>)
      %dma_start3A_187 = arith.constant 0 : i32
      %dma_start3A_188 = arith.constant 0 : i32
      %dma_start3A_189 = arith.constant 0 : i32
      %dma_start3A_190 = tpu.memref_slice %arg5[%dma_start3A_187, %dma_start3A_188, %dma_start3A_189] : memref<2x2x64xi32, #tpu.memory_space<vmem>> -> memref<1x1x64xi32, #tpu.memory_space<vmem>>
      %dma_start3A_191 = tpu.memref_squeeze %dma_start3A_190 : memref<1x1x64xi32, #tpu.memory_space<vmem>> -> memref<64xi32, #tpu.memory_space<vmem>>
      %dma_start3A_192 = arith.constant 0 : i32
      %dma_start3A_193 = arith.constant 0 : i32
      %dma_start3A_194 = tpu.memref_slice %arg2[%dma_start3A_192, %dma_start3A_193] : memref<10000x128xf32, #tpu.memory_space<hbm>> -> memref<10000x128xf32, #tpu.memory_space<hbm>>
      tpu.enqueue_indirect_dma source(%dma_start3A_194 : memref<10000x128xf32, #tpu.memory_space<hbm>>) target(%arg6 : memref<64x128xf32, #tpu.memory_space<vmem>>) offsets(%dma_start3A_191 : memref<64xi32, #tpu.memory_space<vmem>>) semaphore(%arg9 : memref<!tpu.dma_semaphore, #tpu.memory_space<semaphore_mem>>)
      %run_scoped3A_195 = arith.constant 1 : i32
      %run_scoped3A_196 = arith.constant 1 : i32
      "tpu.region"() ({
        %run_scoped3A_216 = tpu.sem_alloc : memref<!tpu.dma_semaphore, #tpu.memory_space<semaphore_mem>>
        %dma_start3A_217 = arith.constant 0 : i32
        %dma_start3A_218 = tpu.memref_slice %arg5[%run_scoped3A_195, %run_scoped3A_196, %dma_start3A_217] : memref<2x2x64xi32, #tpu.memory_space<vmem>> -> memref<1x1x64xi32, #tpu.memory_space<vmem>>
        %dma_start3A_219 = tpu.memref_squeeze %dma_start3A_218 : memref<1x1x64xi32, #tpu.memory_space<vmem>> -> memref<64xi32, #tpu.memory_space<vmem>>
        %dma_start3A_220 = arith.constant 0 : i32
        %dma_start3A_221 = arith.constant 0 : i32
        %dma_start3A_222 = tpu.memref_slice %arg8[%dma_start3A_220, %dma_start3A_221] : memref<10112x128xf32, #tpu.memory_space<vmem_shared>> -> memref<10112x128xf32, #tpu.memory_space<vmem_shared>>
        tpu.enqueue_indirect_dma source(%arg7 : memref<64x128xf32, #tpu.memory_space<vmem>>) target(%dma_start3A_222 : memref<10112x128xf32, #tpu.memory_space<vmem_shared>>) offsets(%dma_start3A_219 : memref<64xi32, #tpu.memory_space<vmem>>) semaphore(%run_scoped3A_216 : memref<!tpu.dma_semaphore, #tpu.memory_space<semaphore_mem>>) {add = true}
        %dma_wait3A_223 = arith.constant 0 : i32
        %dma_wait3A_224 = tpu.memref_slice %arg5[%run_scoped3A_195, %run_scoped3A_196, %dma_wait3A_223] : memref<2x2x64xi32, #tpu.memory_space<vmem>> -> memref<1x1x64xi32, #tpu.memory_space<vmem>>
        %dma_wait3A_225 = tpu.memref_squeeze %dma_wait3A_224 : memref<1x1x64xi32, #tpu.memory_space<vmem>> -> memref<64xi32, #tpu.memory_space<vmem>>
        %dma_wait3A_226 = arith.constant 0 : i32
        %dma_wait3A_227 = arith.constant 0 : i32
        %dma_wait3A_228 = tpu.memref_slice %arg8[%dma_wait3A_226, %dma_wait3A_227] : memref<10112x128xf32, #tpu.memory_space<vmem_shared>> -> memref<10112x128xf32, #tpu.memory_space<vmem_shared>>
        tpu.wait_indirect_dma semaphore(%run_scoped3A_216 : memref<!tpu.dma_semaphore, #tpu.memory_space<semaphore_mem>>) src(%arg7 : memref<64x128xf32, #tpu.memory_space<vmem>>) dst(%dma_wait3A_228 : memref<10112x128xf32, #tpu.memory_space<vmem_shared>>)
        tpu.yield
      }) : () -> ()
      %add3A_197 = arith.constant 3 : i32
      %add3A_198 = arith.addi %mul3A_109, %add3A_197 : i32
      %dma_start3A_199 = arith.constant 1 : i32
      %dma_start3A_200 = arith.constant 0 : i32
      %dma_start3A_201 = arith.constant 0 : i32
      %dma_start3A_202 = tpu.memref_slice %arg5[%dma_start3A_199, %dma_start3A_200, %dma_start3A_201] : memref<2x2x64xi32, #tpu.memory_space<vmem>> -> memref<1x2x64xi32, #tpu.memory_space<vmem>>
      %dma_start3A_203 = tpu.memref_squeeze %dma_start3A_202 : memref<1x2x64xi32, #tpu.memory_space<vmem>> -> memref<2x64xi32, #tpu.memory_space<vmem>>
      %dma_start3A_204 = arith.constant 0 : i32
      %dma_start3A_205 = arith.constant 0 : i32
      %dma_start3A_206 = tpu.memref_slice %arg3[%add3A, %add3A_198, %dma_start3A_204, %dma_start3A_205] : memref<32x162x2x64xi32, #tpu.memory_space<hbm>> -> memref<1x1x2x64xi32, #tpu.memory_space<hbm>>
      %dma_start3A_207 = tpu.memref_squeeze %dma_start3A_206 : memref<1x1x2x64xi32, #tpu.memory_space<hbm>> -> memref<2x64xi32, #tpu.memory_space<hbm>>
      %dma_start3A_208 = arith.constant 0 : i32
      %dma_start3A_209 = arith.constant 0 : i32
      %dma_start3A_210 = tpu.memref_slice %arg5[%dma_start3A_199, %dma_start3A_208, %dma_start3A_209] : memref<2x2x64xi32, #tpu.memory_space<vmem>> -> memref<1x2x64xi32, #tpu.memory_space<vmem>>
      %dma_start3A_211 = tpu.memref_squeeze %dma_start3A_210 : memref<1x2x64xi32, #tpu.memory_space<vmem>> -> memref<2x64xi32, #tpu.memory_space<vmem>>
      %dma_start3A_212 = arith.constant 0 : i32
      %dma_start3A_213 = arith.constant 0 : i32
      %dma_start3A_214 = tpu.memref_slice %arg3[%add3A, %add3A_198, %dma_start3A_212, %dma_start3A_213] : memref<32x162x2x64xi32, #tpu.memory_space<hbm>> -> memref<1x1x2x64xi32, #tpu.memory_space<hbm>>
      %dma_start3A_215 = tpu.memref_squeeze %dma_start3A_214 : memref<1x1x2x64xi32, #tpu.memory_space<hbm>> -> memref<2x64xi32, #tpu.memory_space<hbm>>
      tpu.enqueue_dma source(%dma_start3A_215 : memref<2x64xi32, #tpu.memory_space<hbm>>) target(%dma_start3A_211 : memref<2x64xi32, #tpu.memory_space<vmem>>) target_semaphore(%arg12 : memref<!tpu.dma_semaphore, #tpu.memory_space<semaphore_mem>>)
    }
    %scan3A_78 = arith.constant 80 : i32
    %dma_wait3A = arith.constant 0 : i32
    %dma_wait3A_79 = arith.constant 0 : i32
    %dma_wait3A_80 = tpu.memref_slice %arg2[%dma_wait3A, %dma_wait3A_79] : memref<10000x128xf32, #tpu.memory_space<hbm>> -> memref<64x128xf32, #tpu.memory_space<hbm>>
    %dma_wait3A_81 = arith.constant 0 : i32
    %dma_wait3A_82 = arith.constant 0 : i32
    %dma_wait3A_83 = tpu.memref_slice %arg2[%dma_wait3A_81, %dma_wait3A_82] : memref<10000x128xf32, #tpu.memory_space<hbm>> -> memref<64x128xf32, #tpu.memory_space<hbm>>
    tpu.wait_dma2 semaphore(%arg9 : memref<!tpu.dma_semaphore, #tpu.memory_space<semaphore_mem>>) src(%dma_wait3A_83 : memref<64x128xf32, #tpu.memory_space<hbm>>) dst(%arg6 : memref<64x128xf32, #tpu.memory_space<vmem>>)
    %dma_wait3A_84 = arith.constant 0 : i32
    %dma_wait3A_85 = arith.constant 1 : i32
    %dma_wait3A_86 = arith.constant 0 : i32
    %dma_wait3A_87 = arith.constant 0 : i32
    %dma_wait3A_88 = tpu.memref_slice %arg5[%dma_wait3A_85, %dma_wait3A_86, %dma_wait3A_87] : memref<2x2x64xi32, #tpu.memory_space<vmem>> -> memref<1x2x64xi32, #tpu.memory_space<vmem>>
    %dma_wait3A_89 = tpu.memref_squeeze %dma_wait3A_88 : memref<1x2x64xi32, #tpu.memory_space<vmem>> -> memref<2x64xi32, #tpu.memory_space<vmem>>
    %dma_wait3A_90 = arith.constant 0 : i32
    %dma_wait3A_91 = arith.constant 0 : i32
    %dma_wait3A_92 = tpu.memref_slice %arg3[%add3A, %dma_wait3A_84, %dma_wait3A_90, %dma_wait3A_91] : memref<32x162x2x64xi32, #tpu.memory_space<hbm>> -> memref<1x1x2x64xi32, #tpu.memory_space<hbm>>
    %dma_wait3A_93 = tpu.memref_squeeze %dma_wait3A_92 : memref<1x1x2x64xi32, #tpu.memory_space<hbm>> -> memref<2x64xi32, #tpu.memory_space<hbm>>
    %dma_wait3A_94 = arith.constant 0 : i32
    %dma_wait3A_95 = arith.constant 0 : i32
    %dma_wait3A_96 = tpu.memref_slice %arg5[%dma_wait3A_85, %dma_wait3A_94, %dma_wait3A_95] : memref<2x2x64xi32, #tpu.memory_space<vmem>> -> memref<1x2x64xi32, #tpu.memory_space<vmem>>
    %dma_wait3A_97 = tpu.memref_squeeze %dma_wait3A_96 : memref<1x2x64xi32, #tpu.memory_space<vmem>> -> memref<2x64xi32, #tpu.memory_space<vmem>>
    %dma_wait3A_98 = arith.constant 0 : i32
    %dma_wait3A_99 = arith.constant 0 : i32
    %dma_wait3A_100 = tpu.memref_slice %arg3[%add3A, %dma_wait3A_84, %dma_wait3A_98, %dma_wait3A_99] : memref<32x162x2x64xi32, #tpu.memory_space<hbm>> -> memref<1x1x2x64xi32, #tpu.memory_space<hbm>>
    %dma_wait3A_101 = tpu.memref_squeeze %dma_wait3A_100 : memref<1x1x2x64xi32, #tpu.memory_space<hbm>> -> memref<2x64xi32, #tpu.memory_space<hbm>>
    tpu.wait_dma2 semaphore(%arg12 : memref<!tpu.dma_semaphore, #tpu.memory_space<semaphore_mem>>) src(%dma_wait3A_101 : memref<2x64xi32, #tpu.memory_space<hbm>>) dst(%dma_wait3A_97 : memref<2x64xi32, #tpu.memory_space<vmem>>)
    %barrier3A_102 = arith.constant 0 : index
    tpu.barrier barrier_id(%barrier3A_102)
    %mul3A_103 = arith.constant 632 : i32
    %mul3A_104 = arith.muli %arg1, %mul3A_103 : i32
    %mul3A_105 = arith.constant 632 : i32
    %mul3A_106 = arith.muli %arg1, %mul3A_105 : i32
    "tpu.region"() ({
      %run_scoped3A_107 = tpu.sem_alloc : memref<!tpu.dma_semaphore, #tpu.memory_space<semaphore_mem>>
      %dma_start3A_108 = arith.constant 0 : i32
      %dma_start3A_109 = tpu.memref_slice %arg4[%arg0, %mul3A_106, %dma_start3A_108] : memref<2x10112x128xf32, #tpu.memory_space<hbm>> -> memref<1x632x128xf32, #tpu.memory_space<hbm>>
      %dma_start3A_110 = tpu.memref_squeeze %dma_start3A_109 : memref<1x632x128xf32, #tpu.memory_space<hbm>> -> memref<632x128xf32, #tpu.memory_space<hbm>>
      %dma_start3A_111 = arith.constant 0 : i32
      %dma_start3A_112 = tpu.memref_slice %arg8[%mul3A_104, %dma_start3A_111] : memref<10112x128xf32, #tpu.memory_space<vmem_shared>> -> memref<632x128xf32, #tpu.memory_space<vmem_shared>>
      tpu.enqueue_dma source(%dma_start3A_112 : memref<632x128xf32, #tpu.memory_space<vmem_shared>>) target(%dma_start3A_110 : memref<632x128xf32, #tpu.memory_space<hbm>>) target_semaphore(%run_scoped3A_107 : memref<!tpu.dma_semaphore, #tpu.memory_space<semaphore_mem>>)
      %dma_wait3A_113 = arith.constant 0 : i32
      %dma_wait3A_114 = tpu.memref_slice %arg4[%arg0, %mul3A_106, %dma_wait3A_113] : memref<2x10112x128xf32, #tpu.memory_space<hbm>> -> memref<1x632x128xf32, #tpu.memory_space<hbm>>
      %dma_wait3A_115 = tpu.memref_squeeze %dma_wait3A_114 : memref<1x632x128xf32, #tpu.memory_space<hbm>> -> memref<632x128xf32, #tpu.memory_space<hbm>>
      %dma_wait3A_116 = arith.constant 0 : i32
      %dma_wait3A_117 = tpu.memref_slice %arg8[%mul3A_104, %dma_wait3A_116] : memref<10112x128xf32, #tpu.memory_space<vmem_shared>> -> memref<632x128xf32, #tpu.memory_space<vmem_shared>>
      tpu.wait_dma2 semaphore(%run_scoped3A_107 : memref<!tpu.dma_semaphore, #tpu.memory_space<semaphore_mem>>) src(%dma_wait3A_117 : memref<632x128xf32, #tpu.memory_space<vmem_shared>>) dst(%dma_wait3A_115 : memref<632x128xf32, #tpu.memory_space<hbm>>)
      tpu.yield
    }) : () -> ()
    return
  }
}

#map = affine_map<(d0, d1) -> (0, 0, 0, 0)>
#map1 = affine_map<(d0, d1) -> (0, 0)>
module attributes {stable_mosaic.version = 14 : i64} {
  func.func @run(%arg0: i32, %arg1: i32, %arg2: memref<32x162x2x64xi32, #tpu.memory_space<hbm>>, %arg3: memref<32x10112xf32, #tpu.memory_space<hbm>>, %arg4: memref<2x2x64xi32, #tpu.memory_space<vmem>>, %arg5: memref<10112xf32, #tpu.memory_space<vmem>>, %arg6: memref<!tpu.dma_semaphore, #tpu.memory_space<semaphore_mem>>, %arg7: memref<!tpu.dma_semaphore, #tpu.memory_space<semaphore_mem>>) attributes {dimension_semantics = [#tpu.dimension_semantics<core_parallel>, #tpu.dimension_semantics<subcore_parallel>], iteration_bounds = array<i64: 2, 16>, scalar_prefetch = 0 : i64, scratch_operands = 4 : i64, tpu.core_type = #tpu.core_type<sc_vector_subcore>, window_params = [{transform_indices = #map}, {transform_indices = #map1}]} {
    %mul3A = arith.constant 2 : i32
    %mul3A_0 = arith.muli %arg1, %mul3A : i32
    %add3A = arith.addi %mul3A_0, %arg0 : i32
    %broadcast_in_dim3A = arith.constant 0.000000e+00 : f32
    %broadcast_in_dim3A_1 = vector.broadcast %broadcast_in_dim3A : f32 to vector<16xf32>
    %broadcast_in_dim3A_2 = arith.constant 1.000000e+00 : f32
    %broadcast_in_dim3A_3 = vector.broadcast %broadcast_in_dim3A_2 : f32 to vector<16xf32>
    %scan3A = arith.constant 0 : i32
    %scan3A_4 = arith.constant 0 : i32
    %scan3A_5 = arith.constant 632 : i32
    %scan3A_6 = arith.addi %scan3A_4, %scan3A_5 : i32
    %scan3A_7 = arith.constant 1 : i32
    scf.for %scan3A_50 = %scan3A_4 to %scan3A_6 step %scan3A_7  : i32 {
      %mul3A_51 = arith.constant 16 : i32
      %mul3A_52 = arith.muli %scan3A_50, %mul3A_51 : i32
      %swap3A = arith.index_cast %mul3A_52 : i32 to index
      %swap3A_53 = tpu.vector_load %arg5[%swap3A] {strides = array<i32>} : memref<10112xf32, #tpu.memory_space<vmem>>, vector<16xf32>,
      tpu.vector_store %arg5[%swap3A], %broadcast_in_dim3A_1 {strides = array<i32>} : memref<10112xf32, #tpu.memory_space<vmem>>, vector<16xf32>,
    }
    %scan3A_8 = arith.constant 632 : i32
    %run_scoped3A = arith.constant 0 : i32
    %run_scoped3A_9 = arith.constant 0 : i32
    "tpu.region"() ({
      %run_scoped3A_50 = tpu.sem_alloc : memref<!tpu.dma_semaphore, #tpu.memory_space<semaphore_mem>>
      %dma_start3A_51 = arith.constant 0 : i32
      %dma_start3A_52 = arith.constant 0 : i32
      %dma_start3A_53 = tpu.memref_slice %arg4[%run_scoped3A_9, %dma_start3A_51, %dma_start3A_52] : memref<2x2x64xi32, #tpu.memory_space<vmem>> -> memref<1x2x64xi32, #tpu.memory_space<vmem>>
      %dma_start3A_54 = tpu.memref_squeeze %dma_start3A_53 : memref<1x2x64xi32, #tpu.memory_space<vmem>> -> memref<2x64xi32, #tpu.memory_space<vmem>>
      %dma_start3A_55 = arith.constant 0 : i32
      %dma_start3A_56 = arith.constant 0 : i32
      %dma_start3A_57 = tpu.memref_slice %arg2[%add3A, %run_scoped3A, %dma_start3A_55, %dma_start3A_56] : memref<32x162x2x64xi32, #tpu.memory_space<hbm>> -> memref<1x1x2x64xi32, #tpu.memory_space<hbm>>
      %dma_start3A_58 = tpu.memref_squeeze %dma_start3A_57 : memref<1x1x2x64xi32, #tpu.memory_space<hbm>> -> memref<2x64xi32, #tpu.memory_space<hbm>>
      %dma_start3A_59 = arith.constant 0 : i32
      %dma_start3A_60 = arith.constant 0 : i32
      %dma_start3A_61 = tpu.memref_slice %arg4[%run_scoped3A_9, %dma_start3A_59, %dma_start3A_60] : memref<2x2x64xi32, #tpu.memory_space<vmem>> -> memref<1x2x64xi32, #tpu.memory_space<vmem>>
      %dma_start3A_62 = tpu.memref_squeeze %dma_start3A_61 : memref<1x2x64xi32, #tpu.memory_space<vmem>> -> memref<2x64xi32, #tpu.memory_space<vmem>>
      %dma_start3A_63 = arith.constant 0 : i32
      %dma_start3A_64 = arith.constant 0 : i32
      %dma_start3A_65 = tpu.memref_slice %arg2[%add3A, %run_scoped3A, %dma_start3A_63, %dma_start3A_64] : memref<32x162x2x64xi32, #tpu.memory_space<hbm>> -> memref<1x1x2x64xi32, #tpu.memory_space<hbm>>
      %dma_start3A_66 = tpu.memref_squeeze %dma_start3A_65 : memref<1x1x2x64xi32, #tpu.memory_space<hbm>> -> memref<2x64xi32, #tpu.memory_space<hbm>>
      tpu.enqueue_dma source(%dma_start3A_66 : memref<2x64xi32, #tpu.memory_space<hbm>>) target(%dma_start3A_62 : memref<2x64xi32, #tpu.memory_space<vmem>>) target_semaphore(%run_scoped3A_50 : memref<!tpu.dma_semaphore, #tpu.memory_space<semaphore_mem>>)
      %dma_wait3A_67 = arith.constant 0 : i32
      %dma_wait3A_68 = arith.constant 0 : i32
      %dma_wait3A_69 = tpu.memref_slice %arg4[%run_scoped3A_9, %dma_wait3A_67, %dma_wait3A_68] : memref<2x2x64xi32, #tpu.memory_space<vmem>> -> memref<1x2x64xi32, #tpu.memory_space<vmem>>
      %dma_wait3A_70 = tpu.memref_squeeze %dma_wait3A_69 : memref<1x2x64xi32, #tpu.memory_space<vmem>> -> memref<2x64xi32, #tpu.memory_space<vmem>>
      %dma_wait3A_71 = arith.constant 0 : i32
      %dma_wait3A_72 = arith.constant 0 : i32
      %dma_wait3A_73 = tpu.memref_slice %arg2[%add3A, %run_scoped3A, %dma_wait3A_71, %dma_wait3A_72] : memref<32x162x2x64xi32, #tpu.memory_space<hbm>> -> memref<1x1x2x64xi32, #tpu.memory_space<hbm>>
      %dma_wait3A_74 = tpu.memref_squeeze %dma_wait3A_73 : memref<1x1x2x64xi32, #tpu.memory_space<hbm>> -> memref<2x64xi32, #tpu.memory_space<hbm>>
      %dma_wait3A_75 = arith.constant 0 : i32
      %dma_wait3A_76 = arith.constant 0 : i32
      %dma_wait3A_77 = tpu.memref_slice %arg4[%run_scoped3A_9, %dma_wait3A_75, %dma_wait3A_76] : memref<2x2x64xi32, #tpu.memory_space<vmem>> -> memref<1x2x64xi32, #tpu.memory_space<vmem>>
      %dma_wait3A_78 = tpu.memref_squeeze %dma_wait3A_77 : memref<1x2x64xi32, #tpu.memory_space<vmem>> -> memref<2x64xi32, #tpu.memory_space<vmem>>
      %dma_wait3A_79 = arith.constant 0 : i32
      %dma_wait3A_80 = arith.constant 0 : i32
      %dma_wait3A_81 = tpu.memref_slice %arg2[%add3A, %run_scoped3A, %dma_wait3A_79, %dma_wait3A_80] : memref<32x162x2x64xi32, #tpu.memory_space<hbm>> -> memref<1x1x2x64xi32, #tpu.memory_space<hbm>>
      %dma_wait3A_82 = tpu.memref_squeeze %dma_wait3A_81 : memref<1x1x2x64xi32, #tpu.memory_space<hbm>> -> memref<2x64xi32, #tpu.memory_space<hbm>>
      tpu.wait_dma2 semaphore(%run_scoped3A_50 : memref<!tpu.dma_semaphore, #tpu.memory_space<semaphore_mem>>) src(%dma_wait3A_82 : memref<2x64xi32, #tpu.memory_space<hbm>>) dst(%dma_wait3A_78 : memref<2x64xi32, #tpu.memory_space<vmem>>)
      tpu.yield
    }) : () -> ()
    %dma_start3A = arith.constant 1 : i32
    %dma_start3A_10 = arith.constant 1 : i32
    %dma_start3A_11 = arith.constant 0 : i32
    %dma_start3A_12 = arith.constant 0 : i32
    %dma_start3A_13 = tpu.memref_slice %arg4[%dma_start3A_10, %dma_start3A_11, %dma_start3A_12] : memref<2x2x64xi32, #tpu.memory_space<vmem>> -> memref<1x2x64xi32, #tpu.memory_space<vmem>>
    %dma_start3A_14 = tpu.memref_squeeze %dma_start3A_13 : memref<1x2x64xi32, #tpu.memory_space<vmem>> -> memref<2x64xi32, #tpu.memory_space<vmem>>
    %dma_start3A_15 = arith.constant 0 : i32
    %dma_start3A_16 = arith.constant 0 : i32
    %dma_start3A_17 = tpu.memref_slice %arg2[%add3A, %dma_start3A, %dma_start3A_15, %dma_start3A_16] : memref<32x162x2x64xi32, #tpu.memory_space<hbm>> -> memref<1x1x2x64xi32, #tpu.memory_space<hbm>>
    %dma_start3A_18 = tpu.memref_squeeze %dma_start3A_17 : memref<1x1x2x64xi32, #tpu.memory_space<hbm>> -> memref<2x64xi32, #tpu.memory_space<hbm>>
    %dma_start3A_19 = arith.constant 0 : i32
    %dma_start3A_20 = arith.constant 0 : i32
    %dma_start3A_21 = tpu.memref_slice %arg4[%dma_start3A_10, %dma_start3A_19, %dma_start3A_20] : memref<2x2x64xi32, #tpu.memory_space<vmem>> -> memref<1x2x64xi32, #tpu.memory_space<vmem>>
    %dma_start3A_22 = tpu.memref_squeeze %dma_start3A_21 : memref<1x2x64xi32, #tpu.memory_space<vmem>> -> memref<2x64xi32, #tpu.memory_space<vmem>>
    %dma_start3A_23 = arith.constant 0 : i32
    %dma_start3A_24 = arith.constant 0 : i32
    %dma_start3A_25 = tpu.memref_slice %arg2[%add3A, %dma_start3A, %dma_start3A_23, %dma_start3A_24] : memref<32x162x2x64xi32, #tpu.memory_space<hbm>> -> memref<1x1x2x64xi32, #tpu.memory_space<hbm>>
    %dma_start3A_26 = tpu.memref_squeeze %dma_start3A_25 : memref<1x1x2x64xi32, #tpu.memory_space<hbm>> -> memref<2x64xi32, #tpu.memory_space<hbm>>
    tpu.enqueue_dma source(%dma_start3A_26 : memref<2x64xi32, #tpu.memory_space<hbm>>) target(%dma_start3A_22 : memref<2x64xi32, #tpu.memory_space<vmem>>) target_semaphore(%arg7 : memref<!tpu.dma_semaphore, #tpu.memory_space<semaphore_mem>>)
    %scan3A_27 = arith.constant 0 : i32
    %scan3A_28 = arith.constant 0 : i32
    %scan3A_29 = arith.constant 80 : i32
    %scan3A_30 = arith.addi %scan3A_28, %scan3A_29 : i32
    %scan3A_31 = arith.constant 1 : i32
    scf.for %scan3A_50 = %scan3A_28 to %scan3A_30 step %scan3A_31  : i32 {
      %mul3A_51 = arith.constant 2 : i32
      %mul3A_52 = arith.muli %scan3A_50, %mul3A_51 : i32
      %get3A = arith.constant 0 : i32
      %get3A_53 = arith.constant 1 : i32
      %get3A_54 = arith.index_cast %get3A : i32 to index
      %get3A_55 = arith.index_cast %get3A_53 : i32 to index
      %get3A_56 = arith.constant 0 : index
      %get3A_57 = tpu.vector_load %arg4[%get3A_54, %get3A_55, %get3A_56] {strides = array<i32>} : memref<2x2x64xi32, #tpu.memory_space<vmem>>, vector<16xi32>,
      tpu.vector_store_idx %arg5[%get3A_57], %broadcast_in_dim3A_3 {add = true} : memref<10112xf32, #tpu.memory_space<vmem>>[vector<16xi32>], vector<16xf32>,
      %get3A_58 = arith.constant 0 : i32
      %get3A_59 = arith.constant 1 : i32
      %get3A_60 = arith.index_cast %get3A_58 : i32 to index
      %get3A_61 = arith.index_cast %get3A_59 : i32 to index
      %get3A_62 = arith.constant 16 : index
      %get3A_63 = tpu.vector_load %arg4[%get3A_60, %get3A_61, %get3A_62] {strides = array<i32>} : memref<2x2x64xi32, #tpu.memory_space<vmem>>, vector<16xi32>,
      tpu.vector_store_idx %arg5[%get3A_63], %broadcast_in_dim3A_3 {add = true} : memref<10112xf32, #tpu.memory_space<vmem>>[vector<16xi32>], vector<16xf32>,
      %get3A_64 = arith.constant 0 : i32
      %get3A_65 = arith.constant 1 : i32
      %get3A_66 = arith.index_cast %get3A_64 : i32 to index
      %get3A_67 = arith.index_cast %get3A_65 : i32 to index
      %get3A_68 = arith.constant 32 : index
      %get3A_69 = tpu.vector_load %arg4[%get3A_66, %get3A_67, %get3A_68] {strides = array<i32>} : memref<2x2x64xi32, #tpu.memory_space<vmem>>, vector<16xi32>,
      tpu.vector_store_idx %arg5[%get3A_69], %broadcast_in_dim3A_3 {add = true} : memref<10112xf32, #tpu.memory_space<vmem>>[vector<16xi32>], vector<16xf32>,
      %get3A_70 = arith.constant 0 : i32
      %get3A_71 = arith.constant 1 : i32
      %get3A_72 = arith.index_cast %get3A_70 : i32 to index
      %get3A_73 = arith.index_cast %get3A_71 : i32 to index
      %get3A_74 = arith.constant 48 : index
      %get3A_75 = tpu.vector_load %arg4[%get3A_72, %get3A_73, %get3A_74] {strides = array<i32>} : memref<2x2x64xi32, #tpu.memory_space<vmem>>, vector<16xi32>,
      tpu.vector_store_idx %arg5[%get3A_75], %broadcast_in_dim3A_3 {add = true} : memref<10112xf32, #tpu.memory_space<vmem>>[vector<16xi32>], vector<16xf32>,
      %add3A_76 = arith.constant 2 : i32
      %add3A_77 = arith.addi %mul3A_52, %add3A_76 : i32
      %dma_start3A_78 = arith.constant 0 : i32
      %dma_start3A_79 = arith.constant 0 : i32
      %dma_start3A_80 = arith.constant 0 : i32
      %dma_start3A_81 = tpu.memref_slice %arg4[%dma_start3A_78, %dma_start3A_79, %dma_start3A_80] : memref<2x2x64xi32, #tpu.memory_space<vmem>> -> memref<1x2x64xi32, #tpu.memory_space<vmem>>
      %dma_start3A_82 = tpu.memref_squeeze %dma_start3A_81 : memref<1x2x64xi32, #tpu.memory_space<vmem>> -> memref<2x64xi32, #tpu.memory_space<vmem>>
      %dma_start3A_83 = arith.constant 0 : i32
      %dma_start3A_84 = arith.constant 0 : i32
      %dma_start3A_85 = tpu.memref_slice %arg2[%add3A, %add3A_77, %dma_start3A_83, %dma_start3A_84] : memref<32x162x2x64xi32, #tpu.memory_space<hbm>> -> memref<1x1x2x64xi32, #tpu.memory_space<hbm>>
      %dma_start3A_86 = tpu.memref_squeeze %dma_start3A_85 : memref<1x1x2x64xi32, #tpu.memory_space<hbm>> -> memref<2x64xi32, #tpu.memory_space<hbm>>
      %dma_start3A_87 = arith.constant 0 : i32
      %dma_start3A_88 = arith.constant 0 : i32
      %dma_start3A_89 = tpu.memref_slice %arg4[%dma_start3A_78, %dma_start3A_87, %dma_start3A_88] : memref<2x2x64xi32, #tpu.memory_space<vmem>> -> memref<1x2x64xi32, #tpu.memory_space<vmem>>
      %dma_start3A_90 = tpu.memref_squeeze %dma_start3A_89 : memref<1x2x64xi32, #tpu.memory_space<vmem>> -> memref<2x64xi32, #tpu.memory_space<vmem>>
      %dma_start3A_91 = arith.constant 0 : i32
      %dma_start3A_92 = arith.constant 0 : i32
      %dma_start3A_93 = tpu.memref_slice %arg2[%add3A, %add3A_77, %dma_start3A_91, %dma_start3A_92] : memref<32x162x2x64xi32, #tpu.memory_space<hbm>> -> memref<1x1x2x64xi32, #tpu.memory_space<hbm>>
      %dma_start3A_94 = tpu.memref_squeeze %dma_start3A_93 : memref<1x1x2x64xi32, #tpu.memory_space<hbm>> -> memref<2x64xi32, #tpu.memory_space<hbm>>
      tpu.enqueue_dma source(%dma_start3A_94 : memref<2x64xi32, #tpu.memory_space<hbm>>) target(%dma_start3A_90 : memref<2x64xi32, #tpu.memory_space<vmem>>) target_semaphore(%arg6 : memref<!tpu.dma_semaphore, #tpu.memory_space<semaphore_mem>>)
      %dma_wait3A_95 = arith.constant 0 : i32
      %dma_wait3A_96 = arith.constant 1 : i32
      %dma_wait3A_97 = arith.constant 0 : i32
      %dma_wait3A_98 = arith.constant 0 : i32
      %dma_wait3A_99 = tpu.memref_slice %arg4[%dma_wait3A_96, %dma_wait3A_97, %dma_wait3A_98] : memref<2x2x64xi32, #tpu.memory_space<vmem>> -> memref<1x2x64xi32, #tpu.memory_space<vmem>>
      %dma_wait3A_100 = tpu.memref_squeeze %dma_wait3A_99 : memref<1x2x64xi32, #tpu.memory_space<vmem>> -> memref<2x64xi32, #tpu.memory_space<vmem>>
      %dma_wait3A_101 = arith.constant 0 : i32
      %dma_wait3A_102 = arith.constant 0 : i32
      %dma_wait3A_103 = tpu.memref_slice %arg2[%add3A, %dma_wait3A_95, %dma_wait3A_101, %dma_wait3A_102] : memref<32x162x2x64xi32, #tpu.memory_space<hbm>> -> memref<1x1x2x64xi32, #tpu.memory_space<hbm>>
      %dma_wait3A_104 = tpu.memref_squeeze %dma_wait3A_103 : memref<1x1x2x64xi32, #tpu.memory_space<hbm>> -> memref<2x64xi32, #tpu.memory_space<hbm>>
      %dma_wait3A_105 = arith.constant 0 : i32
      %dma_wait3A_106 = arith.constant 0 : i32
      %dma_wait3A_107 = tpu.memref_slice %arg4[%dma_wait3A_96, %dma_wait3A_105, %dma_wait3A_106] : memref<2x2x64xi32, #tpu.memory_space<vmem>> -> memref<1x2x64xi32, #tpu.memory_space<vmem>>
      %dma_wait3A_108 = tpu.memref_squeeze %dma_wait3A_107 : memref<1x2x64xi32, #tpu.memory_space<vmem>> -> memref<2x64xi32, #tpu.memory_space<vmem>>
      %dma_wait3A_109 = arith.constant 0 : i32
      %dma_wait3A_110 = arith.constant 0 : i32
      %dma_wait3A_111 = tpu.memref_slice %arg2[%add3A, %dma_wait3A_95, %dma_wait3A_109, %dma_wait3A_110] : memref<32x162x2x64xi32, #tpu.memory_space<hbm>> -> memref<1x1x2x64xi32, #tpu.memory_space<hbm>>
      %dma_wait3A_112 = tpu.memref_squeeze %dma_wait3A_111 : memref<1x1x2x64xi32, #tpu.memory_space<hbm>> -> memref<2x64xi32, #tpu.memory_space<hbm>>
      tpu.wait_dma2 semaphore(%arg7 : memref<!tpu.dma_semaphore, #tpu.memory_space<semaphore_mem>>) src(%dma_wait3A_112 : memref<2x64xi32, #tpu.memory_space<hbm>>) dst(%dma_wait3A_108 : memref<2x64xi32, #tpu.memory_space<vmem>>)
      %get3A_113 = arith.constant 1 : i32
      %get3A_114 = arith.constant 1 : i32
      %get3A_115 = arith.index_cast %get3A_113 : i32 to index
      %get3A_116 = arith.index_cast %get3A_114 : i32 to index
      %get3A_117 = arith.constant 0 : index
      %get3A_118 = tpu.vector_load %arg4[%get3A_115, %get3A_116, %get3A_117] {strides = array<i32>} : memref<2x2x64xi32, #tpu.memory_space<vmem>>, vector<16xi32>,
      tpu.vector_store_idx %arg5[%get3A_118], %broadcast_in_dim3A_3 {add = true} : memref<10112xf32, #tpu.memory_space<vmem>>[vector<16xi32>], vector<16xf32>,
      %get3A_119 = arith.constant 1 : i32
      %get3A_120 = arith.constant 1 : i32
      %get3A_121 = arith.index_cast %get3A_119 : i32 to index
      %get3A_122 = arith.index_cast %get3A_120 : i32 to index
      %get3A_123 = arith.constant 16 : index
      %get3A_124 = tpu.vector_load %arg4[%get3A_121, %get3A_122, %get3A_123] {strides = array<i32>} : memref<2x2x64xi32, #tpu.memory_space<vmem>>, vector<16xi32>,
      tpu.vector_store_idx %arg5[%get3A_124], %broadcast_in_dim3A_3 {add = true} : memref<10112xf32, #tpu.memory_space<vmem>>[vector<16xi32>], vector<16xf32>,
      %get3A_125 = arith.constant 1 : i32
      %get3A_126 = arith.constant 1 : i32
      %get3A_127 = arith.index_cast %get3A_125 : i32 to index
      %get3A_128 = arith.index_cast %get3A_126 : i32 to index
      %get3A_129 = arith.constant 32 : index
      %get3A_130 = tpu.vector_load %arg4[%get3A_127, %get3A_128, %get3A_129] {strides = array<i32>} : memref<2x2x64xi32, #tpu.memory_space<vmem>>, vector<16xi32>,
      tpu.vector_store_idx %arg5[%get3A_130], %broadcast_in_dim3A_3 {add = true} : memref<10112xf32, #tpu.memory_space<vmem>>[vector<16xi32>], vector<16xf32>,
      %get3A_131 = arith.constant 1 : i32
      %get3A_132 = arith.constant 1 : i32
      %get3A_133 = arith.index_cast %get3A_131 : i32 to index
      %get3A_134 = arith.index_cast %get3A_132 : i32 to index
      %get3A_135 = arith.constant 48 : index
      %get3A_136 = tpu.vector_load %arg4[%get3A_133, %get3A_134, %get3A_135] {strides = array<i32>} : memref<2x2x64xi32, #tpu.memory_space<vmem>>, vector<16xi32>,
      tpu.vector_store_idx %arg5[%get3A_136], %broadcast_in_dim3A_3 {add = true} : memref<10112xf32, #tpu.memory_space<vmem>>[vector<16xi32>], vector<16xf32>,
      %add3A_137 = arith.constant 3 : i32
      %add3A_138 = arith.addi %mul3A_52, %add3A_137 : i32
      %dma_start3A_139 = arith.constant 1 : i32
      %dma_start3A_140 = arith.constant 0 : i32
      %dma_start3A_141 = arith.constant 0 : i32
      %dma_start3A_142 = tpu.memref_slice %arg4[%dma_start3A_139, %dma_start3A_140, %dma_start3A_141] : memref<2x2x64xi32, #tpu.memory_space<vmem>> -> memref<1x2x64xi32, #tpu.memory_space<vmem>>
      %dma_start3A_143 = tpu.memref_squeeze %dma_start3A_142 : memref<1x2x64xi32, #tpu.memory_space<vmem>> -> memref<2x64xi32, #tpu.memory_space<vmem>>
      %dma_start3A_144 = arith.constant 0 : i32
      %dma_start3A_145 = arith.constant 0 : i32
      %dma_start3A_146 = tpu.memref_slice %arg2[%add3A, %add3A_138, %dma_start3A_144, %dma_start3A_145] : memref<32x162x2x64xi32, #tpu.memory_space<hbm>> -> memref<1x1x2x64xi32, #tpu.memory_space<hbm>>
      %dma_start3A_147 = tpu.memref_squeeze %dma_start3A_146 : memref<1x1x2x64xi32, #tpu.memory_space<hbm>> -> memref<2x64xi32, #tpu.memory_space<hbm>>
      %dma_start3A_148 = arith.constant 0 : i32
      %dma_start3A_149 = arith.constant 0 : i32
      %dma_start3A_150 = tpu.memref_slice %arg4[%dma_start3A_139, %dma_start3A_148, %dma_start3A_149] : memref<2x2x64xi32, #tpu.memory_space<vmem>> -> memref<1x2x64xi32, #tpu.memory_space<vmem>>
      %dma_start3A_151 = tpu.memref_squeeze %dma_start3A_150 : memref<1x2x64xi32, #tpu.memory_space<vmem>> -> memref<2x64xi32, #tpu.memory_space<vmem>>
      %dma_start3A_152 = arith.constant 0 : i32
      %dma_start3A_153 = arith.constant 0 : i32
      %dma_start3A_154 = tpu.memref_slice %arg2[%add3A, %add3A_138, %dma_start3A_152, %dma_start3A_153] : memref<32x162x2x64xi32, #tpu.memory_space<hbm>> -> memref<1x1x2x64xi32, #tpu.memory_space<hbm>>
      %dma_start3A_155 = tpu.memref_squeeze %dma_start3A_154 : memref<1x1x2x64xi32, #tpu.memory_space<hbm>> -> memref<2x64xi32, #tpu.memory_space<hbm>>
      tpu.enqueue_dma source(%dma_start3A_155 : memref<2x64xi32, #tpu.memory_space<hbm>>) target(%dma_start3A_151 : memref<2x64xi32, #tpu.memory_space<vmem>>) target_semaphore(%arg7 : memref<!tpu.dma_semaphore, #tpu.memory_space<semaphore_mem>>)
      %dma_wait3A_156 = arith.constant 0 : i32
      %dma_wait3A_157 = arith.constant 0 : i32
      %dma_wait3A_158 = arith.constant 0 : i32
      %dma_wait3A_159 = arith.constant 0 : i32
      %dma_wait3A_160 = tpu.memref_slice %arg4[%dma_wait3A_157, %dma_wait3A_158, %dma_wait3A_159] : memref<2x2x64xi32, #tpu.memory_space<vmem>> -> memref<1x2x64xi32, #tpu.memory_space<vmem>>
      %dma_wait3A_161 = tpu.memref_squeeze %dma_wait3A_160 : memref<1x2x64xi32, #tpu.memory_space<vmem>> -> memref<2x64xi32, #tpu.memory_space<vmem>>
      %dma_wait3A_162 = arith.constant 0 : i32
      %dma_wait3A_163 = arith.constant 0 : i32
      %dma_wait3A_164 = tpu.memref_slice %arg2[%add3A, %dma_wait3A_156, %dma_wait3A_162, %dma_wait3A_163] : memref<32x162x2x64xi32, #tpu.memory_space<hbm>> -> memref<1x1x2x64xi32, #tpu.memory_space<hbm>>
      %dma_wait3A_165 = tpu.memref_squeeze %dma_wait3A_164 : memref<1x1x2x64xi32, #tpu.memory_space<hbm>> -> memref<2x64xi32, #tpu.memory_space<hbm>>
      %dma_wait3A_166 = arith.constant 0 : i32
      %dma_wait3A_167 = arith.constant 0 : i32
      %dma_wait3A_168 = tpu.memref_slice %arg4[%dma_wait3A_157, %dma_wait3A_166, %dma_wait3A_167] : memref<2x2x64xi32, #tpu.memory_space<vmem>> -> memref<1x2x64xi32, #tpu.memory_space<vmem>>
      %dma_wait3A_169 = tpu.memref_squeeze %dma_wait3A_168 : memref<1x2x64xi32, #tpu.memory_space<vmem>> -> memref<2x64xi32, #tpu.memory_space<vmem>>
      %dma_wait3A_170 = arith.constant 0 : i32
      %dma_wait3A_171 = arith.constant 0 : i32
      %dma_wait3A_172 = tpu.memref_slice %arg2[%add3A, %dma_wait3A_156, %dma_wait3A_170, %dma_wait3A_171] : memref<32x162x2x64xi32, #tpu.memory_space<hbm>> -> memref<1x1x2x64xi32, #tpu.memory_space<hbm>>
      %dma_wait3A_173 = tpu.memref_squeeze %dma_wait3A_172 : memref<1x1x2x64xi32, #tpu.memory_space<hbm>> -> memref<2x64xi32, #tpu.memory_space<hbm>>
      tpu.wait_dma2 semaphore(%arg6 : memref<!tpu.dma_semaphore, #tpu.memory_space<semaphore_mem>>) src(%dma_wait3A_173 : memref<2x64xi32, #tpu.memory_space<hbm>>) dst(%dma_wait3A_169 : memref<2x64xi32, #tpu.memory_space<vmem>>)
    }
    %scan3A_32 = arith.constant 80 : i32
    %dma_wait3A = arith.constant 0 : i32
    %dma_wait3A_33 = arith.constant 1 : i32
    %dma_wait3A_34 = arith.constant 0 : i32
    %dma_wait3A_35 = arith.constant 0 : i32
    %dma_wait3A_36 = tpu.memref_slice %arg4[%dma_wait3A_33, %dma_wait3A_34, %dma_wait3A_35] : memref<2x2x64xi32, #tpu.memory_space<vmem>> -> memref<1x2x64xi32, #tpu.memory_space<vmem>>
    %dma_wait3A_37 = tpu.memref_squeeze %dma_wait3A_36 : memref<1x2x64xi32, #tpu.memory_space<vmem>> -> memref<2x64xi32, #tpu.memory_space<vmem>>
    %dma_wait3A_38 = arith.constant 0 : i32
    %dma_wait3A_39 = arith.constant 0 : i32
    %dma_wait3A_40 = tpu.memref_slice %arg2[%add3A, %dma_wait3A, %dma_wait3A_38, %dma_wait3A_39] : memref<32x162x2x64xi32, #tpu.memory_space<hbm>> -> memref<1x1x2x64xi32, #tpu.memory_space<hbm>>
    %dma_wait3A_41 = tpu.memref_squeeze %dma_wait3A_40 : memref<1x1x2x64xi32, #tpu.memory_space<hbm>> -> memref<2x64xi32, #tpu.memory_space<hbm>>
    %dma_wait3A_42 = arith.constant 0 : i32
    %dma_wait3A_43 = arith.constant 0 : i32
    %dma_wait3A_44 = tpu.memref_slice %arg4[%dma_wait3A_33, %dma_wait3A_42, %dma_wait3A_43] : memref<2x2x64xi32, #tpu.memory_space<vmem>> -> memref<1x2x64xi32, #tpu.memory_space<vmem>>
    %dma_wait3A_45 = tpu.memref_squeeze %dma_wait3A_44 : memref<1x2x64xi32, #tpu.memory_space<vmem>> -> memref<2x64xi32, #tpu.memory_space<vmem>>
    %dma_wait3A_46 = arith.constant 0 : i32
    %dma_wait3A_47 = arith.constant 0 : i32
    %dma_wait3A_48 = tpu.memref_slice %arg2[%add3A, %dma_wait3A, %dma_wait3A_46, %dma_wait3A_47] : memref<32x162x2x64xi32, #tpu.memory_space<hbm>> -> memref<1x1x2x64xi32, #tpu.memory_space<hbm>>
    %dma_wait3A_49 = tpu.memref_squeeze %dma_wait3A_48 : memref<1x1x2x64xi32, #tpu.memory_space<hbm>> -> memref<2x64xi32, #tpu.memory_space<hbm>>
    tpu.wait_dma2 semaphore(%arg7 : memref<!tpu.dma_semaphore, #tpu.memory_space<semaphore_mem>>) src(%dma_wait3A_49 : memref<2x64xi32, #tpu.memory_space<hbm>>) dst(%dma_wait3A_45 : memref<2x64xi32, #tpu.memory_space<vmem>>)
    "tpu.region"() ({
      %run_scoped3A_50 = tpu.sem_alloc : memref<!tpu.dma_semaphore, #tpu.memory_space<semaphore_mem>>
      %dma_start3A_51 = arith.constant 0 : i32
      %dma_start3A_52 = tpu.memref_slice %arg3[%add3A, %dma_start3A_51] : memref<32x10112xf32, #tpu.memory_space<hbm>> -> memref<1x10112xf32, #tpu.memory_space<hbm>>
      %dma_start3A_53 = tpu.memref_squeeze %dma_start3A_52 : memref<1x10112xf32, #tpu.memory_space<hbm>> -> memref<10112xf32, #tpu.memory_space<hbm>>
      %dma_start3A_54 = arith.constant 0 : i32
      %dma_start3A_55 = tpu.memref_slice %arg3[%add3A, %dma_start3A_54] : memref<32x10112xf32, #tpu.memory_space<hbm>> -> memref<1x10112xf32, #tpu.memory_space<hbm>>
      %dma_start3A_56 = tpu.memref_squeeze %dma_start3A_55 : memref<1x10112xf32, #tpu.memory_space<hbm>> -> memref<10112xf32, #tpu.memory_space<hbm>>
      tpu.enqueue_dma source(%arg5 : memref<10112xf32, #tpu.memory_space<vmem>>) target(%dma_start3A_56 : memref<10112xf32, #tpu.memory_space<hbm>>) target_semaphore(%run_scoped3A_50 : memref<!tpu.dma_semaphore, #tpu.memory_space<semaphore_mem>>)
      %dma_wait3A_57 = arith.constant 0 : i32
      %dma_wait3A_58 = tpu.memref_slice %arg3[%add3A, %dma_wait3A_57] : memref<32x10112xf32, #tpu.memory_space<hbm>> -> memref<1x10112xf32, #tpu.memory_space<hbm>>
      %dma_wait3A_59 = tpu.memref_squeeze %dma_wait3A_58 : memref<1x10112xf32, #tpu.memory_space<hbm>> -> memref<10112xf32, #tpu.memory_space<hbm>>
      %dma_wait3A_60 = arith.constant 0 : i32
      %dma_wait3A_61 = tpu.memref_slice %arg3[%add3A, %dma_wait3A_60] : memref<32x10112xf32, #tpu.memory_space<hbm>> -> memref<1x10112xf32, #tpu.memory_space<hbm>>
      %dma_wait3A_62 = tpu.memref_squeeze %dma_wait3A_61 : memref<1x10112xf32, #tpu.memory_space<hbm>> -> memref<10112xf32, #tpu.memory_space<hbm>>
      tpu.wait_dma2 semaphore(%run_scoped3A_50 : memref<!tpu.dma_semaphore, #tpu.memory_space<semaphore_mem>>) src(%arg5 : memref<10112xf32, #tpu.memory_space<vmem>>) dst(%dma_wait3A_62 : memref<10112xf32, #tpu.memory_space<hbm>>)
      tpu.yield
    }) : () -> ()
    return
  }
}

#map = affine_map<(d0, d1) -> (0, 0)>
#map1 = affine_map<(d0, d1) -> (0, 0, 0, 0)>
#map2 = affine_map<(d0, d1) -> (0, 0, 0)>
module attributes {stable_mosaic.version = 14 : i64} {
  func.func @run(%arg0: i32, %arg1: i32, %arg2: memref<10000x128xf32, #tpu.memory_space<hbm>>, %arg3: memref<32x162x2x64xi32, #tpu.memory_space<hbm>>, %arg4: memref<2x10112x128xf32, #tpu.memory_space<hbm>>, %arg5: memref<2x2x64xi32, #tpu.memory_space<vmem>>, %arg6: memref<64x128xf32, #tpu.memory_space<vmem>>, %arg7: memref<64x128xf32, #tpu.memory_space<vmem>>, %arg8: memref<10112x128xf32, #tpu.memory_space<vmem_shared>>, %arg9: memref<!tpu.dma_semaphore, #tpu.memory_space<semaphore_mem>>, %arg10: memref<!tpu.dma_semaphore, #tpu.memory_space<semaphore_mem>>, %arg11: memref<!tpu.dma_semaphore, #tpu.memory_space<semaphore_mem>>, %arg12: memref<!tpu.dma_semaphore, #tpu.memory_space<semaphore_mem>>) attributes {dimension_semantics = [#tpu.dimension_semantics<core_parallel>, #tpu.dimension_semantics<subcore_parallel>], iteration_bounds = array<i64: 2, 16>, scalar_prefetch = 0 : i64, scratch_operands = 8 : i64, tpu.core_type = #tpu.core_type<sc_vector_subcore>, window_params = [{transform_indices = #map}, {transform_indices = #map1}, {transform_indices = #map2}]} {
    %mul3A = arith.constant 2 : i32
    %mul3A_0 = arith.muli %arg1, %mul3A : i32
    %add3A = arith.addi %mul3A_0, %arg0 : i32
    %broadcast_in_dim3A = arith.constant 0.000000e+00 : f32
    %broadcast_in_dim3A_1 = vector.broadcast %broadcast_in_dim3A : f32 to vector<16xf32>
    %scan3A = arith.constant 0 : i32
    %scan3A_2 = arith.constant 0 : i32
    %scan3A_3 = arith.constant 64 : i32
    %scan3A_4 = arith.addi %scan3A_2, %scan3A_3 : i32
    %scan3A_5 = arith.constant 1 : i32
    scf.for %scan3A_107 = %scan3A_2 to %scan3A_4 step %scan3A_5  : i32 {
      %swap3A = arith.index_cast %scan3A_107 : i32 to index
      %swap3A_108 = arith.constant 0 : index
      %swap3A_109 = tpu.vector_load %arg6[%swap3A, %swap3A_108] {strides = array<i32>} : memref<64x128xf32, #tpu.memory_space<vmem>>, vector<1x16xf32>,
      %swap3A_110 = vector.shape_cast %swap3A_109 : vector<1x16xf32> to vector<16xf32>
      %swap3A_111 = vector.shape_cast %broadcast_in_dim3A_1 : vector<16xf32> to vector<1x16xf32>
      tpu.vector_store %arg6[%swap3A, %swap3A_108], %swap3A_111 {strides = array<i32>} : memref<64x128xf32, #tpu.memory_space<vmem>>, vector<1x16xf32>,
      %swap3A_112 = arith.index_cast %scan3A_107 : i32 to index
      %swap3A_113 = arith.constant 16 : index
      %swap3A_114 = tpu.vector_load %arg6[%swap3A_112, %swap3A_113] {strides = array<i32>} : memref<64x128xf32, #tpu.memory_space<vmem>>, vector<1x16xf32>,
      %swap3A_115 = vector.shape_cast %swap3A_114 : vector<1x16xf32> to vector<16xf32>
      %swap3A_116 = vector.shape_cast %broadcast_in_dim3A_1 : vector<16xf32> to vector<1x16xf32>
      tpu.vector_store %arg6[%swap3A_112, %swap3A_113], %swap3A_116 {strides = array<i32>} : memref<64x128xf32, #tpu.memory_space<vmem>>, vector<1x16xf32>,
      %swap3A_117 = arith.index_cast %scan3A_107 : i32 to index
      %swap3A_118 = arith.constant 32 : index
      %swap3A_119 = tpu.vector_load %arg6[%swap3A_117, %swap3A_118] {strides = array<i32>} : memref<64x128xf32, #tpu.memory_space<vmem>>, vector<1x16xf32>,
      %swap3A_120 = vector.shape_cast %swap3A_119 : vector<1x16xf32> to vector<16xf32>
      %swap3A_121 = vector.shape_cast %broadcast_in_dim3A_1 : vector<16xf32> to vector<1x16xf32>
      tpu.vector_store %arg6[%swap3A_117, %swap3A_118], %swap3A_121 {strides = array<i32>} : memref<64x128xf32, #tpu.memory_space<vmem>>, vector<1x16xf32>,
      %swap3A_122 = arith.index_cast %scan3A_107 : i32 to index
      %swap3A_123 = arith.constant 48 : index
      %swap3A_124 = tpu.vector_load %arg6[%swap3A_122, %swap3A_123] {strides = array<i32>} : memref<64x128xf32, #tpu.memory_space<vmem>>, vector<1x16xf32>,
      %swap3A_125 = vector.shape_cast %swap3A_124 : vector<1x16xf32> to vector<16xf32>
      %swap3A_126 = vector.shape_cast %broadcast_in_dim3A_1 : vector<16xf32> to vector<1x16xf32>
      tpu.vector_store %arg6[%swap3A_122, %swap3A_123], %swap3A_126 {strides = array<i32>} : memref<64x128xf32, #tpu.memory_space<vmem>>, vector<1x16xf32>,
      %swap3A_127 = arith.index_cast %scan3A_107 : i32 to index
      %swap3A_128 = arith.constant 64 : index
      %swap3A_129 = tpu.vector_load %arg6[%swap3A_127, %swap3A_128] {strides = array<i32>} : memref<64x128xf32, #tpu.memory_space<vmem>>, vector<1x16xf32>,
      %swap3A_130 = vector.shape_cast %swap3A_129 : vector<1x16xf32> to vector<16xf32>
      %swap3A_131 = vector.shape_cast %broadcast_in_dim3A_1 : vector<16xf32> to vector<1x16xf32>
      tpu.vector_store %arg6[%swap3A_127, %swap3A_128], %swap3A_131 {strides = array<i32>} : memref<64x128xf32, #tpu.memory_space<vmem>>, vector<1x16xf32>,
      %swap3A_132 = arith.index_cast %scan3A_107 : i32 to index
      %swap3A_133 = arith.constant 80 : index
      %swap3A_134 = tpu.vector_load %arg6[%swap3A_132, %swap3A_133] {strides = array<i32>} : memref<64x128xf32, #tpu.memory_space<vmem>>, vector<1x16xf32>,
      %swap3A_135 = vector.shape_cast %swap3A_134 : vector<1x16xf32> to vector<16xf32>
      %swap3A_136 = vector.shape_cast %broadcast_in_dim3A_1 : vector<16xf32> to vector<1x16xf32>
      tpu.vector_store %arg6[%swap3A_132, %swap3A_133], %swap3A_136 {strides = array<i32>} : memref<64x128xf32, #tpu.memory_space<vmem>>, vector<1x16xf32>,
      %swap3A_137 = arith.index_cast %scan3A_107 : i32 to index
      %swap3A_138 = arith.constant 96 : index
      %swap3A_139 = tpu.vector_load %arg6[%swap3A_137, %swap3A_138] {strides = array<i32>} : memref<64x128xf32, #tpu.memory_space<vmem>>, vector<1x16xf32>,
      %swap3A_140 = vector.shape_cast %swap3A_139 : vector<1x16xf32> to vector<16xf32>
      %swap3A_141 = vector.shape_cast %broadcast_in_dim3A_1 : vector<16xf32> to vector<1x16xf32>
      tpu.vector_store %arg6[%swap3A_137, %swap3A_138], %swap3A_141 {strides = array<i32>} : memref<64x128xf32, #tpu.memory_space<vmem>>, vector<1x16xf32>,
      %swap3A_142 = arith.index_cast %scan3A_107 : i32 to index
      %swap3A_143 = arith.constant 112 : index
      %swap3A_144 = tpu.vector_load %arg6[%swap3A_142, %swap3A_143] {strides = array<i32>} : memref<64x128xf32, #tpu.memory_space<vmem>>, vector<1x16xf32>,
      %swap3A_145 = vector.shape_cast %swap3A_144 : vector<1x16xf32> to vector<16xf32>
      %swap3A_146 = vector.shape_cast %broadcast_in_dim3A_1 : vector<16xf32> to vector<1x16xf32>
      tpu.vector_store %arg6[%swap3A_142, %swap3A_143], %swap3A_146 {strides = array<i32>} : memref<64x128xf32, #tpu.memory_space<vmem>>, vector<1x16xf32>,
    }
    %scan3A_6 = arith.constant 64 : i32
    %mul3A_7 = arith.constant 632 : i32
    %mul3A_8 = arith.muli %arg1, %mul3A_7 : i32
    %add3A_9 = arith.constant 0 : i32
    %add3A_10 = arith.addi %mul3A_8, %add3A_9 : i32
    "tpu.region"() ({
      %run_scoped3A_107 = tpu.sem_alloc : memref<!tpu.dma_semaphore, #tpu.memory_space<semaphore_mem>>
      %dma_start3A_108 = arith.constant 0 : i32
      %dma_start3A_109 = tpu.memref_slice %arg8[%add3A_10, %dma_start3A_108] : memref<10112x128xf32, #tpu.memory_space<vmem_shared>> -> memref<64x128xf32, #tpu.memory_space<vmem_shared>>
      %dma_start3A_110 = arith.constant 0 : i32
      %dma_start3A_111 = tpu.memref_slice %arg8[%add3A_10, %dma_start3A_110] : memref<10112x128xf32, #tpu.memory_space<vmem_shared>> -> memref<64x128xf32, #tpu.memory_space<vmem_shared>>
      tpu.enqueue_dma source(%arg6 : memref<64x128xf32, #tpu.memory_space<vmem>>) target(%dma_start3A_111 : memref<64x128xf32, #tpu.memory_space<vmem_shared>>) target_semaphore(%run_scoped3A_107 : memref<!tpu.dma_semaphore, #tpu.memory_space<semaphore_mem>>)
      %dma_wait3A_112 = arith.constant 0 : i32
      %dma_wait3A_113 = tpu.memref_slice %arg8[%add3A_10, %dma_wait3A_112] : memref<10112x128xf32, #tpu.memory_space<vmem_shared>> -> memref<64x128xf32, #tpu.memory_space<vmem_shared>>
      %dma_wait3A_114 = arith.constant 0 : i32
      %dma_wait3A_115 = tpu.memref_slice %arg8[%add3A_10, %dma_wait3A_114] : memref<10112x128xf32, #tpu.memory_space<vmem_shared>> -> memref<64x128xf32, #tpu.memory_space<vmem_shared>>
      tpu.wait_dma2 semaphore(%run_scoped3A_107 : memref<!tpu.dma_semaphore, #tpu.memory_space<semaphore_mem>>) src(%arg6 : memref<64x128xf32, #tpu.memory_space<vmem>>) dst(%dma_wait3A_115 : memref<64x128xf32, #tpu.memory_space<vmem_shared>>)
      tpu.yield
    }) : () -> ()
    %mul3A_11 = arith.constant 632 : i32
    %mul3A_12 = arith.muli %arg1, %mul3A_11 : i32
    %add3A_13 = arith.constant 64 : i32
    %add3A_14 = arith.addi %mul3A_12, %add3A_13 : i32
    "tpu.region"() ({
      %run_scoped3A_107 = tpu.sem_alloc : memref<!tpu.dma_semaphore, #tpu.memory_space<semaphore_mem>>
      %dma_start3A_108 = arith.constant 0 : i32
      %dma_start3A_109 = tpu.memref_slice %arg8[%add3A_14, %dma_start3A_108] : memref<10112x128xf32, #tpu.memory_space<vmem_shared>> -> memref<64x128xf32, #tpu.memory_space<vmem_shared>>
      %dma_start3A_110 = arith.constant 0 : i32
      %dma_start3A_111 = tpu.memref_slice %arg8[%add3A_14, %dma_start3A_110] : memref<10112x128xf32, #tpu.memory_space<vmem_shared>> -> memref<64x128xf32, #tpu.memory_space<vmem_shared>>
      tpu.enqueue_dma source(%arg6 : memref<64x128xf32, #tpu.memory_space<vmem>>) target(%dma_start3A_111 : memref<64x128xf32, #tpu.memory_space<vmem_shared>>) target_semaphore(%run_scoped3A_107 : memref<!tpu.dma_semaphore, #tpu.memory_space<semaphore_mem>>)
      %dma_wait3A_112 = arith.constant 0 : i32
      %dma_wait3A_113 = tpu.memref_slice %arg8[%add3A_14, %dma_wait3A_112] : memref<10112x128xf32, #tpu.memory_space<vmem_shared>> -> memref<64x128xf32, #tpu.memory_space<vmem_shared>>
      %dma_wait3A_114 = arith.constant 0 : i32
      %dma_wait3A_115 = tpu.memref_slice %arg8[%add3A_14, %dma_wait3A_114] : memref<10112x128xf32, #tpu.memory_space<vmem_shared>> -> memref<64x128xf32, #tpu.memory_space<vmem_shared>>
      tpu.wait_dma2 semaphore(%run_scoped3A_107 : memref<!tpu.dma_semaphore, #tpu.memory_space<semaphore_mem>>) src(%arg6 : memref<64x128xf32, #tpu.memory_space<vmem>>) dst(%dma_wait3A_115 : memref<64x128xf32, #tpu.memory_space<vmem_shared>>)
      tpu.yield
    }) : () -> ()
    %mul3A_15 = arith.constant 632 : i32
    %mul3A_16 = arith.muli %arg1, %mul3A_15 : i32
    %add3A_17 = arith.constant 128 : i32
    %add3A_18 = arith.addi %mul3A_16, %add3A_17 : i32
    "tpu.region"() ({
      %run_scoped3A_107 = tpu.sem_alloc : memref<!tpu.dma_semaphore, #tpu.memory_space<semaphore_mem>>
      %dma_start3A_108 = arith.constant 0 : i32
      %dma_start3A_109 = tpu.memref_slice %arg8[%add3A_18, %dma_start3A_108] : memref<10112x128xf32, #tpu.memory_space<vmem_shared>> -> memref<64x128xf32, #tpu.memory_space<vmem_shared>>
      %dma_start3A_110 = arith.constant 0 : i32
      %dma_start3A_111 = tpu.memref_slice %arg8[%add3A_18, %dma_start3A_110] : memref<10112x128xf32, #tpu.memory_space<vmem_shared>> -> memref<64x128xf32, #tpu.memory_space<vmem_shared>>
      tpu.enqueue_dma source(%arg6 : memref<64x128xf32, #tpu.memory_space<vmem>>) target(%dma_start3A_111 : memref<64x128xf32, #tpu.memory_space<vmem_shared>>) target_semaphore(%run_scoped3A_107 : memref<!tpu.dma_semaphore, #tpu.memory_space<semaphore_mem>>)
      %dma_wait3A_112 = arith.constant 0 : i32
      %dma_wait3A_113 = tpu.memref_slice %arg8[%add3A_18, %dma_wait3A_112] : memref<10112x128xf32, #tpu.memory_space<vmem_shared>> -> memref<64x128xf32, #tpu.memory_space<vmem_shared>>
      %dma_wait3A_114 = arith.constant 0 : i32
      %dma_wait3A_115 = tpu.memref_slice %arg8[%add3A_18, %dma_wait3A_114] : memref<10112x128xf32, #tpu.memory_space<vmem_shared>> -> memref<64x128xf32, #tpu.memory_space<vmem_shared>>
      tpu.wait_dma2 semaphore(%run_scoped3A_107 : memref<!tpu.dma_semaphore, #tpu.memory_space<semaphore_mem>>) src(%arg6 : memref<64x128xf32, #tpu.memory_space<vmem>>) dst(%dma_wait3A_115 : memref<64x128xf32, #tpu.memory_space<vmem_shared>>)
      tpu.yield
    }) : () -> ()
    %mul3A_19 = arith.constant 632 : i32
    %mul3A_20 = arith.muli %arg1, %mul3A_19 : i32
    %add3A_21 = arith.constant 192 : i32
    %add3A_22 = arith.addi %mul3A_20, %add3A_21 : i32
    "tpu.region"() ({
      %run_scoped3A_107 = tpu.sem_alloc : memref<!tpu.dma_semaphore, #tpu.memory_space<semaphore_mem>>
      %dma_start3A_108 = arith.constant 0 : i32
      %dma_start3A_109 = tpu.memref_slice %arg8[%add3A_22, %dma_start3A_108] : memref<10112x128xf32, #tpu.memory_space<vmem_shared>> -> memref<64x128xf32, #tpu.memory_space<vmem_shared>>
      %dma_start3A_110 = arith.constant 0 : i32
      %dma_start3A_111 = tpu.memref_slice %arg8[%add3A_22, %dma_start3A_110] : memref<10112x128xf32, #tpu.memory_space<vmem_shared>> -> memref<64x128xf32, #tpu.memory_space<vmem_shared>>
      tpu.enqueue_dma source(%arg6 : memref<64x128xf32, #tpu.memory_space<vmem>>) target(%dma_start3A_111 : memref<64x128xf32, #tpu.memory_space<vmem_shared>>) target_semaphore(%run_scoped3A_107 : memref<!tpu.dma_semaphore, #tpu.memory_space<semaphore_mem>>)
      %dma_wait3A_112 = arith.constant 0 : i32
      %dma_wait3A_113 = tpu.memref_slice %arg8[%add3A_22, %dma_wait3A_112] : memref<10112x128xf32, #tpu.memory_space<vmem_shared>> -> memref<64x128xf32, #tpu.memory_space<vmem_shared>>
      %dma_wait3A_114 = arith.constant 0 : i32
      %dma_wait3A_115 = tpu.memref_slice %arg8[%add3A_22, %dma_wait3A_114] : memref<10112x128xf32, #tpu.memory_space<vmem_shared>> -> memref<64x128xf32, #tpu.memory_space<vmem_shared>>
      tpu.wait_dma2 semaphore(%run_scoped3A_107 : memref<!tpu.dma_semaphore, #tpu.memory_space<semaphore_mem>>) src(%arg6 : memref<64x128xf32, #tpu.memory_space<vmem>>) dst(%dma_wait3A_115 : memref<64x128xf32, #tpu.memory_space<vmem_shared>>)
      tpu.yield
    }) : () -> ()
    %mul3A_23 = arith.constant 632 : i32
    %mul3A_24 = arith.muli %arg1, %mul3A_23 : i32
    %add3A_25 = arith.constant 256 : i32
    %add3A_26 = arith.addi %mul3A_24, %add3A_25 : i32
    "tpu.region"() ({
      %run_scoped3A_107 = tpu.sem_alloc : memref<!tpu.dma_semaphore, #tpu.memory_space<semaphore_mem>>
      %dma_start3A_108 = arith.constant 0 : i32
      %dma_start3A_109 = tpu.memref_slice %arg8[%add3A_26, %dma_start3A_108] : memref<10112x128xf32, #tpu.memory_space<vmem_shared>> -> memref<64x128xf32, #tpu.memory_space<vmem_shared>>
      %dma_start3A_110 = arith.constant 0 : i32
      %dma_start3A_111 = tpu.memref_slice %arg8[%add3A_26, %dma_start3A_110] : memref<10112x128xf32, #tpu.memory_space<vmem_shared>> -> memref<64x128xf32, #tpu.memory_space<vmem_shared>>
      tpu.enqueue_dma source(%arg6 : memref<64x128xf32, #tpu.memory_space<vmem>>) target(%dma_start3A_111 : memref<64x128xf32, #tpu.memory_space<vmem_shared>>) target_semaphore(%run_scoped3A_107 : memref<!tpu.dma_semaphore, #tpu.memory_space<semaphore_mem>>)
      %dma_wait3A_112 = arith.constant 0 : i32
      %dma_wait3A_113 = tpu.memref_slice %arg8[%add3A_26, %dma_wait3A_112] : memref<10112x128xf32, #tpu.memory_space<vmem_shared>> -> memref<64x128xf32, #tpu.memory_space<vmem_shared>>
      %dma_wait3A_114 = arith.constant 0 : i32
      %dma_wait3A_115 = tpu.memref_slice %arg8[%add3A_26, %dma_wait3A_114] : memref<10112x128xf32, #tpu.memory_space<vmem_shared>> -> memref<64x128xf32, #tpu.memory_space<vmem_shared>>
      tpu.wait_dma2 semaphore(%run_scoped3A_107 : memref<!tpu.dma_semaphore, #tpu.memory_space<semaphore_mem>>) src(%arg6 : memref<64x128xf32, #tpu.memory_space<vmem>>) dst(%dma_wait3A_115 : memref<64x128xf32, #tpu.memory_space<vmem_shared>>)
      tpu.yield
    }) : () -> ()
    %mul3A_27 = arith.constant 632 : i32
    %mul3A_28 = arith.muli %arg1, %mul3A_27 : i32
    %add3A_29 = arith.constant 320 : i32
    %add3A_30 = arith.addi %mul3A_28, %add3A_29 : i32
    "tpu.region"() ({
      %run_scoped3A_107 = tpu.sem_alloc : memref<!tpu.dma_semaphore, #tpu.memory_space<semaphore_mem>>
      %dma_start3A_108 = arith.constant 0 : i32
      %dma_start3A_109 = tpu.memref_slice %arg8[%add3A_30, %dma_start3A_108] : memref<10112x128xf32, #tpu.memory_space<vmem_shared>> -> memref<64x128xf32, #tpu.memory_space<vmem_shared>>
      %dma_start3A_110 = arith.constant 0 : i32
      %dma_start3A_111 = tpu.memref_slice %arg8[%add3A_30, %dma_start3A_110] : memref<10112x128xf32, #tpu.memory_space<vmem_shared>> -> memref<64x128xf32, #tpu.memory_space<vmem_shared>>
      tpu.enqueue_dma source(%arg6 : memref<64x128xf32, #tpu.memory_space<vmem>>) target(%dma_start3A_111 : memref<64x128xf32, #tpu.memory_space<vmem_shared>>) target_semaphore(%run_scoped3A_107 : memref<!tpu.dma_semaphore, #tpu.memory_space<semaphore_mem>>)
      %dma_wait3A_112 = arith.constant 0 : i32
      %dma_wait3A_113 = tpu.memref_slice %arg8[%add3A_30, %dma_wait3A_112] : memref<10112x128xf32, #tpu.memory_space<vmem_shared>> -> memref<64x128xf32, #tpu.memory_space<vmem_shared>>
      %dma_wait3A_114 = arith.constant 0 : i32
      %dma_wait3A_115 = tpu.memref_slice %arg8[%add3A_30, %dma_wait3A_114] : memref<10112x128xf32, #tpu.memory_space<vmem_shared>> -> memref<64x128xf32, #tpu.memory_space<vmem_shared>>
      tpu.wait_dma2 semaphore(%run_scoped3A_107 : memref<!tpu.dma_semaphore, #tpu.memory_space<semaphore_mem>>) src(%arg6 : memref<64x128xf32, #tpu.memory_space<vmem>>) dst(%dma_wait3A_115 : memref<64x128xf32, #tpu.memory_space<vmem_shared>>)
      tpu.yield
    }) : () -> ()
    %mul3A_31 = arith.constant 632 : i32
    %mul3A_32 = arith.muli %arg1, %mul3A_31 : i32
    %add3A_33 = arith.constant 384 : i32
    %add3A_34 = arith.addi %mul3A_32, %add3A_33 : i32
    "tpu.region"() ({
      %run_scoped3A_107 = tpu.sem_alloc : memref<!tpu.dma_semaphore, #tpu.memory_space<semaphore_mem>>
      %dma_start3A_108 = arith.constant 0 : i32
      %dma_start3A_109 = tpu.memref_slice %arg8[%add3A_34, %dma_start3A_108] : memref<10112x128xf32, #tpu.memory_space<vmem_shared>> -> memref<64x128xf32, #tpu.memory_space<vmem_shared>>
      %dma_start3A_110 = arith.constant 0 : i32
      %dma_start3A_111 = tpu.memref_slice %arg8[%add3A_34, %dma_start3A_110] : memref<10112x128xf32, #tpu.memory_space<vmem_shared>> -> memref<64x128xf32, #tpu.memory_space<vmem_shared>>
      tpu.enqueue_dma source(%arg6 : memref<64x128xf32, #tpu.memory_space<vmem>>) target(%dma_start3A_111 : memref<64x128xf32, #tpu.memory_space<vmem_shared>>) target_semaphore(%run_scoped3A_107 : memref<!tpu.dma_semaphore, #tpu.memory_space<semaphore_mem>>)
      %dma_wait3A_112 = arith.constant 0 : i32
      %dma_wait3A_113 = tpu.memref_slice %arg8[%add3A_34, %dma_wait3A_112] : memref<10112x128xf32, #tpu.memory_space<vmem_shared>> -> memref<64x128xf32, #tpu.memory_space<vmem_shared>>
      %dma_wait3A_114 = arith.constant 0 : i32
      %dma_wait3A_115 = tpu.memref_slice %arg8[%add3A_34, %dma_wait3A_114] : memref<10112x128xf32, #tpu.memory_space<vmem_shared>> -> memref<64x128xf32, #tpu.memory_space<vmem_shared>>
      tpu.wait_dma2 semaphore(%run_scoped3A_107 : memref<!tpu.dma_semaphore, #tpu.memory_space<semaphore_mem>>) src(%arg6 : memref<64x128xf32, #tpu.memory_space<vmem>>) dst(%dma_wait3A_115 : memref<64x128xf32, #tpu.memory_space<vmem_shared>>)
      tpu.yield
    }) : () -> ()
    %mul3A_35 = arith.constant 632 : i32
    %mul3A_36 = arith.muli %arg1, %mul3A_35 : i32
    %add3A_37 = arith.constant 448 : i32
    %add3A_38 = arith.addi %mul3A_36, %add3A_37 : i32
    "tpu.region"() ({
      %run_scoped3A_107 = tpu.sem_alloc : memref<!tpu.dma_semaphore, #tpu.memory_space<semaphore_mem>>
      %dma_start3A_108 = arith.constant 0 : i32
      %dma_start3A_109 = tpu.memref_slice %arg8[%add3A_38, %dma_start3A_108] : memref<10112x128xf32, #tpu.memory_space<vmem_shared>> -> memref<64x128xf32, #tpu.memory_space<vmem_shared>>
      %dma_start3A_110 = arith.constant 0 : i32
      %dma_start3A_111 = tpu.memref_slice %arg8[%add3A_38, %dma_start3A_110] : memref<10112x128xf32, #tpu.memory_space<vmem_shared>> -> memref<64x128xf32, #tpu.memory_space<vmem_shared>>
      tpu.enqueue_dma source(%arg6 : memref<64x128xf32, #tpu.memory_space<vmem>>) target(%dma_start3A_111 : memref<64x128xf32, #tpu.memory_space<vmem_shared>>) target_semaphore(%run_scoped3A_107 : memref<!tpu.dma_semaphore, #tpu.memory_space<semaphore_mem>>)
      %dma_wait3A_112 = arith.constant 0 : i32
      %dma_wait3A_113 = tpu.memref_slice %arg8[%add3A_38, %dma_wait3A_112] : memref<10112x128xf32, #tpu.memory_space<vmem_shared>> -> memref<64x128xf32, #tpu.memory_space<vmem_shared>>
      %dma_wait3A_114 = arith.constant 0 : i32
      %dma_wait3A_115 = tpu.memref_slice %arg8[%add3A_38, %dma_wait3A_114] : memref<10112x128xf32, #tpu.memory_space<vmem_shared>> -> memref<64x128xf32, #tpu.memory_space<vmem_shared>>
      tpu.wait_dma2 semaphore(%run_scoped3A_107 : memref<!tpu.dma_semaphore, #tpu.memory_space<semaphore_mem>>) src(%arg6 : memref<64x128xf32, #tpu.memory_space<vmem>>) dst(%dma_wait3A_115 : memref<64x128xf32, #tpu.memory_space<vmem_shared>>)
      tpu.yield
    }) : () -> ()
    %mul3A_39 = arith.constant 632 : i32
    %mul3A_40 = arith.muli %arg1, %mul3A_39 : i32
    %add3A_41 = arith.constant 512 : i32
    %add3A_42 = arith.addi %mul3A_40, %add3A_41 : i32
    "tpu.region"() ({
      %run_scoped3A_107 = tpu.sem_alloc : memref<!tpu.dma_semaphore, #tpu.memory_space<semaphore_mem>>
      %dma_start3A_108 = arith.constant 0 : i32
      %dma_start3A_109 = tpu.memref_slice %arg8[%add3A_42, %dma_start3A_108] : memref<10112x128xf32, #tpu.memory_space<vmem_shared>> -> memref<64x128xf32, #tpu.memory_space<vmem_shared>>
      %dma_start3A_110 = arith.constant 0 : i32
      %dma_start3A_111 = tpu.memref_slice %arg8[%add3A_42, %dma_start3A_110] : memref<10112x128xf32, #tpu.memory_space<vmem_shared>> -> memref<64x128xf32, #tpu.memory_space<vmem_shared>>
      tpu.enqueue_dma source(%arg6 : memref<64x128xf32, #tpu.memory_space<vmem>>) target(%dma_start3A_111 : memref<64x128xf32, #tpu.memory_space<vmem_shared>>) target_semaphore(%run_scoped3A_107 : memref<!tpu.dma_semaphore, #tpu.memory_space<semaphore_mem>>)
      %dma_wait3A_112 = arith.constant 0 : i32
      %dma_wait3A_113 = tpu.memref_slice %arg8[%add3A_42, %dma_wait3A_112] : memref<10112x128xf32, #tpu.memory_space<vmem_shared>> -> memref<64x128xf32, #tpu.memory_space<vmem_shared>>
      %dma_wait3A_114 = arith.constant 0 : i32
      %dma_wait3A_115 = tpu.memref_slice %arg8[%add3A_42, %dma_wait3A_114] : memref<10112x128xf32, #tpu.memory_space<vmem_shared>> -> memref<64x128xf32, #tpu.memory_space<vmem_shared>>
      tpu.wait_dma2 semaphore(%run_scoped3A_107 : memref<!tpu.dma_semaphore, #tpu.memory_space<semaphore_mem>>) src(%arg6 : memref<64x128xf32, #tpu.memory_space<vmem>>) dst(%dma_wait3A_115 : memref<64x128xf32, #tpu.memory_space<vmem_shared>>)
      tpu.yield
    }) : () -> ()
    %mul3A_43 = arith.constant 632 : i32
    %mul3A_44 = arith.muli %arg1, %mul3A_43 : i32
    %add3A_45 = arith.constant 576 : i32
    %add3A_46 = arith.addi %mul3A_44, %add3A_45 : i32
    "tpu.region"() ({
      %run_scoped3A_107 = tpu.sem_alloc : memref<!tpu.dma_semaphore, #tpu.memory_space<semaphore_mem>>
      %dma_start3A_108 = arith.constant 0 : i32
      %dma_start3A_109 = arith.constant 0 : i32
      %dma_start3A_110 = tpu.memref_slice %arg6[%dma_start3A_108, %dma_start3A_109] : memref<64x128xf32, #tpu.memory_space<vmem>> -> memref<56x128xf32, #tpu.memory_space<vmem>>
      %dma_start3A_111 = arith.constant 0 : i32
      %dma_start3A_112 = tpu.memref_slice %arg8[%add3A_46, %dma_start3A_111] : memref<10112x128xf32, #tpu.memory_space<vmem_shared>> -> memref<56x128xf32, #tpu.memory_space<vmem_shared>>
      %dma_start3A_113 = arith.constant 0 : i32
      %dma_start3A_114 = tpu.memref_slice %arg8[%add3A_46, %dma_start3A_113] : memref<10112x128xf32, #tpu.memory_space<vmem_shared>> -> memref<56x128xf32, #tpu.memory_space<vmem_shared>>
      %dma_start3A_115 = arith.constant 0 : i32
      %dma_start3A_116 = arith.constant 0 : i32
      %dma_start3A_117 = tpu.memref_slice %arg6[%dma_start3A_115, %dma_start3A_116] : memref<64x128xf32, #tpu.memory_space<vmem>> -> memref<56x128xf32, #tpu.memory_space<vmem>>
      tpu.enqueue_dma source(%dma_start3A_117 : memref<56x128xf32, #tpu.memory_space<vmem>>) target(%dma_start3A_114 : memref<56x128xf32, #tpu.memory_space<vmem_shared>>) target_semaphore(%run_scoped3A_107 : memref<!tpu.dma_semaphore, #tpu.memory_space<semaphore_mem>>)
      %dma_wait3A_118 = arith.constant 0 : i32
      %dma_wait3A_119 = arith.constant 0 : i32
      %dma_wait3A_120 = tpu.memref_slice %arg6[%dma_wait3A_118, %dma_wait3A_119] : memref<64x128xf32, #tpu.memory_space<vmem>> -> memref<56x128xf32, #tpu.memory_space<vmem>>
      %dma_wait3A_121 = arith.constant 0 : i32
      %dma_wait3A_122 = tpu.memref_slice %arg8[%add3A_46, %dma_wait3A_121] : memref<10112x128xf32, #tpu.memory_space<vmem_shared>> -> memref<56x128xf32, #tpu.memory_space<vmem_shared>>
      %dma_wait3A_123 = arith.constant 0 : i32
      %dma_wait3A_124 = tpu.memref_slice %arg8[%add3A_46, %dma_wait3A_123] : memref<10112x128xf32, #tpu.memory_space<vmem_shared>> -> memref<56x128xf32, #tpu.memory_space<vmem_shared>>
      %dma_wait3A_125 = arith.constant 0 : i32
      %dma_wait3A_126 = arith.constant 0 : i32
      %dma_wait3A_127 = tpu.memref_slice %arg6[%dma_wait3A_125, %dma_wait3A_126] : memref<64x128xf32, #tpu.memory_space<vmem>> -> memref<56x128xf32, #tpu.memory_space<vmem>>
      tpu.wait_dma2 semaphore(%run_scoped3A_107 : memref<!tpu.dma_semaphore, #tpu.memory_space<semaphore_mem>>) src(%dma_wait3A_127 : memref<56x128xf32, #tpu.memory_space<vmem>>) dst(%dma_wait3A_124 : memref<56x128xf32, #tpu.memory_space<vmem_shared>>)
      tpu.yield
    }) : () -> ()
    %barrier3A = arith.constant 0 : index
    tpu.barrier barrier_id(%barrier3A)
    %run_scoped3A = arith.constant 0 : i32
    %run_scoped3A_47 = arith.constant 0 : i32
    "tpu.region"() ({
      %run_scoped3A_107 = tpu.sem_alloc : memref<!tpu.dma_semaphore, #tpu.memory_space<semaphore_mem>>
      %dma_start3A_108 = arith.constant 0 : i32
      %dma_start3A_109 = arith.constant 0 : i32
      %dma_start3A_110 = tpu.memref_slice %arg5[%run_scoped3A_47, %dma_start3A_108, %dma_start3A_109] : memref<2x2x64xi32, #tpu.memory_space<vmem>> -> memref<1x2x64xi32, #tpu.memory_space<vmem>>
      %dma_start3A_111 = tpu.memref_squeeze %dma_start3A_110 : memref<1x2x64xi32, #tpu.memory_space<vmem>> -> memref<2x64xi32, #tpu.memory_space<vmem>>
      %dma_start3A_112 = arith.constant 0 : i32
      %dma_start3A_113 = arith.constant 0 : i32
      %dma_start3A_114 = tpu.memref_slice %arg3[%add3A, %run_scoped3A, %dma_start3A_112, %dma_start3A_113] : memref<32x162x2x64xi32, #tpu.memory_space<hbm>> -> memref<1x1x2x64xi32, #tpu.memory_space<hbm>>
      %dma_start3A_115 = tpu.memref_squeeze %dma_start3A_114 : memref<1x1x2x64xi32, #tpu.memory_space<hbm>> -> memref<2x64xi32, #tpu.memory_space<hbm>>
      %dma_start3A_116 = arith.constant 0 : i32
      %dma_start3A_117 = arith.constant 0 : i32
      %dma_start3A_118 = tpu.memref_slice %arg5[%run_scoped3A_47, %dma_start3A_116, %dma_start3A_117] : memref<2x2x64xi32, #tpu.memory_space<vmem>> -> memref<1x2x64xi32, #tpu.memory_space<vmem>>
      %dma_start3A_119 = tpu.memref_squeeze %dma_start3A_118 : memref<1x2x64xi32, #tpu.memory_space<vmem>> -> memref<2x64xi32, #tpu.memory_space<vmem>>
      %dma_start3A_120 = arith.constant 0 : i32
      %dma_start3A_121 = arith.constant 0 : i32
      %dma_start3A_122 = tpu.memref_slice %arg3[%add3A, %run_scoped3A, %dma_start3A_120, %dma_start3A_121] : memref<32x162x2x64xi32, #tpu.memory_space<hbm>> -> memref<1x1x2x64xi32, #tpu.memory_space<hbm>>
      %dma_start3A_123 = tpu.memref_squeeze %dma_start3A_122 : memref<1x1x2x64xi32, #tpu.memory_space<hbm>> -> memref<2x64xi32, #tpu.memory_space<hbm>>
      tpu.enqueue_dma source(%dma_start3A_123 : memref<2x64xi32, #tpu.memory_space<hbm>>) target(%dma_start3A_119 : memref<2x64xi32, #tpu.memory_space<vmem>>) target_semaphore(%run_scoped3A_107 : memref<!tpu.dma_semaphore, #tpu.memory_space<semaphore_mem>>)
      %dma_wait3A_124 = arith.constant 0 : i32
      %dma_wait3A_125 = arith.constant 0 : i32
      %dma_wait3A_126 = tpu.memref_slice %arg5[%run_scoped3A_47, %dma_wait3A_124, %dma_wait3A_125] : memref<2x2x64xi32, #tpu.memory_space<vmem>> -> memref<1x2x64xi32, #tpu.memory_space<vmem>>
      %dma_wait3A_127 = tpu.memref_squeeze %dma_wait3A_126 : memref<1x2x64xi32, #tpu.memory_space<vmem>> -> memref<2x64xi32, #tpu.memory_space<vmem>>
      %dma_wait3A_128 = arith.constant 0 : i32
      %dma_wait3A_129 = arith.constant 0 : i32
      %dma_wait3A_130 = tpu.memref_slice %arg3[%add3A, %run_scoped3A, %dma_wait3A_128, %dma_wait3A_129] : memref<32x162x2x64xi32, #tpu.memory_space<hbm>> -> memref<1x1x2x64xi32, #tpu.memory_space<hbm>>
      %dma_wait3A_131 = tpu.memref_squeeze %dma_wait3A_130 : memref<1x1x2x64xi32, #tpu.memory_space<hbm>> -> memref<2x64xi32, #tpu.memory_space<hbm>>
      %dma_wait3A_132 = arith.constant 0 : i32
      %dma_wait3A_133 = arith.constant 0 : i32
      %dma_wait3A_134 = tpu.memref_slice %arg5[%run_scoped3A_47, %dma_wait3A_132, %dma_wait3A_133] : memref<2x2x64xi32, #tpu.memory_space<vmem>> -> memref<1x2x64xi32, #tpu.memory_space<vmem>>
      %dma_wait3A_135 = tpu.memref_squeeze %dma_wait3A_134 : memref<1x2x64xi32, #tpu.memory_space<vmem>> -> memref<2x64xi32, #tpu.memory_space<vmem>>
      %dma_wait3A_136 = arith.constant 0 : i32
      %dma_wait3A_137 = arith.constant 0 : i32
      %dma_wait3A_138 = tpu.memref_slice %arg3[%add3A, %run_scoped3A, %dma_wait3A_136, %dma_wait3A_137] : memref<32x162x2x64xi32, #tpu.memory_space<hbm>> -> memref<1x1x2x64xi32, #tpu.memory_space<hbm>>
      %dma_wait3A_139 = tpu.memref_squeeze %dma_wait3A_138 : memref<1x1x2x64xi32, #tpu.memory_space<hbm>> -> memref<2x64xi32, #tpu.memory_space<hbm>>
      tpu.wait_dma2 semaphore(%run_scoped3A_107 : memref<!tpu.dma_semaphore, #tpu.memory_space<semaphore_mem>>) src(%dma_wait3A_139 : memref<2x64xi32, #tpu.memory_space<hbm>>) dst(%dma_wait3A_135 : memref<2x64xi32, #tpu.memory_space<vmem>>)
      tpu.yield
    }) : () -> ()
    %dma_start3A = arith.constant 1 : i32
    %dma_start3A_48 = arith.constant 1 : i32
    %dma_start3A_49 = arith.constant 0 : i32
    %dma_start3A_50 = arith.constant 0 : i32
    %dma_start3A_51 = tpu.memref_slice %arg5[%dma_start3A_48, %dma_start3A_49, %dma_start3A_50] : memref<2x2x64xi32, #tpu.memory_space<vmem>> -> memref<1x2x64xi32, #tpu.memory_space<vmem>>
    %dma_start3A_52 = tpu.memref_squeeze %dma_start3A_51 : memref<1x2x64xi32, #tpu.memory_space<vmem>> -> memref<2x64xi32, #tpu.memory_space<vmem>>
    %dma_start3A_53 = arith.constant 0 : i32
    %dma_start3A_54 = arith.constant 0 : i32
    %dma_start3A_55 = tpu.memref_slice %arg3[%add3A, %dma_start3A, %dma_start3A_53, %dma_start3A_54] : memref<32x162x2x64xi32, #tpu.memory_space<hbm>> -> memref<1x1x2x64xi32, #tpu.memory_space<hbm>>
    %dma_start3A_56 = tpu.memref_squeeze %dma_start3A_55 : memref<1x1x2x64xi32, #tpu.memory_space<hbm>> -> memref<2x64xi32, #tpu.memory_space<hbm>>
    %dma_start3A_57 = arith.constant 0 : i32
    %dma_start3A_58 = arith.constant 0 : i32
    %dma_start3A_59 = tpu.memref_slice %arg5[%dma_start3A_48, %dma_start3A_57, %dma_start3A_58] : memref<2x2x64xi32, #tpu.memory_space<vmem>> -> memref<1x2x64xi32, #tpu.memory_space<vmem>>
    %dma_start3A_60 = tpu.memref_squeeze %dma_start3A_59 : memref<1x2x64xi32, #tpu.memory_space<vmem>> -> memref<2x64xi32, #tpu.memory_space<vmem>>
    %dma_start3A_61 = arith.constant 0 : i32
    %dma_start3A_62 = arith.constant 0 : i32
    %dma_start3A_63 = tpu.memref_slice %arg3[%add3A, %dma_start3A, %dma_start3A_61, %dma_start3A_62] : memref<32x162x2x64xi32, #tpu.memory_space<hbm>> -> memref<1x1x2x64xi32, #tpu.memory_space<hbm>>
    %dma_start3A_64 = tpu.memref_squeeze %dma_start3A_63 : memref<1x1x2x64xi32, #tpu.memory_space<hbm>> -> memref<2x64xi32, #tpu.memory_space<hbm>>
    tpu.enqueue_dma source(%dma_start3A_64 : memref<2x64xi32, #tpu.memory_space<hbm>>) target(%dma_start3A_60 : memref<2x64xi32, #tpu.memory_space<vmem>>) target_semaphore(%arg12 : memref<!tpu.dma_semaphore, #tpu.memory_space<semaphore_mem>>)
    %dma_start3A_65 = arith.constant 0 : i32
    %dma_start3A_66 = arith.constant 0 : i32
    %dma_start3A_67 = arith.constant 0 : i32
    %dma_start3A_68 = tpu.memref_slice %arg5[%dma_start3A_65, %dma_start3A_66, %dma_start3A_67] : memref<2x2x64xi32, #tpu.memory_space<vmem>> -> memref<1x1x64xi32, #tpu.memory_space<vmem>>
    %dma_start3A_69 = tpu.memref_squeeze %dma_start3A_68 : memref<1x1x64xi32, #tpu.memory_space<vmem>> -> memref<64xi32, #tpu.memory_space<vmem>>
    %dma_start3A_70 = arith.constant 0 : i32
    %dma_start3A_71 = arith.constant 0 : i32
    %dma_start3A_72 = tpu.memref_slice %arg2[%dma_start3A_70, %dma_start3A_71] : memref<10000x128xf32, #tpu.memory_space<hbm>> -> memref<10000x128xf32, #tpu.memory_space<hbm>>
    tpu.enqueue_indirect_dma source(%dma_start3A_72 : memref<10000x128xf32, #tpu.memory_space<hbm>>) target(%arg6 : memref<64x128xf32, #tpu.memory_space<vmem>>) offsets(%dma_start3A_69 : memref<64xi32, #tpu.memory_space<vmem>>) semaphore(%arg9 : memref<!tpu.dma_semaphore, #tpu.memory_space<semaphore_mem>>)
    %scan3A_73 = arith.constant 0 : i32
    %scan3A_74 = arith.constant 0 : i32
    %scan3A_75 = arith.constant 80 : i32
    %scan3A_76 = arith.addi %scan3A_74, %scan3A_75 : i32
    %scan3A_77 = arith.constant 1 : i32
    scf.for %scan3A_107 = %scan3A_74 to %scan3A_76 step %scan3A_77  : i32 {
      %mul3A_108 = arith.constant 2 : i32
      %mul3A_109 = arith.muli %scan3A_107, %mul3A_108 : i32
      %dma_wait3A_110 = arith.constant 0 : i32
      %dma_wait3A_111 = arith.constant 0 : i32
      %dma_wait3A_112 = tpu.memref_slice %arg2[%dma_wait3A_110, %dma_wait3A_111] : memref<10000x128xf32, #tpu.memory_space<hbm>> -> memref<64x128xf32, #tpu.memory_space<hbm>>
      %dma_wait3A_113 = arith.constant 0 : i32
      %dma_wait3A_114 = arith.constant 0 : i32
      %dma_wait3A_115 = tpu.memref_slice %arg2[%dma_wait3A_113, %dma_wait3A_114] : memref<10000x128xf32, #tpu.memory_space<hbm>> -> memref<64x128xf32, #tpu.memory_space<hbm>>
      tpu.wait_dma2 semaphore(%arg9 : memref<!tpu.dma_semaphore, #tpu.memory_space<semaphore_mem>>) src(%dma_wait3A_115 : memref<64x128xf32, #tpu.memory_space<hbm>>) dst(%arg6 : memref<64x128xf32, #tpu.memory_space<vmem>>)
      %dma_wait3A_116 = arith.constant 0 : i32
      %dma_wait3A_117 = arith.constant 1 : i32
      %dma_wait3A_118 = arith.constant 0 : i32
      %dma_wait3A_119 = arith.constant 0 : i32
      %dma_wait3A_120 = tpu.memref_slice %arg5[%dma_wait3A_117, %dma_wait3A_118, %dma_wait3A_119] : memref<2x2x64xi32, #tpu.memory_space<vmem>> -> memref<1x2x64xi32, #tpu.memory_space<vmem>>
      %dma_wait3A_121 = tpu.memref_squeeze %dma_wait3A_120 : memref<1x2x64xi32, #tpu.memory_space<vmem>> -> memref<2x64xi32, #tpu.memory_space<vmem>>
      %dma_wait3A_122 = arith.constant 0 : i32
      %dma_wait3A_123 = arith.constant 0 : i32
      %dma_wait3A_124 = tpu.memref_slice %arg3[%add3A, %dma_wait3A_116, %dma_wait3A_122, %dma_wait3A_123] : memref<32x162x2x64xi32, #tpu.memory_space<hbm>> -> memref<1x1x2x64xi32, #tpu.memory_space<hbm>>
      %dma_wait3A_125 = tpu.memref_squeeze %dma_wait3A_124 : memref<1x1x2x64xi32, #tpu.memory_space<hbm>> -> memref<2x64xi32, #tpu.memory_space<hbm>>
      %dma_wait3A_126 = arith.constant 0 : i32
      %dma_wait3A_127 = arith.constant 0 : i32
      %dma_wait3A_128 = tpu.memref_slice %arg5[%dma_wait3A_117, %dma_wait3A_126, %dma_wait3A_127] : memref<2x2x64xi32, #tpu.memory_space<vmem>> -> memref<1x2x64xi32, #tpu.memory_space<vmem>>
      %dma_wait3A_129 = tpu.memref_squeeze %dma_wait3A_128 : memref<1x2x64xi32, #tpu.memory_space<vmem>> -> memref<2x64xi32, #tpu.memory_space<vmem>>
      %dma_wait3A_130 = arith.constant 0 : i32
      %dma_wait3A_131 = arith.constant 0 : i32
      %dma_wait3A_132 = tpu.memref_slice %arg3[%add3A, %dma_wait3A_116, %dma_wait3A_130, %dma_wait3A_131] : memref<32x162x2x64xi32, #tpu.memory_space<hbm>> -> memref<1x1x2x64xi32, #tpu.memory_space<hbm>>
      %dma_wait3A_133 = tpu.memref_squeeze %dma_wait3A_132 : memref<1x1x2x64xi32, #tpu.memory_space<hbm>> -> memref<2x64xi32, #tpu.memory_space<hbm>>
      tpu.wait_dma2 semaphore(%arg12 : memref<!tpu.dma_semaphore, #tpu.memory_space<semaphore_mem>>) src(%dma_wait3A_133 : memref<2x64xi32, #tpu.memory_space<hbm>>) dst(%dma_wait3A_129 : memref<2x64xi32, #tpu.memory_space<vmem>>)
      %dma_start3A_134 = arith.constant 1 : i32
      %dma_start3A_135 = arith.constant 0 : i32
      %dma_start3A_136 = arith.constant 0 : i32
      %dma_start3A_137 = tpu.memref_slice %arg5[%dma_start3A_134, %dma_start3A_135, %dma_start3A_136] : memref<2x2x64xi32, #tpu.memory_space<vmem>> -> memref<1x1x64xi32, #tpu.memory_space<vmem>>
      %dma_start3A_138 = tpu.memref_squeeze %dma_start3A_137 : memref<1x1x64xi32, #tpu.memory_space<vmem>> -> memref<64xi32, #tpu.memory_space<vmem>>
      %dma_start3A_139 = arith.constant 0 : i32
      %dma_start3A_140 = arith.constant 0 : i32
      %dma_start3A_141 = tpu.memref_slice %arg2[%dma_start3A_139, %dma_start3A_140] : memref<10000x128xf32, #tpu.memory_space<hbm>> -> memref<10000x128xf32, #tpu.memory_space<hbm>>
      tpu.enqueue_indirect_dma source(%dma_start3A_141 : memref<10000x128xf32, #tpu.memory_space<hbm>>) target(%arg7 : memref<64x128xf32, #tpu.memory_space<vmem>>) offsets(%dma_start3A_138 : memref<64xi32, #tpu.memory_space<vmem>>) semaphore(%arg10 : memref<!tpu.dma_semaphore, #tpu.memory_space<semaphore_mem>>)
      %run_scoped3A_142 = arith.constant 0 : i32
      %run_scoped3A_143 = arith.constant 1 : i32
      "tpu.region"() ({
        %run_scoped3A_216 = tpu.sem_alloc : memref<!tpu.dma_semaphore, #tpu.memory_space<semaphore_mem>>
        %dma_start3A_217 = arith.constant 0 : i32
        %dma_start3A_218 = tpu.memref_slice %arg5[%run_scoped3A_142, %run_scoped3A_143, %dma_start3A_217] : memref<2x2x64xi32, #tpu.memory_space<vmem>> -> memref<1x1x64xi32, #tpu.memory_space<vmem>>
        %dma_start3A_219 = tpu.memref_squeeze %dma_start3A_218 : memref<1x1x64xi32, #tpu.memory_space<vmem>> -> memref<64xi32, #tpu.memory_space<vmem>>
        %dma_start3A_220 = arith.constant 0 : i32
        %dma_start3A_221 = arith.constant 0 : i32
        %dma_start3A_222 = tpu.memref_slice %arg8[%dma_start3A_220, %dma_start3A_221] : memref<10112x128xf32, #tpu.memory_space<vmem_shared>> -> memref<10112x128xf32, #tpu.memory_space<vmem_shared>>
        tpu.enqueue_indirect_dma source(%arg6 : memref<64x128xf32, #tpu.memory_space<vmem>>) target(%dma_start3A_222 : memref<10112x128xf32, #tpu.memory_space<vmem_shared>>) offsets(%dma_start3A_219 : memref<64xi32, #tpu.memory_space<vmem>>) semaphore(%run_scoped3A_216 : memref<!tpu.dma_semaphore, #tpu.memory_space<semaphore_mem>>) {add = true}
        %dma_wait3A_223 = arith.constant 0 : i32
        %dma_wait3A_224 = tpu.memref_slice %arg5[%run_scoped3A_142, %run_scoped3A_143, %dma_wait3A_223] : memref<2x2x64xi32, #tpu.memory_space<vmem>> -> memref<1x1x64xi32, #tpu.memory_space<vmem>>
        %dma_wait3A_225 = tpu.memref_squeeze %dma_wait3A_224 : memref<1x1x64xi32, #tpu.memory_space<vmem>> -> memref<64xi32, #tpu.memory_space<vmem>>
        %dma_wait3A_226 = arith.constant 0 : i32
        %dma_wait3A_227 = arith.constant 0 : i32
        %dma_wait3A_228 = tpu.memref_slice %arg8[%dma_wait3A_226, %dma_wait3A_227] : memref<10112x128xf32, #tpu.memory_space<vmem_shared>> -> memref<10112x128xf32, #tpu.memory_space<vmem_shared>>
        tpu.wait_indirect_dma semaphore(%run_scoped3A_216 : memref<!tpu.dma_semaphore, #tpu.memory_space<semaphore_mem>>) src(%arg6 : memref<64x128xf32, #tpu.memory_space<vmem>>) dst(%dma_wait3A_228 : memref<10112x128xf32, #tpu.memory_space<vmem_shared>>)
        tpu.yield
      }) : () -> ()
      %add3A_144 = arith.constant 2 : i32
      %add3A_145 = arith.addi %mul3A_109, %add3A_144 : i32
      %dma_start3A_146 = arith.constant 0 : i32
      %dma_start3A_147 = arith.constant 0 : i32
      %dma_start3A_148 = arith.constant 0 : i32
      %dma_start3A_149 = tpu.memref_slice %arg5[%dma_start3A_146, %dma_start3A_147, %dma_start3A_148] : memref<2x2x64xi32, #tpu.memory_space<vmem>> -> memref<1x2x64xi32, #tpu.memory_space<vmem>>
      %dma_start3A_150 = tpu.memref_squeeze %dma_start3A_149 : memref<1x2x64xi32, #tpu.memory_space<vmem>> -> memref<2x64xi32, #tpu.memory_space<vmem>>
      %dma_start3A_151 = arith.constant 0 : i32
      %dma_start3A_152 = arith.constant 0 : i32
      %dma_start3A_153 = tpu.memref_slice %arg3[%add3A, %add3A_145, %dma_start3A_151, %dma_start3A_152] : memref<32x162x2x64xi32, #tpu.memory_space<hbm>> -> memref<1x1x2x64xi32, #tpu.memory_space<hbm>>
      %dma_start3A_154 = tpu.memref_squeeze %dma_start3A_153 : memref<1x1x2x64xi32, #tpu.memory_space<hbm>> -> memref<2x64xi32, #tpu.memory_space<hbm>>
      %dma_start3A_155 = arith.constant 0 : i32
      %dma_start3A_156 = arith.constant 0 : i32
      %dma_start3A_157 = tpu.memref_slice %arg5[%dma_start3A_146, %dma_start3A_155, %dma_start3A_156] : memref<2x2x64xi32, #tpu.memory_space<vmem>> -> memref<1x2x64xi32, #tpu.memory_space<vmem>>
      %dma_start3A_158 = tpu.memref_squeeze %dma_start3A_157 : memref<1x2x64xi32, #tpu.memory_space<vmem>> -> memref<2x64xi32, #tpu.memory_space<vmem>>
      %dma_start3A_159 = arith.constant 0 : i32
      %dma_start3A_160 = arith.constant 0 : i32
      %dma_start3A_161 = tpu.memref_slice %arg3[%add3A, %add3A_145, %dma_start3A_159, %dma_start3A_160] : memref<32x162x2x64xi32, #tpu.memory_space<hbm>> -> memref<1x1x2x64xi32, #tpu.memory_space<hbm>>
      %dma_start3A_162 = tpu.memref_squeeze %dma_start3A_161 : memref<1x1x2x64xi32, #tpu.memory_space<hbm>> -> memref<2x64xi32, #tpu.memory_space<hbm>>
      tpu.enqueue_dma source(%dma_start3A_162 : memref<2x64xi32, #tpu.memory_space<hbm>>) target(%dma_start3A_158 : memref<2x64xi32, #tpu.memory_space<vmem>>) target_semaphore(%arg11 : memref<!tpu.dma_semaphore, #tpu.memory_space<semaphore_mem>>)
      %dma_wait3A_163 = arith.constant 0 : i32
      %dma_wait3A_164 = arith.constant 0 : i32
      %dma_wait3A_165 = tpu.memref_slice %arg2[%dma_wait3A_163, %dma_wait3A_164] : memref<10000x128xf32, #tpu.memory_space<hbm>> -> memref<64x128xf32, #tpu.memory_space<hbm>>
      %dma_wait3A_166 = arith.constant 0 : i32
      %dma_wait3A_167 = arith.constant 0 : i32
      %dma_wait3A_168 = tpu.memref_slice %arg2[%dma_wait3A_166, %dma_wait3A_167] : memref<10000x128xf32, #tpu.memory_space<hbm>> -> memref<64x128xf32, #tpu.memory_space<hbm>>
      tpu.wait_dma2 semaphore(%arg10 : memref<!tpu.dma_semaphore, #tpu.memory_space<semaphore_mem>>) src(%dma_wait3A_168 : memref<64x128xf32, #tpu.memory_space<hbm>>) dst(%arg7 : memref<64x128xf32, #tpu.memory_space<vmem>>)
      %dma_wait3A_169 = arith.constant 0 : i32
      %dma_wait3A_170 = arith.constant 0 : i32
      %dma_wait3A_171 = arith.constant 0 : i32
      %dma_wait3A_172 = arith.constant 0 : i32
      %dma_wait3A_173 = tpu.memref_slice %arg5[%dma_wait3A_170, %dma_wait3A_171, %dma_wait3A_172] : memref<2x2x64xi32, #tpu.memory_space<vmem>> -> memref<1x2x64xi32, #tpu.memory_space<vmem>>
      %dma_wait3A_174 = tpu.memref_squeeze %dma_wait3A_173 : memref<1x2x64xi32, #tpu.memory_space<vmem>> -> memref<2x64xi32, #tpu.memory_space<vmem>>
      %dma_wait3A_175 = arith.constant 0 : i32
      %dma_wait3A_176 = arith.constant 0 : i32
      %dma_wait3A_177 = tpu.memref_slice %arg3[%add3A, %dma_wait3A_169, %dma_wait3A_175, %dma_wait3A_176] : memref<32x162x2x64xi32, #tpu.memory_space<hbm>> -> memref<1x1x2x64xi32, #tpu.memory_space<hbm>>
      %dma_wait3A_178 = tpu.memref_squeeze %dma_wait3A_177 : memref<1x1x2x64xi32, #tpu.memory_space<hbm>> -> memref<2x64xi32, #tpu.memory_space<hbm>>
      %dma_wait3A_179 = arith.constant 0 : i32
      %dma_wait3A_180 = arith.constant 0 : i32
      %dma_wait3A_181 = tpu.memref_slice %arg5[%dma_wait3A_170, %dma_wait3A_179, %dma_wait3A_180] : memref<2x2x64xi32, #tpu.memory_space<vmem>> -> memref<1x2x64xi32, #tpu.memory_space<vmem>>
      %dma_wait3A_182 = tpu.memref_squeeze %dma_wait3A_181 : memref<1x2x64xi32, #tpu.memory_space<vmem>> -> memref<2x64xi32, #tpu.memory_space<vmem>>
      %dma_wait3A_183 = arith.constant 0 : i32
      %dma_wait3A_184 = arith.constant 0 : i32
      %dma_wait3A_185 = tpu.memref_slice %arg3[%add3A, %dma_wait3A_169, %dma_wait3A_183, %dma_wait3A_184] : memref<32x162x2x64xi32, #tpu.memory_space<hbm>> -> memref<1x1x2x64xi32, #tpu.memory_space<hbm>>
      %dma_wait3A_186 = tpu.memref_squeeze %dma_wait3A_185 : memref<1x1x2x64xi32, #tpu.memory_space<hbm>> -> memref<2x64xi32, #tpu.memory_space<hbm>>
      tpu.wait_dma2 semaphore(%arg11 : memref<!tpu.dma_semaphore, #tpu.memory_space<semaphore_mem>>) src(%dma_wait3A_186 : memref<2x64xi32, #tpu.memory_space<hbm>>) dst(%dma_wait3A_182 : memref<2x64xi32, #tpu.memory_space<vmem>>)
      %dma_start3A_187 = arith.constant 0 : i32
      %dma_start3A_188 = arith.constant 0 : i32
      %dma_start3A_189 = arith.constant 0 : i32
      %dma_start3A_190 = tpu.memref_slice %arg5[%dma_start3A_187, %dma_start3A_188, %dma_start3A_189] : memref<2x2x64xi32, #tpu.memory_space<vmem>> -> memref<1x1x64xi32, #tpu.memory_space<vmem>>
      %dma_start3A_191 = tpu.memref_squeeze %dma_start3A_190 : memref<1x1x64xi32, #tpu.memory_space<vmem>> -> memref<64xi32, #tpu.memory_space<vmem>>
      %dma_start3A_192 = arith.constant 0 : i32
      %dma_start3A_193 = arith.constant 0 : i32
      %dma_start3A_194 = tpu.memref_slice %arg2[%dma_start3A_192, %dma_start3A_193] : memref<10000x128xf32, #tpu.memory_space<hbm>> -> memref<10000x128xf32, #tpu.memory_space<hbm>>
      tpu.enqueue_indirect_dma source(%dma_start3A_194 : memref<10000x128xf32, #tpu.memory_space<hbm>>) target(%arg6 : memref<64x128xf32, #tpu.memory_space<vmem>>) offsets(%dma_start3A_191 : memref<64xi32, #tpu.memory_space<vmem>>) semaphore(%arg9 : memref<!tpu.dma_semaphore, #tpu.memory_space<semaphore_mem>>)
      %run_scoped3A_195 = arith.constant 1 : i32
      %run_scoped3A_196 = arith.constant 1 : i32
      "tpu.region"() ({
        %run_scoped3A_216 = tpu.sem_alloc : memref<!tpu.dma_semaphore, #tpu.memory_space<semaphore_mem>>
        %dma_start3A_217 = arith.constant 0 : i32
        %dma_start3A_218 = tpu.memref_slice %arg5[%run_scoped3A_195, %run_scoped3A_196, %dma_start3A_217] : memref<2x2x64xi32, #tpu.memory_space<vmem>> -> memref<1x1x64xi32, #tpu.memory_space<vmem>>
        %dma_start3A_219 = tpu.memref_squeeze %dma_start3A_218 : memref<1x1x64xi32, #tpu.memory_space<vmem>> -> memref<64xi32, #tpu.memory_space<vmem>>
        %dma_start3A_220 = arith.constant 0 : i32
        %dma_start3A_221 = arith.constant 0 : i32
        %dma_start3A_222 = tpu.memref_slice %arg8[%dma_start3A_220, %dma_start3A_221] : memref<10112x128xf32, #tpu.memory_space<vmem_shared>> -> memref<10112x128xf32, #tpu.memory_space<vmem_shared>>
        tpu.enqueue_indirect_dma source(%arg7 : memref<64x128xf32, #tpu.memory_space<vmem>>) target(%dma_start3A_222 : memref<10112x128xf32, #tpu.memory_space<vmem_shared>>) offsets(%dma_start3A_219 : memref<64xi32, #tpu.memory_space<vmem>>) semaphore(%run_scoped3A_216 : memref<!tpu.dma_semaphore, #tpu.memory_space<semaphore_mem>>) {add = true}
        %dma_wait3A_223 = arith.constant 0 : i32
        %dma_wait3A_224 = tpu.memref_slice %arg5[%run_scoped3A_195, %run_scoped3A_196, %dma_wait3A_223] : memref<2x2x64xi32, #tpu.memory_space<vmem>> -> memref<1x1x64xi32, #tpu.memory_space<vmem>>
        %dma_wait3A_225 = tpu.memref_squeeze %dma_wait3A_224 : memref<1x1x64xi32, #tpu.memory_space<vmem>> -> memref<64xi32, #tpu.memory_space<vmem>>
        %dma_wait3A_226 = arith.constant 0 : i32
        %dma_wait3A_227 = arith.constant 0 : i32
        %dma_wait3A_228 = tpu.memref_slice %arg8[%dma_wait3A_226, %dma_wait3A_227] : memref<10112x128xf32, #tpu.memory_space<vmem_shared>> -> memref<10112x128xf32, #tpu.memory_space<vmem_shared>>
        tpu.wait_indirect_dma semaphore(%run_scoped3A_216 : memref<!tpu.dma_semaphore, #tpu.memory_space<semaphore_mem>>) src(%arg7 : memref<64x128xf32, #tpu.memory_space<vmem>>) dst(%dma_wait3A_228 : memref<10112x128xf32, #tpu.memory_space<vmem_shared>>)
        tpu.yield
      }) : () -> ()
      %add3A_197 = arith.constant 3 : i32
      %add3A_198 = arith.addi %mul3A_109, %add3A_197 : i32
      %dma_start3A_199 = arith.constant 1 : i32
      %dma_start3A_200 = arith.constant 0 : i32
      %dma_start3A_201 = arith.constant 0 : i32
      %dma_start3A_202 = tpu.memref_slice %arg5[%dma_start3A_199, %dma_start3A_200, %dma_start3A_201] : memref<2x2x64xi32, #tpu.memory_space<vmem>> -> memref<1x2x64xi32, #tpu.memory_space<vmem>>
      %dma_start3A_203 = tpu.memref_squeeze %dma_start3A_202 : memref<1x2x64xi32, #tpu.memory_space<vmem>> -> memref<2x64xi32, #tpu.memory_space<vmem>>
      %dma_start3A_204 = arith.constant 0 : i32
      %dma_start3A_205 = arith.constant 0 : i32
      %dma_start3A_206 = tpu.memref_slice %arg3[%add3A, %add3A_198, %dma_start3A_204, %dma_start3A_205] : memref<32x162x2x64xi32, #tpu.memory_space<hbm>> -> memref<1x1x2x64xi32, #tpu.memory_space<hbm>>
      %dma_start3A_207 = tpu.memref_squeeze %dma_start3A_206 : memref<1x1x2x64xi32, #tpu.memory_space<hbm>> -> memref<2x64xi32, #tpu.memory_space<hbm>>
      %dma_start3A_208 = arith.constant 0 : i32
      %dma_start3A_209 = arith.constant 0 : i32
      %dma_start3A_210 = tpu.memref_slice %arg5[%dma_start3A_199, %dma_start3A_208, %dma_start3A_209] : memref<2x2x64xi32, #tpu.memory_space<vmem>> -> memref<1x2x64xi32, #tpu.memory_space<vmem>>
      %dma_start3A_211 = tpu.memref_squeeze %dma_start3A_210 : memref<1x2x64xi32, #tpu.memory_space<vmem>> -> memref<2x64xi32, #tpu.memory_space<vmem>>
      %dma_start3A_212 = arith.constant 0 : i32
      %dma_start3A_213 = arith.constant 0 : i32
      %dma_start3A_214 = tpu.memref_slice %arg3[%add3A, %add3A_198, %dma_start3A_212, %dma_start3A_213] : memref<32x162x2x64xi32, #tpu.memory_space<hbm>> -> memref<1x1x2x64xi32, #tpu.memory_space<hbm>>
      %dma_start3A_215 = tpu.memref_squeeze %dma_start3A_214 : memref<1x1x2x64xi32, #tpu.memory_space<hbm>> -> memref<2x64xi32, #tpu.memory_space<hbm>>
      tpu.enqueue_dma source(%dma_start3A_215 : memref<2x64xi32, #tpu.memory_space<hbm>>) target(%dma_start3A_211 : memref<2x64xi32, #tpu.memory_space<vmem>>) target_semaphore(%arg12 : memref<!tpu.dma_semaphore, #tpu.memory_space<semaphore_mem>>)
    }
    %scan3A_78 = arith.constant 80 : i32
    %dma_wait3A = arith.constant 0 : i32
    %dma_wait3A_79 = arith.constant 0 : i32
    %dma_wait3A_80 = tpu.memref_slice %arg2[%dma_wait3A, %dma_wait3A_79] : memref<10000x128xf32, #tpu.memory_space<hbm>> -> memref<64x128xf32, #tpu.memory_space<hbm>>
    %dma_wait3A_81 = arith.constant 0 : i32
    %dma_wait3A_82 = arith.constant 0 : i32
    %dma_wait3A_83 = tpu.memref_slice %arg2[%dma_wait3A_81, %dma_wait3A_82] : memref<10000x128xf32, #tpu.memory_space<hbm>> -> memref<64x128xf32, #tpu.memory_space<hbm>>
    tpu.wait_dma2 semaphore(%arg9 : memref<!tpu.dma_semaphore, #tpu.memory_space<semaphore_mem>>) src(%dma_wait3A_83 : memref<64x128xf32, #tpu.memory_space<hbm>>) dst(%arg6 : memref<64x128xf32, #tpu.memory_space<vmem>>)
    %dma_wait3A_84 = arith.constant 0 : i32
    %dma_wait3A_85 = arith.constant 1 : i32
    %dma_wait3A_86 = arith.constant 0 : i32
    %dma_wait3A_87 = arith.constant 0 : i32
    %dma_wait3A_88 = tpu.memref_slice %arg5[%dma_wait3A_85, %dma_wait3A_86, %dma_wait3A_87] : memref<2x2x64xi32, #tpu.memory_space<vmem>> -> memref<1x2x64xi32, #tpu.memory_space<vmem>>
    %dma_wait3A_89 = tpu.memref_squeeze %dma_wait3A_88 : memref<1x2x64xi32, #tpu.memory_space<vmem>> -> memref<2x64xi32, #tpu.memory_space<vmem>>
    %dma_wait3A_90 = arith.constant 0 : i32
    %dma_wait3A_91 = arith.constant 0 : i32
    %dma_wait3A_92 = tpu.memref_slice %arg3[%add3A, %dma_wait3A_84, %dma_wait3A_90, %dma_wait3A_91] : memref<32x162x2x64xi32, #tpu.memory_space<hbm>> -> memref<1x1x2x64xi32, #tpu.memory_space<hbm>>
    %dma_wait3A_93 = tpu.memref_squeeze %dma_wait3A_92 : memref<1x1x2x64xi32, #tpu.memory_space<hbm>> -> memref<2x64xi32, #tpu.memory_space<hbm>>
    %dma_wait3A_94 = arith.constant 0 : i32
    %dma_wait3A_95 = arith.constant 0 : i32
    %dma_wait3A_96 = tpu.memref_slice %arg5[%dma_wait3A_85, %dma_wait3A_94, %dma_wait3A_95] : memref<2x2x64xi32, #tpu.memory_space<vmem>> -> memref<1x2x64xi32, #tpu.memory_space<vmem>>
    %dma_wait3A_97 = tpu.memref_squeeze %dma_wait3A_96 : memref<1x2x64xi32, #tpu.memory_space<vmem>> -> memref<2x64xi32, #tpu.memory_space<vmem>>
    %dma_wait3A_98 = arith.constant 0 : i32
    %dma_wait3A_99 = arith.constant 0 : i32
    %dma_wait3A_100 = tpu.memref_slice %arg3[%add3A, %dma_wait3A_84, %dma_wait3A_98, %dma_wait3A_99] : memref<32x162x2x64xi32, #tpu.memory_space<hbm>> -> memref<1x1x2x64xi32, #tpu.memory_space<hbm>>
    %dma_wait3A_101 = tpu.memref_squeeze %dma_wait3A_100 : memref<1x1x2x64xi32, #tpu.memory_space<hbm>> -> memref<2x64xi32, #tpu.memory_space<hbm>>
    tpu.wait_dma2 semaphore(%arg12 : memref<!tpu.dma_semaphore, #tpu.memory_space<semaphore_mem>>) src(%dma_wait3A_101 : memref<2x64xi32, #tpu.memory_space<hbm>>) dst(%dma_wait3A_97 : memref<2x64xi32, #tpu.memory_space<vmem>>)
    %barrier3A_102 = arith.constant 0 : index
    tpu.barrier barrier_id(%barrier3A_102)
    %mul3A_103 = arith.constant 632 : i32
    %mul3A_104 = arith.muli %arg1, %mul3A_103 : i32
    %mul3A_105 = arith.constant 632 : i32
    %mul3A_106 = arith.muli %arg1, %mul3A_105 : i32
    "tpu.region"() ({
      %run_scoped3A_107 = tpu.sem_alloc : memref<!tpu.dma_semaphore, #tpu.memory_space<semaphore_mem>>
      %dma_start3A_108 = arith.constant 0 : i32
      %dma_start3A_109 = tpu.memref_slice %arg4[%arg0, %mul3A_106, %dma_start3A_108] : memref<2x10112x128xf32, #tpu.memory_space<hbm>> -> memref<1x632x128xf32, #tpu.memory_space<hbm>>
      %dma_start3A_110 = tpu.memref_squeeze %dma_start3A_109 : memref<1x632x128xf32, #tpu.memory_space<hbm>> -> memref<632x128xf32, #tpu.memory_space<hbm>>
      %dma_start3A_111 = arith.constant 0 : i32
      %dma_start3A_112 = tpu.memref_slice %arg8[%mul3A_104, %dma_start3A_111] : memref<10112x128xf32, #tpu.memory_space<vmem_shared>> -> memref<632x128xf32, #tpu.memory_space<vmem_shared>>
      tpu.enqueue_dma source(%dma_start3A_112 : memref<632x128xf32, #tpu.memory_space<vmem_shared>>) target(%dma_start3A_110 : memref<632x128xf32, #tpu.memory_space<hbm>>) target_semaphore(%run_scoped3A_107 : memref<!tpu.dma_semaphore, #tpu.memory_space<semaphore_mem>>)
      %dma_wait3A_113 = arith.constant 0 : i32
      %dma_wait3A_114 = tpu.memref_slice %arg4[%arg0, %mul3A_106, %dma_wait3A_113] : memref<2x10112x128xf32, #tpu.memory_space<hbm>> -> memref<1x632x128xf32, #tpu.memory_space<hbm>>
      %dma_wait3A_115 = tpu.memref_squeeze %dma_wait3A_114 : memref<1x632x128xf32, #tpu.memory_space<hbm>> -> memref<632x128xf32, #tpu.memory_space<hbm>>
      %dma_wait3A_116 = arith.constant 0 : i32
      %dma_wait3A_117 = tpu.memref_slice %arg8[%mul3A_104, %dma_wait3A_116] : memref<10112x128xf32, #tpu.memory_space<vmem_shared>> -> memref<632x128xf32, #tpu.memory_space<vmem_shared>>
      tpu.wait_dma2 semaphore(%run_scoped3A_107 : memref<!tpu.dma_semaphore, #tpu.memory_space<semaphore_mem>>) src(%dma_wait3A_117 : memref<632x128xf32, #tpu.memory_space<vmem_shared>>) dst(%dma_wait3A_115 : memref<632x128xf32, #tpu.memory_space<hbm>>)
      tpu.yield
    }) : () -> ()
    return
  }
}

#map = affine_map<(d0, d1) -> (0, 0)>
#map1 = affine_map<(d0, d1) -> (0, 0, 0, 0)>
#map2 = affine_map<(d0, d1) -> (0, 0, 0)>
module attributes {stable_mosaic.version = 14 : i64} {
  func.func @run(%arg0: i32, %arg1: i32, %arg2: memref<10000x128xf32, #tpu.memory_space<hbm>>, %arg3: memref<32x162x2x64xi32, #tpu.memory_space<hbm>>, %arg4: memref<2x10112x128xf32, #tpu.memory_space<hbm>>, %arg5: memref<2x2x64xi32, #tpu.memory_space<vmem>>, %arg6: memref<64x128xf32, #tpu.memory_space<vmem>>, %arg7: memref<64x128xf32, #tpu.memory_space<vmem>>, %arg8: memref<10112x128xf32, #tpu.memory_space<vmem_shared>>, %arg9: memref<!tpu.dma_semaphore, #tpu.memory_space<semaphore_mem>>, %arg10: memref<!tpu.dma_semaphore, #tpu.memory_space<semaphore_mem>>, %arg11: memref<!tpu.dma_semaphore, #tpu.memory_space<semaphore_mem>>, %arg12: memref<!tpu.dma_semaphore, #tpu.memory_space<semaphore_mem>>) attributes {dimension_semantics = [#tpu.dimension_semantics<core_parallel>, #tpu.dimension_semantics<subcore_parallel>], iteration_bounds = array<i64: 2, 16>, scalar_prefetch = 0 : i64, scratch_operands = 8 : i64, tpu.core_type = #tpu.core_type<sc_vector_subcore>, window_params = [{transform_indices = #map}, {transform_indices = #map1}, {transform_indices = #map2}]} {
    %mul3A = arith.constant 2 : i32
    %mul3A_0 = arith.muli %arg1, %mul3A : i32
    %add3A = arith.addi %mul3A_0, %arg0 : i32
    %broadcast_in_dim3A = arith.constant 0.000000e+00 : f32
    %broadcast_in_dim3A_1 = vector.broadcast %broadcast_in_dim3A : f32 to vector<16xf32>
    %scan3A = arith.constant 0 : i32
    %scan3A_2 = arith.constant 0 : i32
    %scan3A_3 = arith.constant 64 : i32
    %scan3A_4 = arith.addi %scan3A_2, %scan3A_3 : i32
    %scan3A_5 = arith.constant 1 : i32
    scf.for %scan3A_107 = %scan3A_2 to %scan3A_4 step %scan3A_5  : i32 {
      %swap3A = arith.index_cast %scan3A_107 : i32 to index
      %swap3A_108 = arith.constant 0 : index
      %swap3A_109 = tpu.vector_load %arg6[%swap3A, %swap3A_108] {strides = array<i32>} : memref<64x128xf32, #tpu.memory_space<vmem>>, vector<1x16xf32>,
      %swap3A_110 = vector.shape_cast %swap3A_109 : vector<1x16xf32> to vector<16xf32>
      %swap3A_111 = vector.shape_cast %broadcast_in_dim3A_1 : vector<16xf32> to vector<1x16xf32>
      tpu.vector_store %arg6[%swap3A, %swap3A_108], %swap3A_111 {strides = array<i32>} : memref<64x128xf32, #tpu.memory_space<vmem>>, vector<1x16xf32>,
      %swap3A_112 = arith.index_cast %scan3A_107 : i32 to index
      %swap3A_113 = arith.constant 16 : index
      %swap3A_114 = tpu.vector_load %arg6[%swap3A_112, %swap3A_113] {strides = array<i32>} : memref<64x128xf32, #tpu.memory_space<vmem>>, vector<1x16xf32>,
      %swap3A_115 = vector.shape_cast %swap3A_114 : vector<1x16xf32> to vector<16xf32>
      %swap3A_116 = vector.shape_cast %broadcast_in_dim3A_1 : vector<16xf32> to vector<1x16xf32>
      tpu.vector_store %arg6[%swap3A_112, %swap3A_113], %swap3A_116 {strides = array<i32>} : memref<64x128xf32, #tpu.memory_space<vmem>>, vector<1x16xf32>,
      %swap3A_117 = arith.index_cast %scan3A_107 : i32 to index
      %swap3A_118 = arith.constant 32 : index
      %swap3A_119 = tpu.vector_load %arg6[%swap3A_117, %swap3A_118] {strides = array<i32>} : memref<64x128xf32, #tpu.memory_space<vmem>>, vector<1x16xf32>,
      %swap3A_120 = vector.shape_cast %swap3A_119 : vector<1x16xf32> to vector<16xf32>
      %swap3A_121 = vector.shape_cast %broadcast_in_dim3A_1 : vector<16xf32> to vector<1x16xf32>
      tpu.vector_store %arg6[%swap3A_117, %swap3A_118], %swap3A_121 {strides = array<i32>} : memref<64x128xf32, #tpu.memory_space<vmem>>, vector<1x16xf32>,
      %swap3A_122 = arith.index_cast %scan3A_107 : i32 to index
      %swap3A_123 = arith.constant 48 : index
      %swap3A_124 = tpu.vector_load %arg6[%swap3A_122, %swap3A_123] {strides = array<i32>} : memref<64x128xf32, #tpu.memory_space<vmem>>, vector<1x16xf32>,
      %swap3A_125 = vector.shape_cast %swap3A_124 : vector<1x16xf32> to vector<16xf32>
      %swap3A_126 = vector.shape_cast %broadcast_in_dim3A_1 : vector<16xf32> to vector<1x16xf32>
      tpu.vector_store %arg6[%swap3A_122, %swap3A_123], %swap3A_126 {strides = array<i32>} : memref<64x128xf32, #tpu.memory_space<vmem>>, vector<1x16xf32>,
      %swap3A_127 = arith.index_cast %scan3A_107 : i32 to index
      %swap3A_128 = arith.constant 64 : index
      %swap3A_129 = tpu.vector_load %arg6[%swap3A_127, %swap3A_128] {strides = array<i32>} : memref<64x128xf32, #tpu.memory_space<vmem>>, vector<1x16xf32>,
      %swap3A_130 = vector.shape_cast %swap3A_129 : vector<1x16xf32> to vector<16xf32>
      %swap3A_131 = vector.shape_cast %broadcast_in_dim3A_1 : vector<16xf32> to vector<1x16xf32>
      tpu.vector_store %arg6[%swap3A_127, %swap3A_128], %swap3A_131 {strides = array<i32>} : memref<64x128xf32, #tpu.memory_space<vmem>>, vector<1x16xf32>,
      %swap3A_132 = arith.index_cast %scan3A_107 : i32 to index
      %swap3A_133 = arith.constant 80 : index
      %swap3A_134 = tpu.vector_load %arg6[%swap3A_132, %swap3A_133] {strides = array<i32>} : memref<64x128xf32, #tpu.memory_space<vmem>>, vector<1x16xf32>,
      %swap3A_135 = vector.shape_cast %swap3A_134 : vector<1x16xf32> to vector<16xf32>
      %swap3A_136 = vector.shape_cast %broadcast_in_dim3A_1 : vector<16xf32> to vector<1x16xf32>
      tpu.vector_store %arg6[%swap3A_132, %swap3A_133], %swap3A_136 {strides = array<i32>} : memref<64x128xf32, #tpu.memory_space<vmem>>, vector<1x16xf32>,
      %swap3A_137 = arith.index_cast %scan3A_107 : i32 to index
      %swap3A_138 = arith.constant 96 : index
      %swap3A_139 = tpu.vector_load %arg6[%swap3A_137, %swap3A_138] {strides = array<i32>} : memref<64x128xf32, #tpu.memory_space<vmem>>, vector<1x16xf32>,
      %swap3A_140 = vector.shape_cast %swap3A_139 : vector<1x16xf32> to vector<16xf32>
      %swap3A_141 = vector.shape_cast %broadcast_in_dim3A_1 : vector<16xf32> to vector<1x16xf32>
      tpu.vector_store %arg6[%swap3A_137, %swap3A_138], %swap3A_141 {strides = array<i32>} : memref<64x128xf32, #tpu.memory_space<vmem>>, vector<1x16xf32>,
      %swap3A_142 = arith.index_cast %scan3A_107 : i32 to index
      %swap3A_143 = arith.constant 112 : index
      %swap3A_144 = tpu.vector_load %arg6[%swap3A_142, %swap3A_143] {strides = array<i32>} : memref<64x128xf32, #tpu.memory_space<vmem>>, vector<1x16xf32>,
      %swap3A_145 = vector.shape_cast %swap3A_144 : vector<1x16xf32> to vector<16xf32>
      %swap3A_146 = vector.shape_cast %broadcast_in_dim3A_1 : vector<16xf32> to vector<1x16xf32>
      tpu.vector_store %arg6[%swap3A_142, %swap3A_143], %swap3A_146 {strides = array<i32>} : memref<64x128xf32, #tpu.memory_space<vmem>>, vector<1x16xf32>,
    }
    %scan3A_6 = arith.constant 64 : i32
    %mul3A_7 = arith.constant 632 : i32
    %mul3A_8 = arith.muli %arg1, %mul3A_7 : i32
    %add3A_9 = arith.constant 0 : i32
    %add3A_10 = arith.addi %mul3A_8, %add3A_9 : i32
    "tpu.region"() ({
      %run_scoped3A_107 = tpu.sem_alloc : memref<!tpu.dma_semaphore, #tpu.memory_space<semaphore_mem>>
      %dma_start3A_108 = arith.constant 0 : i32
      %dma_start3A_109 = tpu.memref_slice %arg8[%add3A_10, %dma_start3A_108] : memref<10112x128xf32, #tpu.memory_space<vmem_shared>> -> memref<64x128xf32, #tpu.memory_space<vmem_shared>>
      %dma_start3A_110 = arith.constant 0 : i32
      %dma_start3A_111 = tpu.memref_slice %arg8[%add3A_10, %dma_start3A_110] : memref<10112x128xf32, #tpu.memory_space<vmem_shared>> -> memref<64x128xf32, #tpu.memory_space<vmem_shared>>
      tpu.enqueue_dma source(%arg6 : memref<64x128xf32, #tpu.memory_space<vmem>>) target(%dma_start3A_111 : memref<64x128xf32, #tpu.memory_space<vmem_shared>>) target_semaphore(%run_scoped3A_107 : memref<!tpu.dma_semaphore, #tpu.memory_space<semaphore_mem>>)
      %dma_wait3A_112 = arith.constant 0 : i32
      %dma_wait3A_113 = tpu.memref_slice %arg8[%add3A_10, %dma_wait3A_112] : memref<10112x128xf32, #tpu.memory_space<vmem_shared>> -> memref<64x128xf32, #tpu.memory_space<vmem_shared>>
      %dma_wait3A_114 = arith.constant 0 : i32
      %dma_wait3A_115 = tpu.memref_slice %arg8[%add3A_10, %dma_wait3A_114] : memref<10112x128xf32, #tpu.memory_space<vmem_shared>> -> memref<64x128xf32, #tpu.memory_space<vmem_shared>>
      tpu.wait_dma2 semaphore(%run_scoped3A_107 : memref<!tpu.dma_semaphore, #tpu.memory_space<semaphore_mem>>) src(%arg6 : memref<64x128xf32, #tpu.memory_space<vmem>>) dst(%dma_wait3A_115 : memref<64x128xf32, #tpu.memory_space<vmem_shared>>)
      tpu.yield
    }) : () -> ()
    %mul3A_11 = arith.constant 632 : i32
    %mul3A_12 = arith.muli %arg1, %mul3A_11 : i32
    %add3A_13 = arith.constant 64 : i32
    %add3A_14 = arith.addi %mul3A_12, %add3A_13 : i32
    "tpu.region"() ({
      %run_scoped3A_107 = tpu.sem_alloc : memref<!tpu.dma_semaphore, #tpu.memory_space<semaphore_mem>>
      %dma_start3A_108 = arith.constant 0 : i32
      %dma_start3A_109 = tpu.memref_slice %arg8[%add3A_14, %dma_start3A_108] : memref<10112x128xf32, #tpu.memory_space<vmem_shared>> -> memref<64x128xf32, #tpu.memory_space<vmem_shared>>
      %dma_start3A_110 = arith.constant 0 : i32
      %dma_start3A_111 = tpu.memref_slice %arg8[%add3A_14, %dma_start3A_110] : memref<10112x128xf32, #tpu.memory_space<vmem_shared>> -> memref<64x128xf32, #tpu.memory_space<vmem_shared>>
      tpu.enqueue_dma source(%arg6 : memref<64x128xf32, #tpu.memory_space<vmem>>) target(%dma_start3A_111 : memref<64x128xf32, #tpu.memory_space<vmem_shared>>) target_semaphore(%run_scoped3A_107 : memref<!tpu.dma_semaphore, #tpu.memory_space<semaphore_mem>>)
      %dma_wait3A_112 = arith.constant 0 : i32
      %dma_wait3A_113 = tpu.memref_slice %arg8[%add3A_14, %dma_wait3A_112] : memref<10112x128xf32, #tpu.memory_space<vmem_shared>> -> memref<64x128xf32, #tpu.memory_space<vmem_shared>>
      %dma_wait3A_114 = arith.constant 0 : i32
      %dma_wait3A_115 = tpu.memref_slice %arg8[%add3A_14, %dma_wait3A_114] : memref<10112x128xf32, #tpu.memory_space<vmem_shared>> -> memref<64x128xf32, #tpu.memory_space<vmem_shared>>
      tpu.wait_dma2 semaphore(%run_scoped3A_107 : memref<!tpu.dma_semaphore, #tpu.memory_space<semaphore_mem>>) src(%arg6 : memref<64x128xf32, #tpu.memory_space<vmem>>) dst(%dma_wait3A_115 : memref<64x128xf32, #tpu.memory_space<vmem_shared>>)
      tpu.yield
    }) : () -> ()
    %mul3A_15 = arith.constant 632 : i32
    %mul3A_16 = arith.muli %arg1, %mul3A_15 : i32
    %add3A_17 = arith.constant 128 : i32
    %add3A_18 = arith.addi %mul3A_16, %add3A_17 : i32
    "tpu.region"() ({
      %run_scoped3A_107 = tpu.sem_alloc : memref<!tpu.dma_semaphore, #tpu.memory_space<semaphore_mem>>
      %dma_start3A_108 = arith.constant 0 : i32
      %dma_start3A_109 = tpu.memref_slice %arg8[%add3A_18, %dma_start3A_108] : memref<10112x128xf32, #tpu.memory_space<vmem_shared>> -> memref<64x128xf32, #tpu.memory_space<vmem_shared>>
      %dma_start3A_110 = arith.constant 0 : i32
      %dma_start3A_111 = tpu.memref_slice %arg8[%add3A_18, %dma_start3A_110] : memref<10112x128xf32, #tpu.memory_space<vmem_shared>> -> memref<64x128xf32, #tpu.memory_space<vmem_shared>>
      tpu.enqueue_dma source(%arg6 : memref<64x128xf32, #tpu.memory_space<vmem>>) target(%dma_start3A_111 : memref<64x128xf32, #tpu.memory_space<vmem_shared>>) target_semaphore(%run_scoped3A_107 : memref<!tpu.dma_semaphore, #tpu.memory_space<semaphore_mem>>)
      %dma_wait3A_112 = arith.constant 0 : i32
      %dma_wait3A_113 = tpu.memref_slice %arg8[%add3A_18, %dma_wait3A_112] : memref<10112x128xf32, #tpu.memory_space<vmem_shared>> -> memref<64x128xf32, #tpu.memory_space<vmem_shared>>
      %dma_wait3A_114 = arith.constant 0 : i32
      %dma_wait3A_115 = tpu.memref_slice %arg8[%add3A_18, %dma_wait3A_114] : memref<10112x128xf32, #tpu.memory_space<vmem_shared>> -> memref<64x128xf32, #tpu.memory_space<vmem_shared>>
      tpu.wait_dma2 semaphore(%run_scoped3A_107 : memref<!tpu.dma_semaphore, #tpu.memory_space<semaphore_mem>>) src(%arg6 : memref<64x128xf32, #tpu.memory_space<vmem>>) dst(%dma_wait3A_115 : memref<64x128xf32, #tpu.memory_space<vmem_shared>>)
      tpu.yield
    }) : () -> ()
    %mul3A_19 = arith.constant 632 : i32
    %mul3A_20 = arith.muli %arg1, %mul3A_19 : i32
    %add3A_21 = arith.constant 192 : i32
    %add3A_22 = arith.addi %mul3A_20, %add3A_21 : i32
    "tpu.region"() ({
      %run_scoped3A_107 = tpu.sem_alloc : memref<!tpu.dma_semaphore, #tpu.memory_space<semaphore_mem>>
      %dma_start3A_108 = arith.constant 0 : i32
      %dma_start3A_109 = tpu.memref_slice %arg8[%add3A_22, %dma_start3A_108] : memref<10112x128xf32, #tpu.memory_space<vmem_shared>> -> memref<64x128xf32, #tpu.memory_space<vmem_shared>>
      %dma_start3A_110 = arith.constant 0 : i32
      %dma_start3A_111 = tpu.memref_slice %arg8[%add3A_22, %dma_start3A_110] : memref<10112x128xf32, #tpu.memory_space<vmem_shared>> -> memref<64x128xf32, #tpu.memory_space<vmem_shared>>
      tpu.enqueue_dma source(%arg6 : memref<64x128xf32, #tpu.memory_space<vmem>>) target(%dma_start3A_111 : memref<64x128xf32, #tpu.memory_space<vmem_shared>>) target_semaphore(%run_scoped3A_107 : memref<!tpu.dma_semaphore, #tpu.memory_space<semaphore_mem>>)
      %dma_wait3A_112 = arith.constant 0 : i32
      %dma_wait3A_113 = tpu.memref_slice %arg8[%add3A_22, %dma_wait3A_112] : memref<10112x128xf32, #tpu.memory_space<vmem_shared>> -> memref<64x128xf32, #tpu.memory_space<vmem_shared>>
      %dma_wait3A_114 = arith.constant 0 : i32
      %dma_wait3A_115 = tpu.memref_slice %arg8[%add3A_22, %dma_wait3A_114] : memref<10112x128xf32, #tpu.memory_space<vmem_shared>> -> memref<64x128xf32, #tpu.memory_space<vmem_shared>>
      tpu.wait_dma2 semaphore(%run_scoped3A_107 : memref<!tpu.dma_semaphore, #tpu.memory_space<semaphore_mem>>) src(%arg6 : memref<64x128xf32, #tpu.memory_space<vmem>>) dst(%dma_wait3A_115 : memref<64x128xf32, #tpu.memory_space<vmem_shared>>)
      tpu.yield
    }) : () -> ()
    %mul3A_23 = arith.constant 632 : i32
    %mul3A_24 = arith.muli %arg1, %mul3A_23 : i32
    %add3A_25 = arith.constant 256 : i32
    %add3A_26 = arith.addi %mul3A_24, %add3A_25 : i32
    "tpu.region"() ({
      %run_scoped3A_107 = tpu.sem_alloc : memref<!tpu.dma_semaphore, #tpu.memory_space<semaphore_mem>>
      %dma_start3A_108 = arith.constant 0 : i32
      %dma_start3A_109 = tpu.memref_slice %arg8[%add3A_26, %dma_start3A_108] : memref<10112x128xf32, #tpu.memory_space<vmem_shared>> -> memref<64x128xf32, #tpu.memory_space<vmem_shared>>
      %dma_start3A_110 = arith.constant 0 : i32
      %dma_start3A_111 = tpu.memref_slice %arg8[%add3A_26, %dma_start3A_110] : memref<10112x128xf32, #tpu.memory_space<vmem_shared>> -> memref<64x128xf32, #tpu.memory_space<vmem_shared>>
      tpu.enqueue_dma source(%arg6 : memref<64x128xf32, #tpu.memory_space<vmem>>) target(%dma_start3A_111 : memref<64x128xf32, #tpu.memory_space<vmem_shared>>) target_semaphore(%run_scoped3A_107 : memref<!tpu.dma_semaphore, #tpu.memory_space<semaphore_mem>>)
      %dma_wait3A_112 = arith.constant 0 : i32
      %dma_wait3A_113 = tpu.memref_slice %arg8[%add3A_26, %dma_wait3A_112] : memref<10112x128xf32, #tpu.memory_space<vmem_shared>> -> memref<64x128xf32, #tpu.memory_space<vmem_shared>>
      %dma_wait3A_114 = arith.constant 0 : i32
      %dma_wait3A_115 = tpu.memref_slice %arg8[%add3A_26, %dma_wait3A_114] : memref<10112x128xf32, #tpu.memory_space<vmem_shared>> -> memref<64x128xf32, #tpu.memory_space<vmem_shared>>
      tpu.wait_dma2 semaphore(%run_scoped3A_107 : memref<!tpu.dma_semaphore, #tpu.memory_space<semaphore_mem>>) src(%arg6 : memref<64x128xf32, #tpu.memory_space<vmem>>) dst(%dma_wait3A_115 : memref<64x128xf32, #tpu.memory_space<vmem_shared>>)
      tpu.yield
    }) : () -> ()
    %mul3A_27 = arith.constant 632 : i32
    %mul3A_28 = arith.muli %arg1, %mul3A_27 : i32
    %add3A_29 = arith.constant 320 : i32
    %add3A_30 = arith.addi %mul3A_28, %add3A_29 : i32
    "tpu.region"() ({
      %run_scoped3A_107 = tpu.sem_alloc : memref<!tpu.dma_semaphore, #tpu.memory_space<semaphore_mem>>
      %dma_start3A_108 = arith.constant 0 : i32
      %dma_start3A_109 = tpu.memref_slice %arg8[%add3A_30, %dma_start3A_108] : memref<10112x128xf32, #tpu.memory_space<vmem_shared>> -> memref<64x128xf32, #tpu.memory_space<vmem_shared>>
      %dma_start3A_110 = arith.constant 0 : i32
      %dma_start3A_111 = tpu.memref_slice %arg8[%add3A_30, %dma_start3A_110] : memref<10112x128xf32, #tpu.memory_space<vmem_shared>> -> memref<64x128xf32, #tpu.memory_space<vmem_shared>>
      tpu.enqueue_dma source(%arg6 : memref<64x128xf32, #tpu.memory_space<vmem>>) target(%dma_start3A_111 : memref<64x128xf32, #tpu.memory_space<vmem_shared>>) target_semaphore(%run_scoped3A_107 : memref<!tpu.dma_semaphore, #tpu.memory_space<semaphore_mem>>)
      %dma_wait3A_112 = arith.constant 0 : i32
      %dma_wait3A_113 = tpu.memref_slice %arg8[%add3A_30, %dma_wait3A_112] : memref<10112x128xf32, #tpu.memory_space<vmem_shared>> -> memref<64x128xf32, #tpu.memory_space<vmem_shared>>
      %dma_wait3A_114 = arith.constant 0 : i32
      %dma_wait3A_115 = tpu.memref_slice %arg8[%add3A_30, %dma_wait3A_114] : memref<10112x128xf32, #tpu.memory_space<vmem_shared>> -> memref<64x128xf32, #tpu.memory_space<vmem_shared>>
      tpu.wait_dma2 semaphore(%run_scoped3A_107 : memref<!tpu.dma_semaphore, #tpu.memory_space<semaphore_mem>>) src(%arg6 : memref<64x128xf32, #tpu.memory_space<vmem>>) dst(%dma_wait3A_115 : memref<64x128xf32, #tpu.memory_space<vmem_shared>>)
      tpu.yield
    }) : () -> ()
    %mul3A_31 = arith.constant 632 : i32
    %mul3A_32 = arith.muli %arg1, %mul3A_31 : i32
    %add3A_33 = arith.constant 384 : i32
    %add3A_34 = arith.addi %mul3A_32, %add3A_33 : i32
    "tpu.region"() ({
      %run_scoped3A_107 = tpu.sem_alloc : memref<!tpu.dma_semaphore, #tpu.memory_space<semaphore_mem>>
      %dma_start3A_108 = arith.constant 0 : i32
      %dma_start3A_109 = tpu.memref_slice %arg8[%add3A_34, %dma_start3A_108] : memref<10112x128xf32, #tpu.memory_space<vmem_shared>> -> memref<64x128xf32, #tpu.memory_space<vmem_shared>>
      %dma_start3A_110 = arith.constant 0 : i32
      %dma_start3A_111 = tpu.memref_slice %arg8[%add3A_34, %dma_start3A_110] : memref<10112x128xf32, #tpu.memory_space<vmem_shared>> -> memref<64x128xf32, #tpu.memory_space<vmem_shared>>
      tpu.enqueue_dma source(%arg6 : memref<64x128xf32, #tpu.memory_space<vmem>>) target(%dma_start3A_111 : memref<64x128xf32, #tpu.memory_space<vmem_shared>>) target_semaphore(%run_scoped3A_107 : memref<!tpu.dma_semaphore, #tpu.memory_space<semaphore_mem>>)
      %dma_wait3A_112 = arith.constant 0 : i32
      %dma_wait3A_113 = tpu.memref_slice %arg8[%add3A_34, %dma_wait3A_112] : memref<10112x128xf32, #tpu.memory_space<vmem_shared>> -> memref<64x128xf32, #tpu.memory_space<vmem_shared>>
      %dma_wait3A_114 = arith.constant 0 : i32
      %dma_wait3A_115 = tpu.memref_slice %arg8[%add3A_34, %dma_wait3A_114] : memref<10112x128xf32, #tpu.memory_space<vmem_shared>> -> memref<64x128xf32, #tpu.memory_space<vmem_shared>>
      tpu.wait_dma2 semaphore(%run_scoped3A_107 : memref<!tpu.dma_semaphore, #tpu.memory_space<semaphore_mem>>) src(%arg6 : memref<64x128xf32, #tpu.memory_space<vmem>>) dst(%dma_wait3A_115 : memref<64x128xf32, #tpu.memory_space<vmem_shared>>)
      tpu.yield
    }) : () -> ()
    %mul3A_35 = arith.constant 632 : i32
    %mul3A_36 = arith.muli %arg1, %mul3A_35 : i32
    %add3A_37 = arith.constant 448 : i32
    %add3A_38 = arith.addi %mul3A_36, %add3A_37 : i32
    "tpu.region"() ({
      %run_scoped3A_107 = tpu.sem_alloc : memref<!tpu.dma_semaphore, #tpu.memory_space<semaphore_mem>>
      %dma_start3A_108 = arith.constant 0 : i32
      %dma_start3A_109 = tpu.memref_slice %arg8[%add3A_38, %dma_start3A_108] : memref<10112x128xf32, #tpu.memory_space<vmem_shared>> -> memref<64x128xf32, #tpu.memory_space<vmem_shared>>
      %dma_start3A_110 = arith.constant 0 : i32
      %dma_start3A_111 = tpu.memref_slice %arg8[%add3A_38, %dma_start3A_110] : memref<10112x128xf32, #tpu.memory_space<vmem_shared>> -> memref<64x128xf32, #tpu.memory_space<vmem_shared>>
      tpu.enqueue_dma source(%arg6 : memref<64x128xf32, #tpu.memory_space<vmem>>) target(%dma_start3A_111 : memref<64x128xf32, #tpu.memory_space<vmem_shared>>) target_semaphore(%run_scoped3A_107 : memref<!tpu.dma_semaphore, #tpu.memory_space<semaphore_mem>>)
      %dma_wait3A_112 = arith.constant 0 : i32
      %dma_wait3A_113 = tpu.memref_slice %arg8[%add3A_38, %dma_wait3A_112] : memref<10112x128xf32, #tpu.memory_space<vmem_shared>> -> memref<64x128xf32, #tpu.memory_space<vmem_shared>>
      %dma_wait3A_114 = arith.constant 0 : i32
      %dma_wait3A_115 = tpu.memref_slice %arg8[%add3A_38, %dma_wait3A_114] : memref<10112x128xf32, #tpu.memory_space<vmem_shared>> -> memref<64x128xf32, #tpu.memory_space<vmem_shared>>
      tpu.wait_dma2 semaphore(%run_scoped3A_107 : memref<!tpu.dma_semaphore, #tpu.memory_space<semaphore_mem>>) src(%arg6 : memref<64x128xf32, #tpu.memory_space<vmem>>) dst(%dma_wait3A_115 : memref<64x128xf32, #tpu.memory_space<vmem_shared>>)
      tpu.yield
    }) : () -> ()
    %mul3A_39 = arith.constant 632 : i32
    %mul3A_40 = arith.muli %arg1, %mul3A_39 : i32
    %add3A_41 = arith.constant 512 : i32
    %add3A_42 = arith.addi %mul3A_40, %add3A_41 : i32
    "tpu.region"() ({
      %run_scoped3A_107 = tpu.sem_alloc : memref<!tpu.dma_semaphore, #tpu.memory_space<semaphore_mem>>
      %dma_start3A_108 = arith.constant 0 : i32
      %dma_start3A_109 = tpu.memref_slice %arg8[%add3A_42, %dma_start3A_108] : memref<10112x128xf32, #tpu.memory_space<vmem_shared>> -> memref<64x128xf32, #tpu.memory_space<vmem_shared>>
      %dma_start3A_110 = arith.constant 0 : i32
      %dma_start3A_111 = tpu.memref_slice %arg8[%add3A_42, %dma_start3A_110] : memref<10112x128xf32, #tpu.memory_space<vmem_shared>> -> memref<64x128xf32, #tpu.memory_space<vmem_shared>>
      tpu.enqueue_dma source(%arg6 : memref<64x128xf32, #tpu.memory_space<vmem>>) target(%dma_start3A_111 : memref<64x128xf32, #tpu.memory_space<vmem_shared>>) target_semaphore(%run_scoped3A_107 : memref<!tpu.dma_semaphore, #tpu.memory_space<semaphore_mem>>)
      %dma_wait3A_112 = arith.constant 0 : i32
      %dma_wait3A_113 = tpu.memref_slice %arg8[%add3A_42, %dma_wait3A_112] : memref<10112x128xf32, #tpu.memory_space<vmem_shared>> -> memref<64x128xf32, #tpu.memory_space<vmem_shared>>
      %dma_wait3A_114 = arith.constant 0 : i32
      %dma_wait3A_115 = tpu.memref_slice %arg8[%add3A_42, %dma_wait3A_114] : memref<10112x128xf32, #tpu.memory_space<vmem_shared>> -> memref<64x128xf32, #tpu.memory_space<vmem_shared>>
      tpu.wait_dma2 semaphore(%run_scoped3A_107 : memref<!tpu.dma_semaphore, #tpu.memory_space<semaphore_mem>>) src(%arg6 : memref<64x128xf32, #tpu.memory_space<vmem>>) dst(%dma_wait3A_115 : memref<64x128xf32, #tpu.memory_space<vmem_shared>>)
      tpu.yield
    }) : () -> ()
    %mul3A_43 = arith.constant 632 : i32
    %mul3A_44 = arith.muli %arg1, %mul3A_43 : i32
    %add3A_45 = arith.constant 576 : i32
    %add3A_46 = arith.addi %mul3A_44, %add3A_45 : i32
    "tpu.region"() ({
      %run_scoped3A_107 = tpu.sem_alloc : memref<!tpu.dma_semaphore, #tpu.memory_space<semaphore_mem>>
      %dma_start3A_108 = arith.constant 0 : i32
      %dma_start3A_109 = arith.constant 0 : i32
      %dma_start3A_110 = tpu.memref_slice %arg6[%dma_start3A_108, %dma_start3A_109] : memref<64x128xf32, #tpu.memory_space<vmem>> -> memref<56x128xf32, #tpu.memory_space<vmem>>
      %dma_start3A_111 = arith.constant 0 : i32
      %dma_start3A_112 = tpu.memref_slice %arg8[%add3A_46, %dma_start3A_111] : memref<10112x128xf32, #tpu.memory_space<vmem_shared>> -> memref<56x128xf32, #tpu.memory_space<vmem_shared>>
      %dma_start3A_113 = arith.constant 0 : i32
      %dma_start3A_114 = tpu.memref_slice %arg8[%add3A_46, %dma_start3A_113] : memref<10112x128xf32, #tpu.memory_space<vmem_shared>> -> memref<56x128xf32, #tpu.memory_space<vmem_shared>>
      %dma_start3A_115 = arith.constant 0 : i32
      %dma_start3A_116 = arith.constant 0 : i32
      %dma_start3A_117 = tpu.memref_slice %arg6[%dma_start3A_115, %dma_start3A_116] : memref<64x128xf32, #tpu.memory_space<vmem>> -> memref<56x128xf32, #tpu.memory_space<vmem>>
      tpu.enqueue_dma source(%dma_start3A_117 : memref<56x128xf32, #tpu.memory_space<vmem>>) target(%dma_start3A_114 : memref<56x128xf32, #tpu.memory_space<vmem_shared>>) target_semaphore(%run_scoped3A_107 : memref<!tpu.dma_semaphore, #tpu.memory_space<semaphore_mem>>)
      %dma_wait3A_118 = arith.constant 0 : i32
      %dma_wait3A_119 = arith.constant 0 : i32
      %dma_wait3A_120 = tpu.memref_slice %arg6[%dma_wait3A_118, %dma_wait3A_119] : memref<64x128xf32, #tpu.memory_space<vmem>> -> memref<56x128xf32, #tpu.memory_space<vmem>>
      %dma_wait3A_121 = arith.constant 0 : i32
      %dma_wait3A_122 = tpu.memref_slice %arg8[%add3A_46, %dma_wait3A_121] : memref<10112x128xf32, #tpu.memory_space<vmem_shared>> -> memref<56x128xf32, #tpu.memory_space<vmem_shared>>
      %dma_wait3A_123 = arith.constant 0 : i32
      %dma_wait3A_124 = tpu.memref_slice %arg8[%add3A_46, %dma_wait3A_123] : memref<10112x128xf32, #tpu.memory_space<vmem_shared>> -> memref<56x128xf32, #tpu.memory_space<vmem_shared>>
      %dma_wait3A_125 = arith.constant 0 : i32
      %dma_wait3A_126 = arith.constant 0 : i32
      %dma_wait3A_127 = tpu.memref_slice %arg6[%dma_wait3A_125, %dma_wait3A_126] : memref<64x128xf32, #tpu.memory_space<vmem>> -> memref<56x128xf32, #tpu.memory_space<vmem>>
      tpu.wait_dma2 semaphore(%run_scoped3A_107 : memref<!tpu.dma_semaphore, #tpu.memory_space<semaphore_mem>>) src(%dma_wait3A_127 : memref<56x128xf32, #tpu.memory_space<vmem>>) dst(%dma_wait3A_124 : memref<56x128xf32, #tpu.memory_space<vmem_shared>>)
      tpu.yield
    }) : () -> ()
    %barrier3A = arith.constant 0 : index
    tpu.barrier barrier_id(%barrier3A)
    %run_scoped3A = arith.constant 0 : i32
    %run_scoped3A_47 = arith.constant 0 : i32
    "tpu.region"() ({
      %run_scoped3A_107 = tpu.sem_alloc : memref<!tpu.dma_semaphore, #tpu.memory_space<semaphore_mem>>
      %dma_start3A_108 = arith.constant 0 : i32
      %dma_start3A_109 = arith.constant 0 : i32
      %dma_start3A_110 = tpu.memref_slice %arg5[%run_scoped3A_47, %dma_start3A_108, %dma_start3A_109] : memref<2x2x64xi32, #tpu.memory_space<vmem>> -> memref<1x2x64xi32, #tpu.memory_space<vmem>>
      %dma_start3A_111 = tpu.memref_squeeze %dma_start3A_110 : memref<1x2x64xi32, #tpu.memory_space<vmem>> -> memref<2x64xi32, #tpu.memory_space<vmem>>
      %dma_start3A_112 = arith.constant 0 : i32
      %dma_start3A_113 = arith.constant 0 : i32
      %dma_start3A_114 = tpu.memref_slice %arg3[%add3A, %run_scoped3A, %dma_start3A_112, %dma_start3A_113] : memref<32x162x2x64xi32, #tpu.memory_space<hbm>> -> memref<1x1x2x64xi32, #tpu.memory_space<hbm>>
      %dma_start3A_115 = tpu.memref_squeeze %dma_start3A_114 : memref<1x1x2x64xi32, #tpu.memory_space<hbm>> -> memref<2x64xi32, #tpu.memory_space<hbm>>
      %dma_start3A_116 = arith.constant 0 : i32
      %dma_start3A_117 = arith.constant 0 : i32
      %dma_start3A_118 = tpu.memref_slice %arg5[%run_scoped3A_47, %dma_start3A_116, %dma_start3A_117] : memref<2x2x64xi32, #tpu.memory_space<vmem>> -> memref<1x2x64xi32, #tpu.memory_space<vmem>>
      %dma_start3A_119 = tpu.memref_squeeze %dma_start3A_118 : memref<1x2x64xi32, #tpu.memory_space<vmem>> -> memref<2x64xi32, #tpu.memory_space<vmem>>
      %dma_start3A_120 = arith.constant 0 : i32
      %dma_start3A_121 = arith.constant 0 : i32
      %dma_start3A_122 = tpu.memref_slice %arg3[%add3A, %run_scoped3A, %dma_start3A_120, %dma_start3A_121] : memref<32x162x2x64xi32, #tpu.memory_space<hbm>> -> memref<1x1x2x64xi32, #tpu.memory_space<hbm>>
      %dma_start3A_123 = tpu.memref_squeeze %dma_start3A_122 : memref<1x1x2x64xi32, #tpu.memory_space<hbm>> -> memref<2x64xi32, #tpu.memory_space<hbm>>
      tpu.enqueue_dma source(%dma_start3A_123 : memref<2x64xi32, #tpu.memory_space<hbm>>) target(%dma_start3A_119 : memref<2x64xi32, #tpu.memory_space<vmem>>) target_semaphore(%run_scoped3A_107 : memref<!tpu.dma_semaphore, #tpu.memory_space<semaphore_mem>>)
      %dma_wait3A_124 = arith.constant 0 : i32
      %dma_wait3A_125 = arith.constant 0 : i32
      %dma_wait3A_126 = tpu.memref_slice %arg5[%run_scoped3A_47, %dma_wait3A_124, %dma_wait3A_125] : memref<2x2x64xi32, #tpu.memory_space<vmem>> -> memref<1x2x64xi32, #tpu.memory_space<vmem>>
      %dma_wait3A_127 = tpu.memref_squeeze %dma_wait3A_126 : memref<1x2x64xi32, #tpu.memory_space<vmem>> -> memref<2x64xi32, #tpu.memory_space<vmem>>
      %dma_wait3A_128 = arith.constant 0 : i32
      %dma_wait3A_129 = arith.constant 0 : i32
      %dma_wait3A_130 = tpu.memref_slice %arg3[%add3A, %run_scoped3A, %dma_wait3A_128, %dma_wait3A_129] : memref<32x162x2x64xi32, #tpu.memory_space<hbm>> -> memref<1x1x2x64xi32, #tpu.memory_space<hbm>>
      %dma_wait3A_131 = tpu.memref_squeeze %dma_wait3A_130 : memref<1x1x2x64xi32, #tpu.memory_space<hbm>> -> memref<2x64xi32, #tpu.memory_space<hbm>>
      %dma_wait3A_132 = arith.constant 0 : i32
      %dma_wait3A_133 = arith.constant 0 : i32
      %dma_wait3A_134 = tpu.memref_slice %arg5[%run_scoped3A_47, %dma_wait3A_132, %dma_wait3A_133] : memref<2x2x64xi32, #tpu.memory_space<vmem>> -> memref<1x2x64xi32, #tpu.memory_space<vmem>>
      %dma_wait3A_135 = tpu.memref_squeeze %dma_wait3A_134 : memref<1x2x64xi32, #tpu.memory_space<vmem>> -> memref<2x64xi32, #tpu.memory_space<vmem>>
      %dma_wait3A_136 = arith.constant 0 : i32
      %dma_wait3A_137 = arith.constant 0 : i32
      %dma_wait3A_138 = tpu.memref_slice %arg3[%add3A, %run_scoped3A, %dma_wait3A_136, %dma_wait3A_137] : memref<32x162x2x64xi32, #tpu.memory_space<hbm>> -> memref<1x1x2x64xi32, #tpu.memory_space<hbm>>
      %dma_wait3A_139 = tpu.memref_squeeze %dma_wait3A_138 : memref<1x1x2x64xi32, #tpu.memory_space<hbm>> -> memref<2x64xi32, #tpu.memory_space<hbm>>
      tpu.wait_dma2 semaphore(%run_scoped3A_107 : memref<!tpu.dma_semaphore, #tpu.memory_space<semaphore_mem>>) src(%dma_wait3A_139 : memref<2x64xi32, #tpu.memory_space<hbm>>) dst(%dma_wait3A_135 : memref<2x64xi32, #tpu.memory_space<vmem>>)
      tpu.yield
    }) : () -> ()
    %dma_start3A = arith.constant 1 : i32
    %dma_start3A_48 = arith.constant 1 : i32
    %dma_start3A_49 = arith.constant 0 : i32
    %dma_start3A_50 = arith.constant 0 : i32
    %dma_start3A_51 = tpu.memref_slice %arg5[%dma_start3A_48, %dma_start3A_49, %dma_start3A_50] : memref<2x2x64xi32, #tpu.memory_space<vmem>> -> memref<1x2x64xi32, #tpu.memory_space<vmem>>
    %dma_start3A_52 = tpu.memref_squeeze %dma_start3A_51 : memref<1x2x64xi32, #tpu.memory_space<vmem>> -> memref<2x64xi32, #tpu.memory_space<vmem>>
    %dma_start3A_53 = arith.constant 0 : i32
    %dma_start3A_54 = arith.constant 0 : i32
    %dma_start3A_55 = tpu.memref_slice %arg3[%add3A, %dma_start3A, %dma_start3A_53, %dma_start3A_54] : memref<32x162x2x64xi32, #tpu.memory_space<hbm>> -> memref<1x1x2x64xi32, #tpu.memory_space<hbm>>
    %dma_start3A_56 = tpu.memref_squeeze %dma_start3A_55 : memref<1x1x2x64xi32, #tpu.memory_space<hbm>> -> memref<2x64xi32, #tpu.memory_space<hbm>>
    %dma_start3A_57 = arith.constant 0 : i32
    %dma_start3A_58 = arith.constant 0 : i32
    %dma_start3A_59 = tpu.memref_slice %arg5[%dma_start3A_48, %dma_start3A_57, %dma_start3A_58] : memref<2x2x64xi32, #tpu.memory_space<vmem>> -> memref<1x2x64xi32, #tpu.memory_space<vmem>>
    %dma_start3A_60 = tpu.memref_squeeze %dma_start3A_59 : memref<1x2x64xi32, #tpu.memory_space<vmem>> -> memref<2x64xi32, #tpu.memory_space<vmem>>
    %dma_start3A_61 = arith.constant 0 : i32
    %dma_start3A_62 = arith.constant 0 : i32
    %dma_start3A_63 = tpu.memref_slice %arg3[%add3A, %dma_start3A, %dma_start3A_61, %dma_start3A_62] : memref<32x162x2x64xi32, #tpu.memory_space<hbm>> -> memref<1x1x2x64xi32, #tpu.memory_space<hbm>>
    %dma_start3A_64 = tpu.memref_squeeze %dma_start3A_63 : memref<1x1x2x64xi32, #tpu.memory_space<hbm>> -> memref<2x64xi32, #tpu.memory_space<hbm>>
    tpu.enqueue_dma source(%dma_start3A_64 : memref<2x64xi32, #tpu.memory_space<hbm>>) target(%dma_start3A_60 : memref<2x64xi32, #tpu.memory_space<vmem>>) target_semaphore(%arg12 : memref<!tpu.dma_semaphore, #tpu.memory_space<semaphore_mem>>)
    %dma_start3A_65 = arith.constant 0 : i32
    %dma_start3A_66 = arith.constant 0 : i32
    %dma_start3A_67 = arith.constant 0 : i32
    %dma_start3A_68 = tpu.memref_slice %arg5[%dma_start3A_65, %dma_start3A_66, %dma_start3A_67] : memref<2x2x64xi32, #tpu.memory_space<vmem>> -> memref<1x1x64xi32, #tpu.memory_space<vmem>>
    %dma_start3A_69 = tpu.memref_squeeze %dma_start3A_68 : memref<1x1x64xi32, #tpu.memory_space<vmem>> -> memref<64xi32, #tpu.memory_space<vmem>>
    %dma_start3A_70 = arith.constant 0 : i32
    %dma_start3A_71 = arith.constant 0 : i32
    %dma_start3A_72 = tpu.memref_slice %arg2[%dma_start3A_70, %dma_start3A_71] : memref<10000x128xf32, #tpu.memory_space<hbm>> -> memref<10000x128xf32, #tpu.memory_space<hbm>>
    tpu.enqueue_indirect_dma source(%dma_start3A_72 : memref<10000x128xf32, #tpu.memory_space<hbm>>) target(%arg6 : memref<64x128xf32, #tpu.memory_space<vmem>>) offsets(%dma_start3A_69 : memref<64xi32, #tpu.memory_space<vmem>>) semaphore(%arg9 : memref<!tpu.dma_semaphore, #tpu.memory_space<semaphore_mem>>)
    %scan3A_73 = arith.constant 0 : i32
    %scan3A_74 = arith.constant 0 : i32
    %scan3A_75 = arith.constant 80 : i32
    %scan3A_76 = arith.addi %scan3A_74, %scan3A_75 : i32
    %scan3A_77 = arith.constant 1 : i32
    scf.for %scan3A_107 = %scan3A_74 to %scan3A_76 step %scan3A_77  : i32 {
      %mul3A_108 = arith.constant 2 : i32
      %mul3A_109 = arith.muli %scan3A_107, %mul3A_108 : i32
      %dma_wait3A_110 = arith.constant 0 : i32
      %dma_wait3A_111 = arith.constant 0 : i32
      %dma_wait3A_112 = tpu.memref_slice %arg2[%dma_wait3A_110, %dma_wait3A_111] : memref<10000x128xf32, #tpu.memory_space<hbm>> -> memref<64x128xf32, #tpu.memory_space<hbm>>
      %dma_wait3A_113 = arith.constant 0 : i32
      %dma_wait3A_114 = arith.constant 0 : i32
      %dma_wait3A_115 = tpu.memref_slice %arg2[%dma_wait3A_113, %dma_wait3A_114] : memref<10000x128xf32, #tpu.memory_space<hbm>> -> memref<64x128xf32, #tpu.memory_space<hbm>>
      tpu.wait_dma2 semaphore(%arg9 : memref<!tpu.dma_semaphore, #tpu.memory_space<semaphore_mem>>) src(%dma_wait3A_115 : memref<64x128xf32, #tpu.memory_space<hbm>>) dst(%arg6 : memref<64x128xf32, #tpu.memory_space<vmem>>)
      %dma_wait3A_116 = arith.constant 0 : i32
      %dma_wait3A_117 = arith.constant 1 : i32
      %dma_wait3A_118 = arith.constant 0 : i32
      %dma_wait3A_119 = arith.constant 0 : i32
      %dma_wait3A_120 = tpu.memref_slice %arg5[%dma_wait3A_117, %dma_wait3A_118, %dma_wait3A_119] : memref<2x2x64xi32, #tpu.memory_space<vmem>> -> memref<1x2x64xi32, #tpu.memory_space<vmem>>
      %dma_wait3A_121 = tpu.memref_squeeze %dma_wait3A_120 : memref<1x2x64xi32, #tpu.memory_space<vmem>> -> memref<2x64xi32, #tpu.memory_space<vmem>>
      %dma_wait3A_122 = arith.constant 0 : i32
      %dma_wait3A_123 = arith.constant 0 : i32
      %dma_wait3A_124 = tpu.memref_slice %arg3[%add3A, %dma_wait3A_116, %dma_wait3A_122, %dma_wait3A_123] : memref<32x162x2x64xi32, #tpu.memory_space<hbm>> -> memref<1x1x2x64xi32, #tpu.memory_space<hbm>>
      %dma_wait3A_125 = tpu.memref_squeeze %dma_wait3A_124 : memref<1x1x2x64xi32, #tpu.memory_space<hbm>> -> memref<2x64xi32, #tpu.memory_space<hbm>>
      %dma_wait3A_126 = arith.constant 0 : i32
      %dma_wait3A_127 = arith.constant 0 : i32
      %dma_wait3A_128 = tpu.memref_slice %arg5[%dma_wait3A_117, %dma_wait3A_126, %dma_wait3A_127] : memref<2x2x64xi32, #tpu.memory_space<vmem>> -> memref<1x2x64xi32, #tpu.memory_space<vmem>>
      %dma_wait3A_129 = tpu.memref_squeeze %dma_wait3A_128 : memref<1x2x64xi32, #tpu.memory_space<vmem>> -> memref<2x64xi32, #tpu.memory_space<vmem>>
      %dma_wait3A_130 = arith.constant 0 : i32
      %dma_wait3A_131 = arith.constant 0 : i32
      %dma_wait3A_132 = tpu.memref_slice %arg3[%add3A, %dma_wait3A_116, %dma_wait3A_130, %dma_wait3A_131] : memref<32x162x2x64xi32, #tpu.memory_space<hbm>> -> memref<1x1x2x64xi32, #tpu.memory_space<hbm>>
      %dma_wait3A_133 = tpu.memref_squeeze %dma_wait3A_132 : memref<1x1x2x64xi32, #tpu.memory_space<hbm>> -> memref<2x64xi32, #tpu.memory_space<hbm>>
      tpu.wait_dma2 semaphore(%arg12 : memref<!tpu.dma_semaphore, #tpu.memory_space<semaphore_mem>>) src(%dma_wait3A_133 : memref<2x64xi32, #tpu.memory_space<hbm>>) dst(%dma_wait3A_129 : memref<2x64xi32, #tpu.memory_space<vmem>>)
      %dma_start3A_134 = arith.constant 1 : i32
      %dma_start3A_135 = arith.constant 0 : i32
      %dma_start3A_136 = arith.constant 0 : i32
      %dma_start3A_137 = tpu.memref_slice %arg5[%dma_start3A_134, %dma_start3A_135, %dma_start3A_136] : memref<2x2x64xi32, #tpu.memory_space<vmem>> -> memref<1x1x64xi32, #tpu.memory_space<vmem>>
      %dma_start3A_138 = tpu.memref_squeeze %dma_start3A_137 : memref<1x1x64xi32, #tpu.memory_space<vmem>> -> memref<64xi32, #tpu.memory_space<vmem>>
      %dma_start3A_139 = arith.constant 0 : i32
      %dma_start3A_140 = arith.constant 0 : i32
      %dma_start3A_141 = tpu.memref_slice %arg2[%dma_start3A_139, %dma_start3A_140] : memref<10000x128xf32, #tpu.memory_space<hbm>> -> memref<10000x128xf32, #tpu.memory_space<hbm>>
      tpu.enqueue_indirect_dma source(%dma_start3A_141 : memref<10000x128xf32, #tpu.memory_space<hbm>>) target(%arg7 : memref<64x128xf32, #tpu.memory_space<vmem>>) offsets(%dma_start3A_138 : memref<64xi32, #tpu.memory_space<vmem>>) semaphore(%arg10 : memref<!tpu.dma_semaphore, #tpu.memory_space<semaphore_mem>>)
      %run_scoped3A_142 = arith.constant 0 : i32
      %run_scoped3A_143 = arith.constant 1 : i32
      "tpu.region"() ({
        %run_scoped3A_216 = tpu.sem_alloc : memref<!tpu.dma_semaphore, #tpu.memory_space<semaphore_mem>>
        %dma_start3A_217 = arith.constant 0 : i32
        %dma_start3A_218 = tpu.memref_slice %arg5[%run_scoped3A_142, %run_scoped3A_143, %dma_start3A_217] : memref<2x2x64xi32, #tpu.memory_space<vmem>> -> memref<1x1x64xi32, #tpu.memory_space<vmem>>
        %dma_start3A_219 = tpu.memref_squeeze %dma_start3A_218 : memref<1x1x64xi32, #tpu.memory_space<vmem>> -> memref<64xi32, #tpu.memory_space<vmem>>
        %dma_start3A_220 = arith.constant 0 : i32
        %dma_start3A_221 = arith.constant 0 : i32
        %dma_start3A_222 = tpu.memref_slice %arg8[%dma_start3A_220, %dma_start3A_221] : memref<10112x128xf32, #tpu.memory_space<vmem_shared>> -> memref<10112x128xf32, #tpu.memory_space<vmem_shared>>
        tpu.enqueue_indirect_dma source(%arg6 : memref<64x128xf32, #tpu.memory_space<vmem>>) target(%dma_start3A_222 : memref<10112x128xf32, #tpu.memory_space<vmem_shared>>) offsets(%dma_start3A_219 : memref<64xi32, #tpu.memory_space<vmem>>) semaphore(%run_scoped3A_216 : memref<!tpu.dma_semaphore, #tpu.memory_space<semaphore_mem>>) {add = true}
        %dma_wait3A_223 = arith.constant 0 : i32
        %dma_wait3A_224 = tpu.memref_slice %arg5[%run_scoped3A_142, %run_scoped3A_143, %dma_wait3A_223] : memref<2x2x64xi32, #tpu.memory_space<vmem>> -> memref<1x1x64xi32, #tpu.memory_space<vmem>>
        %dma_wait3A_225 = tpu.memref_squeeze %dma_wait3A_224 : memref<1x1x64xi32, #tpu.memory_space<vmem>> -> memref<64xi32, #tpu.memory_space<vmem>>
        %dma_wait3A_226 = arith.constant 0 : i32
        %dma_wait3A_227 = arith.constant 0 : i32
        %dma_wait3A_228 = tpu.memref_slice %arg8[%dma_wait3A_226, %dma_wait3A_227] : memref<10112x128xf32, #tpu.memory_space<vmem_shared>> -> memref<10112x128xf32, #tpu.memory_space<vmem_shared>>
        tpu.wait_indirect_dma semaphore(%run_scoped3A_216 : memref<!tpu.dma_semaphore, #tpu.memory_space<semaphore_mem>>) src(%arg6 : memref<64x128xf32, #tpu.memory_space<vmem>>) dst(%dma_wait3A_228 : memref<10112x128xf32, #tpu.memory_space<vmem_shared>>)
        tpu.yield
      }) : () -> ()
      %add3A_144 = arith.constant 2 : i32
      %add3A_145 = arith.addi %mul3A_109, %add3A_144 : i32
      %dma_start3A_146 = arith.constant 0 : i32
      %dma_start3A_147 = arith.constant 0 : i32
      %dma_start3A_148 = arith.constant 0 : i32
      %dma_start3A_149 = tpu.memref_slice %arg5[%dma_start3A_146, %dma_start3A_147, %dma_start3A_148] : memref<2x2x64xi32, #tpu.memory_space<vmem>> -> memref<1x2x64xi32, #tpu.memory_space<vmem>>
      %dma_start3A_150 = tpu.memref_squeeze %dma_start3A_149 : memref<1x2x64xi32, #tpu.memory_space<vmem>> -> memref<2x64xi32, #tpu.memory_space<vmem>>
      %dma_start3A_151 = arith.constant 0 : i32
      %dma_start3A_152 = arith.constant 0 : i32
      %dma_start3A_153 = tpu.memref_slice %arg3[%add3A, %add3A_145, %dma_start3A_151, %dma_start3A_152] : memref<32x162x2x64xi32, #tpu.memory_space<hbm>> -> memref<1x1x2x64xi32, #tpu.memory_space<hbm>>
      %dma_start3A_154 = tpu.memref_squeeze %dma_start3A_153 : memref<1x1x2x64xi32, #tpu.memory_space<hbm>> -> memref<2x64xi32, #tpu.memory_space<hbm>>
      %dma_start3A_155 = arith.constant 0 : i32
      %dma_start3A_156 = arith.constant 0 : i32
      %dma_start3A_157 = tpu.memref_slice %arg5[%dma_start3A_146, %dma_start3A_155, %dma_start3A_156] : memref<2x2x64xi32, #tpu.memory_space<vmem>> -> memref<1x2x64xi32, #tpu.memory_space<vmem>>
      %dma_start3A_158 = tpu.memref_squeeze %dma_start3A_157 : memref<1x2x64xi32, #tpu.memory_space<vmem>> -> memref<2x64xi32, #tpu.memory_space<vmem>>
      %dma_start3A_159 = arith.constant 0 : i32
      %dma_start3A_160 = arith.constant 0 : i32
      %dma_start3A_161 = tpu.memref_slice %arg3[%add3A, %add3A_145, %dma_start3A_159, %dma_start3A_160] : memref<32x162x2x64xi32, #tpu.memory_space<hbm>> -> memref<1x1x2x64xi32, #tpu.memory_space<hbm>>
      %dma_start3A_162 = tpu.memref_squeeze %dma_start3A_161 : memref<1x1x2x64xi32, #tpu.memory_space<hbm>> -> memref<2x64xi32, #tpu.memory_space<hbm>>
      tpu.enqueue_dma source(%dma_start3A_162 : memref<2x64xi32, #tpu.memory_space<hbm>>) target(%dma_start3A_158 : memref<2x64xi32, #tpu.memory_space<vmem>>) target_semaphore(%arg11 : memref<!tpu.dma_semaphore, #tpu.memory_space<semaphore_mem>>)
      %dma_wait3A_163 = arith.constant 0 : i32
      %dma_wait3A_164 = arith.constant 0 : i32
      %dma_wait3A_165 = tpu.memref_slice %arg2[%dma_wait3A_163, %dma_wait3A_164] : memref<10000x128xf32, #tpu.memory_space<hbm>> -> memref<64x128xf32, #tpu.memory_space<hbm>>
      %dma_wait3A_166 = arith.constant 0 : i32
      %dma_wait3A_167 = arith.constant 0 : i32
      %dma_wait3A_168 = tpu.memref_slice %arg2[%dma_wait3A_166, %dma_wait3A_167] : memref<10000x128xf32, #tpu.memory_space<hbm>> -> memref<64x128xf32, #tpu.memory_space<hbm>>
      tpu.wait_dma2 semaphore(%arg10 : memref<!tpu.dma_semaphore, #tpu.memory_space<semaphore_mem>>) src(%dma_wait3A_168 : memref<64x128xf32, #tpu.memory_space<hbm>>) dst(%arg7 : memref<64x128xf32, #tpu.memory_space<vmem>>)
      %dma_wait3A_169 = arith.constant 0 : i32
      %dma_wait3A_170 = arith.constant 0 : i32
      %dma_wait3A_171 = arith.constant 0 : i32
      %dma_wait3A_172 = arith.constant 0 : i32
      %dma_wait3A_173 = tpu.memref_slice %arg5[%dma_wait3A_170, %dma_wait3A_171, %dma_wait3A_172] : memref<2x2x64xi32, #tpu.memory_space<vmem>> -> memref<1x2x64xi32, #tpu.memory_space<vmem>>
      %dma_wait3A_174 = tpu.memref_squeeze %dma_wait3A_173 : memref<1x2x64xi32, #tpu.memory_space<vmem>> -> memref<2x64xi32, #tpu.memory_space<vmem>>
      %dma_wait3A_175 = arith.constant 0 : i32
      %dma_wait3A_176 = arith.constant 0 : i32
      %dma_wait3A_177 = tpu.memref_slice %arg3[%add3A, %dma_wait3A_169, %dma_wait3A_175, %dma_wait3A_176] : memref<32x162x2x64xi32, #tpu.memory_space<hbm>> -> memref<1x1x2x64xi32, #tpu.memory_space<hbm>>
      %dma_wait3A_178 = tpu.memref_squeeze %dma_wait3A_177 : memref<1x1x2x64xi32, #tpu.memory_space<hbm>> -> memref<2x64xi32, #tpu.memory_space<hbm>>
      %dma_wait3A_179 = arith.constant 0 : i32
      %dma_wait3A_180 = arith.constant 0 : i32
      %dma_wait3A_181 = tpu.memref_slice %arg5[%dma_wait3A_170, %dma_wait3A_179, %dma_wait3A_180] : memref<2x2x64xi32, #tpu.memory_space<vmem>> -> memref<1x2x64xi32, #tpu.memory_space<vmem>>
      %dma_wait3A_182 = tpu.memref_squeeze %dma_wait3A_181 : memref<1x2x64xi32, #tpu.memory_space<vmem>> -> memref<2x64xi32, #tpu.memory_space<vmem>>
      %dma_wait3A_183 = arith.constant 0 : i32
      %dma_wait3A_184 = arith.constant 0 : i32
      %dma_wait3A_185 = tpu.memref_slice %arg3[%add3A, %dma_wait3A_169, %dma_wait3A_183, %dma_wait3A_184] : memref<32x162x2x64xi32, #tpu.memory_space<hbm>> -> memref<1x1x2x64xi32, #tpu.memory_space<hbm>>
      %dma_wait3A_186 = tpu.memref_squeeze %dma_wait3A_185 : memref<1x1x2x64xi32, #tpu.memory_space<hbm>> -> memref<2x64xi32, #tpu.memory_space<hbm>>
      tpu.wait_dma2 semaphore(%arg11 : memref<!tpu.dma_semaphore, #tpu.memory_space<semaphore_mem>>) src(%dma_wait3A_186 : memref<2x64xi32, #tpu.memory_space<hbm>>) dst(%dma_wait3A_182 : memref<2x64xi32, #tpu.memory_space<vmem>>)
      %dma_start3A_187 = arith.constant 0 : i32
      %dma_start3A_188 = arith.constant 0 : i32
      %dma_start3A_189 = arith.constant 0 : i32
      %dma_start3A_190 = tpu.memref_slice %arg5[%dma_start3A_187, %dma_start3A_188, %dma_start3A_189] : memref<2x2x64xi32, #tpu.memory_space<vmem>> -> memref<1x1x64xi32, #tpu.memory_space<vmem>>
      %dma_start3A_191 = tpu.memref_squeeze %dma_start3A_190 : memref<1x1x64xi32, #tpu.memory_space<vmem>> -> memref<64xi32, #tpu.memory_space<vmem>>
      %dma_start3A_192 = arith.constant 0 : i32
      %dma_start3A_193 = arith.constant 0 : i32
      %dma_start3A_194 = tpu.memref_slice %arg2[%dma_start3A_192, %dma_start3A_193] : memref<10000x128xf32, #tpu.memory_space<hbm>> -> memref<10000x128xf32, #tpu.memory_space<hbm>>
      tpu.enqueue_indirect_dma source(%dma_start3A_194 : memref<10000x128xf32, #tpu.memory_space<hbm>>) target(%arg6 : memref<64x128xf32, #tpu.memory_space<vmem>>) offsets(%dma_start3A_191 : memref<64xi32, #tpu.memory_space<vmem>>) semaphore(%arg9 : memref<!tpu.dma_semaphore, #tpu.memory_space<semaphore_mem>>)
      %run_scoped3A_195 = arith.constant 1 : i32
      %run_scoped3A_196 = arith.constant 1 : i32
      "tpu.region"() ({
        %run_scoped3A_216 = tpu.sem_alloc : memref<!tpu.dma_semaphore, #tpu.memory_space<semaphore_mem>>
        %dma_start3A_217 = arith.constant 0 : i32
        %dma_start3A_218 = tpu.memref_slice %arg5[%run_scoped3A_195, %run_scoped3A_196, %dma_start3A_217] : memref<2x2x64xi32, #tpu.memory_space<vmem>> -> memref<1x1x64xi32, #tpu.memory_space<vmem>>
        %dma_start3A_219 = tpu.memref_squeeze %dma_start3A_218 : memref<1x1x64xi32, #tpu.memory_space<vmem>> -> memref<64xi32, #tpu.memory_space<vmem>>
        %dma_start3A_220 = arith.constant 0 : i32
        %dma_start3A_221 = arith.constant 0 : i32
        %dma_start3A_222 = tpu.memref_slice %arg8[%dma_start3A_220, %dma_start3A_221] : memref<10112x128xf32, #tpu.memory_space<vmem_shared>> -> memref<10112x128xf32, #tpu.memory_space<vmem_shared>>
        tpu.enqueue_indirect_dma source(%arg7 : memref<64x128xf32, #tpu.memory_space<vmem>>) target(%dma_start3A_222 : memref<10112x128xf32, #tpu.memory_space<vmem_shared>>) offsets(%dma_start3A_219 : memref<64xi32, #tpu.memory_space<vmem>>) semaphore(%run_scoped3A_216 : memref<!tpu.dma_semaphore, #tpu.memory_space<semaphore_mem>>) {add = true}
        %dma_wait3A_223 = arith.constant 0 : i32
        %dma_wait3A_224 = tpu.memref_slice %arg5[%run_scoped3A_195, %run_scoped3A_196, %dma_wait3A_223] : memref<2x2x64xi32, #tpu.memory_space<vmem>> -> memref<1x1x64xi32, #tpu.memory_space<vmem>>
        %dma_wait3A_225 = tpu.memref_squeeze %dma_wait3A_224 : memref<1x1x64xi32, #tpu.memory_space<vmem>> -> memref<64xi32, #tpu.memory_space<vmem>>
        %dma_wait3A_226 = arith.constant 0 : i32
        %dma_wait3A_227 = arith.constant 0 : i32
        %dma_wait3A_228 = tpu.memref_slice %arg8[%dma_wait3A_226, %dma_wait3A_227] : memref<10112x128xf32, #tpu.memory_space<vmem_shared>> -> memref<10112x128xf32, #tpu.memory_space<vmem_shared>>
        tpu.wait_indirect_dma semaphore(%run_scoped3A_216 : memref<!tpu.dma_semaphore, #tpu.memory_space<semaphore_mem>>) src(%arg7 : memref<64x128xf32, #tpu.memory_space<vmem>>) dst(%dma_wait3A_228 : memref<10112x128xf32, #tpu.memory_space<vmem_shared>>)
        tpu.yield
      }) : () -> ()
      %add3A_197 = arith.constant 3 : i32
      %add3A_198 = arith.addi %mul3A_109, %add3A_197 : i32
      %dma_start3A_199 = arith.constant 1 : i32
      %dma_start3A_200 = arith.constant 0 : i32
      %dma_start3A_201 = arith.constant 0 : i32
      %dma_start3A_202 = tpu.memref_slice %arg5[%dma_start3A_199, %dma_start3A_200, %dma_start3A_201] : memref<2x2x64xi32, #tpu.memory_space<vmem>> -> memref<1x2x64xi32, #tpu.memory_space<vmem>>
      %dma_start3A_203 = tpu.memref_squeeze %dma_start3A_202 : memref<1x2x64xi32, #tpu.memory_space<vmem>> -> memref<2x64xi32, #tpu.memory_space<vmem>>
      %dma_start3A_204 = arith.constant 0 : i32
      %dma_start3A_205 = arith.constant 0 : i32
      %dma_start3A_206 = tpu.memref_slice %arg3[%add3A, %add3A_198, %dma_start3A_204, %dma_start3A_205] : memref<32x162x2x64xi32, #tpu.memory_space<hbm>> -> memref<1x1x2x64xi32, #tpu.memory_space<hbm>>
      %dma_start3A_207 = tpu.memref_squeeze %dma_start3A_206 : memref<1x1x2x64xi32, #tpu.memory_space<hbm>> -> memref<2x64xi32, #tpu.memory_space<hbm>>
      %dma_start3A_208 = arith.constant 0 : i32
      %dma_start3A_209 = arith.constant 0 : i32
      %dma_start3A_210 = tpu.memref_slice %arg5[%dma_start3A_199, %dma_start3A_208, %dma_start3A_209] : memref<2x2x64xi32, #tpu.memory_space<vmem>> -> memref<1x2x64xi32, #tpu.memory_space<vmem>>
      %dma_start3A_211 = tpu.memref_squeeze %dma_start3A_210 : memref<1x2x64xi32, #tpu.memory_space<vmem>> -> memref<2x64xi32, #tpu.memory_space<vmem>>
      %dma_start3A_212 = arith.constant 0 : i32
      %dma_start3A_213 = arith.constant 0 : i32
      %dma_start3A_214 = tpu.memref_slice %arg3[%add3A, %add3A_198, %dma_start3A_212, %dma_start3A_213] : memref<32x162x2x64xi32, #tpu.memory_space<hbm>> -> memref<1x1x2x64xi32, #tpu.memory_space<hbm>>
      %dma_start3A_215 = tpu.memref_squeeze %dma_start3A_214 : memref<1x1x2x64xi32, #tpu.memory_space<hbm>> -> memref<2x64xi32, #tpu.memory_space<hbm>>
      tpu.enqueue_dma source(%dma_start3A_215 : memref<2x64xi32, #tpu.memory_space<hbm>>) target(%dma_start3A_211 : memref<2x64xi32, #tpu.memory_space<vmem>>) target_semaphore(%arg12 : memref<!tpu.dma_semaphore, #tpu.memory_space<semaphore_mem>>)
    }
    %scan3A_78 = arith.constant 80 : i32
    %dma_wait3A = arith.constant 0 : i32
    %dma_wait3A_79 = arith.constant 0 : i32
    %dma_wait3A_80 = tpu.memref_slice %arg2[%dma_wait3A, %dma_wait3A_79] : memref<10000x128xf32, #tpu.memory_space<hbm>> -> memref<64x128xf32, #tpu.memory_space<hbm>>
    %dma_wait3A_81 = arith.constant 0 : i32
    %dma_wait3A_82 = arith.constant 0 : i32
    %dma_wait3A_83 = tpu.memref_slice %arg2[%dma_wait3A_81, %dma_wait3A_82] : memref<10000x128xf32, #tpu.memory_space<hbm>> -> memref<64x128xf32, #tpu.memory_space<hbm>>
    tpu.wait_dma2 semaphore(%arg9 : memref<!tpu.dma_semaphore, #tpu.memory_space<semaphore_mem>>) src(%dma_wait3A_83 : memref<64x128xf32, #tpu.memory_space<hbm>>) dst(%arg6 : memref<64x128xf32, #tpu.memory_space<vmem>>)
    %dma_wait3A_84 = arith.constant 0 : i32
    %dma_wait3A_85 = arith.constant 1 : i32
    %dma_wait3A_86 = arith.constant 0 : i32
    %dma_wait3A_87 = arith.constant 0 : i32
    %dma_wait3A_88 = tpu.memref_slice %arg5[%dma_wait3A_85, %dma_wait3A_86, %dma_wait3A_87] : memref<2x2x64xi32, #tpu.memory_space<vmem>> -> memref<1x2x64xi32, #tpu.memory_space<vmem>>
    %dma_wait3A_89 = tpu.memref_squeeze %dma_wait3A_88 : memref<1x2x64xi32, #tpu.memory_space<vmem>> -> memref<2x64xi32, #tpu.memory_space<vmem>>
    %dma_wait3A_90 = arith.constant 0 : i32
    %dma_wait3A_91 = arith.constant 0 : i32
    %dma_wait3A_92 = tpu.memref_slice %arg3[%add3A, %dma_wait3A_84, %dma_wait3A_90, %dma_wait3A_91] : memref<32x162x2x64xi32, #tpu.memory_space<hbm>> -> memref<1x1x2x64xi32, #tpu.memory_space<hbm>>
    %dma_wait3A_93 = tpu.memref_squeeze %dma_wait3A_92 : memref<1x1x2x64xi32, #tpu.memory_space<hbm>> -> memref<2x64xi32, #tpu.memory_space<hbm>>
    %dma_wait3A_94 = arith.constant 0 : i32
    %dma_wait3A_95 = arith.constant 0 : i32
    %dma_wait3A_96 = tpu.memref_slice %arg5[%dma_wait3A_85, %dma_wait3A_94, %dma_wait3A_95] : memref<2x2x64xi32, #tpu.memory_space<vmem>> -> memref<1x2x64xi32, #tpu.memory_space<vmem>>
    %dma_wait3A_97 = tpu.memref_squeeze %dma_wait3A_96 : memref<1x2x64xi32, #tpu.memory_space<vmem>> -> memref<2x64xi32, #tpu.memory_space<vmem>>
    %dma_wait3A_98 = arith.constant 0 : i32
    %dma_wait3A_99 = arith.constant 0 : i32
    %dma_wait3A_100 = tpu.memref_slice %arg3[%add3A, %dma_wait3A_84, %dma_wait3A_98, %dma_wait3A_99] : memref<32x162x2x64xi32, #tpu.memory_space<hbm>> -> memref<1x1x2x64xi32, #tpu.memory_space<hbm>>
    %dma_wait3A_101 = tpu.memref_squeeze %dma_wait3A_100 : memref<1x1x2x64xi32, #tpu.memory_space<hbm>> -> memref<2x64xi32, #tpu.memory_space<hbm>>
    tpu.wait_dma2 semaphore(%arg12 : memref<!tpu.dma_semaphore, #tpu.memory_space<semaphore_mem>>) src(%dma_wait3A_101 : memref<2x64xi32, #tpu.memory_space<hbm>>) dst(%dma_wait3A_97 : memref<2x64xi32, #tpu.memory_space<vmem>>)
    %barrier3A_102 = arith.constant 0 : index
    tpu.barrier barrier_id(%barrier3A_102)
    %mul3A_103 = arith.constant 632 : i32
    %mul3A_104 = arith.muli %arg1, %mul3A_103 : i32
    %mul3A_105 = arith.constant 632 : i32
    %mul3A_106 = arith.muli %arg1, %mul3A_105 : i32
    "tpu.region"() ({
      %run_scoped3A_107 = tpu.sem_alloc : memref<!tpu.dma_semaphore, #tpu.memory_space<semaphore_mem>>
      %dma_start3A_108 = arith.constant 0 : i32
      %dma_start3A_109 = tpu.memref_slice %arg4[%arg0, %mul3A_106, %dma_start3A_108] : memref<2x10112x128xf32, #tpu.memory_space<hbm>> -> memref<1x632x128xf32, #tpu.memory_space<hbm>>
      %dma_start3A_110 = tpu.memref_squeeze %dma_start3A_109 : memref<1x632x128xf32, #tpu.memory_space<hbm>> -> memref<632x128xf32, #tpu.memory_space<hbm>>
      %dma_start3A_111 = arith.constant 0 : i32
      %dma_start3A_112 = tpu.memref_slice %arg8[%mul3A_104, %dma_start3A_111] : memref<10112x128xf32, #tpu.memory_space<vmem_shared>> -> memref<632x128xf32, #tpu.memory_space<vmem_shared>>
      tpu.enqueue_dma source(%dma_start3A_112 : memref<632x128xf32, #tpu.memory_space<vmem_shared>>) target(%dma_start3A_110 : memref<632x128xf32, #tpu.memory_space<hbm>>) target_semaphore(%run_scoped3A_107 : memref<!tpu.dma_semaphore, #tpu.memory_space<semaphore_mem>>)
      %dma_wait3A_113 = arith.constant 0 : i32
      %dma_wait3A_114 = tpu.memref_slice %arg4[%arg0, %mul3A_106, %dma_wait3A_113] : memref<2x10112x128xf32, #tpu.memory_space<hbm>> -> memref<1x632x128xf32, #tpu.memory_space<hbm>>
      %dma_wait3A_115 = tpu.memref_squeeze %dma_wait3A_114 : memref<1x632x128xf32, #tpu.memory_space<hbm>> -> memref<632x128xf32, #tpu.memory_space<hbm>>
      %dma_wait3A_116 = arith.constant 0 : i32
      %dma_wait3A_117 = tpu.memref_slice %arg8[%mul3A_104, %dma_wait3A_116] : memref<10112x128xf32, #tpu.memory_space<vmem_shared>> -> memref<632x128xf32, #tpu.memory_space<vmem_shared>>
      tpu.wait_dma2 semaphore(%run_scoped3A_107 : memref<!tpu.dma_semaphore, #tpu.memory_space<semaphore_mem>>) src(%dma_wait3A_117 : memref<632x128xf32, #tpu.memory_space<vmem_shared>>) dst(%dma_wait3A_115 : memref<632x128xf32, #tpu.memory_space<hbm>>)
      tpu.yield
    }) : () -> ()
    return
  }
}

module attributes {stable_mosaic.version = 14 : i64} {
  func.func @body(%arg0: memref<10000x128xf32, #tpu.memory_space<vmem>>, %arg1: memref<10000x128xf32, #tpu.memory_space<vmem>>) attributes {dimension_semantics = [], scalar_prefetch = 0 : i64, scratch_operands = 0 : i64, tpu.core_type = #tpu.core_type<tc>} {
    %get3A = arith.constant 0 : index
    %get3A_0 = arith.constant 0 : index
    %get3A_1 = vector.load %arg0[%get3A, %get3A_0] : memref<10000x128xf32, #tpu.memory_space<vmem>>, vector<10000x128xf32>
    %reduce_sum3A = arith.constant dense<0.000000e+00> : vector<128xf32>
    %reduce_sum3A_2 = vector.multi_reduction <add>, %get3A_1, %reduce_sum3A [0] : vector<10000x128xf32> to vector<128xf32>
    %broadcast_in_dim3A = vector.shape_cast %reduce_sum3A_2 : vector<128xf32> to vector<1x128xf32>
    %div3A = arith.constant 1.000000e+04 : f32
    %div3A_3 = vector.broadcast %div3A : f32 to vector<1x128xf32>
    %div3A_4 = arith.divf %broadcast_in_dim3A, %div3A_3 : vector<1x128xf32>
    %sub3A = vector.broadcast %div3A_4 : vector<1x128xf32> to vector<10000x128xf32>
    %sub3A_5 = arith.subf %get3A_1, %sub3A : vector<10000x128xf32>
    %integer_pow3A = arith.mulf %sub3A_5, %sub3A_5 : vector<10000x128xf32>
    %reduce_sum3A_6 = arith.constant dense<0.000000e+00> : vector<128xf32>
    %reduce_sum3A_7 = vector.multi_reduction <add>, %integer_pow3A, %reduce_sum3A_6 [0] : vector<10000x128xf32> to vector<128xf32>
    %broadcast_in_dim3A_8 = vector.shape_cast %reduce_sum3A_7 : vector<128xf32> to vector<1x128xf32>
    %div3A_9 = arith.constant 1.000000e+04 : f32
    %div3A_10 = vector.broadcast %div3A_9 : f32 to vector<1x128xf32>
    %div3A_11 = arith.divf %broadcast_in_dim3A_8, %div3A_10 : vector<1x128xf32>
    %sqrt3A = math.sqrt %div3A_11 : vector<1x128xf32>
    %eq3A = arith.constant 0.000000e+00 : f32
    %eq3A_12 = vector.broadcast %eq3A : f32 to vector<1x128xf32>
    %eq3A_13 = arith.cmpf oeq, %sqrt3A, %eq3A_12 : vector<1x128xf32>
    %jit3A = arith.constant 1.000000e+00 : f32
    %broadcast_in_dim3A_14 = vector.broadcast %jit3A : f32 to vector<1x128xf32>
    %select_n3A = arith.select %eq3A_13, %broadcast_in_dim3A_14, %sqrt3A : vector<1x128xi1>, vector<1x128xf32>
    %sub3A_15 = vector.broadcast %div3A_4 : vector<1x128xf32> to vector<10000x128xf32>
    %sub3A_16 = arith.subf %get3A_1, %sub3A_15 : vector<10000x128xf32>
    %div3A_17 = vector.broadcast %select_n3A : vector<1x128xf32> to vector<10000x128xf32>
    %div3A_18 = arith.divf %sub3A_16, %div3A_17 : vector<10000x128xf32>
    %swap3A = arith.constant 0 : index
    %swap3A_19 = arith.constant 0 : index
    %swap3A_20 = vector.load %arg1[%swap3A, %swap3A_19] : memref<10000x128xf32, #tpu.memory_space<vmem>>, vector<10000x128xf32>
    tpu.vector_store %arg1[%swap3A, %swap3A_19], %div3A_18 {strides = array<i32>} : memref<10000x128xf32, #tpu.memory_space<vmem>>, vector<10000x128xf32>,
    return
  }
}

module attributes {stable_mosaic.version = 14 : i64} {
  func.func @body(%arg0: memref<2x10112x128xf32, #tpu.memory_space<vmem>>, %arg1: memref<10000x128xf32, #tpu.memory_space<vmem>>, %arg2: memref<128x128xf32, #tpu.memory_space<vmem>>, %arg3: memref<1x128xf32, #tpu.memory_space<vmem>>, %arg4: memref<128x128xf32, #tpu.memory_space<vmem>>, %arg5: memref<10000x128xf32, #tpu.memory_space<vmem>>) attributes {dimension_semantics = [], scalar_prefetch = 0 : i64, scratch_operands = 0 : i64, tpu.core_type = #tpu.core_type<tc>} {
    %get3A = arith.constant 0 : index
    %get3A_0 = arith.constant 0 : index
    %get3A_1 = arith.constant 0 : index
    %get3A_2 = vector.load %arg0[%get3A, %get3A_0, %get3A_1] : memref<2x10112x128xf32, #tpu.memory_space<vmem>>, vector<1x10000x128xf32>
    %get3A_3 = vector.shape_cast %get3A_2 : vector<1x10000x128xf32> to vector<10000x128xf32>
    %get3A_4 = arith.constant 1 : index
    %get3A_5 = arith.constant 0 : index
    %get3A_6 = arith.constant 0 : index
    %get3A_7 = vector.load %arg0[%get3A_4, %get3A_5, %get3A_6] : memref<2x10112x128xf32, #tpu.memory_space<vmem>>, vector<1x10000x128xf32>
    %get3A_8 = vector.shape_cast %get3A_7 : vector<1x10000x128xf32> to vector<10000x128xf32>
    %add3A = arith.addf %get3A_3, %get3A_8 : vector<10000x128xf32>
    %get3A_9 = arith.constant 0 : index
    %get3A_10 = arith.constant 0 : index
    %get3A_11 = vector.load %arg2[%get3A_9, %get3A_10] : memref<128x128xf32, #tpu.memory_space<vmem>>, vector<128x128xf32>
    %dot_general3A = arith.constant dense<0.000000e+00> : vector<10000x128xf32>
    %dot_general3A_12 = tpu.matmul %add3A, %get3A_11, %dot_general3A {dimension_numbers = #tpu.dot_dimension_numbers<[1], [0], [0], [1], [0, 0, 1, 1], [], []>, transpose_lhs_hint = false} : vector<10000x128xf32>, vector<128x128xf32>, vector<10000x128xf32> -> vector<10000x128xf32>
    %get3A_13 = arith.constant 0 : index
    %get3A_14 = arith.constant 0 : index
    %get3A_15 = vector.load %arg3[%get3A_13, %get3A_14] : memref<1x128xf32, #tpu.memory_space<vmem>>, vector<1x128xf32>
    %add3A_16 = vector.broadcast %get3A_15 : vector<1x128xf32> to vector<10000x128xf32>
    %add3A_17 = arith.addf %dot_general3A_12, %add3A_16 : vector<10000x128xf32>
    %get3A_18 = arith.constant 0 : index
    %get3A_19 = arith.constant 0 : index
    %get3A_20 = vector.load %arg1[%get3A_18, %get3A_19] : memref<10000x128xf32, #tpu.memory_space<vmem>>, vector<10000x128xf32>
    %get3A_21 = arith.constant 0 : index
    %get3A_22 = arith.constant 0 : index
    %get3A_23 = vector.load %arg4[%get3A_21, %get3A_22] : memref<128x128xf32, #tpu.memory_space<vmem>>, vector<128x128xf32>
    %dot_general3A_24 = arith.constant dense<0.000000e+00> : vector<10000x128xf32>
    %dot_general3A_25 = tpu.matmul %get3A_20, %get3A_23, %dot_general3A_24 {dimension_numbers = #tpu.dot_dimension_numbers<[1], [0], [0], [1], [0, 0, 1, 1], [], []>, transpose_lhs_hint = false} : vector<10000x128xf32>, vector<128x128xf32>, vector<10000x128xf32> -> vector<10000x128xf32>
    %add3A_26 = arith.addf %add3A_17, %dot_general3A_25 : vector<10000x128xf32>
    %max3A = arith.constant 0.000000e+00 : f32
    %max3A_27 = vector.broadcast %max3A : f32 to vector<10000x128xf32>
    %max3A_28 = arith.maximumf %add3A_26, %max3A_27 : vector<10000x128xf32>
    %swap3A = arith.constant 0 : index
    %swap3A_29 = arith.constant 0 : index
    %swap3A_30 = vector.load %arg5[%swap3A, %swap3A_29] : memref<10000x128xf32, #tpu.memory_space<vmem>>, vector<10000x128xf32>
    tpu.vector_store %arg5[%swap3A, %swap3A_29], %max3A_28 {strides = array<i32>} : memref<10000x128xf32, #tpu.memory_space<vmem>>, vector<10000x128xf32>,
    return
  }
}

module attributes {stable_mosaic.version = 14 : i64} {
  func.func @body(%arg0: memref<2x10112x128xf32, #tpu.memory_space<vmem>>, %arg1: memref<32x10112xf32, #tpu.memory_space<vmem>>, %arg2: memref<10000x128xf32, #tpu.memory_space<vmem>>, %arg3: memref<128x128xf32, #tpu.memory_space<vmem>>, %arg4: memref<1x128xf32, #tpu.memory_space<vmem>>, %arg5: memref<128x128xf32, #tpu.memory_space<vmem>>, %arg6: memref<10000x128xf32, #tpu.memory_space<vmem>>) attributes {dimension_semantics = [], scalar_prefetch = 0 : i64, scratch_operands = 0 : i64, tpu.core_type = #tpu.core_type<tc>} {
    %broadcast_in_dim3A = arith.constant 1.000000e+00 : f32
    %broadcast_in_dim3A_0 = vector.broadcast %broadcast_in_dim3A : f32 to vector<32x1xf32>
    %get3A = arith.constant 0 : index
    %get3A_1 = arith.constant 0 : index
    %get3A_2 = vector.load %arg1[%get3A, %get3A_1] : memref<32x10112xf32, #tpu.memory_space<vmem>>, vector<32x10112xf32>
    %dot_general3A = arith.constant dense<0.000000e+00> : vector<10112x1xf32>
    %dot_general3A_3 = tpu.matmul %get3A_2, %broadcast_in_dim3A_0, %dot_general3A {dimension_numbers = #tpu.dot_dimension_numbers<[0], [0], [1], [1], [0, 1, 1, 1], [], []>, transpose_lhs_hint = false} : vector<32x10112xf32>, vector<32x1xf32>, vector<10112x1xf32> -> vector<10112x1xf32>
    %slice3A = vector.extract_strided_slice %dot_general3A_3 {offsets = [0, 0], sizes = [10000, 1], strides = [1, 1]} : vector<10112x1xf32> to vector<10000x1xf32>
    %max3A = arith.constant 1.000000e+00 : f32
    %max3A_4 = vector.broadcast %max3A : f32 to vector<10000x1xf32>
    %max3A_5 = arith.maximumf %slice3A, %max3A_4 : vector<10000x1xf32>
    %get3A_6 = arith.constant 0 : index
    %get3A_7 = arith.constant 0 : index
    %get3A_8 = arith.constant 0 : index
    %get3A_9 = vector.load %arg0[%get3A_6, %get3A_7, %get3A_8] : memref<2x10112x128xf32, #tpu.memory_space<vmem>>, vector<1x10000x128xf32>
    %get3A_10 = vector.shape_cast %get3A_9 : vector<1x10000x128xf32> to vector<10000x128xf32>
    %get3A_11 = arith.constant 1 : index
    %get3A_12 = arith.constant 0 : index
    %get3A_13 = arith.constant 0 : index
    %get3A_14 = vector.load %arg0[%get3A_11, %get3A_12, %get3A_13] : memref<2x10112x128xf32, #tpu.memory_space<vmem>>, vector<1x10000x128xf32>
    %get3A_15 = vector.shape_cast %get3A_14 : vector<1x10000x128xf32> to vector<10000x128xf32>
    %add3A = arith.addf %get3A_10, %get3A_15 : vector<10000x128xf32>
    %div3A = vector.broadcast %max3A_5 : vector<10000x1xf32> to vector<10000x128xf32>
    %div3A_16 = arith.divf %add3A, %div3A : vector<10000x128xf32>
    %get3A_17 = arith.constant 0 : index
    %get3A_18 = arith.constant 0 : index
    %get3A_19 = vector.load %arg3[%get3A_17, %get3A_18] : memref<128x128xf32, #tpu.memory_space<vmem>>, vector<128x128xf32>
    %dot_general3A_20 = arith.constant dense<0.000000e+00> : vector<10000x128xf32>
    %dot_general3A_21 = tpu.matmul %div3A_16, %get3A_19, %dot_general3A_20 {dimension_numbers = #tpu.dot_dimension_numbers<[1], [0], [0], [1], [0, 0, 1, 1], [], []>, transpose_lhs_hint = false} : vector<10000x128xf32>, vector<128x128xf32>, vector<10000x128xf32> -> vector<10000x128xf32>
    %get3A_22 = arith.constant 0 : index
    %get3A_23 = arith.constant 0 : index
    %get3A_24 = vector.load %arg4[%get3A_22, %get3A_23] : memref<1x128xf32, #tpu.memory_space<vmem>>, vector<1x128xf32>
    %add3A_25 = vector.broadcast %get3A_24 : vector<1x128xf32> to vector<10000x128xf32>
    %add3A_26 = arith.addf %dot_general3A_21, %add3A_25 : vector<10000x128xf32>
    %get3A_27 = arith.constant 0 : index
    %get3A_28 = arith.constant 0 : index
    %get3A_29 = vector.load %arg2[%get3A_27, %get3A_28] : memref<10000x128xf32, #tpu.memory_space<vmem>>, vector<10000x128xf32>
    %get3A_30 = arith.constant 0 : index
    %get3A_31 = arith.constant 0 : index
    %get3A_32 = vector.load %arg5[%get3A_30, %get3A_31] : memref<128x128xf32, #tpu.memory_space<vmem>>, vector<128x128xf32>
    %dot_general3A_33 = arith.constant dense<0.000000e+00> : vector<10000x128xf32>
    %dot_general3A_34 = tpu.matmul %get3A_29, %get3A_32, %dot_general3A_33 {dimension_numbers = #tpu.dot_dimension_numbers<[1], [0], [0], [1], [0, 0, 1, 1], [], []>, transpose_lhs_hint = false} : vector<10000x128xf32>, vector<128x128xf32>, vector<10000x128xf32> -> vector<10000x128xf32>
    %add3A_35 = arith.addf %add3A_26, %dot_general3A_34 : vector<10000x128xf32>
    %max3A_36 = arith.constant 0.000000e+00 : f32
    %max3A_37 = vector.broadcast %max3A_36 : f32 to vector<10000x128xf32>
    %max3A_38 = arith.maximumf %add3A_35, %max3A_37 : vector<10000x128xf32>
    %swap3A = arith.constant 0 : index
    %swap3A_39 = arith.constant 0 : index
    %swap3A_40 = vector.load %arg6[%swap3A, %swap3A_39] : memref<10000x128xf32, #tpu.memory_space<vmem>>, vector<10000x128xf32>
    tpu.vector_store %arg6[%swap3A, %swap3A_39], %max3A_38 {strides = array<i32>} : memref<10000x128xf32, #tpu.memory_space<vmem>>, vector<10000x128xf32>,
    return
  }
}

module attributes {stable_mosaic.version = 14 : i64} {
  func.func @body(%arg0: memref<2x10112x128xf32, #tpu.memory_space<vmem>>, %arg1: memref<32x10112xf32, #tpu.memory_space<vmem>>, %arg2: memref<10000x128xf32, #tpu.memory_space<vmem>>, %arg3: memref<128x128xf32, #tpu.memory_space<vmem>>, %arg4: memref<1x128xf32, #tpu.memory_space<vmem>>, %arg5: memref<128x128xf32, #tpu.memory_space<vmem>>, %arg6: memref<10000x1xi32, #tpu.memory_space<vmem>>, %arg7: memref<128x64xf32, #tpu.memory_space<vmem>>, %arg8: memref<1x64xf32, #tpu.memory_space<vmem>>, %arg9: memref<16x64xf32, #tpu.memory_space<vmem>>) attributes {dimension_semantics = [], scalar_prefetch = 0 : i64, scratch_operands = 0 : i64, tpu.core_type = #tpu.core_type<tc>} {
    %broadcast_in_dim3A = arith.constant 1.000000e+00 : f32
    %broadcast_in_dim3A_0 = vector.broadcast %broadcast_in_dim3A : f32 to vector<32x1xf32>
    %get3A = arith.constant 0 : index
    %get3A_1 = arith.constant 0 : index
    %get3A_2 = vector.load %arg1[%get3A, %get3A_1] : memref<32x10112xf32, #tpu.memory_space<vmem>>, vector<32x10112xf32>
    %dot_general3A = arith.constant dense<0.000000e+00> : vector<10112x1xf32>
    %dot_general3A_3 = tpu.matmul %get3A_2, %broadcast_in_dim3A_0, %dot_general3A {dimension_numbers = #tpu.dot_dimension_numbers<[0], [0], [1], [1], [0, 1, 1, 1], [], []>, transpose_lhs_hint = false} : vector<32x10112xf32>, vector<32x1xf32>, vector<10112x1xf32> -> vector<10112x1xf32>
    %slice3A = vector.extract_strided_slice %dot_general3A_3 {offsets = [0, 0], sizes = [10000, 1], strides = [1, 1]} : vector<10112x1xf32> to vector<10000x1xf32>
    %max3A = arith.constant 1.000000e+00 : f32
    %max3A_4 = vector.broadcast %max3A : f32 to vector<10000x1xf32>
    %max3A_5 = arith.maximumf %slice3A, %max3A_4 : vector<10000x1xf32>
    %get3A_6 = arith.constant 0 : index
    %get3A_7 = arith.constant 0 : index
    %get3A_8 = arith.constant 0 : index
    %get3A_9 = vector.load %arg0[%get3A_6, %get3A_7, %get3A_8] : memref<2x10112x128xf32, #tpu.memory_space<vmem>>, vector<1x10000x128xf32>
    %get3A_10 = vector.shape_cast %get3A_9 : vector<1x10000x128xf32> to vector<10000x128xf32>
    %get3A_11 = arith.constant 1 : index
    %get3A_12 = arith.constant 0 : index
    %get3A_13 = arith.constant 0 : index
    %get3A_14 = vector.load %arg0[%get3A_11, %get3A_12, %get3A_13] : memref<2x10112x128xf32, #tpu.memory_space<vmem>>, vector<1x10000x128xf32>
    %get3A_15 = vector.shape_cast %get3A_14 : vector<1x10000x128xf32> to vector<10000x128xf32>
    %add3A = arith.addf %get3A_10, %get3A_15 : vector<10000x128xf32>
    %div3A = vector.broadcast %max3A_5 : vector<10000x1xf32> to vector<10000x128xf32>
    %div3A_16 = arith.divf %add3A, %div3A : vector<10000x128xf32>
    %get3A_17 = arith.constant 0 : index
    %get3A_18 = arith.constant 0 : index
    %get3A_19 = vector.load %arg3[%get3A_17, %get3A_18] : memref<128x128xf32, #tpu.memory_space<vmem>>, vector<128x128xf32>
    %dot_general3A_20 = arith.constant dense<0.000000e+00> : vector<10000x128xf32>
    %dot_general3A_21 = tpu.matmul %div3A_16, %get3A_19, %dot_general3A_20 {dimension_numbers = #tpu.dot_dimension_numbers<[1], [0], [0], [1], [0, 0, 1, 1], [], []>, transpose_lhs_hint = false} : vector<10000x128xf32>, vector<128x128xf32>, vector<10000x128xf32> -> vector<10000x128xf32>
    %get3A_22 = arith.constant 0 : index
    %get3A_23 = arith.constant 0 : index
    %get3A_24 = vector.load %arg4[%get3A_22, %get3A_23] : memref<1x128xf32, #tpu.memory_space<vmem>>, vector<1x128xf32>
    %add3A_25 = vector.broadcast %get3A_24 : vector<1x128xf32> to vector<10000x128xf32>
    %add3A_26 = arith.addf %dot_general3A_21, %add3A_25 : vector<10000x128xf32>
    %get3A_27 = arith.constant 0 : index
    %get3A_28 = arith.constant 0 : index
    %get3A_29 = vector.load %arg2[%get3A_27, %get3A_28] : memref<10000x128xf32, #tpu.memory_space<vmem>>, vector<10000x128xf32>
    %get3A_30 = arith.constant 0 : index
    %get3A_31 = arith.constant 0 : index
    %get3A_32 = vector.load %arg5[%get3A_30, %get3A_31] : memref<128x128xf32, #tpu.memory_space<vmem>>, vector<128x128xf32>
    %dot_general3A_33 = arith.constant dense<0.000000e+00> : vector<10000x128xf32>
    %dot_general3A_34 = tpu.matmul %get3A_29, %get3A_32, %dot_general3A_33 {dimension_numbers = #tpu.dot_dimension_numbers<[1], [0], [0], [1], [0, 0, 1, 1], [], []>, transpose_lhs_hint = false} : vector<10000x128xf32>, vector<128x128xf32>, vector<10000x128xf32> -> vector<10000x128xf32>
    %add3A_35 = arith.addf %add3A_26, %dot_general3A_34 : vector<10000x128xf32>
    %iota3A = tpu.iota {dimensions = array<i32: 1>} : vector<1x16xi32>
    %get3A_36 = arith.constant 0 : index
    %get3A_37 = arith.constant 0 : index
    %get3A_38 = vector.load %arg6[%get3A_36, %get3A_37] : memref<10000x1xi32, #tpu.memory_space<vmem>>, vector<10000x1xi32>
    %eq3A = vector.broadcast %get3A_38 : vector<10000x1xi32> to vector<10000x16xi32>
    %eq3A_39 = vector.broadcast %iota3A : vector<1x16xi32> to vector<10000x16xi32>
    %eq3A_40 = arith.cmpi eq, %eq3A, %eq3A_39 : vector<10000x16xi32>
    %convert_element_type3A = arith.extui %eq3A_40 : vector<10000x16xi1> to vector<10000x16xi32>
    %convert_element_type3A_41 = arith.sitofp %convert_element_type3A : vector<10000x16xi32> to vector<10000x16xf32>
    %dot_general3A_42 = arith.constant dense<0.000000e+00> : vector<16x128xf32>
    %dot_general3A_43 = tpu.matmul %convert_element_type3A_41, %add3A_35, %dot_general3A_42 {dimension_numbers = #tpu.dot_dimension_numbers<[0], [0], [1], [1], [0, 1, 1, 1], [], []>, transpose_lhs_hint = false} : vector<10000x16xf32>, vector<10000x128xf32>, vector<16x128xf32> -> vector<16x128xf32>
    %broadcast_in_dim3A_44 = arith.constant 1.000000e+00 : f32
    %broadcast_in_dim3A_45 = vector.broadcast %broadcast_in_dim3A_44 : f32 to vector<10000x1xf32>
    %dot_general3A_46 = arith.constant dense<0.000000e+00> : vector<16x1xf32>
    %dot_general3A_47 = tpu.matmul %convert_element_type3A_41, %broadcast_in_dim3A_45, %dot_general3A_46 {dimension_numbers = #tpu.dot_dimension_numbers<[0], [0], [1], [1], [0, 1, 1, 1], [], []>, transpose_lhs_hint = false} : vector<10000x16xf32>, vector<10000x1xf32>, vector<16x1xf32> -> vector<16x1xf32>
    %max3A_48 = arith.constant 1.000000e+00 : f32
    %max3A_49 = vector.broadcast %max3A_48 : f32 to vector<16x1xf32>
    %max3A_50 = arith.maximumf %dot_general3A_47, %max3A_49 : vector<16x1xf32>
    %div3A_51 = vector.broadcast %max3A_50 : vector<16x1xf32> to vector<16x128xf32>
    %div3A_52 = arith.divf %dot_general3A_43, %div3A_51 : vector<16x128xf32>
    %get3A_53 = arith.constant 0 : index
    %get3A_54 = arith.constant 0 : index
    %get3A_55 = vector.load %arg7[%get3A_53, %get3A_54] : memref<128x64xf32, #tpu.memory_space<vmem>>, vector<128x64xf32>
    %dot_general3A_56 = arith.constant dense<0.000000e+00> : vector<16x64xf32>
    %dot_general3A_57 = tpu.matmul %div3A_52, %get3A_55, %dot_general3A_56 {dimension_numbers = #tpu.dot_dimension_numbers<[1], [0], [0], [1], [0, 0, 1, 1], [], []>, transpose_lhs_hint = false} : vector<16x128xf32>, vector<128x64xf32>, vector<16x64xf32> -> vector<16x64xf32>
    %get3A_58 = arith.constant 0 : index
    %get3A_59 = arith.constant 0 : index
    %get3A_60 = vector.load %arg8[%get3A_58, %get3A_59] : memref<1x64xf32, #tpu.memory_space<vmem>>, vector<1x64xf32>
    %add3A_61 = vector.broadcast %get3A_60 : vector<1x64xf32> to vector<16x64xf32>
    %add3A_62 = arith.addf %dot_general3A_57, %add3A_61 : vector<16x64xf32>
    %swap3A = arith.constant 0 : index
    %swap3A_63 = arith.constant 0 : index
    %swap3A_64 = vector.load %arg9[%swap3A, %swap3A_63] : memref<16x64xf32, #tpu.memory_space<vmem>>, vector<16x64xf32>
    tpu.vector_store %arg9[%swap3A, %swap3A_63], %add3A_62 {strides = array<i32>} : memref<16x64xf32, #tpu.memory_space<vmem>>, vector<16x64xf32>,
    return
  }
}

</mosaic_0001>

<sc_bundles>
// kernel: kernel.12.cloned.1.call-start
scs
__scs_entry_jumppad:
0x0: {  	(pc) =	sbr.rel $0x88, $3  }
0x1: {  	(tag) =	ssettag $0x0;
	lr =	simm.s32 $0x1  }
0x2: {  	[smem:$0x3F90] =	sst lr;
	_ =	strace $0xD0000000  }
0x3: {  	_ = 	snop  }
0x4: {  	_ = 	snop  }
0x5: {  	_ = 	snop  }
0x6: {  	_ = 	snop  }
0x7: {  	_ = 	snop  }
__scs_overlays_trampoline_lowered:
0x8: {  	[smem:$0x3F9F] =	sst s0  }
0x9: {  	[smem:$0x3FA0] =	sst s1  }
0xa: {  	[smem:$0x3FA1] =	sst s2  }
0xb: {  	[smem:$0x3FA2] =	sst s3  }
0xc: {  	[smem:$0x3FA3] =	sst s4  }
0xd: {  	[smem:$0x3FA4] =	sst s5  }
0xe: {  	[smem:$0x3FA5] =	sst s6  }
0xf: {  	[smem:$0x3FA6] =	sst s7  }
0x10: {  	[smem:$0x3FA7] =	sst s8  }
0x11: {  	[smem:$0x3FA8] =	sst s9;
	s0 =	simm.s32 @!p0 $0x0  }
0x12: {  	s1 =	sld [smem:$0x3F8E];
	s0 =	simm.s32 @p0 $0x1  }
0x13: {  	[smem:$0x3FA9] =	sst s0;
	s0 =	simm.s32 @!p1 $0x0  }
0x14: {  	s2 =	sld [smem:$0x3F8D];
	s0 =	simm.s32 @p1 $0x1  }
0x15: {  	[smem:$0x3FAA] =	sst s0;
	s0 =	simm.s32 @!p2 $0x0  }
0x16: {  	s3 =	sld [smem:$0x3FDB];
	s0 =	simm.s32 @p2 $0x1  }
0x17: {  	s4 =	simm.s32 $0x1BF5;
	[smem:$0x3FAC] =	sst s0  }
0x18: {  	s0 =	sld [smem:$0x3F8F];
	_ =	swait.ge [sflag:s4], $0x0  }
0x19: {  	s7 =	sld [smem:$0x3F90]  }
0x1a: {  	s8 =	sadd.s32 $0xFFFFE003, lr  }
0x1b: {  	s9 =	sadd.s32 $0xFFFFFEF7, lr;
	s5 =	simm.s32 $0xFFFFFFFF;
	p2 =	slt.u32 s8, $0xFFFFF086  }
0x1c: {  	p1 =	slt.u32 s9, $0xF7A;
	s5 =	simm.s32 @!p2 $0x0  }
0x1d: {  	s5 =	simm.s32 @p1 $0x1;
	p0 =	seq.s32 s7, s2  }
0x1e: {  	s7 =	smul.u32 @!p0 $0xF7A, s2;
	p2 =	seq.s32 @!p0 s5, $0x0  }
0x1f: {  	s9 =	smul.u32 $0xF7A, s1;
	s8 =	simm.s32 @!p0 $0x1BF5;
	p2 =	por !p2, p0  }
0x20: {  	[sflag:s8] =	ssyncset.s32 @!p0 $0xFFFFF086;
	s6 =	sadd.s32 @!p0 s3, s7;
	s7 =	simm.s32 @!p0 $0x108  }
0x21: {  	s3 =	sadd.s32 s3, s9;
	s6 =	sadd.s32 @!p0 $0x88, s6;
	s7 =	simm.s32 @p2 $0x1082  }
0x22: {  	[simem:s7], [sflag:s8] =	dma.local @!p0 [hbm:s6], $0xF7A  }
0x23: {  	s9 =	sor.u32 $0xD0000000, s2;
	s6 =	simm.s32 $0x108;
	_ =	swait.ge @!p0 [sflag:s8], $0x0  }
0x24: {  	s3 =	sadd.s32 $0x88, s3;
	s6 =	simm.s32 @!p1 $0x1082;
	[sflag:s4] =	ssyncset.s32 $0xFFFFF086  }
0x25: {  	[simem:s6], [sflag:s4] =	dma.local [hbm:s3], $0xF7A  }
0x26: {  	[smem:$0x3F90] =	sst s1;
	(tag) =	ssettag s2;
	_ =	strace s9  }
0x27: {  	s1 =	sld [smem:$0x3FA0]  }
0x28: {  	s2 =	sld [smem:$0x3FA1]  }
0x29: {  	s4 =	sld [smem:$0x3FA3]  }
0x2a: {  	p0 =	seq.s32 s5, $0x0;
	s5 =	sld [smem:$0x3FA4]  }
0x2b: {  	s6 =	sld [smem:$0x3FA5]  }
0x2c: {  	s7 =	sld [smem:$0x3FA6]  }
0x2d: {  	s3 =	simm.s32 $0x108;
	s8 =	sld [smem:$0x3FA7]  }
0x2e: {  	s3 =	simm.s32 @!p0 $0x1082;
	s9 =	sld [smem:$0x3FA8]  }
0x2f: {  	lr =	sadd.s32 s0, s3;
	s0 =	sld [smem:$0x3F9F]  }
0x30: {  	s3 =	sld [smem:$0x3FA2]  }
0x31: {  	[smem:$0x3FAB] =	sst s10  }
0x32: {  	s10 =	sld [smem:$0x3FA9];
	_ =	sdelay $0x3  }
0x33: {  	p0 =	seq.s32 s10, $0x1;
	s10 =	sld [smem:$0x3FAB];
	_ =	sdelay $0x3  }
0x34: {  	[smem:$0x3FAB] =	sst s10  }
0x35: {  	s10 =	sld [smem:$0x3FAA];
	_ =	sdelay $0x3  }
0x36: {  	p1 =	seq.s32 s10, $0x1;
	s10 =	sld [smem:$0x3FAB];
	_ =	sdelay $0x3  }
0x37: {  	[smem:$0x3FAB] =	sst s10  }
0x38: {  	s10 =	sld [smem:$0x3FAC]  }
0x39: {  	_ = 	snop;
	(pc) =	sbr.ind lr, $3  }
0x3a: {  	_ = 	snop  }
0x3b: {  	_ = 	snop  }
0x3c: {  	p2 =	seq.s32 s10, $0x1;
	s10 =	sld [smem:$0x3FAB]  }
0x3d: {  	_ =	shalt  }
0x3e: {  	_ =	shalt  }
0x3f: {  	_ =	shalt  }
0x40: {  	_ =	shalt  }
0x41: {  	_ =	shalt  }
0x42: {  	_ =	shalt  }
0x43: {  	_ =	shalt  }
0x44: {  	_ =	shalt  }
0x45: {  	_ =	shalt  }
0x46: {  	_ =	shalt  }
0x47: {  	_ =	shalt  }
0x48: {  	_ =	shalt  }
0x49: {  	_ =	shalt  }
0x4a: {  	_ =	shalt  }
0x4b: {  	_ =	shalt  }
0x4c: {  	_ =	shalt  }
0x4d: {  	_ =	shalt  }
0x4e: {  	_ =	shalt  }
0x4f: {  	_ =	shalt  }
0x50: {  	_ =	shalt  }
0x51: {  	_ =	shalt  }
0x52: {  	_ =	shalt  }
0x53: {  	_ =	shalt  }
0x54: {  	_ =	shalt  }
0x55: {  	_ =	shalt  }
0x56: {  	_ =	shalt  }
0x57: {  	_ =	shalt  }
0x58: {  	_ =	shalt  }
0x59: {  	_ =	shalt  }
0x5a: {  	_ =	shalt  }
0x5b: {  	_ =	shalt  }
0x5c: {  	_ =	shalt  }
0x5d: {  	_ =	shalt  }
0x5e: {  	_ =	shalt  }
0x5f: {  	_ =	shalt  }
0x60: {  	_ =	shalt  }
0x61: {  	_ =	shalt  }
0x62: {  	_ =	shalt  }
0x63: {  	_ =	shalt  }
0x64: {  	_ =	shalt  }
0x65: {  	_ =	shalt  }
0x66: {  	_ =	shalt  }
0x67: {  	_ =	shalt  }
0x68: {  	_ =	shalt  }
0x69: {  	_ =	shalt  }
0x6a: {  	_ =	shalt  }
0x6b: {  	_ =	shalt  }
0x6c: {  	_ =	shalt  }
0x6d: {  	_ =	shalt  }
0x6e: {  	_ =	shalt  }
0x6f: {  	_ =	shalt  }
0x70: {  	_ =	shalt  }
0x71: {  	_ =	shalt  }
0x72: {  	_ =	shalt  }
0x73: {  	_ =	shalt  }
0x74: {  	_ =	shalt  }
0x75: {  	_ =	shalt  }
0x76: {  	_ =	shalt  }
0x77: {  	_ =	shalt  }
0x78: {  	_ =	shalt  }
0x79: {  	_ =	shalt  }
0x7a: {  	_ =	shalt  }
0x7b: {  	_ =	shalt  }
0x7c: {  	_ =	shalt  }
0x7d: {  	_ =	shalt  }
0x7e: {  	_ =	shalt  }
0x7f: {  	_ =	shalt  }
0x80: {  	_ =	shalt  }
0x81: {  	_ =	shalt  }
0x82: {  	_ =	shalt  }
0x83: {  	_ =	shalt  }
0x84: {  	_ =	shalt  }
0x85: {  	_ =	shalt  }
0x86: {  	_ =	shalt  }
0x87: {  	_ =	shalt  }
.Lfunc_end0:
.L_simem_size_0:
called_computation_lowered:
.L_overlay_start_0:
0x88: {  	s2 =	sld [smem:$0x3FD9]  }
0x89: {  	s3 =	sld [smem:$0x3FFE];
	_ =	sdelay $0x1  }
0x8a: {  	s1 =	srdreg.scid  }
0x8b: {  	s0 =	sand.u32 $0x1, s1  }
0x8c: {  	s17 =	sshll.u32 s0, $0xA;
	s2 =	sadd.s32 s3, s2  }
0x8d: {  	s2 =	sadd.s32 s2, s17  }
0x8e: {  	[smem:$0x3FB7] =	sst s2  }
0x8f: {  	_ = 	snop  }
0x90: {  	(tm) =	ssettm $0x1  }
0x91: {  	s18 =	sld [smem:$0x3FFB];
	_ =	sdelay $0x3  }
0x92: {  	_ =	strace s18  }
0x93: {  	s2 =	sld [smem:$0x3FFC];
	_ =	sdelay $0x3  }
0x94: {  	_ =	strace s2  }
0x95: {  	s2 =	sld [smem:$0x3FFD];
	_ =	sdelay $0x3  }
0x96: {  	_ =	strace s2  }
0x97: {  	_ =	strace $0x8FFFFFFF  }
0x98: {  	s19 =	sld [smem:$0x3FDB];
	_ =	sdelay $0x1  }
0x99: {  	s20 =	simm.s32 $_scs_section_size  }
0x9a: {  	s4 =	simm.s32 $_size__tile_overlayer_lowered;
	s5 =	simm.s32 $_tile_overlayer_lowered  }
0x9b: {  	s6 =	simm.s32 $0x1BFF;
	s21 =	sshll.u32 s5, $0x1;
	s3 =	sadd.s32 s20, s19  }
0x9c: {  	s22 =	simm.s32 $0x0;
	s4 =	sshll.u32 s4, $0x1;
	s5 =	sadd.s32 s21, s3  }
0x9d: {  	[timem:s22], [sflag:s6] =	dma.local [hbm:s5], s4  }
0x9e: {  	_ =	swait.ge [sflag:s6], s4  }
0x9f: {  	s4 =	ssub.s32 $0x0, s4;
	[sflag:s6] =	ssyncset.done $0x0  }
0xa0: {  	[sflag:s6] =	ssyncadd.s32 s4;
	_ =	sdelay $0x1  }
0xa1: {  	s23 =	simm.s32 $0x1B8B  }
0xa2: {  	_ =	swait.ge [sflag:s23], $0x1  }
0xa3: {  	[sflag:s23] =	ssyncset.done $0x0  }
0xa4: {  	[sflag:s23] =	ssyncadd.s32 $0xFFFFFFFF  }
0xa5: {  	s4 =	sld [smem:$0x0]  }
0xa6: {  	s5 =	sand.u32 $0xFFFFFFFE, s1  }
0xa7: {  	p0 =	sne.s32 s1, s5  }
0xa8: {  	s5 =	sshll.u32 @p0 s5, $0xE  }
0xa9: {  	s5 =	sadd.s32 @p0 $0x11B8D, s5;
	s6 =	sshll.u32 @p0 s4, $0x11  }
0xaa: {  	s5 =	sor.u32 @p0 s6, s5  }
0xab: {  	[sflag:s5] =	ssyncadd.remote.s32 @p0 $0x1;
	_ =	sdelay $0x1  }
0xac: {  	s5 =	simm.s32 @p0 $0x1B8D  }
0xad: {  	_ =	swait.eq @p0 [sflag:s5], $0x1  }
0xae: {  	[sflag:s5] =	ssyncadd.s32 @p0 $0xFFFFFFFF  }
0xaf: {  	s6 =	sshll.u32 @!p0 s1, $0xE  }
0xb0: {  	s6 =	sor.u32 @!p0 $0x4000, s6;
	s5 =	simm.s32 @!p0 $0x1B8D  }
0xb1: {  	s4 =	sshll.u32 @!p0 s4, $0x11;
	s6 =	sadd.s32 @!p0 $0x11B8D, s6;
	_ =	swait.eq @!p0 [sflag:s5], $0x1  }
0xb2: {  	s4 =	sor.u32 @!p0 s4, s6;
	[sflag:s5] =	ssyncadd.s32 @!p0 $0xFFFFFFFF  }
0xb3: {  	s25 =	simm.s32 $0x1B8E;
	s24 =	sld [smem:$0x3FFE];
	[sflag:s4] =	ssyncadd.remote.s32 @!p0 $0x1  }
0xb4: {  	s26 =	simm.s32 $execute0_lowered;
	[smem:$0x3FD2] =	sst s25  }
0xb5: {  	s5 =	sshll.u32 s26, $0x1;
	_ =	strace $0x8000004C;
	[dreg:$0x1] =	wrdreg $0xFFFFFFFF  }
0xb6: {  	s28 =	simm.s32 $_size_execute0_lowered;
	s3 =	sadd.s32 s3, s5;
	[dreg:$0x0] =	wrdreg $0x0  }
0xb7: {  	s5 =	sshll.u32 s28, $0x1;
	[dreg:$0x2] =	wrdreg s3  }
0xb8: {  	[dreg:$0x3] =	wrdreg s5  }
0xb9: {  	[dreg:$0x4] =	wrdreg $0xC0  }
0xba: {  	_ =	task [dreg:s22], $0x5FFFF  }
0xbb: {  	[dreg:$0x1] =	wrdreg $0xFFFFFFFF  }
0xbc: {  	[dreg:$0x0] =	wrdreg $0x60  }
0xbd: {  	[dreg:$0x2] =	wrdreg s24  }
0xbe: {  	[dreg:$0x3] =	wrdreg $0x9  }
0xbf: {  	_ =	task.clear_ibuf [dreg:s22], $0x4FFFF;
	_ =	strace $0x9000004C  }
0xc0: {  	s29 =	simm.s32 $0x9;
	_ =	strace $0x8000004E  }
0xc1: {  	_ =	swait.ge [sflag:s29], $0x1  }
0xc2: {  	[sflag:s29] =	ssyncadd.s32 $0xFFFFFFFF  }
0xc3: {  	_ =	strace $0x9000004E  }
0xc4: {  	_ =	sfence  }
0xc5: {  	s30 =	sld [smem:$0x0];
	_ =	sdelay $0x2  }
0xc6: {  	s31 =	sshll.u32 s1, $0xD;
	s1 =	sshrl.u32 s1, $0x2  }
0xc7: {  	s4 =	sand.u32 $0x4000, s31;
	s1 =	sadd.s32 s1, s30  }
0xc8: {  	s0 =	sor.u32 s4, s0;
	s1 =	sshll.u32 s1, $0x11  }
0xc9: {  	s0 =	sor.u32 s1, s0  }
0xca: {  	s0 =	sadd.s32 $0x8F2B, s0  }
0xcb: {  	[sflag:s0] =	ssyncadd.remote.s32 $0x1  }
0xcc: {  	_ =	sfence.sel $0xFFFF  }
0xcd: {  	[dreg:$0x0] =	wrdreg $0xFFFFFFFF;
	(pc) =	sbr.abs _section_cstart, $3  }
0xce: {  	[dreg:$0x1] =	wrdreg $0xFFFFFFFF  }
0xcf: {  	_ =	task.clear_ibuf [dreg:s22], $0x2FFFF;
	_ =	strace $0x9FFFFFFF  }
0xd0: {  	(tm) =	ssettm $0x7FFFFFFF  }
0xd1: {  	_ =	shalt  }
tec
execute0_lowered:
.L_overlay_start_1:
0x0: {  	(tag) =	ssettag $0x1  }
0x1: {  	s1 =	srdreg.scid  }
0x2: {  	s0 =	stileid.u32;
	s5 =	rddreg [dreg:$0x0]  }
0x3: {  	s12 =	simm.s32 $0x200;
	s13 =	simm.s32 $0x2;
	s14 =	simm.s32 $0x1  }
0x4: {  	s15 =	simm.s32 $0x80;
	s16 =	simm.s32 $0x400;
	s17 =	simm.s32 $0x0  }
0x5: {  	s4 =	sand.u32 $0x1, s1;
	s25 =	sshrl.u32 s0, $0x2;
	s26 =	smul.u32 $0x14400, s0  }
0x6: {  	s24 =	sshll.u32 s0, $0x1;
	s1 =	rddreg [dreg:$0x1];
	s3 =	smul.u32 $0x13C00, s25  }
0x7: {  	s2 =	sor.u32 s4, s24;
	s9 =	smul.u32 $0xA200, s4;
	s28 =	ssub.s32 $0x2, s4  }
0x8: {  	s6 =	sshll.u32 s2, $0x7;
	s7 =	smul.u32 $0xA200, s2;
	s2 =	simm.s32 $0x0  }
0x9: {  	s30 =	sshrl.u32 s28, $0x1;
	s6 =	sand.u32 $0x380, s6;
	[smem:$0x7FF] =	sst s2  }
0xa: {  	s9 =	sadd.s32 s9, s26;
	s10 =	ssub.s32 s28, s30;
	s3 =	sor.u32 s3, s6  }
0xb: {  	_ =	strace $0x8000004D;
	s29 =	sshrl.u32 s7, $0x3;
	s31 =	sadd.s32 $0x300, s9  }
0xc: {  	s7 =	smax.u32 s10, $0x1;
	s8 =	sshrl.u32 s3, $0x3;
	s3 =	sadd.s32 $0x2C000, s5  }
0xd: {  	s9 =	sadd.s32 $0x200, s9;
	s10 =	simm.s32 $0x3;
	s4 =	sadd.s32 s3, s29  }
0xe: {  	s11 =	sshrl.u32 s31, $0x3;
	s8 =	sadd.s32 s8, s5;
	s5 =	sadd.s32 $0x20, s4  }
0xf: {  	v0 =	vimm.f32 $0.0e+00;
	v1 =	vimm.f32 $1.000000000e+00;
	s6 =	sadd.s32 $0xA3800, s8;
	s8 =	sadd.s32 s11, s3;
	s11 =	simm.s32 $0x100  }
.LBB2_1:
0x10: {  	s18 =	simm.s32 $0x40;
	s19 =	simm.s32 $0x0  }
.LBB2_2:
0x11: {  	p0 =	sne.s32 s18, $0x9DC0;
	[tilespmem:s19+$0x200] =	vst v0;
	s19 =	smov.u32 s18;
	s18 =	sadd.s32 $0x40, s18  }
.Ltmp0:
0x12: {  	(pc) =	sbr.rel @p0 .LBB2_2-.Ltmp0, $2  }
0x13: {  	_ =	sdelay $0x2  }
0x14: {  	s19 =	sshra.s32 s19, $0x2  }
0x15: {  	[tilespmem:s19+$0x200] =	vst v0;
	s18 =	simm.s32 $0x0  }
0x16: {  	[tilespmem:s18], [sflag:$0x3] =	stream.linear.gather [hbm4b:s4+s18], $0x100, $0x38;
	[tilespmem:$0x2980] =	vst v63  }
0x17: {  	_ =	swait.ge [sflag:s10], $0x100  }
0x18: {  	[sflag:s10] =	ssyncset.done $0x0  }
0x19: {  	s19 =	smov.u32 s9;
	[sflag:s10] =	ssyncadd.s32 $0xFFFFFF00  }
0x1a: {  	[tilespmem:s11], [sflag:$0x2] =	stream.linear.gather [hbm4b:s5+s18], $0x100, $0x38;
	[tilespmem:$0x2980] =	vst v63  }
.LBB2_4:
0x1b: {  	v2 =	vld [tilespmem:$0x80];
	_ =	sdelay $0x7  }
0x1c: {  	[tilespmem:v2+s12+$0x0] =	vst.idx.add.f32.msk $0xffff, v1  }
0x1d: {  	v2 =	vld [tilespmem:$0x90];
	_ =	sdelay $0x7  }
0x1e: {  	[tilespmem:v2+s12+$0x0] =	vst.idx.add.f32.msk $0xffff, v1  }
0x1f: {  	v2 =	vld [tilespmem:$0xA0];
	_ =	sdelay $0x7  }
0x20: {  	[tilespmem:v2+s12+$0x0] =	vst.idx.add.f32.msk $0xffff, v1  }
0x21: {  	v2 =	vld [tilespmem:$0xB0];
	_ =	sdelay $0x6  }
0x22: {  	s20 =	sshrl.u32 s19, $0x3  }
0x23: {  	s20 =	sadd.s32 s3, s20;
	[tilespmem:v2+s12+$0x0] =	vst.idx.add.f32.msk $0xffff, v1  }
0x24: {  	[tilespmem:s2], [sflag:$0x1] =	stream.linear.gather [hbm4b:s20+s2], $0x100, $0x38;
	[tilespmem:$0x2980] =	vst v63  }
0x25: {  	_ =	swait.ge [sflag:s13], $0x100  }
0x26: {  	[sflag:s13] =	ssyncset.done $0x0  }
0x27: {  	[sflag:s13] =	ssyncadd.s32 $0xFFFFFF00  }
0x28: {  	v2 =	vld [tilespmem:$0x180];
	_ =	sdelay $0x7  }
0x29: {  	[tilespmem:v2+s12+$0x0] =	vst.idx.add.f32.msk $0xffff, v1  }
0x2a: {  	v2 =	vld [tilespmem:$0x190];
	_ =	sdelay $0x7  }
0x2b: {  	[tilespmem:v2+s12+$0x0] =	vst.idx.add.f32.msk $0xffff, v1  }
0x2c: {  	v2 =	vld [tilespmem:$0x1A0];
	_ =	sdelay $0x7  }
0x2d: {  	[tilespmem:v2+s12+$0x0] =	vst.idx.add.f32.msk $0xffff, v1  }
0x2e: {  	v2 =	vld [tilespmem:$0x1B0];
	_ =	sdelay $0x6  }
0x2f: {  	p0 =	sne.s32 s18, $0x13C0  }
.Ltmp1:
0x30: {  	s31 =	sadd.s32 s18, s8;
	[tilespmem:v2+s12+$0x0] =	vst.idx.add.f32.msk $0xffff, v1;
	(pc) =	sbr.rel @p0 .LBB2_4-.Ltmp1, $4  }
0x31: {  	[tilespmem:s11], [sflag:$0x2] =	stream.linear.gather [hbm4b:s31+s2], $0x100, $0x38;
	[tilespmem:$0x2980] =	vst v63  }
0x32: {  	_ =	swait.ge [sflag:s14], $0x100  }
0x33: {  	[sflag:s14] =	ssyncset.done $0x0  }
0x34: {  	s19 =	sadd.s32 $0x200, s19;
	s18 =	sadd.s32 $0x40, s18;
	[sflag:s14] =	ssyncadd.s32 $0xFFFFFF00  }
0x35: {  	_ =	swait.ge [sflag:s13], $0x100;
	s17 =	sadd.s32 $0x1, s17  }
0x36: {  	[sflag:s13] =	ssyncset.done $0x0;
	p0 =	sne.s32 s17, s7  }
.Ltmp2:
0x37: {  	[sflag:s13] =	ssyncadd.s32 $0xFFFFFF00;
	(pc) =	sbr.rel @p0 .LBB2_1-.Ltmp2, $4  }
0x38: {  	[hbm4b:s6+s15] =	stream.strided.scatter [tilespmem:s12], [sflag:$0x3], $0x2780, s16, s15, $0x38;
	[tilespmem:$0x2980] =	vst v63  }
0x39: {  	_ =	swait.ge [sflag:s10], $0x2780  }
0x3a: {  	[sflag:s10] =	ssyncset.done $0x0  }
0x3b: {  	[sflag:s10] =	ssyncadd.s32 $0xFFFFD880  }
0x3c: {  	_ =	sfence.sel $0x180000  }
0x3d: {  	[bflag:$0x0] =	sbarrier.arrive $0xFFFF  }
0x3e: {  	p0 =	sne.s32 s0, $0x0;
	_ =	strace $0x9000004D  }
0x3f: {  	s0 =	sadd.s32 @!p0 $0x100000, s1;
	[bflag:$0x2] =	sbarrier.arrive $0xFFFF  }
0x40: {  	[sflag:s0] =	ssyncadd.tile.s32 @!p0 $0x1;
	_ =	shalt  }
.Lfunc_end2:
_tile_overlayer_lowered:
.L_overlay_start_2:
0x41: {  	(tag) =	ssettag $0x2  }
0x42: {  	s0 =	rddreg [dreg:$0x0];
	s2 =	stileid.u32  }
0x43: {  	s1 =	rddreg [dreg:$0x1];
	p0 =	sne.s32 s2, $0x0  }
0x44: {  	s3 =	rddreg [dreg:$0x2];
	[bflag:$0x3] =	sbarrier.arrive $0xFFFF;
	s2 =	simm.s32 @!p0 $0x1C03  }
0x45: {  	[timem:s3], [sflag:s2] =	dma.local @!p0 [hbm:s0], s1  }
0x46: {  	s0 =	simm.s32 @!p0 $0x3  }
0x47: {  	_ =	swait.ge @!p0 [sflag:s0], s1  }
0x48: {  	s1 =	ssub.s32 @!p0 $0x0, s1;
	[sflag:s0] =	ssyncset.done @!p0 $0x0  }
0x49: {  	[sflag:s0] =	ssyncadd.s32 @!p0 s1  }
0x4a: {  	[bflag:$0x3] =	sbarrier.arrive $0xFFFF  }
0x4b: {  	_ =	shalt  }

// kernel: kernel.15.cloned.1.call-start
scs
__scs_entry_jumppad:
0x0: {  	(pc) =	sbr.rel $0x88, $3  }
0x1: {  	(tag) =	ssettag $0x0;
	lr =	simm.s32 $0x1  }
0x2: {  	[smem:$0x3F90] =	sst lr;
	_ =	strace $0xD0000000  }
0x3: {  	_ = 	snop  }
0x4: {  	_ = 	snop  }
0x5: {  	_ = 	snop  }
0x6: {  	_ = 	snop  }
0x7: {  	_ = 	snop  }
__scs_overlays_trampoline_lowered:
0x8: {  	[smem:$0x3F9F] =	sst s0  }
0x9: {  	[smem:$0x3FA0] =	sst s1  }
0xa: {  	[smem:$0x3FA1] =	sst s2  }
0xb: {  	[smem:$0x3FA2] =	sst s3  }
0xc: {  	[smem:$0x3FA3] =	sst s4  }
0xd: {  	[smem:$0x3FA4] =	sst s5  }
0xe: {  	[smem:$0x3FA5] =	sst s6  }
0xf: {  	[smem:$0x3FA6] =	sst s7  }
0x10: {  	[smem:$0x3FA7] =	sst s8  }
0x11: {  	[smem:$0x3FA8] =	sst s9;
	s0 =	simm.s32 @!p0 $0x0  }
0x12: {  	s1 =	sld [smem:$0x3F8E];
	s0 =	simm.s32 @p0 $0x1  }
0x13: {  	[smem:$0x3FA9] =	sst s0;
	s0 =	simm.s32 @!p1 $0x0  }
0x14: {  	s2 =	sld [smem:$0x3F8D];
	s0 =	simm.s32 @p1 $0x1  }
0x15: {  	[smem:$0x3FAA] =	sst s0;
	s0 =	simm.s32 @!p2 $0x0  }
0x16: {  	s3 =	sld [smem:$0x3FDB];
	s0 =	simm.s32 @p2 $0x1  }
0x17: {  	s4 =	simm.s32 $0x1BF5;
	[smem:$0x3FAC] =	sst s0  }
0x18: {  	s0 =	sld [smem:$0x3F8F];
	_ =	swait.ge [sflag:s4], $0x0  }
0x19: {  	s7 =	sld [smem:$0x3F90]  }
0x1a: {  	s8 =	sadd.s32 $0xFFFFE003, lr  }
0x1b: {  	s9 =	sadd.s32 $0xFFFFFEF7, lr;
	s5 =	simm.s32 $0xFFFFFFFF;
	p2 =	slt.u32 s8, $0xFFFFF086  }
0x1c: {  	p1 =	slt.u32 s9, $0xF7A;
	s5 =	simm.s32 @!p2 $0x0  }
0x1d: {  	s5 =	simm.s32 @p1 $0x1;
	p0 =	seq.s32 s7, s2  }
0x1e: {  	s7 =	smul.u32 @!p0 $0xF7A, s2;
	p2 =	seq.s32 @!p0 s5, $0x0  }
0x1f: {  	s9 =	smul.u32 $0xF7A, s1;
	s8 =	simm.s32 @!p0 $0x1BF5;
	p2 =	por !p2, p0  }
0x20: {  	[sflag:s8] =	ssyncset.s32 @!p0 $0xFFFFF086;
	s6 =	sadd.s32 @!p0 s3, s7;
	s7 =	simm.s32 @!p0 $0x108  }
0x21: {  	s3 =	sadd.s32 s3, s9;
	s6 =	sadd.s32 @!p0 $0x88, s6;
	s7 =	simm.s32 @p2 $0x1082  }
0x22: {  	[simem:s7], [sflag:s8] =	dma.local @!p0 [hbm:s6], $0xF7A  }
0x23: {  	s9 =	sor.u32 $0xD0000000, s2;
	s6 =	simm.s32 $0x108;
	_ =	swait.ge @!p0 [sflag:s8], $0x0  }
0x24: {  	s3 =	sadd.s32 $0x88, s3;
	s6 =	simm.s32 @!p1 $0x1082;
	[sflag:s4] =	ssyncset.s32 $0xFFFFF086  }
0x25: {  	[simem:s6], [sflag:s4] =	dma.local [hbm:s3], $0xF7A  }
0x26: {  	[smem:$0x3F90] =	sst s1;
	(tag) =	ssettag s2;
	_ =	strace s9  }
0x27: {  	s1 =	sld [smem:$0x3FA0]  }
0x28: {  	s2 =	sld [smem:$0x3FA1]  }
0x29: {  	s4 =	sld [smem:$0x3FA3]  }
0x2a: {  	p0 =	seq.s32 s5, $0x0;
	s5 =	sld [smem:$0x3FA4]  }
0x2b: {  	s6 =	sld [smem:$0x3FA5]  }
0x2c: {  	s7 =	sld [smem:$0x3FA6]  }
0x2d: {  	s3 =	simm.s32 $0x108;
	s8 =	sld [smem:$0x3FA7]  }
0x2e: {  	s3 =	simm.s32 @!p0 $0x1082;
	s9 =	sld [smem:$0x3FA8]  }
0x2f: {  	lr =	sadd.s32 s0, s3;
	s0 =	sld [smem:$0x3F9F]  }
0x30: {  	s3 =	sld [smem:$0x3FA2]  }
0x31: {  	[smem:$0x3FAB] =	sst s10  }
0x32: {  	s10 =	sld [smem:$0x3FA9];
	_ =	sdelay $0x3  }
0x33: {  	p0 =	seq.s32 s10, $0x1;
	s10 =	sld [smem:$0x3FAB];
	_ =	sdelay $0x3  }
0x34: {  	[smem:$0x3FAB] =	sst s10  }
0x35: {  	s10 =	sld [smem:$0x3FAA];
	_ =	sdelay $0x3  }
0x36: {  	p1 =	seq.s32 s10, $0x1;
	s10 =	sld [smem:$0x3FAB];
	_ =	sdelay $0x3  }
0x37: {  	[smem:$0x3FAB] =	sst s10  }
0x38: {  	s10 =	sld [smem:$0x3FAC]  }
0x39: {  	_ = 	snop;
	(pc) =	sbr.ind lr, $3  }
0x3a: {  	_ = 	snop  }
0x3b: {  	_ = 	snop  }
0x3c: {  	p2 =	seq.s32 s10, $0x1;
	s10 =	sld [smem:$0x3FAB]  }
0x3d: {  	_ =	shalt  }
0x3e: {  	_ =	shalt  }
0x3f: {  	_ =	shalt  }
0x40: {  	_ =	shalt  }
0x41: {  	_ =	shalt  }
0x42: {  	_ =	shalt  }
0x43: {  	_ =	shalt  }
0x44: {  	_ =	shalt  }
0x45: {  	_ =	shalt  }
0x46: {  	_ =	shalt  }
0x47: {  	_ =	shalt  }
0x48: {  	_ =	shalt  }
0x49: {  	_ =	shalt  }
0x4a: {  	_ =	shalt  }
0x4b: {  	_ =	shalt  }
0x4c: {  	_ =	shalt  }
0x4d: {  	_ =	shalt  }
0x4e: {  	_ =	shalt  }
0x4f: {  	_ =	shalt  }
0x50: {  	_ =	shalt  }
0x51: {  	_ =	shalt  }
0x52: {  	_ =	shalt  }
0x53: {  	_ =	shalt  }
0x54: {  	_ =	shalt  }
0x55: {  	_ =	shalt  }
0x56: {  	_ =	shalt  }
0x57: {  	_ =	shalt  }
0x58: {  	_ =	shalt  }
0x59: {  	_ =	shalt  }
0x5a: {  	_ =	shalt  }
0x5b: {  	_ =	shalt  }
0x5c: {  	_ =	shalt  }
0x5d: {  	_ =	shalt  }
0x5e: {  	_ =	shalt  }
0x5f: {  	_ =	shalt  }
0x60: {  	_ =	shalt  }
0x61: {  	_ =	shalt  }
0x62: {  	_ =	shalt  }
0x63: {  	_ =	shalt  }
0x64: {  	_ =	shalt  }
0x65: {  	_ =	shalt  }
0x66: {  	_ =	shalt  }
0x67: {  	_ =	shalt  }
0x68: {  	_ =	shalt  }
0x69: {  	_ =	shalt  }
0x6a: {  	_ =	shalt  }
0x6b: {  	_ =	shalt  }
0x6c: {  	_ =	shalt  }
0x6d: {  	_ =	shalt  }
0x6e: {  	_ =	shalt  }
0x6f: {  	_ =	shalt  }
0x70: {  	_ =	shalt  }
0x71: {  	_ =	shalt  }
0x72: {  	_ =	shalt  }
0x73: {  	_ =	shalt  }
0x74: {  	_ =	shalt  }
0x75: {  	_ =	shalt  }
0x76: {  	_ =	shalt  }
0x77: {  	_ =	shalt  }
0x78: {  	_ =	shalt  }
0x79: {  	_ =	shalt  }
0x7a: {  	_ =	shalt  }
0x7b: {  	_ =	shalt  }
0x7c: {  	_ =	shalt  }
0x7d: {  	_ =	shalt  }
0x7e: {  	_ =	shalt  }
0x7f: {  	_ =	shalt  }
0x80: {  	_ =	shalt  }
0x81: {  	_ =	shalt  }
0x82: {  	_ =	shalt  }
0x83: {  	_ =	shalt  }
0x84: {  	_ =	shalt  }
0x85: {  	_ =	shalt  }
0x86: {  	_ =	shalt  }
0x87: {  	_ =	shalt  }
.Lfunc_end0:
.L_simem_size_0:
called_computation.1_lowered:
.L_overlay_start_0:
0x88: {  	s2 =	sld [smem:$0x3FD9]  }
0x89: {  	s3 =	sld [smem:$0x3FFE];
	_ =	sdelay $0x1  }
0x8a: {  	s1 =	srdreg.scid  }
0x8b: {  	s0 =	sand.u32 $0x1, s1  }
0x8c: {  	s16 =	sshll.u32 s0, $0xA;
	s2 =	sadd.s32 s3, s2  }
0x8d: {  	s2 =	sadd.s32 s2, s16  }
0x8e: {  	[smem:$0x3FB7] =	sst s2  }
0x8f: {  	_ = 	snop  }
0x90: {  	(tm) =	ssettm $0x1  }
0x91: {  	s17 =	sld [smem:$0x3FFB];
	_ =	sdelay $0x3  }
0x92: {  	_ =	strace s17  }
0x93: {  	s2 =	sld [smem:$0x3FFC];
	_ =	sdelay $0x3  }
0x94: {  	_ =	strace s2  }
0x95: {  	s2 =	sld [smem:$0x3FFD];
	_ =	sdelay $0x3  }
0x96: {  	_ =	strace s2  }
0x97: {  	_ =	strace $0x8FFFFFFF  }
0x98: {  	s18 =	sld [smem:$0x3FDB];
	_ =	sdelay $0x1  }
0x99: {  	s19 =	simm.s32 $_scs_section_size  }
0x9a: {  	s4 =	simm.s32 $_size__tile_overlayer_lowered;
	s5 =	simm.s32 $_tile_overlayer_lowered  }
0x9b: {  	s22 =	simm.s32 $0x1BFF;
	s21 =	sshll.u32 s5, $0x1;
	s2 =	sadd.s32 s19, s18  }
0x9c: {  	s6 =	simm.s32 $0x0;
	s20 =	sshll.u32 s4, $0x1;
	s4 =	sadd.s32 s21, s2  }
0x9d: {  	[timem:s6], [sflag:s22] =	dma.local [hbm:s4], s20  }
0x9e: {  	_ =	swait.ge [sflag:s22], s20  }
0x9f: {  	s3 =	ssub.s32 $0x0, s20;
	[sflag:s22] =	ssyncset.done $0x0  }
0xa0: {  	[sflag:s22] =	ssyncadd.s32 s3;
	_ =	sdelay $0x1  }
0xa1: {  	s23 =	simm.s32 $0x1B8B  }
0xa2: {  	_ =	swait.ge [sflag:s23], $0x1  }
0xa3: {  	[sflag:s23] =	ssyncset.done $0x0  }
0xa4: {  	s25 =	simm.s32 $0x1B8E;
	s24 =	sld [smem:$0x3FFE];
	[sflag:s23] =	ssyncadd.s32 $0xFFFFFFFF  }
0xa5: {  	s26 =	simm.s32 $execute0_lowered;
	[smem:$0x3FD2] =	sst s25  }
0xa6: {  	s4 =	sshll.u32 s26, $0x1;
	_ =	strace $0x80000046;
	[dreg:$0x1] =	wrdreg $0xFFFFFFFF  }
0xa7: {  	s28 =	simm.s32 $_size_execute0_lowered;
	s2 =	sadd.s32 s2, s4;
	[dreg:$0x0] =	wrdreg $0x0  }
0xa8: {  	s4 =	sshll.u32 s28, $0x1;
	[dreg:$0x2] =	wrdreg s2  }
0xa9: {  	[dreg:$0x3] =	wrdreg s4  }
0xaa: {  	[dreg:$0x4] =	wrdreg $0xC0  }
0xab: {  	_ =	task [dreg:s6], $0x5FFFF  }
0xac: {  	[dreg:$0x1] =	wrdreg $0xFFFFFFFF  }
0xad: {  	[dreg:$0x0] =	wrdreg $0x60  }
0xae: {  	[dreg:$0x2] =	wrdreg s24  }
0xaf: {  	[dreg:$0x3] =	wrdreg $0x42000  }
0xb0: {  	[dreg:$0x4] =	wrdreg $0x9  }
0xb1: {  	_ =	task.clear_ibuf [dreg:s6], $0x5FFFF;
	_ =	strace $0x90000046  }
0xb2: {  	s29 =	simm.s32 $0x9;
	_ =	strace $0x80000048  }
0xb3: {  	_ =	swait.ge [sflag:s29], $0x1  }
0xb4: {  	[sflag:s29] =	ssyncadd.s32 $0xFFFFFFFF  }
0xb5: {  	_ =	strace $0x90000048  }
0xb6: {  	_ =	sfence  }
0xb7: {  	s30 =	sld [smem:$0x0];
	_ =	sdelay $0x2  }
0xb8: {  	s31 =	sshll.u32 s1, $0xD;
	s1 =	sshrl.u32 s1, $0x2  }
0xb9: {  	s3 =	sand.u32 $0x4000, s31;
	s1 =	sadd.s32 s1, s30  }
0xba: {  	s0 =	sor.u32 s3, s0;
	s1 =	sshll.u32 s1, $0x11  }
0xbb: {  	s0 =	sor.u32 s1, s0  }
0xbc: {  	s0 =	sadd.s32 $0x8F2B, s0  }
0xbd: {  	[sflag:s0] =	ssyncadd.remote.s32 $0x1  }
0xbe: {  	_ =	sfence.sel $0xFFFF  }
0xbf: {  	[dreg:$0x0] =	wrdreg $0xFFFFFFFF;
	(pc) =	sbr.abs _section_cstart, $3  }
0xc0: {  	[dreg:$0x1] =	wrdreg $0xFFFFFFFF  }
0xc1: {  	_ =	task.clear_ibuf [dreg:s6], $0x2FFFF;
	_ =	strace $0x9FFFFFFF  }
0xc2: {  	(tm) =	ssettm $0x7FFFFFFF  }
0xc3: {  	_ =	shalt  }
tec
execute0_lowered:
.L_overlay_start_1:
0x0: {  	(tag) =	ssettag $0x1  }
0x1: {  	s0 =	rddreg [dreg:$0x0];
	s1 =	srdreg.scid  }
0x2: {  	s2 =	rddreg [dreg:$0x1];
	s10 =	stileid.u32;
	s3 =	simm.s32 $0x0  }
0x3: {  	s28 =	simm.s32 $0x4;
	s29 =	simm.s32 $0x2200;
	s6 =	smul.u32 $0x13C00, s10  }
0x4: {  	s30 =	simm.s32 $0x80;
	s31 =	simm.s32 $0x2;
	s7 =	smul.u32 $0x4F000, s10  }
0x5: {  	s1 =	sand.u32 $0x1, s1;
	[smem:$0x7FF] =	sst s3;
	s21 =	smul.u32 $0x14400, s10  }
0x6: {  	s4 =	sadd.s32 $0x4E00, s0;
	s8 =	sshll.u32 s10, $0x1;
	s5 =	smul.u32 $0x13C000, s1  }
0x7: {  	_ =	strace $0x80000047;
	s17 =	ssub.s32 $0x2, s1;
	s8 =	sor.u32 s1, s8  }
0x8: {  	s1 =	smul.u32 $0xA200, s1;
	s9 =	sshrl.u32 s17, $0x1;
	s7 =	sshrl.u32 s7, $0x2  }
0x9: {  	s18 =	smul.u32 $0xA200, s8;
	s6 =	sadd.s32 s6, s5;
	s5 =	sadd.s32 $0x2C000, s0  }
0xa: {  	s9 =	ssub.s32 s17, s9;
	s1 =	sadd.s32 s1, s21;
	s6 =	sshrl.u32 s6, $0x3  }
0xb: {  	s25 =	sadd.s32 $0x300, s1;
	s21 =	sadd.s32 $0x200, s1;
	s1 =	simm.s32 $0x180  }
0xc: {  	s0 =	sadd.s32 s6, s0;
	s6 =	sadd.s32 s7, s2;
	s7 =	sshrl.u32 s18, $0x3  }
0xd: {  	s26 =	sshrl.u32 s25, $0x3;
	s25 =	simm.s32 $0x40;
	s19 =	sadd.s32 $0x2000, s6  }
0xe: {  	s20 =	sadd.s32 $0x4000, s6;
	s22 =	sadd.s32 $0x6000, s6;
	s23 =	sadd.s32 $0x8000, s6  }
0xf: {  	s24 =	sadd.s32 $0xA000, s6;
	s12 =	sadd.s32 $0xC000, s6;
	[dreg:$0x3] =	wrdreg s19  }
0x10: {  	s13 =	sadd.s32 $0xE000, s6;
	s14 =	sadd.s32 $0x10000, s6;
	[dreg:$0x4] =	wrdreg s20  }
0x11: {  	s15 =	sadd.s32 $0x12000, s6;
	s16 =	sadd.s32 s5, s7;
	[dreg:$0x5] =	wrdreg s22  }
0x12: {  	s18 =	sadd.s32 $0x54800, s0;
	s0 =	simm.s32 $0x3;
	[dreg:$0x6] =	wrdreg s23  }
0x13: {  	s7 =	simm.s32 $0x0;
	[dreg:$0x7] =	wrdreg s24;
	s17 =	sadd.s32 $0x20, s16  }
0x14: {  	s19 =	smax.u32 s9, $0x1;
	s20 =	sadd.s32 s26, s5;
	s22 =	simm.s32 $0x200  }
0x15: {  	v0 =	vimm.f32 $0.0e+00;
	s23 =	simm.s32 $0x5;
	s24 =	simm.s32 $0x100;
	s26 =	simm.s32 $0x1  }
.LBB2_1:
0x16: {  	s8 =	simm.s32 $0x0;
	s9 =	simm.s32 $0x200  }
.LBB2_2:
0x17: {  	p0 =	sne.s32 s9, $0x7E00;
	[tilespmem:s8+$0x270] =	vst v0  }
0x18: {  	[tilespmem:s8+$0x200] =	vst v0  }
0x19: {  	[tilespmem:s8+$0x210] =	vst v0  }
.Ltmp0:
0x1a: {  	[tilespmem:s8+$0x220] =	vst v0;
	(pc) =	sbr.rel @p0 .LBB2_2-.Ltmp0, $4  }
0x1b: {  	[tilespmem:s8+$0x230] =	vst v0  }
0x1c: {  	[tilespmem:s8+$0x240] =	vst v0  }
0x1d: {  	[tilespmem:s8+$0x250] =	vst v0  }
0x1e: {  	[tilespmem:s8+$0x260] =	vst v0;
	s8 =	sshra.s32 s9, $0x2;
	s9 =	sadd.s32 $0x200, s9  }
0x1f: {  	[tilespmem:s8+$0x270] =	vst v0  }
0x20: {  	[tilespmem:s8+$0x200] =	vst v0  }
0x21: {  	[tilespmem:s8+$0x210] =	vst v0  }
0x22: {  	[tilespmem:s8+$0x220] =	vst v0  }
0x23: {  	[tilespmem:s8+$0x230] =	vst v0  }
0x24: {  	[tilespmem:s8+$0x240] =	vst v0  }
0x25: {  	[tilespmem:s8+$0x250] =	vst v0  }
0x26: {  	[tilespmem:s8+$0x260] =	vst v0  }
0x27: {  	[spmem:s6] =	stream.linear.scatter [tilespmem:s22], [sflag:$0x5], $0x2000, $0x38;
	[tilespmem:$0x17E00] =	vst v63  }
0x28: {  	_ =	swait.ge [sflag:s23], $0x2000  }
0x29: {  	[sflag:s23] =	ssyncset.done $0x0  }
0x2a: {  	s11 =	rddreg [dreg:$0x3];
	[sflag:s23] =	ssyncadd.s32 $0xFFFFE000  }
0x2b: {  	[spmem:s11] =	stream.linear.scatter [tilespmem:s22], [sflag:$0x5], $0x2000, $0x38;
	[tilespmem:$0x17E00] =	vst v63  }
0x2c: {  	_ =	swait.ge [sflag:s23], $0x2000  }
0x2d: {  	[sflag:s23] =	ssyncset.done $0x0  }
0x2e: {  	s9 =	rddreg [dreg:$0x4];
	[sflag:s23] =	ssyncadd.s32 $0xFFFFE000  }
0x2f: {  	[spmem:s9] =	stream.linear.scatter [tilespmem:s22], [sflag:$0x5], $0x2000, $0x38;
	[tilespmem:$0x17E00] =	vst v63  }
0x30: {  	_ =	swait.ge [sflag:s23], $0x2000  }
0x31: {  	[sflag:s23] =	ssyncset.done $0x0  }
0x32: {  	s10 =	rddreg [dreg:$0x5];
	[sflag:s23] =	ssyncadd.s32 $0xFFFFE000  }
0x33: {  	[spmem:s10] =	stream.linear.scatter [tilespmem:s22], [sflag:$0x5], $0x2000, $0x38;
	[tilespmem:$0x17E00] =	vst v63  }
0x34: {  	_ =	swait.ge [sflag:s23], $0x2000  }
0x35: {  	[sflag:s23] =	ssyncset.done $0x0  }
0x36: {  	s11 =	rddreg [dreg:$0x6];
	[sflag:s23] =	ssyncadd.s32 $0xFFFFE000  }
0x37: {  	[spmem:s11] =	stream.linear.scatter [tilespmem:s22], [sflag:$0x5], $0x2000, $0x38;
	[tilespmem:$0x17E00] =	vst v63  }
0x38: {  	_ =	swait.ge [sflag:s23], $0x2000  }
0x39: {  	[sflag:s23] =	ssyncset.done $0x0  }
0x3a: {  	s9 =	rddreg [dreg:$0x7];
	[sflag:s23] =	ssyncadd.s32 $0xFFFFE000  }
0x3b: {  	[spmem:s9] =	stream.linear.scatter [tilespmem:s22], [sflag:$0x5], $0x2000, $0x38;
	[tilespmem:$0x17E00] =	vst v63  }
0x3c: {  	_ =	swait.ge [sflag:s23], $0x2000  }
0x3d: {  	[sflag:s23] =	ssyncset.done $0x0  }
0x3e: {  	[sflag:s23] =	ssyncadd.s32 $0xFFFFE000  }
0x3f: {  	[spmem:s12] =	stream.linear.scatter [tilespmem:s22], [sflag:$0x5], $0x2000, $0x38;
	[tilespmem:$0x17E00] =	vst v63  }
0x40: {  	_ =	swait.ge [sflag:s23], $0x2000  }
0x41: {  	[sflag:s23] =	ssyncset.done $0x0  }
0x42: {  	[sflag:s23] =	ssyncadd.s32 $0xFFFFE000  }
0x43: {  	[spmem:s13] =	stream.linear.scatter [tilespmem:s22], [sflag:$0x5], $0x2000, $0x38;
	[tilespmem:$0x17E00] =	vst v63  }
0x44: {  	_ =	swait.ge [sflag:s23], $0x2000  }
0x45: {  	[sflag:s23] =	ssyncset.done $0x0  }
0x46: {  	[sflag:s23] =	ssyncadd.s32 $0xFFFFE000  }
0x47: {  	[spmem:s14] =	stream.linear.scatter [tilespmem:s22], [sflag:$0x5], $0x2000, $0x38;
	[tilespmem:$0x17E00] =	vst v63  }
0x48: {  	_ =	swait.ge [sflag:s23], $0x2000  }
0x49: {  	[sflag:s23] =	ssyncset.done $0x0  }
0x4a: {  	[sflag:s23] =	ssyncadd.s32 $0xFFFFE000  }
0x4b: {  	[spmem:s15] =	stream.linear.scatter [tilespmem:s22], [sflag:$0x5], $0x1C00, $0x38;
	[tilespmem:$0x17E00] =	vst v63  }
0x4c: {  	_ =	swait.ge [sflag:s23], $0x1C00  }
0x4d: {  	[sflag:s23] =	ssyncset.done $0x0  }
0x4e: {  	[sflag:s23] =	ssyncadd.s32 $0xFFFFE400  }
0x4f: {  	s10 =	simm.s32 $0x0;
	[bflag:$0x0] =	sbarrier.arrive $0xFFFF  }
0x50: {  	[tilespmem:s10], [sflag:$0x5] =	stream.linear.gather [hbm4b:s16+s10], $0x100, $0x38;
	[tilespmem:$0x17E00] =	vst v63  }
0x51: {  	_ =	swait.ge [sflag:s23], $0x100  }
0x52: {  	[sflag:s23] =	ssyncset.done $0x0  }
0x53: {  	[sflag:s23] =	ssyncadd.s32 $0xFFFFFF00  }
0x54: {  	[tilespmem:s24], [sflag:$0x4] =	stream.linear.gather [hbm4b:s17+s10], $0x100, $0x38;
	[tilespmem:$0x17E00] =	vst v63  }
0x55: {  	_ = 	snop  }
0x56: {  	[tilespmem:s22], [sflag:$0x1] =	stream.indirect.gather [hbm4b:s4+s25], $0x80, s10, s25, $0xb8;
	[tilespmem:$0x17E00] =	vst v63  }
0x57: {  	_ =	swait.ge [sflag:s26], $0x2000  }
0x58: {  	[sflag:s26] =	ssyncset.done $0x0  }
0x59: {  	[sflag:s26] =	ssyncadd.s32 $0xFFFFE000  }
0x5a: {  	_ =	swait.ge [sflag:s28], $0x100  }
0x5b: {  	[sflag:s28] =	ssyncset.done $0x0  }
0x5c: {  	[sflag:s28] =	ssyncadd.s32 $0xFFFFFF00  }
0x5d: {  	[tilespmem:s29], [sflag:$0x2] =	stream.indirect.gather [hbm4b:s4+s25], $0x80, s24, s25, $0xb8;
	[tilespmem:$0x17E00] =	vst v63  }
0x5e: {  	_ = 	snop  }
0x5f: {  	[spmem:s2] =	stream.indirect.scatter.add.f32 [tilespmem:s22], [sflag:$0x5], $0x80, s30, s25, $0xb8;
	[tilespmem:$0x17E00] =	vst v63  }
0x60: {  	_ =	swait.ge [sflag:s23], $0x2000  }
0x61: {  	s11 =	sshrl.u32 s21, $0x3;
	[sflag:s23] =	ssyncset.done $0x0  }
0x62: {  	s8 =	sadd.s32 s5, s11;
	[sflag:s23] =	ssyncadd.s32 $0xFFFFE000  }
0x63: {  	[tilespmem:s3], [sflag:$0x3] =	stream.linear.gather [hbm4b:s8+s3], $0x100, $0x38;
	[tilespmem:$0x17E00] =	vst v63  }
0x64: {  	_ =	swait.ge [sflag:s31], $0x2000  }
0x65: {  	[sflag:s31] =	ssyncset.done $0x0  }
0x66: {  	[sflag:s31] =	ssyncadd.s32 $0xFFFFE000  }
0x67: {  	_ =	swait.ge [sflag:s0], $0x100  }
0x68: {  	[sflag:s0] =	ssyncset.done $0x0  }
0x69: {  	[sflag:s0] =	ssyncadd.s32 $0xFFFFFF00  }
0x6a: {  	[tilespmem:s22], [sflag:$0x1] =	stream.indirect.gather [hbm4b:s4+s25], $0x80, s3, s25, $0xb8;
	[tilespmem:$0x17E00] =	vst v63  }
0x6b: {  	_ = 	snop  }
0x6c: {  	[spmem:s2] =	stream.indirect.scatter.add.f32 [tilespmem:s29], [sflag:$0x5], $0x80, s1, s25, $0xb8;
	[tilespmem:$0x17E00] =	vst v63  }
0x6d: {  	_ =	swait.ge [sflag:s23], $0x2000  }
0x6e: {  	s9 =	sadd.s32 $0x200, s21;
	[sflag:s23] =	ssyncset.done $0x0  }
0x6f: {  	s10 =	sadd.s32 $0x0, s20;
	s8 =	simm.s32 $0x40;
	[sflag:s23] =	ssyncadd.s32 $0xFFFFE000  }
.LBB2_4:
0x70: {  	[tilespmem:s24], [sflag:$0x4] =	stream.linear.gather [hbm4b:s10+s3], $0x100, $0x38;
	[tilespmem:$0x17E00] =	vst v63  }
0x71: {  	s10 =	smov.u32 s8  }
0x72: {  	p0 =	sne.s32 s8, $0x13C0;
	s8 =	sadd.s32 $0x40, s8;
	_ =	swait.ge [sflag:s26], $0x2000  }
0x73: {  	[sflag:s26] =	ssyncset.done $0x0  }
0x74: {  	[sflag:s26] =	ssyncadd.s32 $0xFFFFE000  }
0x75: {  	_ =	swait.ge [sflag:s28], $0x100  }
0x76: {  	[sflag:s28] =	ssyncset.done $0x0  }
0x77: {  	[sflag:s28] =	ssyncadd.s32 $0xFFFFFF00  }
0x78: {  	[tilespmem:s29], [sflag:$0x2] =	stream.indirect.gather [hbm4b:s4+s25], $0x80, s24, s25, $0xb8;
	[tilespmem:$0x17E00] =	vst v63  }
0x79: {  	_ = 	snop  }
0x7a: {  	[spmem:s2] =	stream.indirect.scatter.add.f32 [tilespmem:s22], [sflag:$0x5], $0x80, s30, s25, $0xb8;
	[tilespmem:$0x17E00] =	vst v63  }
0x7b: {  	_ =	swait.ge [sflag:s23], $0x2000  }
0x7c: {  	s11 =	sshrl.u32 s9, $0x3;
	[sflag:s23] =	ssyncset.done $0x0  }
0x7d: {  	s11 =	sadd.s32 s5, s11;
	[sflag:s23] =	ssyncadd.s32 $0xFFFFE000  }
0x7e: {  	[tilespmem:s3], [sflag:$0x3] =	stream.linear.gather [hbm4b:s11+s3], $0x100, $0x38;
	[tilespmem:$0x17E00] =	vst v63  }
0x7f: {  	_ =	swait.ge [sflag:s31], $0x2000  }
0x80: {  	[sflag:s31] =	ssyncset.done $0x0  }
0x81: {  	[sflag:s31] =	ssyncadd.s32 $0xFFFFE000  }
0x82: {  	_ =	swait.ge [sflag:s0], $0x100  }
0x83: {  	[sflag:s0] =	ssyncset.done $0x0  }
0x84: {  	[sflag:s0] =	ssyncadd.s32 $0xFFFFFF00  }
0x85: {  	[tilespmem:s22], [sflag:$0x1] =	stream.indirect.gather [hbm4b:s4+s25], $0x80, s3, s25, $0xb8;
	[tilespmem:$0x17E00] =	vst v63  }
.Ltmp1:
0x86: {  	(pc) =	sbr.rel @p0 .LBB2_4-.Ltmp1, $4  }
0x87: {  	[spmem:s2] =	stream.indirect.scatter.add.f32 [tilespmem:s29], [sflag:$0x5], $0x80, s1, s25, $0xb8;
	[tilespmem:$0x17E00] =	vst v63  }
0x88: {  	_ =	swait.ge [sflag:s23], $0x2000  }
0x89: {  	[sflag:s23] =	ssyncset.done $0x0  }
0x8a: {  	s9 =	sadd.s32 $0x200, s9;
	s10 =	sadd.s32 s10, s20;
	[sflag:s23] =	ssyncadd.s32 $0xFFFFE000  }
0x8b: {  	[tilespmem:s24], [sflag:$0x4] =	stream.linear.gather [hbm4b:s10+s3], $0x100, $0x38;
	[tilespmem:$0x17E00] =	vst v63  }
0x8c: {  	_ =	swait.ge [sflag:s26], $0x2000  }
0x8d: {  	[sflag:s26] =	ssyncset.done $0x0  }
0x8e: {  	[sflag:s26] =	ssyncadd.s32 $0xFFFFE000  }
0x8f: {  	s8 =	stileid.u32;
	_ =	swait.ge [sflag:s28], $0x100  }
0x90: {  	s9 =	sshrl.u32 s6, $0x3;
	s7 =	sadd.s32 $0x1, s7;
	[sflag:s28] =	ssyncset.done $0x0  }
0x91: {  	s8 =	sshll.u32 s8, $0x6;
	p0 =	sne.s32 s7, s19;
	[sflag:s28] =	ssyncadd.s32 $0xFFFFFF00  }
.Ltmp2:
0x92: {  	s8 =	sor.u32 $0x1C05, s8;
	[bflag:$0x0] =	sbarrier.arrive $0xFFFF;
	(pc) =	sbr.rel @p0 .LBB2_1-.Ltmp2, $4  }
0x93: {  	[hbm:s18], [sflag:s8] =	dma.local [spmem:s9], $0x2780  }
0x94: {  	_ =	swait.ge [sflag:s23], $0x2780  }
0x95: {  	[sflag:s23] =	ssyncset.done $0x0  }
0x96: {  	[sflag:s23] =	ssyncadd.s32 $0xFFFFD880  }
0x97: {  	_ =	sfence.sel $0x180000  }
0x98: {  	[bflag:$0x0] =	sbarrier.arrive $0xFFFF  }
0x99: {  	_ =	strace $0x90000047  }
0x9a: {  	s0 =	stileid.u32;
	[bflag:$0x2] =	sbarrier.arrive $0xFFFF  }
0x9b: {  	p0 =	sne.s32 s0, $0x0;
	s0 =	rddreg [dreg:$0x2]  }
0x9c: {  	s0 =	sadd.s32 @!p0 $0x100000, s0  }
0x9d: {  	[sflag:s0] =	ssyncadd.tile.s32 @!p0 $0x1;
	_ =	shalt  }
.Lfunc_end2:
_tile_overlayer_lowered:
.L_overlay_start_2:
0x9e: {  	(tag) =	ssettag $0x2  }
0x9f: {  	s0 =	rddreg [dreg:$0x0];
	s2 =	stileid.u32  }
0xa0: {  	s1 =	rddreg [dreg:$0x1];
	p0 =	sne.s32 s2, $0x0  }
0xa1: {  	s3 =	rddreg [dreg:$0x2];
	[bflag:$0x3] =	sbarrier.arrive $0xFFFF;
	s2 =	simm.s32 @!p0 $0x1C05  }
0xa2: {  	[timem:s3], [sflag:s2] =	dma.local @!p0 [hbm:s0], s1  }
0xa3: {  	s0 =	simm.s32 @!p0 $0x5  }
0xa4: {  	_ =	swait.ge @!p0 [sflag:s0], s1  }
0xa5: {  	s1 =	ssub.s32 @!p0 $0x0, s1;
	[sflag:s0] =	ssyncset.done @!p0 $0x0  }
0xa6: {  	[sflag:s0] =	ssyncadd.s32 @!p0 s1  }
0xa7: {  	[bflag:$0x3] =	sbarrier.arrive $0xFFFF  }
0xa8: {  	_ =	shalt  }

// kernel: kernel.18.cloned.1.call-start
scs
__scs_entry_jumppad:
0x0: {  	(pc) =	sbr.rel $0x88, $3  }
0x1: {  	(tag) =	ssettag $0x0;
	lr =	simm.s32 $0x1  }
0x2: {  	[smem:$0x3F90] =	sst lr;
	_ =	strace $0xD0000000  }
0x3: {  	_ = 	snop  }
0x4: {  	_ = 	snop  }
0x5: {  	_ = 	snop  }
0x6: {  	_ = 	snop  }
0x7: {  	_ = 	snop  }
__scs_overlays_trampoline_lowered:
0x8: {  	[smem:$0x3F9F] =	sst s0  }
0x9: {  	[smem:$0x3FA0] =	sst s1  }
0xa: {  	[smem:$0x3FA1] =	sst s2  }
0xb: {  	[smem:$0x3FA2] =	sst s3  }
0xc: {  	[smem:$0x3FA3] =	sst s4  }
0xd: {  	[smem:$0x3FA4] =	sst s5  }
0xe: {  	[smem:$0x3FA5] =	sst s6  }
0xf: {  	[smem:$0x3FA6] =	sst s7  }
0x10: {  	[smem:$0x3FA7] =	sst s8  }
0x11: {  	[smem:$0x3FA8] =	sst s9;
	s0 =	simm.s32 @!p0 $0x0  }
0x12: {  	s1 =	sld [smem:$0x3F8E];
	s0 =	simm.s32 @p0 $0x1  }
0x13: {  	[smem:$0x3FA9] =	sst s0;
	s0 =	simm.s32 @!p1 $0x0  }
0x14: {  	s2 =	sld [smem:$0x3F8D];
	s0 =	simm.s32 @p1 $0x1  }
0x15: {  	[smem:$0x3FAA] =	sst s0;
	s0 =	simm.s32 @!p2 $0x0  }
0x16: {  	s3 =	sld [smem:$0x3FDB];
	s0 =	simm.s32 @p2 $0x1  }
0x17: {  	s4 =	simm.s32 $0x1BF5;
	[smem:$0x3FAC] =	sst s0  }
0x18: {  	s0 =	sld [smem:$0x3F8F];
	_ =	swait.ge [sflag:s4], $0x0  }
0x19: {  	s7 =	sld [smem:$0x3F90]  }
0x1a: {  	s8 =	sadd.s32 $0xFFFFE003, lr  }
0x1b: {  	s9 =	sadd.s32 $0xFFFFFEF7, lr;
	s5 =	simm.s32 $0xFFFFFFFF;
	p2 =	slt.u32 s8, $0xFFFFF086  }
0x1c: {  	p1 =	slt.u32 s9, $0xF7A;
	s5 =	simm.s32 @!p2 $0x0  }
0x1d: {  	s5 =	simm.s32 @p1 $0x1;
	p0 =	seq.s32 s7, s2  }
0x1e: {  	s7 =	smul.u32 @!p0 $0xF7A, s2;
	p2 =	seq.s32 @!p0 s5, $0x0  }
0x1f: {  	s9 =	smul.u32 $0xF7A, s1;
	s8 =	simm.s32 @!p0 $0x1BF5;
	p2 =	por !p2, p0  }
0x20: {  	[sflag:s8] =	ssyncset.s32 @!p0 $0xFFFFF086;
	s6 =	sadd.s32 @!p0 s3, s7;
	s7 =	simm.s32 @!p0 $0x108  }
0x21: {  	s3 =	sadd.s32 s3, s9;
	s6 =	sadd.s32 @!p0 $0x88, s6;
	s7 =	simm.s32 @p2 $0x1082  }
0x22: {  	[simem:s7], [sflag:s8] =	dma.local @!p0 [hbm:s6], $0xF7A  }
0x23: {  	s9 =	sor.u32 $0xD0000000, s2;
	s6 =	simm.s32 $0x108;
	_ =	swait.ge @!p0 [sflag:s8], $0x0  }
0x24: {  	s3 =	sadd.s32 $0x88, s3;
	s6 =	simm.s32 @!p1 $0x1082;
	[sflag:s4] =	ssyncset.s32 $0xFFFFF086  }
0x25: {  	[simem:s6], [sflag:s4] =	dma.local [hbm:s3], $0xF7A  }
0x26: {  	[smem:$0x3F90] =	sst s1;
	(tag) =	ssettag s2;
	_ =	strace s9  }
0x27: {  	s1 =	sld [smem:$0x3FA0]  }
0x28: {  	s2 =	sld [smem:$0x3FA1]  }
0x29: {  	s4 =	sld [smem:$0x3FA3]  }
0x2a: {  	p0 =	seq.s32 s5, $0x0;
	s5 =	sld [smem:$0x3FA4]  }
0x2b: {  	s6 =	sld [smem:$0x3FA5]  }
0x2c: {  	s7 =	sld [smem:$0x3FA6]  }
0x2d: {  	s3 =	simm.s32 $0x108;
	s8 =	sld [smem:$0x3FA7]  }
0x2e: {  	s3 =	simm.s32 @!p0 $0x1082;
	s9 =	sld [smem:$0x3FA8]  }
0x2f: {  	lr =	sadd.s32 s0, s3;
	s0 =	sld [smem:$0x3F9F]  }
0x30: {  	s3 =	sld [smem:$0x3FA2]  }
0x31: {  	[smem:$0x3FAB] =	sst s10  }
0x32: {  	s10 =	sld [smem:$0x3FA9];
	_ =	sdelay $0x3  }
0x33: {  	p0 =	seq.s32 s10, $0x1;
	s10 =	sld [smem:$0x3FAB];
	_ =	sdelay $0x3  }
0x34: {  	[smem:$0x3FAB] =	sst s10  }
0x35: {  	s10 =	sld [smem:$0x3FAA];
	_ =	sdelay $0x3  }
0x36: {  	p1 =	seq.s32 s10, $0x1;
	s10 =	sld [smem:$0x3FAB];
	_ =	sdelay $0x3  }
0x37: {  	[smem:$0x3FAB] =	sst s10  }
0x38: {  	s10 =	sld [smem:$0x3FAC]  }
0x39: {  	_ = 	snop;
	(pc) =	sbr.ind lr, $3  }
0x3a: {  	_ = 	snop  }
0x3b: {  	_ = 	snop  }
0x3c: {  	p2 =	seq.s32 s10, $0x1;
	s10 =	sld [smem:$0x3FAB]  }
0x3d: {  	_ =	shalt  }
0x3e: {  	_ =	shalt  }
0x3f: {  	_ =	shalt  }
0x40: {  	_ =	shalt  }
0x41: {  	_ =	shalt  }
0x42: {  	_ =	shalt  }
0x43: {  	_ =	shalt  }
0x44: {  	_ =	shalt  }
0x45: {  	_ =	shalt  }
0x46: {  	_ =	shalt  }
0x47: {  	_ =	shalt  }
0x48: {  	_ =	shalt  }
0x49: {  	_ =	shalt  }
0x4a: {  	_ =	shalt  }
0x4b: {  	_ =	shalt  }
0x4c: {  	_ =	shalt  }
0x4d: {  	_ =	shalt  }
0x4e: {  	_ =	shalt  }
0x4f: {  	_ =	shalt  }
0x50: {  	_ =	shalt  }
0x51: {  	_ =	shalt  }
0x52: {  	_ =	shalt  }
0x53: {  	_ =	shalt  }
0x54: {  	_ =	shalt  }
0x55: {  	_ =	shalt  }
0x56: {  	_ =	shalt  }
0x57: {  	_ =	shalt  }
0x58: {  	_ =	shalt  }
0x59: {  	_ =	shalt  }
0x5a: {  	_ =	shalt  }
0x5b: {  	_ =	shalt  }
0x5c: {  	_ =	shalt  }
0x5d: {  	_ =	shalt  }
0x5e: {  	_ =	shalt  }
0x5f: {  	_ =	shalt  }
0x60: {  	_ =	shalt  }
0x61: {  	_ =	shalt  }
0x62: {  	_ =	shalt  }
0x63: {  	_ =	shalt  }
0x64: {  	_ =	shalt  }
0x65: {  	_ =	shalt  }
0x66: {  	_ =	shalt  }
0x67: {  	_ =	shalt  }
0x68: {  	_ =	shalt  }
0x69: {  	_ =	shalt  }
0x6a: {  	_ =	shalt  }
0x6b: {  	_ =	shalt  }
0x6c: {  	_ =	shalt  }
0x6d: {  	_ =	shalt  }
0x6e: {  	_ =	shalt  }
0x6f: {  	_ =	shalt  }
0x70: {  	_ =	shalt  }
0x71: {  	_ =	shalt  }
0x72: {  	_ =	shalt  }
0x73: {  	_ =	shalt  }
0x74: {  	_ =	shalt  }
0x75: {  	_ =	shalt  }
0x76: {  	_ =	shalt  }
0x77: {  	_ =	shalt  }
0x78: {  	_ =	shalt  }
0x79: {  	_ =	shalt  }
0x7a: {  	_ =	shalt  }
0x7b: {  	_ =	shalt  }
0x7c: {  	_ =	shalt  }
0x7d: {  	_ =	shalt  }
0x7e: {  	_ =	shalt  }
0x7f: {  	_ =	shalt  }
0x80: {  	_ =	shalt  }
0x81: {  	_ =	shalt  }
0x82: {  	_ =	shalt  }
0x83: {  	_ =	shalt  }
0x84: {  	_ =	shalt  }
0x85: {  	_ =	shalt  }
0x86: {  	_ =	shalt  }
0x87: {  	_ =	shalt  }
.Lfunc_end0:
.L_simem_size_0:
called_computation.2_lowered:
.L_overlay_start_0:
0x88: {  	s2 =	sld [smem:$0x3FD9]  }
0x89: {  	s3 =	sld [smem:$0x3FFE];
	_ =	sdelay $0x1  }
0x8a: {  	s1 =	srdreg.scid  }
0x8b: {  	s0 =	sand.u32 $0x1, s1  }
0x8c: {  	s16 =	sshll.u32 s0, $0xA;
	s2 =	sadd.s32 s3, s2  }
0x8d: {  	s2 =	sadd.s32 s2, s16  }
0x8e: {  	[smem:$0x3FB7] =	sst s2  }
0x8f: {  	_ = 	snop  }
0x90: {  	(tm) =	ssettm $0x1  }
0x91: {  	s17 =	sld [smem:$0x3FFB];
	_ =	sdelay $0x3  }
0x92: {  	_ =	strace s17  }
0x93: {  	s2 =	sld [smem:$0x3FFC];
	_ =	sdelay $0x3  }
0x94: {  	_ =	strace s2  }
0x95: {  	s2 =	sld [smem:$0x3FFD];
	_ =	sdelay $0x3  }
0x96: {  	_ =	strace s2  }
0x97: {  	_ =	strace $0x8FFFFFFF  }
0x98: {  	s18 =	sld [smem:$0x3FDB];
	_ =	sdelay $0x1  }
0x99: {  	s19 =	simm.s32 $_scs_section_size  }
0x9a: {  	s4 =	simm.s32 $_size__tile_overlayer_lowered;
	s5 =	simm.s32 $_tile_overlayer_lowered  }
0x9b: {  	s22 =	simm.s32 $0x1BFF;
	s21 =	sshll.u32 s5, $0x1;
	s2 =	sadd.s32 s19, s18  }
0x9c: {  	s6 =	simm.s32 $0x0;
	s20 =	sshll.u32 s4, $0x1;
	s4 =	sadd.s32 s21, s2  }
0x9d: {  	[timem:s6], [sflag:s22] =	dma.local [hbm:s4], s20  }
0x9e: {  	_ =	swait.ge [sflag:s22], s20  }
0x9f: {  	s3 =	ssub.s32 $0x0, s20;
	[sflag:s22] =	ssyncset.done $0x0  }
0xa0: {  	[sflag:s22] =	ssyncadd.s32 s3;
	_ =	sdelay $0x1  }
0xa1: {  	s23 =	simm.s32 $0x1B8B  }
0xa2: {  	_ =	swait.ge [sflag:s23], $0x1  }
0xa3: {  	[sflag:s23] =	ssyncset.done $0x0  }
0xa4: {  	s25 =	simm.s32 $0x1B8E;
	s24 =	sld [smem:$0x3FFE];
	[sflag:s23] =	ssyncadd.s32 $0xFFFFFFFF  }
0xa5: {  	s26 =	simm.s32 $execute0_lowered;
	[smem:$0x3FD2] =	sst s25  }
0xa6: {  	s4 =	sshll.u32 s26, $0x1;
	_ =	strace $0x80000049;
	[dreg:$0x1] =	wrdreg $0xFFFFFFFF  }
0xa7: {  	s28 =	simm.s32 $_size_execute0_lowered;
	s2 =	sadd.s32 s2, s4;
	[dreg:$0x0] =	wrdreg $0x0  }
0xa8: {  	s4 =	sshll.u32 s28, $0x1;
	[dreg:$0x2] =	wrdreg s2  }
0xa9: {  	[dreg:$0x3] =	wrdreg s4  }
0xaa: {  	[dreg:$0x4] =	wrdreg $0xC0  }
0xab: {  	_ =	task [dreg:s6], $0x5FFFF  }
0xac: {  	[dreg:$0x1] =	wrdreg $0xFFFFFFFF  }
0xad: {  	[dreg:$0x0] =	wrdreg $0x60  }
0xae: {  	[dreg:$0x2] =	wrdreg s24  }
0xaf: {  	[dreg:$0x3] =	wrdreg $0x42000  }
0xb0: {  	[dreg:$0x4] =	wrdreg $0xA  }
0xb1: {  	_ =	task.clear_ibuf [dreg:s6], $0x5FFFF;
	_ =	strace $0x90000049  }
0xb2: {  	s29 =	simm.s32 $0xA;
	_ =	strace $0x8000004B  }
0xb3: {  	_ =	swait.ge [sflag:s29], $0x1  }
0xb4: {  	[sflag:s29] =	ssyncadd.s32 $0xFFFFFFFF  }
0xb5: {  	_ =	strace $0x9000004B  }
0xb6: {  	_ =	sfence  }
0xb7: {  	s30 =	sld [smem:$0x0];
	_ =	sdelay $0x2  }
0xb8: {  	s31 =	sshll.u32 s1, $0xD;
	s1 =	sshrl.u32 s1, $0x2  }
0xb9: {  	s3 =	sand.u32 $0x4000, s31;
	s1 =	sadd.s32 s1, s30  }
0xba: {  	s0 =	sor.u32 s3, s0;
	s1 =	sshll.u32 s1, $0x11  }
0xbb: {  	s0 =	sor.u32 s1, s0  }
0xbc: {  	s0 =	sadd.s32 $0x8F2B, s0  }
0xbd: {  	[sflag:s0] =	ssyncadd.remote.s32 $0x1  }
0xbe: {  	_ =	sfence.sel $0xFFFF  }
0xbf: {  	[dreg:$0x0] =	wrdreg $0xFFFFFFFF;
	(pc) =	sbr.abs _section_cstart, $3  }
0xc0: {  	[dreg:$0x1] =	wrdreg $0xFFFFFFFF  }
0xc1: {  	_ =	task.clear_ibuf [dreg:s6], $0x2FFFF;
	_ =	strace $0x9FFFFFFF  }
0xc2: {  	(tm) =	ssettm $0x7FFFFFFF  }
0xc3: {  	_ =	shalt  }
tec
execute0_lowered:
.L_overlay_start_1:
0x0: {  	(tag) =	ssettag $0x1  }
0x1: {  	s0 =	rddreg [dreg:$0x0];
	s1 =	srdreg.scid  }
0x2: {  	s2 =	rddreg [dreg:$0x1];
	s10 =	stileid.u32;
	s3 =	simm.s32 $0x0  }
0x3: {  	s28 =	simm.s32 $0x4;
	s29 =	simm.s32 $0x2200;
	s6 =	smul.u32 $0x13C00, s10  }
0x4: {  	s30 =	simm.s32 $0x80;
	s31 =	simm.s32 $0x2;
	s7 =	smul.u32 $0x4F000, s10  }
0x5: {  	s1 =	sand.u32 $0x1, s1;
	[smem:$0x7FF] =	sst s3;
	s21 =	smul.u32 $0x14400, s10  }
0x6: {  	s4 =	sadd.s32 $0x4E00, s0;
	s8 =	sshll.u32 s10, $0x1;
	s5 =	smul.u32 $0x13C000, s1  }
0x7: {  	_ =	strace $0x8000004A;
	s17 =	ssub.s32 $0x2, s1;
	s8 =	sor.u32 s1, s8  }
0x8: {  	s1 =	smul.u32 $0xA200, s1;
	s9 =	sshrl.u32 s17, $0x1;
	s7 =	sshrl.u32 s7, $0x2  }
0x9: {  	s18 =	smul.u32 $0xA200, s8;
	s6 =	sadd.s32 s6, s5;
	s5 =	sadd.s32 $0x2C000, s0  }
0xa: {  	s9 =	ssub.s32 s17, s9;
	s1 =	sadd.s32 s1, s21;
	s6 =	sshrl.u32 s6, $0x3  }
0xb: {  	s25 =	sadd.s32 $0x300, s1;
	s21 =	sadd.s32 $0x200, s1;
	s1 =	simm.s32 $0x180  }
0xc: {  	s0 =	sadd.s32 s6, s0;
	s6 =	sadd.s32 s7, s2;
	s7 =	sshrl.u32 s18, $0x3  }
0xd: {  	s26 =	sshrl.u32 s25, $0x3;
	s25 =	simm.s32 $0x40;
	s19 =	sadd.s32 $0x2000, s6  }
0xe: {  	s20 =	sadd.s32 $0x4000, s6;
	s22 =	sadd.s32 $0x6000, s6;
	s23 =	sadd.s32 $0x8000, s6  }
0xf: {  	s24 =	sadd.s32 $0xA000, s6;
	s12 =	sadd.s32 $0xC000, s6;
	[dreg:$0x3] =	wrdreg s19  }
0x10: {  	s13 =	sadd.s32 $0xE000, s6;
	s14 =	sadd.s32 $0x10000, s6;
	[dreg:$0x4] =	wrdreg s20  }
0x11: {  	s15 =	sadd.s32 $0x12000, s6;
	s16 =	sadd.s32 s5, s7;
	[dreg:$0x5] =	wrdreg s22  }
0x12: {  	s18 =	sadd.s32 $0x54800, s0;
	s0 =	simm.s32 $0x3;
	[dreg:$0x6] =	wrdreg s23  }
0x13: {  	s7 =	simm.s32 $0x0;
	[dreg:$0x7] =	wrdreg s24;
	s17 =	sadd.s32 $0x20, s16  }
0x14: {  	s19 =	smax.u32 s9, $0x1;
	s20 =	sadd.s32 s26, s5;
	s22 =	simm.s32 $0x200  }
0x15: {  	v0 =	vimm.f32 $0.0e+00;
	s23 =	simm.s32 $0x5;
	s24 =	simm.s32 $0x100;
	s26 =	simm.s32 $0x1  }
.LBB2_1:
0x16: {  	s8 =	simm.s32 $0x0;
	s9 =	simm.s32 $0x200  }
.LBB2_2:
0x17: {  	p0 =	sne.s32 s9, $0x7E00;
	[tilespmem:s8+$0x270] =	vst v0  }
0x18: {  	[tilespmem:s8+$0x200] =	vst v0  }
0x19: {  	[tilespmem:s8+$0x210] =	vst v0  }
.Ltmp0:
0x1a: {  	[tilespmem:s8+$0x220] =	vst v0;
	(pc) =	sbr.rel @p0 .LBB2_2-.Ltmp0, $4  }
0x1b: {  	[tilespmem:s8+$0x230] =	vst v0  }
0x1c: {  	[tilespmem:s8+$0x240] =	vst v0  }
0x1d: {  	[tilespmem:s8+$0x250] =	vst v0  }
0x1e: {  	[tilespmem:s8+$0x260] =	vst v0;
	s8 =	sshra.s32 s9, $0x2;
	s9 =	sadd.s32 $0x200, s9  }
0x1f: {  	[tilespmem:s8+$0x270] =	vst v0  }
0x20: {  	[tilespmem:s8+$0x200] =	vst v0  }
0x21: {  	[tilespmem:s8+$0x210] =	vst v0  }
0x22: {  	[tilespmem:s8+$0x220] =	vst v0  }
0x23: {  	[tilespmem:s8+$0x230] =	vst v0  }
0x24: {  	[tilespmem:s8+$0x240] =	vst v0  }
0x25: {  	[tilespmem:s8+$0x250] =	vst v0  }
0x26: {  	[tilespmem:s8+$0x260] =	vst v0  }
0x27: {  	[spmem:s6] =	stream.linear.scatter [tilespmem:s22], [sflag:$0x5], $0x2000, $0x38;
	[tilespmem:$0x17E00] =	vst v63  }
0x28: {  	_ =	swait.ge [sflag:s23], $0x2000  }
0x29: {  	[sflag:s23] =	ssyncset.done $0x0  }
0x2a: {  	s11 =	rddreg [dreg:$0x3];
	[sflag:s23] =	ssyncadd.s32 $0xFFFFE000  }
0x2b: {  	[spmem:s11] =	stream.linear.scatter [tilespmem:s22], [sflag:$0x5], $0x2000, $0x38;
	[tilespmem:$0x17E00] =	vst v63  }
0x2c: {  	_ =	swait.ge [sflag:s23], $0x2000  }
0x2d: {  	[sflag:s23] =	ssyncset.done $0x0  }
0x2e: {  	s9 =	rddreg [dreg:$0x4];
	[sflag:s23] =	ssyncadd.s32 $0xFFFFE000  }
0x2f: {  	[spmem:s9] =	stream.linear.scatter [tilespmem:s22], [sflag:$0x5], $0x2000, $0x38;
	[tilespmem:$0x17E00] =	vst v63  }
0x30: {  	_ =	swait.ge [sflag:s23], $0x2000  }
0x31: {  	[sflag:s23] =	ssyncset.done $0x0  }
0x32: {  	s10 =	rddreg [dreg:$0x5];
	[sflag:s23] =	ssyncadd.s32 $0xFFFFE000  }
0x33: {  	[spmem:s10] =	stream.linear.scatter [tilespmem:s22], [sflag:$0x5], $0x2000, $0x38;
	[tilespmem:$0x17E00] =	vst v63  }
0x34: {  	_ =	swait.ge [sflag:s23], $0x2000  }
0x35: {  	[sflag:s23] =	ssyncset.done $0x0  }
0x36: {  	s11 =	rddreg [dreg:$0x6];
	[sflag:s23] =	ssyncadd.s32 $0xFFFFE000  }
0x37: {  	[spmem:s11] =	stream.linear.scatter [tilespmem:s22], [sflag:$0x5], $0x2000, $0x38;
	[tilespmem:$0x17E00] =	vst v63  }
0x38: {  	_ =	swait.ge [sflag:s23], $0x2000  }
0x39: {  	[sflag:s23] =	ssyncset.done $0x0  }
0x3a: {  	s9 =	rddreg [dreg:$0x7];
	[sflag:s23] =	ssyncadd.s32 $0xFFFFE000  }
0x3b: {  	[spmem:s9] =	stream.linear.scatter [tilespmem:s22], [sflag:$0x5], $0x2000, $0x38;
	[tilespmem:$0x17E00] =	vst v63  }
0x3c: {  	_ =	swait.ge [sflag:s23], $0x2000  }
0x3d: {  	[sflag:s23] =	ssyncset.done $0x0  }
0x3e: {  	[sflag:s23] =	ssyncadd.s32 $0xFFFFE000  }
0x3f: {  	[spmem:s12] =	stream.linear.scatter [tilespmem:s22], [sflag:$0x5], $0x2000, $0x38;
	[tilespmem:$0x17E00] =	vst v63  }
0x40: {  	_ =	swait.ge [sflag:s23], $0x2000  }
0x41: {  	[sflag:s23] =	ssyncset.done $0x0  }
0x42: {  	[sflag:s23] =	ssyncadd.s32 $0xFFFFE000  }
0x43: {  	[spmem:s13] =	stream.linear.scatter [tilespmem:s22], [sflag:$0x5], $0x2000, $0x38;
	[tilespmem:$0x17E00] =	vst v63  }
0x44: {  	_ =	swait.ge [sflag:s23], $0x2000  }
0x45: {  	[sflag:s23] =	ssyncset.done $0x0  }
0x46: {  	[sflag:s23] =	ssyncadd.s32 $0xFFFFE000  }
0x47: {  	[spmem:s14] =	stream.linear.scatter [tilespmem:s22], [sflag:$0x5], $0x2000, $0x38;
	[tilespmem:$0x17E00] =	vst v63  }
0x48: {  	_ =	swait.ge [sflag:s23], $0x2000  }
0x49: {  	[sflag:s23] =	ssyncset.done $0x0  }
0x4a: {  	[sflag:s23] =	ssyncadd.s32 $0xFFFFE000  }
0x4b: {  	[spmem:s15] =	stream.linear.scatter [tilespmem:s22], [sflag:$0x5], $0x1C00, $0x38;
	[tilespmem:$0x17E00] =	vst v63  }
0x4c: {  	_ =	swait.ge [sflag:s23], $0x1C00  }
0x4d: {  	[sflag:s23] =	ssyncset.done $0x0  }
0x4e: {  	[sflag:s23] =	ssyncadd.s32 $0xFFFFE400  }
0x4f: {  	s10 =	simm.s32 $0x0;
	[bflag:$0x0] =	sbarrier.arrive $0xFFFF  }
0x50: {  	[tilespmem:s10], [sflag:$0x5] =	stream.linear.gather [hbm4b:s16+s10], $0x100, $0x38;
	[tilespmem:$0x17E00] =	vst v63  }
0x51: {  	_ =	swait.ge [sflag:s23], $0x100  }
0x52: {  	[sflag:s23] =	ssyncset.done $0x0  }
0x53: {  	[sflag:s23] =	ssyncadd.s32 $0xFFFFFF00  }
0x54: {  	[tilespmem:s24], [sflag:$0x4] =	stream.linear.gather [hbm4b:s17+s10], $0x100, $0x38;
	[tilespmem:$0x17E00] =	vst v63  }
0x55: {  	_ = 	snop  }
0x56: {  	[tilespmem:s22], [sflag:$0x1] =	stream.indirect.gather [hbm4b:s4+s25], $0x80, s10, s25, $0xb8;
	[tilespmem:$0x17E00] =	vst v63  }
0x57: {  	_ =	swait.ge [sflag:s26], $0x2000  }
0x58: {  	[sflag:s26] =	ssyncset.done $0x0  }
0x59: {  	[sflag:s26] =	ssyncadd.s32 $0xFFFFE000  }
0x5a: {  	_ =	swait.ge [sflag:s28], $0x100  }
0x5b: {  	[sflag:s28] =	ssyncset.done $0x0  }
0x5c: {  	[sflag:s28] =	ssyncadd.s32 $0xFFFFFF00  }
0x5d: {  	[tilespmem:s29], [sflag:$0x2] =	stream.indirect.gather [hbm4b:s4+s25], $0x80, s24, s25, $0xb8;
	[tilespmem:$0x17E00] =	vst v63  }
0x5e: {  	_ = 	snop  }
0x5f: {  	[spmem:s2] =	stream.indirect.scatter.add.f32 [tilespmem:s22], [sflag:$0x5], $0x80, s30, s25, $0xb8;
	[tilespmem:$0x17E00] =	vst v63  }
0x60: {  	_ =	swait.ge [sflag:s23], $0x2000  }
0x61: {  	s11 =	sshrl.u32 s21, $0x3;
	[sflag:s23] =	ssyncset.done $0x0  }
0x62: {  	s8 =	sadd.s32 s5, s11;
	[sflag:s23] =	ssyncadd.s32 $0xFFFFE000  }
0x63: {  	[tilespmem:s3], [sflag:$0x3] =	stream.linear.gather [hbm4b:s8+s3], $0x100, $0x38;
	[tilespmem:$0x17E00] =	vst v63  }
0x64: {  	_ =	swait.ge [sflag:s31], $0x2000  }
0x65: {  	[sflag:s31] =	ssyncset.done $0x0  }
0x66: {  	[sflag:s31] =	ssyncadd.s32 $0xFFFFE000  }
0x67: {  	_ =	swait.ge [sflag:s0], $0x100  }
0x68: {  	[sflag:s0] =	ssyncset.done $0x0  }
0x69: {  	[sflag:s0] =	ssyncadd.s32 $0xFFFFFF00  }
0x6a: {  	[tilespmem:s22], [sflag:$0x1] =	stream.indirect.gather [hbm4b:s4+s25], $0x80, s3, s25, $0xb8;
	[tilespmem:$0x17E00] =	vst v63  }
0x6b: {  	_ = 	snop  }
0x6c: {  	[spmem:s2] =	stream.indirect.scatter.add.f32 [tilespmem:s29], [sflag:$0x5], $0x80, s1, s25, $0xb8;
	[tilespmem:$0x17E00] =	vst v63  }
0x6d: {  	_ =	swait.ge [sflag:s23], $0x2000  }
0x6e: {  	s9 =	sadd.s32 $0x200, s21;
	[sflag:s23] =	ssyncset.done $0x0  }
0x6f: {  	s10 =	sadd.s32 $0x0, s20;
	s8 =	simm.s32 $0x40;
	[sflag:s23] =	ssyncadd.s32 $0xFFFFE000  }
.LBB2_4:
0x70: {  	[tilespmem:s24], [sflag:$0x4] =	stream.linear.gather [hbm4b:s10+s3], $0x100, $0x38;
	[tilespmem:$0x17E00] =	vst v63  }
0x71: {  	s10 =	smov.u32 s8  }
0x72: {  	p0 =	sne.s32 s8, $0x13C0;
	s8 =	sadd.s32 $0x40, s8;
	_ =	swait.ge [sflag:s26], $0x2000  }
0x73: {  	[sflag:s26] =	ssyncset.done $0x0  }
0x74: {  	[sflag:s26] =	ssyncadd.s32 $0xFFFFE000  }
0x75: {  	_ =	swait.ge [sflag:s28], $0x100  }
0x76: {  	[sflag:s28] =	ssyncset.done $0x0  }
0x77: {  	[sflag:s28] =	ssyncadd.s32 $0xFFFFFF00  }
0x78: {  	[tilespmem:s29], [sflag:$0x2] =	stream.indirect.gather [hbm4b:s4+s25], $0x80, s24, s25, $0xb8;
	[tilespmem:$0x17E00] =	vst v63  }
0x79: {  	_ = 	snop  }
0x7a: {  	[spmem:s2] =	stream.indirect.scatter.add.f32 [tilespmem:s22], [sflag:$0x5], $0x80, s30, s25, $0xb8;
	[tilespmem:$0x17E00] =	vst v63  }
0x7b: {  	_ =	swait.ge [sflag:s23], $0x2000  }
0x7c: {  	s11 =	sshrl.u32 s9, $0x3;
	[sflag:s23] =	ssyncset.done $0x0  }
0x7d: {  	s11 =	sadd.s32 s5, s11;
	[sflag:s23] =	ssyncadd.s32 $0xFFFFE000  }
0x7e: {  	[tilespmem:s3], [sflag:$0x3] =	stream.linear.gather [hbm4b:s11+s3], $0x100, $0x38;
	[tilespmem:$0x17E00] =	vst v63  }
0x7f: {  	_ =	swait.ge [sflag:s31], $0x2000  }
0x80: {  	[sflag:s31] =	ssyncset.done $0x0  }
0x81: {  	[sflag:s31] =	ssyncadd.s32 $0xFFFFE000  }
0x82: {  	_ =	swait.ge [sflag:s0], $0x100  }
0x83: {  	[sflag:s0] =	ssyncset.done $0x0  }
0x84: {  	[sflag:s0] =	ssyncadd.s32 $0xFFFFFF00  }
0x85: {  	[tilespmem:s22], [sflag:$0x1] =	stream.indirect.gather [hbm4b:s4+s25], $0x80, s3, s25, $0xb8;
	[tilespmem:$0x17E00] =	vst v63  }
.Ltmp1:
0x86: {  	(pc) =	sbr.rel @p0 .LBB2_4-.Ltmp1, $4  }
0x87: {  	[spmem:s2] =	stream.indirect.scatter.add.f32 [tilespmem:s29], [sflag:$0x5], $0x80, s1, s25, $0xb8;
	[tilespmem:$0x17E00] =	vst v63  }
0x88: {  	_ =	swait.ge [sflag:s23], $0x2000  }
0x89: {  	[sflag:s23] =	ssyncset.done $0x0  }
0x8a: {  	s9 =	sadd.s32 $0x200, s9;
	s10 =	sadd.s32 s10, s20;
	[sflag:s23] =	ssyncadd.s32 $0xFFFFE000  }
0x8b: {  	[tilespmem:s24], [sflag:$0x4] =	stream.linear.gather [hbm4b:s10+s3], $0x100, $0x38;
	[tilespmem:$0x17E00] =	vst v63  }
0x8c: {  	_ =	swait.ge [sflag:s26], $0x2000  }
0x8d: {  	[sflag:s26] =	ssyncset.done $0x0  }
0x8e: {  	[sflag:s26] =	ssyncadd.s32 $0xFFFFE000  }
0x8f: {  	s8 =	stileid.u32;
	_ =	swait.ge [sflag:s28], $0x100  }
0x90: {  	s9 =	sshrl.u32 s6, $0x3;
	s7 =	sadd.s32 $0x1, s7;
	[sflag:s28] =	ssyncset.done $0x0  }
0x91: {  	s8 =	sshll.u32 s8, $0x6;
	p0 =	sne.s32 s7, s19;
	[sflag:s28] =	ssyncadd.s32 $0xFFFFFF00  }
.Ltmp2:
0x92: {  	s8 =	sor.u32 $0x1C05, s8;
	[bflag:$0x0] =	sbarrier.arrive $0xFFFF;
	(pc) =	sbr.rel @p0 .LBB2_1-.Ltmp2, $4  }
0x93: {  	[hbm:s18], [sflag:s8] =	dma.local [spmem:s9], $0x2780  }
0x94: {  	_ =	swait.ge [sflag:s23], $0x2780  }
0x95: {  	[sflag:s23] =	ssyncset.done $0x0  }
0x96: {  	[sflag:s23] =	ssyncadd.s32 $0xFFFFD880  }
0x97: {  	_ =	sfence.sel $0x180000  }
0x98: {  	[bflag:$0x0] =	sbarrier.arrive $0xFFFF  }
0x99: {  	_ =	strace $0x9000004A  }
0x9a: {  	s0 =	stileid.u32;
	[bflag:$0x2] =	sbarrier.arrive $0xFFFF  }
0x9b: {  	p0 =	sne.s32 s0, $0x0;
	s0 =	rddreg [dreg:$0x2]  }
0x9c: {  	s0 =	sadd.s32 @!p0 $0x100000, s0  }
0x9d: {  	[sflag:s0] =	ssyncadd.tile.s32 @!p0 $0x1;
	_ =	shalt  }
.Lfunc_end2:
_tile_overlayer_lowered:
.L_overlay_start_2:
0x9e: {  	(tag) =	ssettag $0x2  }
0x9f: {  	s0 =	rddreg [dreg:$0x0];
	s2 =	stileid.u32  }
0xa0: {  	s1 =	rddreg [dreg:$0x1];
	p0 =	sne.s32 s2, $0x0  }
0xa1: {  	s3 =	rddreg [dreg:$0x2];
	[bflag:$0x3] =	sbarrier.arrive $0xFFFF;
	s2 =	simm.s32 @!p0 $0x1C05  }
0xa2: {  	[timem:s3], [sflag:s2] =	dma.local @!p0 [hbm:s0], s1  }
0xa3: {  	s0 =	simm.s32 @!p0 $0x5  }
0xa4: {  	_ =	swait.ge @!p0 [sflag:s0], s1  }
0xa5: {  	s1 =	ssub.s32 @!p0 $0x0, s1;
	[sflag:s0] =	ssyncset.done @!p0 $0x0  }
0xa6: {  	[sflag:s0] =	ssyncadd.s32 @!p0 s1  }
0xa7: {  	[bflag:$0x3] =	sbarrier.arrive $0xFFFF  }
0xa8: {  	_ =	shalt  }

// kernel: kernel.21.cloned.1.call-start
scs
__scs_entry_jumppad:
0x0: {  	(pc) =	sbr.rel $0x88, $3  }
0x1: {  	(tag) =	ssettag $0x0;
	lr =	simm.s32 $0x1  }
0x2: {  	[smem:$0x3F90] =	sst lr;
	_ =	strace $0xD0000000  }
0x3: {  	_ = 	snop  }
0x4: {  	_ = 	snop  }
0x5: {  	_ = 	snop  }
0x6: {  	_ = 	snop  }
0x7: {  	_ = 	snop  }
__scs_overlays_trampoline_lowered:
0x8: {  	[smem:$0x3F9F] =	sst s0  }
0x9: {  	[smem:$0x3FA0] =	sst s1  }
0xa: {  	[smem:$0x3FA1] =	sst s2  }
0xb: {  	[smem:$0x3FA2] =	sst s3  }
0xc: {  	[smem:$0x3FA3] =	sst s4  }
0xd: {  	[smem:$0x3FA4] =	sst s5  }
0xe: {  	[smem:$0x3FA5] =	sst s6  }
0xf: {  	[smem:$0x3FA6] =	sst s7  }
0x10: {  	[smem:$0x3FA7] =	sst s8  }
0x11: {  	[smem:$0x3FA8] =	sst s9;
	s0 =	simm.s32 @!p0 $0x0  }
0x12: {  	s1 =	sld [smem:$0x3F8E];
	s0 =	simm.s32 @p0 $0x1  }
0x13: {  	[smem:$0x3FA9] =	sst s0;
	s0 =	simm.s32 @!p1 $0x0  }
0x14: {  	s2 =	sld [smem:$0x3F8D];
	s0 =	simm.s32 @p1 $0x1  }
0x15: {  	[smem:$0x3FAA] =	sst s0;
	s0 =	simm.s32 @!p2 $0x0  }
0x16: {  	s3 =	sld [smem:$0x3FDB];
	s0 =	simm.s32 @p2 $0x1  }
0x17: {  	s4 =	simm.s32 $0x1BF5;
	[smem:$0x3FAC] =	sst s0  }
0x18: {  	s0 =	sld [smem:$0x3F8F];
	_ =	swait.ge [sflag:s4], $0x0  }
0x19: {  	s7 =	sld [smem:$0x3F90]  }
0x1a: {  	s8 =	sadd.s32 $0xFFFFE003, lr  }
0x1b: {  	s9 =	sadd.s32 $0xFFFFFEF7, lr;
	s5 =	simm.s32 $0xFFFFFFFF;
	p2 =	slt.u32 s8, $0xFFFFF086  }
0x1c: {  	p1 =	slt.u32 s9, $0xF7A;
	s5 =	simm.s32 @!p2 $0x0  }
0x1d: {  	s5 =	simm.s32 @p1 $0x1;
	p0 =	seq.s32 s7, s2  }
0x1e: {  	s7 =	smul.u32 @!p0 $0xF7A, s2;
	p2 =	seq.s32 @!p0 s5, $0x0  }
0x1f: {  	s9 =	smul.u32 $0xF7A, s1;
	s8 =	simm.s32 @!p0 $0x1BF5;
	p2 =	por !p2, p0  }
0x20: {  	[sflag:s8] =	ssyncset.s32 @!p0 $0xFFFFF086;
	s6 =	sadd.s32 @!p0 s3, s7;
	s7 =	simm.s32 @!p0 $0x108  }
0x21: {  	s3 =	sadd.s32 s3, s9;
	s6 =	sadd.s32 @!p0 $0x88, s6;
	s7 =	simm.s32 @p2 $0x1082  }
0x22: {  	[simem:s7], [sflag:s8] =	dma.local @!p0 [hbm:s6], $0xF7A  }
0x23: {  	s9 =	sor.u32 $0xD0000000, s2;
	s6 =	simm.s32 $0x108;
	_ =	swait.ge @!p0 [sflag:s8], $0x0  }
0x24: {  	s3 =	sadd.s32 $0x88, s3;
	s6 =	simm.s32 @!p1 $0x1082;
	[sflag:s4] =	ssyncset.s32 $0xFFFFF086  }
0x25: {  	[simem:s6], [sflag:s4] =	dma.local [hbm:s3], $0xF7A  }
0x26: {  	[smem:$0x3F90] =	sst s1;
	(tag) =	ssettag s2;
	_ =	strace s9  }
0x27: {  	s1 =	sld [smem:$0x3FA0]  }
0x28: {  	s2 =	sld [smem:$0x3FA1]  }
0x29: {  	s4 =	sld [smem:$0x3FA3]  }
0x2a: {  	p0 =	seq.s32 s5, $0x0;
	s5 =	sld [smem:$0x3FA4]  }
0x2b: {  	s6 =	sld [smem:$0x3FA5]  }
0x2c: {  	s7 =	sld [smem:$0x3FA6]  }
0x2d: {  	s3 =	simm.s32 $0x108;
	s8 =	sld [smem:$0x3FA7]  }
0x2e: {  	s3 =	simm.s32 @!p0 $0x1082;
	s9 =	sld [smem:$0x3FA8]  }
0x2f: {  	lr =	sadd.s32 s0, s3;
	s0 =	sld [smem:$0x3F9F]  }
0x30: {  	s3 =	sld [smem:$0x3FA2]  }
0x31: {  	[smem:$0x3FAB] =	sst s10  }
0x32: {  	s10 =	sld [smem:$0x3FA9];
	_ =	sdelay $0x3  }
0x33: {  	p0 =	seq.s32 s10, $0x1;
	s10 =	sld [smem:$0x3FAB];
	_ =	sdelay $0x3  }
0x34: {  	[smem:$0x3FAB] =	sst s10  }
0x35: {  	s10 =	sld [smem:$0x3FAA];
	_ =	sdelay $0x3  }
0x36: {  	p1 =	seq.s32 s10, $0x1;
	s10 =	sld [smem:$0x3FAB];
	_ =	sdelay $0x3  }
0x37: {  	[smem:$0x3FAB] =	sst s10  }
0x38: {  	s10 =	sld [smem:$0x3FAC]  }
0x39: {  	_ = 	snop;
	(pc) =	sbr.ind lr, $3  }
0x3a: {  	_ = 	snop  }
0x3b: {  	_ = 	snop  }
0x3c: {  	p2 =	seq.s32 s10, $0x1;
	s10 =	sld [smem:$0x3FAB]  }
0x3d: {  	_ =	shalt  }
0x3e: {  	_ =	shalt  }
0x3f: {  	_ =	shalt  }
0x40: {  	_ =	shalt  }
0x41: {  	_ =	shalt  }
0x42: {  	_ =	shalt  }
0x43: {  	_ =	shalt  }
0x44: {  	_ =	shalt  }
0x45: {  	_ =	shalt  }
0x46: {  	_ =	shalt  }
0x47: {  	_ =	shalt  }
0x48: {  	_ =	shalt  }
0x49: {  	_ =	shalt  }
0x4a: {  	_ =	shalt  }
0x4b: {  	_ =	shalt  }
0x4c: {  	_ =	shalt  }
0x4d: {  	_ =	shalt  }
0x4e: {  	_ =	shalt  }
0x4f: {  	_ =	shalt  }
0x50: {  	_ =	shalt  }
0x51: {  	_ =	shalt  }
0x52: {  	_ =	shalt  }
0x53: {  	_ =	shalt  }
0x54: {  	_ =	shalt  }
0x55: {  	_ =	shalt  }
0x56: {  	_ =	shalt  }
0x57: {  	_ =	shalt  }
0x58: {  	_ =	shalt  }
0x59: {  	_ =	shalt  }
0x5a: {  	_ =	shalt  }
0x5b: {  	_ =	shalt  }
0x5c: {  	_ =	shalt  }
0x5d: {  	_ =	shalt  }
0x5e: {  	_ =	shalt  }
0x5f: {  	_ =	shalt  }
0x60: {  	_ =	shalt  }
0x61: {  	_ =	shalt  }
0x62: {  	_ =	shalt  }
0x63: {  	_ =	shalt  }
0x64: {  	_ =	shalt  }
0x65: {  	_ =	shalt  }
0x66: {  	_ =	shalt  }
0x67: {  	_ =	shalt  }
0x68: {  	_ =	shalt  }
0x69: {  	_ =	shalt  }
0x6a: {  	_ =	shalt  }
0x6b: {  	_ =	shalt  }
0x6c: {  	_ =	shalt  }
0x6d: {  	_ =	shalt  }
0x6e: {  	_ =	shalt  }
0x6f: {  	_ =	shalt  }
0x70: {  	_ =	shalt  }
0x71: {  	_ =	shalt  }
0x72: {  	_ =	shalt  }
0x73: {  	_ =	shalt  }
0x74: {  	_ =	shalt  }
0x75: {  	_ =	shalt  }
0x76: {  	_ =	shalt  }
0x77: {  	_ =	shalt  }
0x78: {  	_ =	shalt  }
0x79: {  	_ =	shalt  }
0x7a: {  	_ =	shalt  }
0x7b: {  	_ =	shalt  }
0x7c: {  	_ =	shalt  }
0x7d: {  	_ =	shalt  }
0x7e: {  	_ =	shalt  }
0x7f: {  	_ =	shalt  }
0x80: {  	_ =	shalt  }
0x81: {  	_ =	shalt  }
0x82: {  	_ =	shalt  }
0x83: {  	_ =	shalt  }
0x84: {  	_ =	shalt  }
0x85: {  	_ =	shalt  }
0x86: {  	_ =	shalt  }
0x87: {  	_ =	shalt  }
.Lfunc_end0:
.L_simem_size_0:
called_computation.3_lowered:
.L_overlay_start_0:
0x88: {  	s2 =	sld [smem:$0x3FD9]  }
0x89: {  	s3 =	sld [smem:$0x3FFE];
	_ =	sdelay $0x1  }
0x8a: {  	s1 =	srdreg.scid  }
0x8b: {  	s0 =	sand.u32 $0x1, s1  }
0x8c: {  	s17 =	sshll.u32 s0, $0xA;
	s2 =	sadd.s32 s3, s2  }
0x8d: {  	s2 =	sadd.s32 s2, s17  }
0x8e: {  	[smem:$0x3FB7] =	sst s2  }
0x8f: {  	_ = 	snop  }
0x90: {  	(tm) =	ssettm $0x1  }
0x91: {  	s18 =	sld [smem:$0x3FFB];
	_ =	sdelay $0x3  }
0x92: {  	_ =	strace s18  }
0x93: {  	s2 =	sld [smem:$0x3FFC];
	_ =	sdelay $0x3  }
0x94: {  	_ =	strace s2  }
0x95: {  	s2 =	sld [smem:$0x3FFD];
	_ =	sdelay $0x3  }
0x96: {  	_ =	strace s2  }
0x97: {  	_ =	strace $0x8FFFFFFF  }
0x98: {  	s19 =	sld [smem:$0x3FDB];
	_ =	sdelay $0x1  }
0x99: {  	s20 =	simm.s32 $_scs_section_size  }
0x9a: {  	s4 =	simm.s32 $_size__tile_overlayer_lowered;
	s5 =	simm.s32 $_tile_overlayer_lowered  }
0x9b: {  	s6 =	simm.s32 $0x1BFF;
	s21 =	sshll.u32 s5, $0x1;
	s3 =	sadd.s32 s20, s19  }
0x9c: {  	s22 =	simm.s32 $0x0;
	s4 =	sshll.u32 s4, $0x1;
	s5 =	sadd.s32 s21, s3  }
0x9d: {  	[timem:s22], [sflag:s6] =	dma.local [hbm:s5], s4  }
0x9e: {  	_ =	swait.ge [sflag:s6], s4  }
0x9f: {  	s4 =	ssub.s32 $0x0, s4;
	[sflag:s6] =	ssyncset.done $0x0  }
0xa0: {  	[sflag:s6] =	ssyncadd.s32 s4;
	_ =	sdelay $0x1  }
0xa1: {  	s23 =	simm.s32 $0x1B8B  }
0xa2: {  	_ =	swait.ge [sflag:s23], $0x1  }
0xa3: {  	[sflag:s23] =	ssyncset.done $0x0  }
0xa4: {  	[sflag:s23] =	ssyncadd.s32 $0xFFFFFFFF  }
0xa5: {  	s4 =	sld [smem:$0x0]  }
0xa6: {  	s5 =	sand.u32 $0xFFFFFFFE, s1  }
0xa7: {  	p0 =	sne.s32 s1, s5  }
0xa8: {  	s5 =	sshll.u32 @p0 s5, $0xE  }
0xa9: {  	s5 =	sadd.s32 @p0 $0x11B8D, s5;
	s6 =	sshll.u32 @p0 s4, $0x11  }
0xaa: {  	s5 =	sor.u32 @p0 s6, s5  }
0xab: {  	[sflag:s5] =	ssyncadd.remote.s32 @p0 $0x1;
	_ =	sdelay $0x1  }
0xac: {  	s5 =	simm.s32 @p0 $0x1B8D  }
0xad: {  	_ =	swait.eq @p0 [sflag:s5], $0x1  }
0xae: {  	[sflag:s5] =	ssyncadd.s32 @p0 $0xFFFFFFFF  }
0xaf: {  	s6 =	sshll.u32 @!p0 s1, $0xE  }
0xb0: {  	s6 =	sor.u32 @!p0 $0x4000, s6;
	s5 =	simm.s32 @!p0 $0x1B8D  }
0xb1: {  	s4 =	sshll.u32 @!p0 s4, $0x11;
	s6 =	sadd.s32 @!p0 $0x11B8D, s6;
	_ =	swait.eq @!p0 [sflag:s5], $0x1  }
0xb2: {  	s4 =	sor.u32 @!p0 s4, s6;
	[sflag:s5] =	ssyncadd.s32 @!p0 $0xFFFFFFFF  }
0xb3: {  	s25 =	simm.s32 $0x1B8E;
	s24 =	sld [smem:$0x3FFE];
	[sflag:s4] =	ssyncadd.remote.s32 @!p0 $0x1  }
0xb4: {  	s26 =	simm.s32 $execute0_lowered;
	[smem:$0x3FD2] =	sst s25  }
0xb5: {  	s5 =	sshll.u32 s26, $0x1;
	_ =	strace $0x8000004F;
	[dreg:$0x1] =	wrdreg $0xFFFFFFFF  }
0xb6: {  	s28 =	simm.s32 $_size_execute0_lowered;
	s3 =	sadd.s32 s3, s5;
	[dreg:$0x0] =	wrdreg $0x0  }
0xb7: {  	s5 =	sshll.u32 s28, $0x1;
	[dreg:$0x2] =	wrdreg s3  }
0xb8: {  	[dreg:$0x3] =	wrdreg s5  }
0xb9: {  	[dreg:$0x4] =	wrdreg $0xC0  }
0xba: {  	_ =	task [dreg:s22], $0x5FFFF  }
0xbb: {  	[dreg:$0x1] =	wrdreg $0xFFFFFFFF  }
0xbc: {  	[dreg:$0x0] =	wrdreg $0x60  }
0xbd: {  	[dreg:$0x2] =	wrdreg s24  }
0xbe: {  	[dreg:$0x3] =	wrdreg $0x42000  }
0xbf: {  	[dreg:$0x4] =	wrdreg $0xA  }
0xc0: {  	_ =	task.clear_ibuf [dreg:s22], $0x5FFFF;
	_ =	strace $0x9000004F  }
0xc1: {  	s29 =	simm.s32 $0xA;
	_ =	strace $0x80000051  }
0xc2: {  	_ =	swait.ge [sflag:s29], $0x1  }
0xc3: {  	[sflag:s29] =	ssyncadd.s32 $0xFFFFFFFF  }
0xc4: {  	_ =	strace $0x90000051  }
0xc5: {  	_ =	sfence  }
0xc6: {  	s30 =	sld [smem:$0x0];
	_ =	sdelay $0x2  }
0xc7: {  	s31 =	sshll.u32 s1, $0xD;
	s1 =	sshrl.u32 s1, $0x2  }
0xc8: {  	s4 =	sand.u32 $0x4000, s31;
	s1 =	sadd.s32 s1, s30  }
0xc9: {  	s0 =	sor.u32 s4, s0;
	s1 =	sshll.u32 s1, $0x11  }
0xca: {  	s0 =	sor.u32 s1, s0  }
0xcb: {  	s0 =	sadd.s32 $0x8F2B, s0  }
0xcc: {  	[sflag:s0] =	ssyncadd.remote.s32 $0x1  }
0xcd: {  	_ =	sfence.sel $0xFFFF  }
0xce: {  	[dreg:$0x0] =	wrdreg $0xFFFFFFFF;
	(pc) =	sbr.abs _section_cstart, $3  }
0xcf: {  	[dreg:$0x1] =	wrdreg $0xFFFFFFFF  }
0xd0: {  	_ =	task.clear_ibuf [dreg:s22], $0x2FFFF;
	_ =	strace $0x9FFFFFFF  }
0xd1: {  	(tm) =	ssettm $0x7FFFFFFF  }
tec
execute0_lowered:
.L_overlay_start_1:
0x0: {  	(tag) =	ssettag $0x1  }
0x1: {  	s0 =	rddreg [dreg:$0x0];
	s1 =	srdreg.scid  }
0x2: {  	s2 =	rddreg [dreg:$0x1];
	s10 =	stileid.u32;
	s3 =	simm.s32 $0x0  }
0x3: {  	s28 =	simm.s32 $0x4;
	s29 =	simm.s32 $0x2200;
	s6 =	smul.u32 $0x13C00, s10  }
0x4: {  	s30 =	simm.s32 $0x80;
	s31 =	simm.s32 $0x2;
	s7 =	smul.u32 $0x4F000, s10  }
0x5: {  	s1 =	sand.u32 $0x1, s1;
	[smem:$0x7FF] =	sst s3;
	s21 =	smul.u32 $0x14400, s10  }
0x6: {  	s4 =	sadd.s32 $0x4E00, s0;
	s8 =	sshll.u32 s10, $0x1;
	s5 =	smul.u32 $0x13C000, s1  }
0x7: {  	_ =	strace $0x80000050;
	s17 =	ssub.s32 $0x2, s1;
	s8 =	sor.u32 s1, s8  }
0x8: {  	s1 =	smul.u32 $0xA200, s1;
	s9 =	sshrl.u32 s17, $0x1;
	s7 =	sshrl.u32 s7, $0x2  }
0x9: {  	s18 =	smul.u32 $0xA200, s8;
	s6 =	sadd.s32 s6, s5;
	s5 =	sadd.s32 $0x2C000, s0  }
0xa: {  	s9 =	ssub.s32 s17, s9;
	s1 =	sadd.s32 s1, s21;
	s6 =	sshrl.u32 s6, $0x3  }
0xb: {  	s25 =	sadd.s32 $0x300, s1;
	s21 =	sadd.s32 $0x200, s1;
	s1 =	simm.s32 $0x180  }
0xc: {  	s0 =	sadd.s32 s6, s0;
	s6 =	sadd.s32 s7, s2;
	s7 =	sshrl.u32 s18, $0x3  }
0xd: {  	s26 =	sshrl.u32 s25, $0x3;
	s25 =	simm.s32 $0x40;
	s19 =	sadd.s32 $0x2000, s6  }
0xe: {  	s20 =	sadd.s32 $0x4000, s6;
	s22 =	sadd.s32 $0x6000, s6;
	s23 =	sadd.s32 $0x8000, s6  }
0xf: {  	s24 =	sadd.s32 $0xA000, s6;
	s12 =	sadd.s32 $0xC000, s6;
	[dreg:$0x3] =	wrdreg s19  }
0x10: {  	s13 =	sadd.s32 $0xE000, s6;
	s14 =	sadd.s32 $0x10000, s6;
	[dreg:$0x4] =	wrdreg s20  }
0x11: {  	s15 =	sadd.s32 $0x12000, s6;
	s16 =	sadd.s32 s5, s7;
	[dreg:$0x5] =	wrdreg s22  }
0x12: {  	s18 =	sadd.s32 $0x54800, s0;
	s0 =	simm.s32 $0x3;
	[dreg:$0x6] =	wrdreg s23  }
0x13: {  	s7 =	simm.s32 $0x0;
	[dreg:$0x7] =	wrdreg s24;
	s17 =	sadd.s32 $0x20, s16  }
0x14: {  	s19 =	smax.u32 s9, $0x1;
	s20 =	sadd.s32 s26, s5;
	s22 =	simm.s32 $0x200  }
0x15: {  	v0 =	vimm.f32 $0.0e+00;
	s23 =	simm.s32 $0x5;
	s24 =	simm.s32 $0x100;
	s26 =	simm.s32 $0x1  }
.LBB2_1:
0x16: {  	s8 =	simm.s32 $0x0;
	s9 =	simm.s32 $0x200  }
.LBB2_2:
0x17: {  	p0 =	sne.s32 s9, $0x7E00;
	[tilespmem:s8+$0x270] =	vst v0  }
0x18: {  	[tilespmem:s8+$0x200] =	vst v0  }
0x19: {  	[tilespmem:s8+$0x210] =	vst v0  }
.Ltmp0:
0x1a: {  	[tilespmem:s8+$0x220] =	vst v0;
	(pc) =	sbr.rel @p0 .LBB2_2-.Ltmp0, $4  }
0x1b: {  	[tilespmem:s8+$0x230] =	vst v0  }
0x1c: {  	[tilespmem:s8+$0x240] =	vst v0  }
0x1d: {  	[tilespmem:s8+$0x250] =	vst v0  }
0x1e: {  	[tilespmem:s8+$0x260] =	vst v0;
	s8 =	sshra.s32 s9, $0x2;
	s9 =	sadd.s32 $0x200, s9  }
0x1f: {  	[tilespmem:s8+$0x270] =	vst v0  }
0x20: {  	[tilespmem:s8+$0x200] =	vst v0  }
0x21: {  	[tilespmem:s8+$0x210] =	vst v0  }
0x22: {  	[tilespmem:s8+$0x220] =	vst v0  }
0x23: {  	[tilespmem:s8+$0x230] =	vst v0  }
0x24: {  	[tilespmem:s8+$0x240] =	vst v0  }
0x25: {  	[tilespmem:s8+$0x250] =	vst v0  }
0x26: {  	[tilespmem:s8+$0x260] =	vst v0  }
0x27: {  	[spmem:s6] =	stream.linear.scatter [tilespmem:s22], [sflag:$0x5], $0x2000, $0x38;
	[tilespmem:$0x17E00] =	vst v63  }
0x28: {  	_ =	swait.ge [sflag:s23], $0x2000  }
0x29: {  	[sflag:s23] =	ssyncset.done $0x0  }
0x2a: {  	s11 =	rddreg [dreg:$0x3];
	[sflag:s23] =	ssyncadd.s32 $0xFFFFE000  }
0x2b: {  	[spmem:s11] =	stream.linear.scatter [tilespmem:s22], [sflag:$0x5], $0x2000, $0x38;
	[tilespmem:$0x17E00] =	vst v63  }
0x2c: {  	_ =	swait.ge [sflag:s23], $0x2000  }
0x2d: {  	[sflag:s23] =	ssyncset.done $0x0  }
0x2e: {  	s9 =	rddreg [dreg:$0x4];
	[sflag:s23] =	ssyncadd.s32 $0xFFFFE000  }
0x2f: {  	[spmem:s9] =	stream.linear.scatter [tilespmem:s22], [sflag:$0x5], $0x2000, $0x38;
	[tilespmem:$0x17E00] =	vst v63  }
0x30: {  	_ =	swait.ge [sflag:s23], $0x2000  }
0x31: {  	[sflag:s23] =	ssyncset.done $0x0  }
0x32: {  	s10 =	rddreg [dreg:$0x5];
	[sflag:s23] =	ssyncadd.s32 $0xFFFFE000  }
0x33: {  	[spmem:s10] =	stream.linear.scatter [tilespmem:s22], [sflag:$0x5], $0x2000, $0x38;
	[tilespmem:$0x17E00] =	vst v63  }
0x34: {  	_ =	swait.ge [sflag:s23], $0x2000  }
0x35: {  	[sflag:s23] =	ssyncset.done $0x0  }
0x36: {  	s11 =	rddreg [dreg:$0x6];
	[sflag:s23] =	ssyncadd.s32 $0xFFFFE000  }
0x37: {  	[spmem:s11] =	stream.linear.scatter [tilespmem:s22], [sflag:$0x5], $0x2000, $0x38;
	[tilespmem:$0x17E00] =	vst v63  }
0x38: {  	_ =	swait.ge [sflag:s23], $0x2000  }
0x39: {  	[sflag:s23] =	ssyncset.done $0x0  }
0x3a: {  	s9 =	rddreg [dreg:$0x7];
	[sflag:s23] =	ssyncadd.s32 $0xFFFFE000  }
0x3b: {  	[spmem:s9] =	stream.linear.scatter [tilespmem:s22], [sflag:$0x5], $0x2000, $0x38;
	[tilespmem:$0x17E00] =	vst v63  }
0x3c: {  	_ =	swait.ge [sflag:s23], $0x2000  }
0x3d: {  	[sflag:s23] =	ssyncset.done $0x0  }
0x3e: {  	[sflag:s23] =	ssyncadd.s32 $0xFFFFE000  }
0x3f: {  	[spmem:s12] =	stream.linear.scatter [tilespmem:s22], [sflag:$0x5], $0x2000, $0x38;
	[tilespmem:$0x17E00] =	vst v63  }
0x40: {  	_ =	swait.ge [sflag:s23], $0x2000  }
0x41: {  	[sflag:s23] =	ssyncset.done $0x0  }
0x42: {  	[sflag:s23] =	ssyncadd.s32 $0xFFFFE000  }
0x43: {  	[spmem:s13] =	stream.linear.scatter [tilespmem:s22], [sflag:$0x5], $0x2000, $0x38;
	[tilespmem:$0x17E00] =	vst v63  }
0x44: {  	_ =	swait.ge [sflag:s23], $0x2000  }
0x45: {  	[sflag:s23] =	ssyncset.done $0x0  }
0x46: {  	[sflag:s23] =	ssyncadd.s32 $0xFFFFE000  }
0x47: {  	[spmem:s14] =	stream.linear.scatter [tilespmem:s22], [sflag:$0x5], $0x2000, $0x38;
	[tilespmem:$0x17E00] =	vst v63  }
0x48: {  	_ =	swait.ge [sflag:s23], $0x2000  }
0x49: {  	[sflag:s23] =	ssyncset.done $0x0  }
0x4a: {  	[sflag:s23] =	ssyncadd.s32 $0xFFFFE000  }
0x4b: {  	[spmem:s15] =	stream.linear.scatter [tilespmem:s22], [sflag:$0x5], $0x1C00, $0x38;
	[tilespmem:$0x17E00] =	vst v63  }
0x4c: {  	_ =	swait.ge [sflag:s23], $0x1C00  }
0x4d: {  	[sflag:s23] =	ssyncset.done $0x0  }
0x4e: {  	[sflag:s23] =	ssyncadd.s32 $0xFFFFE400  }
0x4f: {  	s10 =	simm.s32 $0x0;
	[bflag:$0x0] =	sbarrier.arrive $0xFFFF  }
0x50: {  	[tilespmem:s10], [sflag:$0x5] =	stream.linear.gather [hbm4b:s16+s10], $0x100, $0x38;
	[tilespmem:$0x17E00] =	vst v63  }
0x51: {  	_ =	swait.ge [sflag:s23], $0x100  }
0x52: {  	[sflag:s23] =	ssyncset.done $0x0  }
0x53: {  	[sflag:s23] =	ssyncadd.s32 $0xFFFFFF00  }
0x54: {  	[tilespmem:s24], [sflag:$0x4] =	stream.linear.gather [hbm4b:s17+s10], $0x100, $0x38;
	[tilespmem:$0x17E00] =	vst v63  }
0x55: {  	_ = 	snop  }
0x56: {  	[tilespmem:s22], [sflag:$0x1] =	stream.indirect.gather [hbm4b:s4+s25], $0x80, s10, s25, $0xb8;
	[tilespmem:$0x17E00] =	vst v63  }
0x57: {  	_ =	swait.ge [sflag:s26], $0x2000  }
0x58: {  	[sflag:s26] =	ssyncset.done $0x0  }
0x59: {  	[sflag:s26] =	ssyncadd.s32 $0xFFFFE000  }
0x5a: {  	_ =	swait.ge [sflag:s28], $0x100  }
0x5b: {  	[sflag:s28] =	ssyncset.done $0x0  }
0x5c: {  	[sflag:s28] =	ssyncadd.s32 $0xFFFFFF00  }
0x5d: {  	[tilespmem:s29], [sflag:$0x2] =	stream.indirect.gather [hbm4b:s4+s25], $0x80, s24, s25, $0xb8;
	[tilespmem:$0x17E00] =	vst v63  }
0x5e: {  	_ = 	snop  }
0x5f: {  	[spmem:s2] =	stream.indirect.scatter.add.f32 [tilespmem:s22], [sflag:$0x5], $0x80, s30, s25, $0xb8;
	[tilespmem:$0x17E00] =	vst v63  }
0x60: {  	_ =	swait.ge [sflag:s23], $0x2000  }
0x61: {  	s11 =	sshrl.u32 s21, $0x3;
	[sflag:s23] =	ssyncset.done $0x0  }
0x62: {  	s8 =	sadd.s32 s5, s11;
	[sflag:s23] =	ssyncadd.s32 $0xFFFFE000  }
0x63: {  	[tilespmem:s3], [sflag:$0x3] =	stream.linear.gather [hbm4b:s8+s3], $0x100, $0x38;
	[tilespmem:$0x17E00] =	vst v63  }
0x64: {  	_ =	swait.ge [sflag:s31], $0x2000  }
0x65: {  	[sflag:s31] =	ssyncset.done $0x0  }
0x66: {  	[sflag:s31] =	ssyncadd.s32 $0xFFFFE000  }
0x67: {  	_ =	swait.ge [sflag:s0], $0x100  }
0x68: {  	[sflag:s0] =	ssyncset.done $0x0  }
0x69: {  	[sflag:s0] =	ssyncadd.s32 $0xFFFFFF00  }
0x6a: {  	[tilespmem:s22], [sflag:$0x1] =	stream.indirect.gather [hbm4b:s4+s25], $0x80, s3, s25, $0xb8;
	[tilespmem:$0x17E00] =	vst v63  }
0x6b: {  	_ = 	snop  }
0x6c: {  	[spmem:s2] =	stream.indirect.scatter.add.f32 [tilespmem:s29], [sflag:$0x5], $0x80, s1, s25, $0xb8;
	[tilespmem:$0x17E00] =	vst v63  }
0x6d: {  	_ =	swait.ge [sflag:s23], $0x2000  }
0x6e: {  	s9 =	sadd.s32 $0x200, s21;
	[sflag:s23] =	ssyncset.done $0x0  }
0x6f: {  	s10 =	sadd.s32 $0x0, s20;
	s8 =	simm.s32 $0x40;
	[sflag:s23] =	ssyncadd.s32 $0xFFFFE000  }
.LBB2_4:
0x70: {  	[tilespmem:s24], [sflag:$0x4] =	stream.linear.gather [hbm4b:s10+s3], $0x100, $0x38;
	[tilespmem:$0x17E00] =	vst v63  }
0x71: {  	s10 =	smov.u32 s8  }
0x72: {  	p0 =	sne.s32 s8, $0x13C0;
	s8 =	sadd.s32 $0x40, s8;
	_ =	swait.ge [sflag:s26], $0x2000  }
0x73: {  	[sflag:s26] =	ssyncset.done $0x0  }
0x74: {  	[sflag:s26] =	ssyncadd.s32 $0xFFFFE000  }
0x75: {  	_ =	swait.ge [sflag:s28], $0x100  }
0x76: {  	[sflag:s28] =	ssyncset.done $0x0  }
0x77: {  	[sflag:s28] =	ssyncadd.s32 $0xFFFFFF00  }
0x78: {  	[tilespmem:s29], [sflag:$0x2] =	stream.indirect.gather [hbm4b:s4+s25], $0x80, s24, s25, $0xb8;
	[tilespmem:$0x17E00] =	vst v63  }
0x79: {  	_ = 	snop  }
0x7a: {  	[spmem:s2] =	stream.indirect.scatter.add.f32 [tilespmem:s22], [sflag:$0x5], $0x80, s30, s25, $0xb8;
	[tilespmem:$0x17E00] =	vst v63  }
0x7b: {  	_ =	swait.ge [sflag:s23], $0x2000  }
0x7c: {  	s11 =	sshrl.u32 s9, $0x3;
	[sflag:s23] =	ssyncset.done $0x0  }
0x7d: {  	s11 =	sadd.s32 s5, s11;
	[sflag:s23] =	ssyncadd.s32 $0xFFFFE000  }
0x7e: {  	[tilespmem:s3], [sflag:$0x3] =	stream.linear.gather [hbm4b:s11+s3], $0x100, $0x38;
	[tilespmem:$0x17E00] =	vst v63  }
0x7f: {  	_ =	swait.ge [sflag:s31], $0x2000  }
0x80: {  	[sflag:s31] =	ssyncset.done $0x0  }
0x81: {  	[sflag:s31] =	ssyncadd.s32 $0xFFFFE000  }
0x82: {  	_ =	swait.ge [sflag:s0], $0x100  }
0x83: {  	[sflag:s0] =	ssyncset.done $0x0  }
0x84: {  	[sflag:s0] =	ssyncadd.s32 $0xFFFFFF00  }
0x85: {  	[tilespmem:s22], [sflag:$0x1] =	stream.indirect.gather [hbm4b:s4+s25], $0x80, s3, s25, $0xb8;
	[tilespmem:$0x17E00] =	vst v63  }
.Ltmp1:
0x86: {  	(pc) =	sbr.rel @p0 .LBB2_4-.Ltmp1, $4  }
0x87: {  	[spmem:s2] =	stream.indirect.scatter.add.f32 [tilespmem:s29], [sflag:$0x5], $0x80, s1, s25, $0xb8;
	[tilespmem:$0x17E00] =	vst v63  }
0x88: {  	_ =	swait.ge [sflag:s23], $0x2000  }
0x89: {  	[sflag:s23] =	ssyncset.done $0x0  }
0x8a: {  	s9 =	sadd.s32 $0x200, s9;
	s10 =	sadd.s32 s10, s20;
	[sflag:s23] =	ssyncadd.s32 $0xFFFFE000  }
0x8b: {  	[tilespmem:s24], [sflag:$0x4] =	stream.linear.gather [hbm4b:s10+s3], $0x100, $0x38;
	[tilespmem:$0x17E00] =	vst v63  }
0x8c: {  	_ =	swait.ge [sflag:s26], $0x2000  }
0x8d: {  	[sflag:s26] =	ssyncset.done $0x0  }
0x8e: {  	[sflag:s26] =	ssyncadd.s32 $0xFFFFE000  }
0x8f: {  	s8 =	stileid.u32;
	_ =	swait.ge [sflag:s28], $0x100  }
0x90: {  	s9 =	sshrl.u32 s6, $0x3;
	s7 =	sadd.s32 $0x1, s7;
	[sflag:s28] =	ssyncset.done $0x0  }
0x91: {  	s8 =	sshll.u32 s8, $0x6;
	p0 =	sne.s32 s7, s19;
	[sflag:s28] =	ssyncadd.s32 $0xFFFFFF00  }
.Ltmp2:
0x92: {  	s8 =	sor.u32 $0x1C05, s8;
	[bflag:$0x0] =	sbarrier.arrive $0xFFFF;
	(pc) =	sbr.rel @p0 .LBB2_1-.Ltmp2, $4  }
0x93: {  	[hbm:s18], [sflag:s8] =	dma.local [spmem:s9], $0x2780  }
0x94: {  	_ =	swait.ge [sflag:s23], $0x2780  }
0x95: {  	[sflag:s23] =	ssyncset.done $0x0  }
0x96: {  	[sflag:s23] =	ssyncadd.s32 $0xFFFFD880  }
0x97: {  	_ =	sfence.sel $0x180000  }
0x98: {  	[bflag:$0x0] =	sbarrier.arrive $0xFFFF  }
0x99: {  	_ =	strace $0x90000050  }
0x9a: {  	s0 =	stileid.u32;
	[bflag:$0x2] =	sbarrier.arrive $0xFFFF  }
0x9b: {  	p0 =	sne.s32 s0, $0x0;
	s0 =	rddreg [dreg:$0x2]  }
0x9c: {  	s0 =	sadd.s32 @!p0 $0x100000, s0  }
0x9d: {  	[sflag:s0] =	ssyncadd.tile.s32 @!p0 $0x1;
	_ =	shalt  }
.Lfunc_end2:
_tile_overlayer_lowered:
.L_overlay_start_2:
0x9e: {  	(tag) =	ssettag $0x2  }
0x9f: {  	s0 =	rddreg [dreg:$0x0];
	s2 =	stileid.u32  }
0xa0: {  	s1 =	rddreg [dreg:$0x1];
	p0 =	sne.s32 s2, $0x0  }
0xa1: {  	s3 =	rddreg [dreg:$0x2];
	[bflag:$0x3] =	sbarrier.arrive $0xFFFF;
	s2 =	simm.s32 @!p0 $0x1C05  }
0xa2: {  	[timem:s3], [sflag:s2] =	dma.local @!p0 [hbm:s0], s1  }
0xa3: {  	s0 =	simm.s32 @!p0 $0x5  }
0xa4: {  	_ =	swait.ge @!p0 [sflag:s0], s1  }
0xa5: {  	s1 =	ssub.s32 @!p0 $0x0, s1;
	[sflag:s0] =	ssyncset.done @!p0 $0x0  }
0xa6: {  	[sflag:s0] =	ssyncadd.s32 @!p0 s1  }
0xa7: {  	[bflag:$0x3] =	sbarrier.arrive $0xFFFF  }
0xa8: {  	_ =	shalt  }

// kernel: kernel.24.cloned.1.call-start
scs
__scs_entry_jumppad:
0x0: {  	(pc) =	sbr.rel $0x88, $3  }
0x1: {  	(tag) =	ssettag $0x0;
	lr =	simm.s32 $0x1  }
0x2: {  	[smem:$0x3F90] =	sst lr;
	_ =	strace $0xD0000000  }
0x3: {  	_ = 	snop  }
0x4: {  	_ = 	snop  }
0x5: {  	_ = 	snop  }
0x6: {  	_ = 	snop  }
0x7: {  	_ = 	snop  }
__scs_overlays_trampoline_lowered:
0x8: {  	[smem:$0x3F9F] =	sst s0  }
0x9: {  	[smem:$0x3FA0] =	sst s1  }
0xa: {  	[smem:$0x3FA1] =	sst s2  }
0xb: {  	[smem:$0x3FA2] =	sst s3  }
0xc: {  	[smem:$0x3FA3] =	sst s4  }
0xd: {  	[smem:$0x3FA4] =	sst s5  }
0xe: {  	[smem:$0x3FA5] =	sst s6  }
0xf: {  	[smem:$0x3FA6] =	sst s7  }
0x10: {  	[smem:$0x3FA7] =	sst s8  }
0x11: {  	[smem:$0x3FA8] =	sst s9;
	s0 =	simm.s32 @!p0 $0x0  }
0x12: {  	s1 =	sld [smem:$0x3F8E];
	s0 =	simm.s32 @p0 $0x1  }
0x13: {  	[smem:$0x3FA9] =	sst s0;
	s0 =	simm.s32 @!p1 $0x0  }
0x14: {  	s2 =	sld [smem:$0x3F8D];
	s0 =	simm.s32 @p1 $0x1  }
0x15: {  	[smem:$0x3FAA] =	sst s0;
	s0 =	simm.s32 @!p2 $0x0  }
0x16: {  	s3 =	sld [smem:$0x3FDB];
	s0 =	simm.s32 @p2 $0x1  }
0x17: {  	s4 =	simm.s32 $0x1BF5;
	[smem:$0x3FAC] =	sst s0  }
0x18: {  	s0 =	sld [smem:$0x3F8F];
	_ =	swait.ge [sflag:s4], $0x0  }
0x19: {  	s7 =	sld [smem:$0x3F90]  }
0x1a: {  	s8 =	sadd.s32 $0xFFFFE003, lr  }
0x1b: {  	s9 =	sadd.s32 $0xFFFFFEF7, lr;
	s5 =	simm.s32 $0xFFFFFFFF;
	p2 =	slt.u32 s8, $0xFFFFF086  }
0x1c: {  	p1 =	slt.u32 s9, $0xF7A;
	s5 =	simm.s32 @!p2 $0x0  }
0x1d: {  	s5 =	simm.s32 @p1 $0x1;
	p0 =	seq.s32 s7, s2  }
0x1e: {  	s7 =	smul.u32 @!p0 $0xF7A, s2;
	p2 =	seq.s32 @!p0 s5, $0x0  }
0x1f: {  	s9 =	smul.u32 $0xF7A, s1;
	s8 =	simm.s32 @!p0 $0x1BF5;
	p2 =	por !p2, p0  }
0x20: {  	[sflag:s8] =	ssyncset.s32 @!p0 $0xFFFFF086;
	s6 =	sadd.s32 @!p0 s3, s7;
	s7 =	simm.s32 @!p0 $0x108  }
0x21: {  	s3 =	sadd.s32 s3, s9;
	s6 =	sadd.s32 @!p0 $0x88, s6;
	s7 =	simm.s32 @p2 $0x1082  }
0x22: {  	[simem:s7], [sflag:s8] =	dma.local @!p0 [hbm:s6], $0xF7A  }
0x23: {  	s9 =	sor.u32 $0xD0000000, s2;
	s6 =	simm.s32 $0x108;
	_ =	swait.ge @!p0 [sflag:s8], $0x0  }
0x24: {  	s3 =	sadd.s32 $0x88, s3;
	s6 =	simm.s32 @!p1 $0x1082;
	[sflag:s4] =	ssyncset.s32 $0xFFFFF086  }
0x25: {  	[simem:s6], [sflag:s4] =	dma.local [hbm:s3], $0xF7A  }
0x26: {  	[smem:$0x3F90] =	sst s1;
	(tag) =	ssettag s2;
	_ =	strace s9  }
0x27: {  	s1 =	sld [smem:$0x3FA0]  }
0x28: {  	s2 =	sld [smem:$0x3FA1]  }
0x29: {  	s4 =	sld [smem:$0x3FA3]  }
0x2a: {  	p0 =	seq.s32 s5, $0x0;
	s5 =	sld [smem:$0x3FA4]  }
0x2b: {  	s6 =	sld [smem:$0x3FA5]  }
0x2c: {  	s7 =	sld [smem:$0x3FA6]  }
0x2d: {  	s3 =	simm.s32 $0x108;
	s8 =	sld [smem:$0x3FA7]  }
0x2e: {  	s3 =	simm.s32 @!p0 $0x1082;
	s9 =	sld [smem:$0x3FA8]  }
0x2f: {  	lr =	sadd.s32 s0, s3;
	s0 =	sld [smem:$0x3F9F]  }
0x30: {  	s3 =	sld [smem:$0x3FA2]  }
0x31: {  	[smem:$0x3FAB] =	sst s10  }
0x32: {  	s10 =	sld [smem:$0x3FA9];
	_ =	sdelay $0x3  }
0x33: {  	p0 =	seq.s32 s10, $0x1;
	s10 =	sld [smem:$0x3FAB];
	_ =	sdelay $0x3  }
0x34: {  	[smem:$0x3FAB] =	sst s10  }
0x35: {  	s10 =	sld [smem:$0x3FAA];
	_ =	sdelay $0x3  }
0x36: {  	p1 =	seq.s32 s10, $0x1;
	s10 =	sld [smem:$0x3FAB];
	_ =	sdelay $0x3  }
0x37: {  	[smem:$0x3FAB] =	sst s10  }
0x38: {  	s10 =	sld [smem:$0x3FAC]  }
0x39: {  	_ = 	snop;
	(pc) =	sbr.ind lr, $3  }
0x3a: {  	_ = 	snop  }
0x3b: {  	_ = 	snop  }
0x3c: {  	p2 =	seq.s32 s10, $0x1;
	s10 =	sld [smem:$0x3FAB]  }
0x3d: {  	_ =	shalt  }
0x3e: {  	_ =	shalt  }
0x3f: {  	_ =	shalt  }
0x40: {  	_ =	shalt  }
0x41: {  	_ =	shalt  }
0x42: {  	_ =	shalt  }
0x43: {  	_ =	shalt  }
0x44: {  	_ =	shalt  }
0x45: {  	_ =	shalt  }
0x46: {  	_ =	shalt  }
0x47: {  	_ =	shalt  }
0x48: {  	_ =	shalt  }
0x49: {  	_ =	shalt  }
0x4a: {  	_ =	shalt  }
0x4b: {  	_ =	shalt  }
0x4c: {  	_ =	shalt  }
0x4d: {  	_ =	shalt  }
0x4e: {  	_ =	shalt  }
0x4f: {  	_ =	shalt  }
0x50: {  	_ =	shalt  }
0x51: {  	_ =	shalt  }
0x52: {  	_ =	shalt  }
0x53: {  	_ =	shalt  }
0x54: {  	_ =	shalt  }
0x55: {  	_ =	shalt  }
0x56: {  	_ =	shalt  }
0x57: {  	_ =	shalt  }
0x58: {  	_ =	shalt  }
0x59: {  	_ =	shalt  }
0x5a: {  	_ =	shalt  }
0x5b: {  	_ =	shalt  }
0x5c: {  	_ =	shalt  }
0x5d: {  	_ =	shalt  }
0x5e: {  	_ =	shalt  }
0x5f: {  	_ =	shalt  }
0x60: {  	_ =	shalt  }
0x61: {  	_ =	shalt  }
0x62: {  	_ =	shalt  }
0x63: {  	_ =	shalt  }
0x64: {  	_ =	shalt  }
0x65: {  	_ =	shalt  }
0x66: {  	_ =	shalt  }
0x67: {  	_ =	shalt  }
0x68: {  	_ =	shalt  }
0x69: {  	_ =	shalt  }
0x6a: {  	_ =	shalt  }
0x6b: {  	_ =	shalt  }
0x6c: {  	_ =	shalt  }
0x6d: {  	_ =	shalt  }
0x6e: {  	_ =	shalt  }
0x6f: {  	_ =	shalt  }
0x70: {  	_ =	shalt  }
0x71: {  	_ =	shalt  }
0x72: {  	_ =	shalt  }
0x73: {  	_ =	shalt  }
0x74: {  	_ =	shalt  }
0x75: {  	_ =	shalt  }
0x76: {  	_ =	shalt  }
0x77: {  	_ =	shalt  }
0x78: {  	_ =	shalt  }
0x79: {  	_ =	shalt  }
0x7a: {  	_ =	shalt  }
0x7b: {  	_ =	shalt  }
0x7c: {  	_ =	shalt  }
0x7d: {  	_ =	shalt  }
0x7e: {  	_ =	shalt  }
0x7f: {  	_ =	shalt  }
0x80: {  	_ =	shalt  }
0x81: {  	_ =	shalt  }
0x82: {  	_ =	shalt  }
0x83: {  	_ =	shalt  }
0x84: {  	_ =	shalt  }
0x85: {  	_ =	shalt  }
0x86: {  	_ =	shalt  }
0x87: {  	_ =	shalt  }
.Lfunc_end0:
.L_simem_size_0:
called_computation.4_lowered:
.L_overlay_start_0:
0x88: {  	s2 =	sld [smem:$0x3FD9]  }
0x89: {  	s3 =	sld [smem:$0x3FFE];
	_ =	sdelay $0x1  }
0x8a: {  	s1 =	srdreg.scid  }
0x8b: {  	s0 =	sand.u32 $0x1, s1  }
0x8c: {  	s16 =	sshll.u32 s0, $0xA;
	s2 =	sadd.s32 s3, s2  }
0x8d: {  	s2 =	sadd.s32 s2, s16  }
0x8e: {  	[smem:$0x3FB7] =	sst s2  }
0x8f: {  	_ = 	snop  }
0x90: {  	(tm) =	ssettm $0x1  }
0x91: {  	s17 =	sld [smem:$0x3FFB];
	_ =	sdelay $0x3  }
0x92: {  	_ =	strace s17  }
0x93: {  	s2 =	sld [smem:$0x3FFC];
	_ =	sdelay $0x3  }
0x94: {  	_ =	strace s2  }
0x95: {  	s2 =	sld [smem:$0x3FFD];
	_ =	sdelay $0x3  }
0x96: {  	_ =	strace s2  }
0x97: {  	_ =	strace $0x8FFFFFFF  }
0x98: {  	s18 =	sld [smem:$0x3FDB];
	_ =	sdelay $0x1  }
0x99: {  	s19 =	simm.s32 $_scs_section_size  }
0x9a: {  	s4 =	simm.s32 $_size__tile_overlayer_lowered;
	s5 =	simm.s32 $_tile_overlayer_lowered  }
0x9b: {  	s22 =	simm.s32 $0x1BFF;
	s21 =	sshll.u32 s5, $0x1;
	s2 =	sadd.s32 s19, s18  }
0x9c: {  	s6 =	simm.s32 $0x0;
	s20 =	sshll.u32 s4, $0x1;
	s4 =	sadd.s32 s21, s2  }
0x9d: {  	[timem:s6], [sflag:s22] =	dma.local [hbm:s4], s20  }
0x9e: {  	_ =	swait.ge [sflag:s22], s20  }
0x9f: {  	s3 =	ssub.s32 $0x0, s20;
	[sflag:s22] =	ssyncset.done $0x0  }
0xa0: {  	[sflag:s22] =	ssyncadd.s32 s3;
	_ =	sdelay $0x1  }
0xa1: {  	s23 =	simm.s32 $0x1B8B  }
0xa2: {  	_ =	swait.ge [sflag:s23], $0x1  }
0xa3: {  	[sflag:s23] =	ssyncset.done $0x0  }
0xa4: {  	s25 =	simm.s32 $0x1B8E;
	s24 =	sld [smem:$0x3FFE];
	[sflag:s23] =	ssyncadd.s32 $0xFFFFFFFF  }
0xa5: {  	s26 =	simm.s32 $execute0_lowered;
	[smem:$0x3FD2] =	sst s25  }
0xa6: {  	s4 =	sshll.u32 s26, $0x1;
	_ =	strace $0x80000052;
	[dreg:$0x1] =	wrdreg $0xFFFFFFFF  }
0xa7: {  	s28 =	simm.s32 $_size_execute0_lowered;
	s2 =	sadd.s32 s2, s4;
	[dreg:$0x0] =	wrdreg $0x0  }
0xa8: {  	s4 =	sshll.u32 s28, $0x1;
	[dreg:$0x2] =	wrdreg s2  }
0xa9: {  	[dreg:$0x3] =	wrdreg s4  }
0xaa: {  	[dreg:$0x4] =	wrdreg $0xC0  }
0xab: {  	_ =	task [dreg:s6], $0x5FFFF  }
0xac: {  	[dreg:$0x1] =	wrdreg $0xFFFFFFFF  }
0xad: {  	[dreg:$0x0] =	wrdreg $0x60  }
0xae: {  	[dreg:$0x2] =	wrdreg s24  }
0xaf: {  	[dreg:$0x3] =	wrdreg $0x42000  }
0xb0: {  	[dreg:$0x4] =	wrdreg $0x9  }
0xb1: {  	_ =	task.clear_ibuf [dreg:s6], $0x5FFFF;
	_ =	strace $0x90000052  }
0xb2: {  	s29 =	simm.s32 $0x9;
	_ =	strace $0x80000054  }
0xb3: {  	_ =	swait.ge [sflag:s29], $0x1  }
0xb4: {  	[sflag:s29] =	ssyncadd.s32 $0xFFFFFFFF  }
0xb5: {  	_ =	strace $0x90000054  }
0xb6: {  	_ =	sfence  }
0xb7: {  	s30 =	sld [smem:$0x0];
	_ =	sdelay $0x2  }
0xb8: {  	s31 =	sshll.u32 s1, $0xD;
	s1 =	sshrl.u32 s1, $0x2  }
0xb9: {  	s3 =	sand.u32 $0x4000, s31;
	s1 =	sadd.s32 s1, s30  }
0xba: {  	s0 =	sor.u32 s3, s0;
	s1 =	sshll.u32 s1, $0x11  }
0xbb: {  	s0 =	sor.u32 s1, s0  }
0xbc: {  	s0 =	sadd.s32 $0x8F2B, s0  }
0xbd: {  	[sflag:s0] =	ssyncadd.remote.s32 $0x1  }
0xbe: {  	_ =	sfence.sel $0xFFFF  }
0xbf: {  	[dreg:$0x0] =	wrdreg $0xFFFFFFFF;
	(pc) =	sbr.abs _section_cstart, $3  }
0xc0: {  	[dreg:$0x1] =	wrdreg $0xFFFFFFFF  }
0xc1: {  	_ =	task.clear_ibuf [dreg:s6], $0x2FFFF;
	_ =	strace $0x9FFFFFFF  }
0xc2: {  	(tm) =	ssettm $0x7FFFFFFF  }
0xc3: {  	_ =	shalt  }
tec
execute0_lowered:
.L_overlay_start_1:
0x0: {  	(tag) =	ssettag $0x1  }
0x1: {  	s0 =	rddreg [dreg:$0x0];
	s1 =	srdreg.scid  }
0x2: {  	s2 =	rddreg [dreg:$0x1];
	s10 =	stileid.u32;
	s3 =	simm.s32 $0x0  }
0x3: {  	s28 =	simm.s32 $0x4;
	s29 =	simm.s32 $0x2200;
	s6 =	smul.u32 $0x13C00, s10  }
0x4: {  	s30 =	simm.s32 $0x80;
	s31 =	simm.s32 $0x2;
	s7 =	smul.u32 $0x4F000, s10  }
0x5: {  	s1 =	sand.u32 $0x1, s1;
	[smem:$0x7FF] =	sst s3;
	s21 =	smul.u32 $0x14400, s10  }
0x6: {  	s4 =	sadd.s32 $0x4E00, s0;
	s8 =	sshll.u32 s10, $0x1;
	s5 =	smul.u32 $0x13C000, s1  }
0x7: {  	_ =	strace $0x80000053;
	s17 =	ssub.s32 $0x2, s1;
	s8 =	sor.u32 s1, s8  }
0x8: {  	s1 =	smul.u32 $0xA200, s1;
	s9 =	sshrl.u32 s17, $0x1;
	s7 =	sshrl.u32 s7, $0x2  }
0x9: {  	s18 =	smul.u32 $0xA200, s8;
	s6 =	sadd.s32 s6, s5;
	s5 =	sadd.s32 $0x2C000, s0  }
0xa: {  	s9 =	ssub.s32 s17, s9;
	s1 =	sadd.s32 s1, s21;
	s6 =	sshrl.u32 s6, $0x3  }
0xb: {  	s25 =	sadd.s32 $0x300, s1;
	s21 =	sadd.s32 $0x200, s1;
	s1 =	simm.s32 $0x180  }
0xc: {  	s0 =	sadd.s32 s6, s0;
	s6 =	sadd.s32 s7, s2;
	s7 =	sshrl.u32 s18, $0x3  }
0xd: {  	s26 =	sshrl.u32 s25, $0x3;
	s25 =	simm.s32 $0x40;
	s19 =	sadd.s32 $0x2000, s6  }
0xe: {  	s20 =	sadd.s32 $0x4000, s6;
	s22 =	sadd.s32 $0x6000, s6;
	s23 =	sadd.s32 $0x8000, s6  }
0xf: {  	s24 =	sadd.s32 $0xA000, s6;
	s12 =	sadd.s32 $0xC000, s6;
	[dreg:$0x3] =	wrdreg s19  }
0x10: {  	s13 =	sadd.s32 $0xE000, s6;
	s14 =	sadd.s32 $0x10000, s6;
	[dreg:$0x4] =	wrdreg s20  }
0x11: {  	s15 =	sadd.s32 $0x12000, s6;
	s16 =	sadd.s32 s5, s7;
	[dreg:$0x5] =	wrdreg s22  }
0x12: {  	s18 =	sadd.s32 $0x54800, s0;
	s0 =	simm.s32 $0x3;
	[dreg:$0x6] =	wrdreg s23  }
0x13: {  	s7 =	simm.s32 $0x0;
	[dreg:$0x7] =	wrdreg s24;
	s17 =	sadd.s32 $0x20, s16  }
0x14: {  	s19 =	smax.u32 s9, $0x1;
	s20 =	sadd.s32 s26, s5;
	s22 =	simm.s32 $0x200  }
0x15: {  	v0 =	vimm.f32 $0.0e+00;
	s23 =	simm.s32 $0x5;
	s24 =	simm.s32 $0x100;
	s26 =	simm.s32 $0x1  }
.LBB2_1:
0x16: {  	s8 =	simm.s32 $0x0;
	s9 =	simm.s32 $0x200  }
.LBB2_2:
0x17: {  	p0 =	sne.s32 s9, $0x7E00;
	[tilespmem:s8+$0x270] =	vst v0  }
0x18: {  	[tilespmem:s8+$0x200] =	vst v0  }
0x19: {  	[tilespmem:s8+$0x210] =	vst v0  }
.Ltmp0:
0x1a: {  	[tilespmem:s8+$0x220] =	vst v0;
	(pc) =	sbr.rel @p0 .LBB2_2-.Ltmp0, $4  }
0x1b: {  	[tilespmem:s8+$0x230] =	vst v0  }
0x1c: {  	[tilespmem:s8+$0x240] =	vst v0  }
0x1d: {  	[tilespmem:s8+$0x250] =	vst v0  }
0x1e: {  	[tilespmem:s8+$0x260] =	vst v0;
	s8 =	sshra.s32 s9, $0x2;
	s9 =	sadd.s32 $0x200, s9  }
0x1f: {  	[tilespmem:s8+$0x270] =	vst v0  }
0x20: {  	[tilespmem:s8+$0x200] =	vst v0  }
0x21: {  	[tilespmem:s8+$0x210] =	vst v0  }
0x22: {  	[tilespmem:s8+$0x220] =	vst v0  }
0x23: {  	[tilespmem:s8+$0x230] =	vst v0  }
0x24: {  	[tilespmem:s8+$0x240] =	vst v0  }
0x25: {  	[tilespmem:s8+$0x250] =	vst v0  }
0x26: {  	[tilespmem:s8+$0x260] =	vst v0  }
0x27: {  	[spmem:s6] =	stream.linear.scatter [tilespmem:s22], [sflag:$0x5], $0x2000, $0x38;
	[tilespmem:$0x17E00] =	vst v63  }
0x28: {  	_ =	swait.ge [sflag:s23], $0x2000  }
0x29: {  	[sflag:s23] =	ssyncset.done $0x0  }
0x2a: {  	s11 =	rddreg [dreg:$0x3];
	[sflag:s23] =	ssyncadd.s32 $0xFFFFE000  }
0x2b: {  	[spmem:s11] =	stream.linear.scatter [tilespmem:s22], [sflag:$0x5], $0x2000, $0x38;
	[tilespmem:$0x17E00] =	vst v63  }
0x2c: {  	_ =	swait.ge [sflag:s23], $0x2000  }
0x2d: {  	[sflag:s23] =	ssyncset.done $0x0  }
0x2e: {  	s9 =	rddreg [dreg:$0x4];
	[sflag:s23] =	ssyncadd.s32 $0xFFFFE000  }
0x2f: {  	[spmem:s9] =	stream.linear.scatter [tilespmem:s22], [sflag:$0x5], $0x2000, $0x38;
	[tilespmem:$0x17E00] =	vst v63  }
0x30: {  	_ =	swait.ge [sflag:s23], $0x2000  }
0x31: {  	[sflag:s23] =	ssyncset.done $0x0  }
0x32: {  	s10 =	rddreg [dreg:$0x5];
	[sflag:s23] =	ssyncadd.s32 $0xFFFFE000  }
0x33: {  	[spmem:s10] =	stream.linear.scatter [tilespmem:s22], [sflag:$0x5], $0x2000, $0x38;
	[tilespmem:$0x17E00] =	vst v63  }
0x34: {  	_ =	swait.ge [sflag:s23], $0x2000  }
0x35: {  	[sflag:s23] =	ssyncset.done $0x0  }
0x36: {  	s11 =	rddreg [dreg:$0x6];
	[sflag:s23] =	ssyncadd.s32 $0xFFFFE000  }
0x37: {  	[spmem:s11] =	stream.linear.scatter [tilespmem:s22], [sflag:$0x5], $0x2000, $0x38;
	[tilespmem:$0x17E00] =	vst v63  }
0x38: {  	_ =	swait.ge [sflag:s23], $0x2000  }
0x39: {  	[sflag:s23] =	ssyncset.done $0x0  }
0x3a: {  	s9 =	rddreg [dreg:$0x7];
	[sflag:s23] =	ssyncadd.s32 $0xFFFFE000  }
0x3b: {  	[spmem:s9] =	stream.linear.scatter [tilespmem:s22], [sflag:$0x5], $0x2000, $0x38;
	[tilespmem:$0x17E00] =	vst v63  }
0x3c: {  	_ =	swait.ge [sflag:s23], $0x2000  }
0x3d: {  	[sflag:s23] =	ssyncset.done $0x0  }
0x3e: {  	[sflag:s23] =	ssyncadd.s32 $0xFFFFE000  }
0x3f: {  	[spmem:s12] =	stream.linear.scatter [tilespmem:s22], [sflag:$0x5], $0x2000, $0x38;
	[tilespmem:$0x17E00] =	vst v63  }
0x40: {  	_ =	swait.ge [sflag:s23], $0x2000  }
0x41: {  	[sflag:s23] =	ssyncset.done $0x0  }
0x42: {  	[sflag:s23] =	ssyncadd.s32 $0xFFFFE000  }
0x43: {  	[spmem:s13] =	stream.linear.scatter [tilespmem:s22], [sflag:$0x5], $0x2000, $0x38;
	[tilespmem:$0x17E00] =	vst v63  }
0x44: {  	_ =	swait.ge [sflag:s23], $0x2000  }
0x45: {  	[sflag:s23] =	ssyncset.done $0x0  }
0x46: {  	[sflag:s23] =	ssyncadd.s32 $0xFFFFE000  }
0x47: {  	[spmem:s14] =	stream.linear.scatter [tilespmem:s22], [sflag:$0x5], $0x2000, $0x38;
	[tilespmem:$0x17E00] =	vst v63  }
0x48: {  	_ =	swait.ge [sflag:s23], $0x2000  }
0x49: {  	[sflag:s23] =	ssyncset.done $0x0  }
0x4a: {  	[sflag:s23] =	ssyncadd.s32 $0xFFFFE000  }
0x4b: {  	[spmem:s15] =	stream.linear.scatter [tilespmem:s22], [sflag:$0x5], $0x1C00, $0x38;
	[tilespmem:$0x17E00] =	vst v63  }
0x4c: {  	_ =	swait.ge [sflag:s23], $0x1C00  }
0x4d: {  	[sflag:s23] =	ssyncset.done $0x0  }
0x4e: {  	[sflag:s23] =	ssyncadd.s32 $0xFFFFE400  }
0x4f: {  	s10 =	simm.s32 $0x0;
	[bflag:$0x0] =	sbarrier.arrive $0xFFFF  }
0x50: {  	[tilespmem:s10], [sflag:$0x5] =	stream.linear.gather [hbm4b:s16+s10], $0x100, $0x38;
	[tilespmem:$0x17E00] =	vst v63  }
0x51: {  	_ =	swait.ge [sflag:s23], $0x100  }
0x52: {  	[sflag:s23] =	ssyncset.done $0x0  }
0x53: {  	[sflag:s23] =	ssyncadd.s32 $0xFFFFFF00  }
0x54: {  	[tilespmem:s24], [sflag:$0x4] =	stream.linear.gather [hbm4b:s17+s10], $0x100, $0x38;
	[tilespmem:$0x17E00] =	vst v63  }
0x55: {  	_ = 	snop  }
0x56: {  	[tilespmem:s22], [sflag:$0x1] =	stream.indirect.gather [hbm4b:s4+s25], $0x80, s10, s25, $0xb8;
	[tilespmem:$0x17E00] =	vst v63  }
0x57: {  	_ =	swait.ge [sflag:s26], $0x2000  }
0x58: {  	[sflag:s26] =	ssyncset.done $0x0  }
0x59: {  	[sflag:s26] =	ssyncadd.s32 $0xFFFFE000  }
0x5a: {  	_ =	swait.ge [sflag:s28], $0x100  }
0x5b: {  	[sflag:s28] =	ssyncset.done $0x0  }
0x5c: {  	[sflag:s28] =	ssyncadd.s32 $0xFFFFFF00  }
0x5d: {  	[tilespmem:s29], [sflag:$0x2] =	stream.indirect.gather [hbm4b:s4+s25], $0x80, s24, s25, $0xb8;
	[tilespmem:$0x17E00] =	vst v63  }
0x5e: {  	_ = 	snop  }
0x5f: {  	[spmem:s2] =	stream.indirect.scatter.add.f32 [tilespmem:s22], [sflag:$0x5], $0x80, s30, s25, $0xb8;
	[tilespmem:$0x17E00] =	vst v63  }
0x60: {  	_ =	swait.ge [sflag:s23], $0x2000  }
0x61: {  	s11 =	sshrl.u32 s21, $0x3;
	[sflag:s23] =	ssyncset.done $0x0  }
0x62: {  	s8 =	sadd.s32 s5, s11;
	[sflag:s23] =	ssyncadd.s32 $0xFFFFE000  }
0x63: {  	[tilespmem:s3], [sflag:$0x3] =	stream.linear.gather [hbm4b:s8+s3], $0x100, $0x38;
	[tilespmem:$0x17E00] =	vst v63  }
0x64: {  	_ =	swait.ge [sflag:s31], $0x2000  }
0x65: {  	[sflag:s31] =	ssyncset.done $0x0  }
0x66: {  	[sflag:s31] =	ssyncadd.s32 $0xFFFFE000  }
0x67: {  	_ =	swait.ge [sflag:s0], $0x100  }
0x68: {  	[sflag:s0] =	ssyncset.done $0x0  }
0x69: {  	[sflag:s0] =	ssyncadd.s32 $0xFFFFFF00  }
0x6a: {  	[tilespmem:s22], [sflag:$0x1] =	stream.indirect.gather [hbm4b:s4+s25], $0x80, s3, s25, $0xb8;
	[tilespmem:$0x17E00] =	vst v63  }
0x6b: {  	_ = 	snop  }
0x6c: {  	[spmem:s2] =	stream.indirect.scatter.add.f32 [tilespmem:s29], [sflag:$0x5], $0x80, s1, s25, $0xb8;
	[tilespmem:$0x17E00] =	vst v63  }
0x6d: {  	_ =	swait.ge [sflag:s23], $0x2000  }
0x6e: {  	s9 =	sadd.s32 $0x200, s21;
	[sflag:s23] =	ssyncset.done $0x0  }
0x6f: {  	s10 =	sadd.s32 $0x0, s20;
	s8 =	simm.s32 $0x40;
	[sflag:s23] =	ssyncadd.s32 $0xFFFFE000  }
.LBB2_4:
0x70: {  	[tilespmem:s24], [sflag:$0x4] =	stream.linear.gather [hbm4b:s10+s3], $0x100, $0x38;
	[tilespmem:$0x17E00] =	vst v63  }
0x71: {  	s10 =	smov.u32 s8  }
0x72: {  	p0 =	sne.s32 s8, $0x13C0;
	s8 =	sadd.s32 $0x40, s8;
	_ =	swait.ge [sflag:s26], $0x2000  }
0x73: {  	[sflag:s26] =	ssyncset.done $0x0  }
0x74: {  	[sflag:s26] =	ssyncadd.s32 $0xFFFFE000  }
0x75: {  	_ =	swait.ge [sflag:s28], $0x100  }
0x76: {  	[sflag:s28] =	ssyncset.done $0x0  }
0x77: {  	[sflag:s28] =	ssyncadd.s32 $0xFFFFFF00  }
0x78: {  	[tilespmem:s29], [sflag:$0x2] =	stream.indirect.gather [hbm4b:s4+s25], $0x80, s24, s25, $0xb8;
	[tilespmem:$0x17E00] =	vst v63  }
0x79: {  	_ = 	snop  }
0x7a: {  	[spmem:s2] =	stream.indirect.scatter.add.f32 [tilespmem:s22], [sflag:$0x5], $0x80, s30, s25, $0xb8;
	[tilespmem:$0x17E00] =	vst v63  }
0x7b: {  	_ =	swait.ge [sflag:s23], $0x2000  }
0x7c: {  	s11 =	sshrl.u32 s9, $0x3;
	[sflag:s23] =	ssyncset.done $0x0  }
0x7d: {  	s11 =	sadd.s32 s5, s11;
	[sflag:s23] =	ssyncadd.s32 $0xFFFFE000  }
0x7e: {  	[tilespmem:s3], [sflag:$0x3] =	stream.linear.gather [hbm4b:s11+s3], $0x100, $0x38;
	[tilespmem:$0x17E00] =	vst v63  }
0x7f: {  	_ =	swait.ge [sflag:s31], $0x2000  }
0x80: {  	[sflag:s31] =	ssyncset.done $0x0  }
0x81: {  	[sflag:s31] =	ssyncadd.s32 $0xFFFFE000  }
0x82: {  	_ =	swait.ge [sflag:s0], $0x100  }
0x83: {  	[sflag:s0] =	ssyncset.done $0x0  }
0x84: {  	[sflag:s0] =	ssyncadd.s32 $0xFFFFFF00  }
0x85: {  	[tilespmem:s22], [sflag:$0x1] =	stream.indirect.gather [hbm4b:s4+s25], $0x80, s3, s25, $0xb8;
	[tilespmem:$0x17E00] =	vst v63  }
.Ltmp1:
0x86: {  	(pc) =	sbr.rel @p0 .LBB2_4-.Ltmp1, $4  }
0x87: {  	[spmem:s2] =	stream.indirect.scatter.add.f32 [tilespmem:s29], [sflag:$0x5], $0x80, s1, s25, $0xb8;
	[tilespmem:$0x17E00] =	vst v63  }
0x88: {  	_ =	swait.ge [sflag:s23], $0x2000  }
0x89: {  	[sflag:s23] =	ssyncset.done $0x0  }
0x8a: {  	s9 =	sadd.s32 $0x200, s9;
	s10 =	sadd.s32 s10, s20;
	[sflag:s23] =	ssyncadd.s32 $0xFFFFE000  }
0x8b: {  	[tilespmem:s24], [sflag:$0x4] =	stream.linear.gather [hbm4b:s10+s3], $0x100, $0x38;
	[tilespmem:$0x17E00] =	vst v63  }
0x8c: {  	_ =	swait.ge [sflag:s26], $0x2000  }
0x8d: {  	[sflag:s26] =	ssyncset.done $0x0  }
0x8e: {  	[sflag:s26] =	ssyncadd.s32 $0xFFFFE000  }
0x8f: {  	s8 =	stileid.u32;
	_ =	swait.ge [sflag:s28], $0x100  }
0x90: {  	s9 =	sshrl.u32 s6, $0x3;
	s7 =	sadd.s32 $0x1, s7;
	[sflag:s28] =	ssyncset.done $0x0  }
0x91: {  	s8 =	sshll.u32 s8, $0x6;
	p0 =	sne.s32 s7, s19;
	[sflag:s28] =	ssyncadd.s32 $0xFFFFFF00  }
.Ltmp2:
0x92: {  	s8 =	sor.u32 $0x1C05, s8;
	[bflag:$0x0] =	sbarrier.arrive $0xFFFF;
	(pc) =	sbr.rel @p0 .LBB2_1-.Ltmp2, $4  }
0x93: {  	[hbm:s18], [sflag:s8] =	dma.local [spmem:s9], $0x2780  }
0x94: {  	_ =	swait.ge [sflag:s23], $0x2780  }
0x95: {  	[sflag:s23] =	ssyncset.done $0x0  }
0x96: {  	[sflag:s23] =	ssyncadd.s32 $0xFFFFD880  }
0x97: {  	_ =	sfence.sel $0x180000  }
0x98: {  	[bflag:$0x0] =	sbarrier.arrive $0xFFFF  }
0x99: {  	_ =	strace $0x90000053  }
0x9a: {  	s0 =	stileid.u32;
	[bflag:$0x2] =	sbarrier.arrive $0xFFFF  }
0x9b: {  	p0 =	sne.s32 s0, $0x0;
	s0 =	rddreg [dreg:$0x2]  }
0x9c: {  	s0 =	sadd.s32 @!p0 $0x100000, s0  }
0x9d: {  	[sflag:s0] =	ssyncadd.tile.s32 @!p0 $0x1;
	_ =	shalt  }
.Lfunc_end2:
_tile_overlayer_lowered:
.L_overlay_start_2:
0x9e: {  	(tag) =	ssettag $0x2  }
0x9f: {  	s0 =	rddreg [dreg:$0x0];
	s2 =	stileid.u32  }
0xa0: {  	s1 =	rddreg [dreg:$0x1];
	p0 =	sne.s32 s2, $0x0  }
0xa1: {  	s3 =	rddreg [dreg:$0x2];
	[bflag:$0x3] =	sbarrier.arrive $0xFFFF;
	s2 =	simm.s32 @!p0 $0x1C05  }
0xa2: {  	[timem:s3], [sflag:s2] =	dma.local @!p0 [hbm:s0], s1  }
0xa3: {  	s0 =	simm.s32 @!p0 $0x5  }
0xa4: {  	_ =	swait.ge @!p0 [sflag:s0], s1  }
0xa5: {  	s1 =	ssub.s32 @!p0 $0x0, s1;
	[sflag:s0] =	ssyncset.done @!p0 $0x0  }
0xa6: {  	[sflag:s0] =	ssyncadd.s32 @!p0 s1  }
0xa7: {  	[bflag:$0x3] =	sbarrier.arrive $0xFFFF  }
0xa8: {  	_ =	shalt  }

</sc_bundles>
